<compile_context>
chip_gen: v7x
topology: tpu7x:2x2x1
jax: 0.10.2.dev20260603
libtpu: 0.0.44.dev20260713+nightly
codegen_flags: <defaults>
</compile_context>

<pallas_src>
import functools

import jax
import jax.numpy as jnp
from jax import lax
from jax.experimental import pallas as pl
from jax.experimental.pallas import tpu as pltpu
from jax.experimental.pallas import tpu_sc as plsc

N = 10000
NP = 10240
E = 320000
H = 128
VOCAB = 1001

ROWS_PER_TILE_A = NP // 32
ROWS_PER_TILE_B = NP // 16
EDGES_PER_TILE = 10240
EDGE_CHUNKS = EDGES_PER_TILE // 128

_mesh = plsc.VectorSubcoreMesh(core_axis_name="c", subcore_axis_name="s")


@functools.partial(
    pl.kernel,
    mesh=_mesh,
    out_type=jax.ShapeDtypeStruct((NP, H), jnp.float32),
    scratch_types=[
        pltpu.VMEM((ROWS_PER_TILE_A,), jnp.int32),
        pltpu.VMEM((ROWS_PER_TILE_A,), jnp.int32),
        pltpu.VMEM((160, H), jnp.float32),
        pltpu.VMEM((160, H), jnp.float32),
        pltpu.VMEM((160, H), jnp.float32),
        pltpu.VMEM((160, H), jnp.float32),
        pltpu.SemaphoreType.DMA,
        pltpu.SemaphoreType.DMA,
    ],
)
def _sc_embed(f0_hbm, f1_hbm, kt_hbm, vt_hbm, h_hbm,
              fi0, fi1, kb0, kb1, vb0, vb1, gsem, wsem):
    c = lax.axis_index("c")
    s = lax.axis_index("s")
    wid = s * 2 + c
    n0 = wid * ROWS_PER_TILE_A
    kb = [kb0, kb1]
    vb = [vb0, vb1]
    CH = 160
    nch = ROWS_PER_TILE_A // CH

    pltpu.async_copy(f0_hbm.at[pl.ds(n0, ROWS_PER_TILE_A)], fi0, gsem)
    desc = pltpu.async_copy(f1_hbm.at[pl.ds(n0, ROWS_PER_TILE_A)], fi1, gsem)
    pltpu.make_async_copy(f0_hbm.at[pl.ds(n0, ROWS_PER_TILE_A)], fi0,
                          gsem).wait()
    desc.wait()

    def fire_g(i, p):
        pltpu.async_copy(kt_hbm.at[fi0.at[pl.ds(CH * i, CH)]], kb[p], gsem)
        pltpu.async_copy(vt_hbm.at[fi1.at[pl.ds(CH * i, CH)]], vb[p], gsem)

    def wait_g(p):
        pltpu.make_async_copy(kt_hbm.at[fi0.at[pl.ds(0, CH)]], kb[p],
                              gsem).wait()
        pltpu.make_async_copy(vt_hbm.at[fi1.at[pl.ds(0, CH)]], vb[p],
                              gsem).wait()

    def wait_w(p):
        pltpu.make_async_copy(kb[p], h_hbm.at[pl.ds(n0, CH)], wsem).wait()

    fire_g(0, 0)
    for i in range(nch):
        p = i % 2
        wait_g(p)
        if i >= 1:
            wait_w(1 - p)
        if i + 1 < nch:
            fire_g(i + 1, 1 - p)

        def relu_body(r, carry):
            for j in range(H // 16):
                kb[p][r, pl.ds(16 * j, 16)] = jnp.maximum(
                    kb[p][r, pl.ds(16 * j, 16)] + vb[p][r, pl.ds(16 * j, 16)],
                    0.0)
            return carry
        lax.fori_loop(0, CH, relu_body, 0)
        pltpu.async_copy(kb[p], h_hbm.at[pl.ds(n0 + CH * i, CH)], wsem)
    wait_w((nch - 1) % 2)


@functools.partial(
    pl.kernel,
    mesh=_mesh,
    out_type=jax.ShapeDtypeStruct((2, NP, H), jnp.float32),
    scratch_types=[
        pltpu.VMEM((4, 128), jnp.int32),
        pltpu.VMEM((4, 128), jnp.int32),
        pltpu.VMEM((128, H), jnp.float32),
        pltpu.VMEM((128, H), jnp.float32),
        pltpu.VMEM_SHARED((NP, H), jnp.float32),
        pltpu.SemaphoreType.DMA,
        pltpu.SemaphoreType.DMA,
        pltpu.SemaphoreType.DMA,
    ],
)
def _sc_edges(h_hbm, ei_hbm, out_hbm,
              isrc, idst, eb0, eb1, acc_sh, isem, gsem, ssem):
    c = lax.axis_index("c")
    s = lax.axis_index("s")
    r0 = s * ROWS_PER_TILE_B
    tid = c * 16 + s
    e0 = tid * EDGES_PER_TILE
    nch = jnp.where(tid == 31, 20, EDGE_CHUNKS)
    eb = [eb0, eb1]

    def zero_body(r, carry):
        for j in range(H // 16):
            eb0[r, pl.ds(16 * j, 16)] = jnp.zeros((16,), jnp.float32)
        return carry
    lax.fori_loop(0, 128, zero_body, 0)
    for i in range(ROWS_PER_TILE_B // 128):
        pltpu.sync_copy(eb0, acc_sh.at[pl.ds(r0 + 128 * i, 128)])

    plsc.subcore_barrier()

    def fire_idx(j, r):
        pltpu.async_copy(ei_hbm.at[0].at[pl.ds(e0 + j * 128, 128)],
                         isrc.at[r], isem)
        pltpu.async_copy(ei_hbm.at[1].at[pl.ds(e0 + j * 128, 128)],
                         idst.at[r], isem)

    def wait_idx(r):
        pltpu.make_async_copy(ei_hbm.at[0].at[pl.ds(0, 128)], isrc.at[r],
                              isem).wait()
        pltpu.make_async_copy(ei_hbm.at[1].at[pl.ds(0, 128)], idst.at[r],
                              isem).wait()

    def fire_g(r, buf):
        pltpu.async_copy(h_hbm.at[isrc.at[r]], buf, gsem)

    def wait_g(buf):
        pltpu.make_async_copy(h_hbm.at[isrc.at[0]], buf, gsem).wait()

    def fire_s(r, buf):
        pltpu.async_copy(buf, acc_sh.at[idst.at[r]], ssem, add=True)

    def wait_s(buf):
        pltpu.make_async_copy(buf, acc_sh.at[idst.at[0]], ssem).wait()

    def step(j, k, fire_idx_f=True, wait_idx_f=True, wait_s_f=True,
             fire_g_f=True):
        if fire_idx_f:
            fire_idx(j + 2, (k + 2) % 4)
        if wait_idx_f:
            wait_idx((k + 1) % 4)
        if wait_s_f:
            wait_s(eb[(k + 1) % 2])
        if fire_g_f:
            fire_g((k + 1) % 4, eb[(k + 1) % 2])
        wait_g(eb[k % 2])
        fire_s(k, eb[k % 2])

    fire_idx(0, 0)
    fire_idx(1, 1)
    wait_idx(0)
    fire_g(0, eb0)
    step(0, 0, wait_s_f=False)
    step(1, 1)

    def body(t, carry):
        j = 4 * t + 2
        for k in range(4):
            step(j + k, (2 + k) % 4)
        return carry
    lax.fori_loop(0, (nch - 8) // 4, body, 0)

    for k in range(6):
        last = k == 5
        step(nch - 6 + k, (2 + k) % 4, fire_idx_f=k < 4,
             wait_idx_f=not last, fire_g_f=not last)
    wait_s(eb[(6 - 1) % 2])

    plsc.subcore_barrier()

    for i in range(ROWS_PER_TILE_B // 128):
        pltpu.sync_copy(acc_sh.at[pl.ds(r0 + 128 * i, 128)], eb0)
        pltpu.sync_copy(eb0, out_hbm.at[c].at[pl.ds(r0 + 128 * i, 128)])


BLK = 2000


def _mlp_body(h_ref, ha_ref, hb_ref, w1_ref, b1_ref, w2_ref, b2_ref, wc_ref,
              o_ref):
    h = h_ref[...] + ha_ref[0] + hb_ref[0]
    z = jnp.dot(h, w1_ref[...], preferred_element_type=jnp.float32)
    z = jnp.maximum(z + b1_ref[...], 0.0)
    z = jnp.dot(z, w2_ref[...], preferred_element_type=jnp.float32) + b2_ref[...]
    o_ref[...] = jnp.dot(z, wc_ref[...], preferred_element_type=jnp.float32)


def _mlp(h, hs, W1, b1, W2, b2, Wc):
    return pl.pallas_call(
        _mlp_body,
        grid=(N // BLK,),
        in_specs=[
            pl.BlockSpec((BLK, H), lambda i: (i, 0)),
            pl.BlockSpec((1, BLK, H), lambda i: (0, i, 0)),
            pl.BlockSpec((1, BLK, H), lambda i: (1, i, 0)),
            pl.BlockSpec((H, H), lambda i: (0, 0)),
            pl.BlockSpec((1, H), lambda i: (0, 0)),
            pl.BlockSpec((H, H), lambda i: (0, 0)),
            pl.BlockSpec((1, H), lambda i: (0, 0)),
            pl.BlockSpec((H, H), lambda i: (0, 0)),
        ],
        out_specs=pl.BlockSpec((BLK, H), lambda i: (i, 0)),
        out_shape=jax.ShapeDtypeStruct((N, H), jnp.float32),
    )(h, hs, hs, W1, b1.reshape(1, H), W2, b2.reshape(1, H), Wc)


def kernel(feats, edge_index, key_table, val_table, W1, b1, W2, b2, Wc):
    f0 = jnp.pad(feats[:, 0], (0, NP - N))
    f1 = jnp.pad(feats[:, 1], (0, NP - N))
    h = _sc_embed(f0, f1, key_table, val_table)
    hs = _sc_edges(h, edge_index)
    return _mlp(h[:N], hs, W1, b1, W2, b2, Wc)

# --- scband reference (transcript-rebuilt; emitter-appended) ---
"""Pipeline reference for scband-ginmodel-30434138259921 (READ-ONLY COPY).

The authoritative reference and input builder live on the scoring server;
editing this copy changes nothing except your own understanding.
"""

import jax, jax.numpy as jnp
import numpy as np

N = 10000
E = 320000
VOCAB = 1001  # input_dim + 1
H = 128
OUT = 128


def setup_inputs(seed: int = 0) -> dict:
    key = jax.random.key(seed)
    ks = jax.random.split(key, 10)
    feats = jax.random.randint(ks[0], (N, 2), 0, VOCAB, dtype=jnp.int32)
    edge_index = jax.random.randint(ks[1], (2, E), 0, N, dtype=jnp.int32)
    key_table = jax.random.normal(ks[2], (VOCAB, H), dtype=jnp.float32) * 0.02
    val_table = jax.random.normal(ks[3], (VOCAB, H), dtype=jnp.float32) * 0.02
    s = 1.0 / np.sqrt(H)
    W1 = jax.random.uniform(ks[4], (H, H), dtype=jnp.float32, minval=-s, maxval=s)
    b1 = jnp.zeros((H,), dtype=jnp.float32)
    W2 = jax.random.uniform(ks[5], (H, H), dtype=jnp.float32, minval=-s, maxval=s)
    b2 = jnp.zeros((H,), dtype=jnp.float32)
    Wc = jax.random.uniform(ks[6], (H, OUT), dtype=jnp.float32, minval=-s, maxval=s)
    return {"feats": feats, "edge_index": edge_index, "key_table": key_table,
            "val_table": val_table, "W1": W1, "b1": b1, "W2": W2, "b2": b2, "Wc": Wc}


def reference(feats, edge_index, key_table, val_table, W1, b1, W2, b2, Wc):
    # embedding lookups: key_embedding(feats[:,0]) + val_embedding(feats[:,1])
    h = jnp.take(key_table, feats[:, 0], axis=0) + jnp.take(val_table, feats[:, 1], axis=0)
    h = jax.nn.relu(h)
    # GINConv with sum aggregator, eps=0 (not learned): h' = MLP((1+eps)*h + sum_{j in N(i)} h_j)
    src = edge_index[0]
    dst = edge_index[1]
    agg = jax.ops.segment_sum(jnp.take(h, src, axis=0), dst, num_segments=N)
    h = h + agg
    # 2-layer MLP: Linear -> ReLU -> Linear (norm='none', dropout=0)
    h = jax.nn.relu(h @ W1 + b1) @ W2 + b2
    # classifier, no bias
    out = h @ Wc
    return out

if __name__ == "__main__":
    import jax
    _d = setup_inputs()
    print(jax.jit(kernel)(*tuple(_d.values())))

</pallas_src>

<mosaic_0001>
#map = affine_map<(d0, d1) -> (0)>
#map1 = affine_map<(d0, d1) -> (0, 0)>
module attributes {stable_mosaic.version = 14 : i64} {
  func.func @_sc_embed(%arg0: i32, %arg1: i32, %arg2: memref<10240xi32, #tpu.memory_space<hbm>>, %arg3: memref<10240xi32, #tpu.memory_space<hbm>>, %arg4: memref<1001x128xf32, #tpu.memory_space<hbm>>, %arg5: memref<1001x128xf32, #tpu.memory_space<hbm>>, %arg6: memref<10240x128xf32, #tpu.memory_space<hbm>>, %arg7: memref<320xi32, #tpu.memory_space<vmem>>, %arg8: memref<320xi32, #tpu.memory_space<vmem>>, %arg9: memref<160x128xf32, #tpu.memory_space<vmem>>, %arg10: memref<160x128xf32, #tpu.memory_space<vmem>>, %arg11: memref<160x128xf32, #tpu.memory_space<vmem>>, %arg12: memref<160x128xf32, #tpu.memory_space<vmem>>, %arg13: memref<!tpu.dma_semaphore, #tpu.memory_space<semaphore_mem>>, %arg14: memref<!tpu.dma_semaphore, #tpu.memory_space<semaphore_mem>>) attributes {dimension_semantics = [#tpu.dimension_semantics<core_parallel>, #tpu.dimension_semantics<subcore_parallel>], iteration_bounds = array<i64: 2, 16>, scalar_prefetch = 0 : i64, scratch_operands = 8 : i64, tpu.core_type = #tpu.core_type<sc_vector_subcore>, window_params = [{transform_indices = #map}, {transform_indices = #map}, {transform_indices = #map1}, {transform_indices = #map1}, {transform_indices = #map1}]} {
    %mul3A = arith.constant 2 : i32
    %mul3A_0 = arith.muli %arg1, %mul3A : i32
    %add3A = arith.addi %mul3A_0, %arg0 : i32
    %mul3A_1 = arith.constant 320 : i32
    %mul3A_2 = arith.muli %add3A, %mul3A_1 : i32
    %dma_start3A = tpu.memref_slice %arg2[%mul3A_2] : memref<10240xi32, #tpu.memory_space<hbm>> -> memref<320xi32, #tpu.memory_space<hbm>>
    %dma_start3A_3 = tpu.memref_slice %arg2[%mul3A_2] : memref<10240xi32, #tpu.memory_space<hbm>> -> memref<320xi32, #tpu.memory_space<hbm>>
    tpu.enqueue_dma source(%dma_start3A_3 : memref<320xi32, #tpu.memory_space<hbm>>) target(%arg7 : memref<320xi32, #tpu.memory_space<vmem>>) target_semaphore(%arg13 : memref<!tpu.dma_semaphore, #tpu.memory_space<semaphore_mem>>)
    %dma_start3A_4 = tpu.memref_slice %arg3[%mul3A_2] : memref<10240xi32, #tpu.memory_space<hbm>> -> memref<320xi32, #tpu.memory_space<hbm>>
    %dma_start3A_5 = tpu.memref_slice %arg3[%mul3A_2] : memref<10240xi32, #tpu.memory_space<hbm>> -> memref<320xi32, #tpu.memory_space<hbm>>
    tpu.enqueue_dma source(%dma_start3A_5 : memref<320xi32, #tpu.memory_space<hbm>>) target(%arg8 : memref<320xi32, #tpu.memory_space<vmem>>) target_semaphore(%arg13 : memref<!tpu.dma_semaphore, #tpu.memory_space<semaphore_mem>>)
    %dma_wait3A = tpu.memref_slice %arg2[%mul3A_2] : memref<10240xi32, #tpu.memory_space<hbm>> -> memref<320xi32, #tpu.memory_space<hbm>>
    %dma_wait3A_6 = tpu.memref_slice %arg2[%mul3A_2] : memref<10240xi32, #tpu.memory_space<hbm>> -> memref<320xi32, #tpu.memory_space<hbm>>
    tpu.wait_dma2 semaphore(%arg13 : memref<!tpu.dma_semaphore, #tpu.memory_space<semaphore_mem>>) src(%dma_wait3A_6 : memref<320xi32, #tpu.memory_space<hbm>>) dst(%arg7 : memref<320xi32, #tpu.memory_space<vmem>>)
    %dma_wait3A_7 = tpu.memref_slice %arg3[%mul3A_2] : memref<10240xi32, #tpu.memory_space<hbm>> -> memref<320xi32, #tpu.memory_space<hbm>>
    %dma_wait3A_8 = tpu.memref_slice %arg3[%mul3A_2] : memref<10240xi32, #tpu.memory_space<hbm>> -> memref<320xi32, #tpu.memory_space<hbm>>
    tpu.wait_dma2 semaphore(%arg13 : memref<!tpu.dma_semaphore, #tpu.memory_space<semaphore_mem>>) src(%dma_wait3A_8 : memref<320xi32, #tpu.memory_space<hbm>>) dst(%arg8 : memref<320xi32, #tpu.memory_space<vmem>>)
    %dma_start3A_9 = arith.constant 0 : i32
    %dma_start3A_10 = tpu.memref_slice %arg7[%dma_start3A_9] : memref<320xi32, #tpu.memory_space<vmem>> -> memref<160xi32, #tpu.memory_space<vmem>>
    %dma_start3A_11 = arith.constant 0 : i32
    %dma_start3A_12 = arith.constant 0 : i32
    %dma_start3A_13 = tpu.memref_slice %arg4[%dma_start3A_11, %dma_start3A_12] : memref<1001x128xf32, #tpu.memory_space<hbm>> -> memref<1001x128xf32, #tpu.memory_space<hbm>>
    tpu.enqueue_indirect_dma source(%dma_start3A_13 : memref<1001x128xf32, #tpu.memory_space<hbm>>) target(%arg9 : memref<160x128xf32, #tpu.memory_space<vmem>>) offsets(%dma_start3A_10 : memref<160xi32, #tpu.memory_space<vmem>>) semaphore(%arg13 : memref<!tpu.dma_semaphore, #tpu.memory_space<semaphore_mem>>)
    %dma_start3A_14 = arith.constant 0 : i32
    %dma_start3A_15 = tpu.memref_slice %arg8[%dma_start3A_14] : memref<320xi32, #tpu.memory_space<vmem>> -> memref<160xi32, #tpu.memory_space<vmem>>
    %dma_start3A_16 = arith.constant 0 : i32
    %dma_start3A_17 = arith.constant 0 : i32
    %dma_start3A_18 = tpu.memref_slice %arg5[%dma_start3A_16, %dma_start3A_17] : memref<1001x128xf32, #tpu.memory_space<hbm>> -> memref<1001x128xf32, #tpu.memory_space<hbm>>
    tpu.enqueue_indirect_dma source(%dma_start3A_18 : memref<1001x128xf32, #tpu.memory_space<hbm>>) target(%arg11 : memref<160x128xf32, #tpu.memory_space<vmem>>) offsets(%dma_start3A_15 : memref<160xi32, #tpu.memory_space<vmem>>) semaphore(%arg13 : memref<!tpu.dma_semaphore, #tpu.memory_space<semaphore_mem>>)
    %dma_wait3A_19 = arith.constant 0 : i32
    %dma_wait3A_20 = tpu.memref_slice %arg7[%dma_wait3A_19] : memref<320xi32, #tpu.memory_space<vmem>> -> memref<160xi32, #tpu.memory_space<vmem>>
    %dma_wait3A_21 = arith.constant 0 : i32
    %dma_wait3A_22 = arith.constant 0 : i32
    %dma_wait3A_23 = tpu.memref_slice %arg4[%dma_wait3A_21, %dma_wait3A_22] : memref<1001x128xf32, #tpu.memory_space<hbm>> -> memref<1001x128xf32, #tpu.memory_space<hbm>>
    tpu.wait_indirect_dma semaphore(%arg13 : memref<!tpu.dma_semaphore, #tpu.memory_space<semaphore_mem>>) src(%dma_wait3A_23 : memref<1001x128xf32, #tpu.memory_space<hbm>>) dst(%arg9 : memref<160x128xf32, #tpu.memory_space<vmem>>)
    %dma_wait3A_24 = arith.constant 0 : i32
    %dma_wait3A_25 = tpu.memref_slice %arg8[%dma_wait3A_24] : memref<320xi32, #tpu.memory_space<vmem>> -> memref<160xi32, #tpu.memory_space<vmem>>
    %dma_wait3A_26 = arith.constant 0 : i32
    %dma_wait3A_27 = arith.constant 0 : i32
    %dma_wait3A_28 = tpu.memref_slice %arg5[%dma_wait3A_26, %dma_wait3A_27] : memref<1001x128xf32, #tpu.memory_space<hbm>> -> memref<1001x128xf32, #tpu.memory_space<hbm>>
    tpu.wait_indirect_dma semaphore(%arg13 : memref<!tpu.dma_semaphore, #tpu.memory_space<semaphore_mem>>) src(%dma_wait3A_28 : memref<1001x128xf32, #tpu.memory_space<hbm>>) dst(%arg11 : memref<160x128xf32, #tpu.memory_space<vmem>>)
    %dma_start3A_29 = arith.constant 160 : i32
    %dma_start3A_30 = tpu.memref_slice %arg7[%dma_start3A_29] : memref<320xi32, #tpu.memory_space<vmem>> -> memref<160xi32, #tpu.memory_space<vmem>>
    %dma_start3A_31 = arith.constant 0 : i32
    %dma_start3A_32 = arith.constant 0 : i32
    %dma_start3A_33 = tpu.memref_slice %arg4[%dma_start3A_31, %dma_start3A_32] : memref<1001x128xf32, #tpu.memory_space<hbm>> -> memref<1001x128xf32, #tpu.memory_space<hbm>>
    tpu.enqueue_indirect_dma source(%dma_start3A_33 : memref<1001x128xf32, #tpu.memory_space<hbm>>) target(%arg10 : memref<160x128xf32, #tpu.memory_space<vmem>>) offsets(%dma_start3A_30 : memref<160xi32, #tpu.memory_space<vmem>>) semaphore(%arg13 : memref<!tpu.dma_semaphore, #tpu.memory_space<semaphore_mem>>)
    %dma_start3A_34 = arith.constant 160 : i32
    %dma_start3A_35 = tpu.memref_slice %arg8[%dma_start3A_34] : memref<320xi32, #tpu.memory_space<vmem>> -> memref<160xi32, #tpu.memory_space<vmem>>
    %dma_start3A_36 = arith.constant 0 : i32
    %dma_start3A_37 = arith.constant 0 : i32
    %dma_start3A_38 = tpu.memref_slice %arg5[%dma_start3A_36, %dma_start3A_37] : memref<1001x128xf32, #tpu.memory_space<hbm>> -> memref<1001x128xf32, #tpu.memory_space<hbm>>
    tpu.enqueue_indirect_dma source(%dma_start3A_38 : memref<1001x128xf32, #tpu.memory_space<hbm>>) target(%arg12 : memref<160x128xf32, #tpu.memory_space<vmem>>) offsets(%dma_start3A_35 : memref<160xi32, #tpu.memory_space<vmem>>) semaphore(%arg13 : memref<!tpu.dma_semaphore, #tpu.memory_space<semaphore_mem>>)
    %scan3A = arith.constant 0 : i32
    %scan3A_39 = arith.constant 0 : i32
    %scan3A_40 = arith.constant 160 : i32
    %scan3A_41 = arith.addi %scan3A_39, %scan3A_40 : i32
    %scan3A_42 = arith.constant 1 : i32
    scf.for %scan3A_80 = %scan3A_39 to %scan3A_41 step %scan3A_42  : i32 {
      %get3A = arith.index_cast %scan3A_80 : i32 to index
      %get3A_81 = arith.constant 0 : index
      %get3A_82 = tpu.vector_load %arg9[%get3A, %get3A_81] {strides = array<i32>} : memref<160x128xf32, #tpu.memory_space<vmem>>, vector<1x16xf32>,
      %get3A_83 = vector.shape_cast %get3A_82 : vector<1x16xf32> to vector<16xf32>
      %get3A_84 = arith.index_cast %scan3A_80 : i32 to index
      %get3A_85 = arith.constant 0 : index
      %get3A_86 = tpu.vector_load %arg11[%get3A_84, %get3A_85] {strides = array<i32>} : memref<160x128xf32, #tpu.memory_space<vmem>>, vector<1x16xf32>,
      %get3A_87 = vector.shape_cast %get3A_86 : vector<1x16xf32> to vector<16xf32>
      %add3A_88 = arith.addf %get3A_83, %get3A_87 : vector<16xf32>
      %max3A = arith.constant 0.000000e+00 : f32
      %max3A_89 = vector.broadcast %max3A : f32 to vector<16xf32>
      %max3A_90 = arith.maximumf %add3A_88, %max3A_89 : vector<16xf32>
      %swap3A = arith.index_cast %scan3A_80 : i32 to index
      %swap3A_91 = arith.constant 0 : index
      %swap3A_92 = tpu.vector_load %arg9[%swap3A, %swap3A_91] {strides = array<i32>} : memref<160x128xf32, #tpu.memory_space<vmem>>, vector<1x16xf32>,
      %swap3A_93 = vector.shape_cast %swap3A_92 : vector<1x16xf32> to vector<16xf32>
      %swap3A_94 = vector.shape_cast %max3A_90 : vector<16xf32> to vector<1x16xf32>
      tpu.vector_store %arg9[%swap3A, %swap3A_91], %swap3A_94 {strides = array<i32>} : memref<160x128xf32, #tpu.memory_space<vmem>>, vector<1x16xf32>,
      %get3A_95 = arith.index_cast %scan3A_80 : i32 to index
      %get3A_96 = arith.constant 16 : index
      %get3A_97 = tpu.vector_load %arg9[%get3A_95, %get3A_96] {strides = array<i32>} : memref<160x128xf32, #tpu.memory_space<vmem>>, vector<1x16xf32>,
      %get3A_98 = vector.shape_cast %get3A_97 : vector<1x16xf32> to vector<16xf32>
      %get3A_99 = arith.index_cast %scan3A_80 : i32 to index
      %get3A_100 = arith.constant 16 : index
      %get3A_101 = tpu.vector_load %arg11[%get3A_99, %get3A_100] {strides = array<i32>} : memref<160x128xf32, #tpu.memory_space<vmem>>, vector<1x16xf32>,
      %get3A_102 = vector.shape_cast %get3A_101 : vector<1x16xf32> to vector<16xf32>
      %add3A_103 = arith.addf %get3A_98, %get3A_102 : vector<16xf32>
      %max3A_104 = arith.constant 0.000000e+00 : f32
      %max3A_105 = vector.broadcast %max3A_104 : f32 to vector<16xf32>
      %max3A_106 = arith.maximumf %add3A_103, %max3A_105 : vector<16xf32>
      %swap3A_107 = arith.index_cast %scan3A_80 : i32 to index
      %swap3A_108 = arith.constant 16 : index
      %swap3A_109 = tpu.vector_load %arg9[%swap3A_107, %swap3A_108] {strides = array<i32>} : memref<160x128xf32, #tpu.memory_space<vmem>>, vector<1x16xf32>,
      %swap3A_110 = vector.shape_cast %swap3A_109 : vector<1x16xf32> to vector<16xf32>
      %swap3A_111 = vector.shape_cast %max3A_106 : vector<16xf32> to vector<1x16xf32>
      tpu.vector_store %arg9[%swap3A_107, %swap3A_108], %swap3A_111 {strides = array<i32>} : memref<160x128xf32, #tpu.memory_space<vmem>>, vector<1x16xf32>,
      %get3A_112 = arith.index_cast %scan3A_80 : i32 to index
      %get3A_113 = arith.constant 32 : index
      %get3A_114 = tpu.vector_load %arg9[%get3A_112, %get3A_113] {strides = array<i32>} : memref<160x128xf32, #tpu.memory_space<vmem>>, vector<1x16xf32>,
      %get3A_115 = vector.shape_cast %get3A_114 : vector<1x16xf32> to vector<16xf32>
      %get3A_116 = arith.index_cast %scan3A_80 : i32 to index
      %get3A_117 = arith.constant 32 : index
      %get3A_118 = tpu.vector_load %arg11[%get3A_116, %get3A_117] {strides = array<i32>} : memref<160x128xf32, #tpu.memory_space<vmem>>, vector<1x16xf32>,
      %get3A_119 = vector.shape_cast %get3A_118 : vector<1x16xf32> to vector<16xf32>
      %add3A_120 = arith.addf %get3A_115, %get3A_119 : vector<16xf32>
      %max3A_121 = arith.constant 0.000000e+00 : f32
      %max3A_122 = vector.broadcast %max3A_121 : f32 to vector<16xf32>
      %max3A_123 = arith.maximumf %add3A_120, %max3A_122 : vector<16xf32>
      %swap3A_124 = arith.index_cast %scan3A_80 : i32 to index
      %swap3A_125 = arith.constant 32 : index
      %swap3A_126 = tpu.vector_load %arg9[%swap3A_124, %swap3A_125] {strides = array<i32>} : memref<160x128xf32, #tpu.memory_space<vmem>>, vector<1x16xf32>,
      %swap3A_127 = vector.shape_cast %swap3A_126 : vector<1x16xf32> to vector<16xf32>
      %swap3A_128 = vector.shape_cast %max3A_123 : vector<16xf32> to vector<1x16xf32>
      tpu.vector_store %arg9[%swap3A_124, %swap3A_125], %swap3A_128 {strides = array<i32>} : memref<160x128xf32, #tpu.memory_space<vmem>>, vector<1x16xf32>,
      %get3A_129 = arith.index_cast %scan3A_80 : i32 to index
      %get3A_130 = arith.constant 48 : index
      %get3A_131 = tpu.vector_load %arg9[%get3A_129, %get3A_130] {strides = array<i32>} : memref<160x128xf32, #tpu.memory_space<vmem>>, vector<1x16xf32>,
      %get3A_132 = vector.shape_cast %get3A_131 : vector<1x16xf32> to vector<16xf32>
      %get3A_133 = arith.index_cast %scan3A_80 : i32 to index
      %get3A_134 = arith.constant 48 : index
      %get3A_135 = tpu.vector_load %arg11[%get3A_133, %get3A_134] {strides = array<i32>} : memref<160x128xf32, #tpu.memory_space<vmem>>, vector<1x16xf32>,
      %get3A_136 = vector.shape_cast %get3A_135 : vector<1x16xf32> to vector<16xf32>
      %add3A_137 = arith.addf %get3A_132, %get3A_136 : vector<16xf32>
      %max3A_138 = arith.constant 0.000000e+00 : f32
      %max3A_139 = vector.broadcast %max3A_138 : f32 to vector<16xf32>
      %max3A_140 = arith.maximumf %add3A_137, %max3A_139 : vector<16xf32>
      %swap3A_141 = arith.index_cast %scan3A_80 : i32 to index
      %swap3A_142 = arith.constant 48 : index
      %swap3A_143 = tpu.vector_load %arg9[%swap3A_141, %swap3A_142] {strides = array<i32>} : memref<160x128xf32, #tpu.memory_space<vmem>>, vector<1x16xf32>,
      %swap3A_144 = vector.shape_cast %swap3A_143 : vector<1x16xf32> to vector<16xf32>
      %swap3A_145 = vector.shape_cast %max3A_140 : vector<16xf32> to vector<1x16xf32>
      tpu.vector_store %arg9[%swap3A_141, %swap3A_142], %swap3A_145 {strides = array<i32>} : memref<160x128xf32, #tpu.memory_space<vmem>>, vector<1x16xf32>,
      %get3A_146 = arith.index_cast %scan3A_80 : i32 to index
      %get3A_147 = arith.constant 64 : index
      %get3A_148 = tpu.vector_load %arg9[%get3A_146, %get3A_147] {strides = array<i32>} : memref<160x128xf32, #tpu.memory_space<vmem>>, vector<1x16xf32>,
      %get3A_149 = vector.shape_cast %get3A_148 : vector<1x16xf32> to vector<16xf32>
      %get3A_150 = arith.index_cast %scan3A_80 : i32 to index
      %get3A_151 = arith.constant 64 : index
      %get3A_152 = tpu.vector_load %arg11[%get3A_150, %get3A_151] {strides = array<i32>} : memref<160x128xf32, #tpu.memory_space<vmem>>, vector<1x16xf32>,
      %get3A_153 = vector.shape_cast %get3A_152 : vector<1x16xf32> to vector<16xf32>
      %add3A_154 = arith.addf %get3A_149, %get3A_153 : vector<16xf32>
      %max3A_155 = arith.constant 0.000000e+00 : f32
      %max3A_156 = vector.broadcast %max3A_155 : f32 to vector<16xf32>
      %max3A_157 = arith.maximumf %add3A_154, %max3A_156 : vector<16xf32>
      %swap3A_158 = arith.index_cast %scan3A_80 : i32 to index
      %swap3A_159 = arith.constant 64 : index
      %swap3A_160 = tpu.vector_load %arg9[%swap3A_158, %swap3A_159] {strides = array<i32>} : memref<160x128xf32, #tpu.memory_space<vmem>>, vector<1x16xf32>,
      %swap3A_161 = vector.shape_cast %swap3A_160 : vector<1x16xf32> to vector<16xf32>
      %swap3A_162 = vector.shape_cast %max3A_157 : vector<16xf32> to vector<1x16xf32>
      tpu.vector_store %arg9[%swap3A_158, %swap3A_159], %swap3A_162 {strides = array<i32>} : memref<160x128xf32, #tpu.memory_space<vmem>>, vector<1x16xf32>,
      %get3A_163 = arith.index_cast %scan3A_80 : i32 to index
      %get3A_164 = arith.constant 80 : index
      %get3A_165 = tpu.vector_load %arg9[%get3A_163, %get3A_164] {strides = array<i32>} : memref<160x128xf32, #tpu.memory_space<vmem>>, vector<1x16xf32>,
      %get3A_166 = vector.shape_cast %get3A_165 : vector<1x16xf32> to vector<16xf32>
      %get3A_167 = arith.index_cast %scan3A_80 : i32 to index
      %get3A_168 = arith.constant 80 : index
      %get3A_169 = tpu.vector_load %arg11[%get3A_167, %get3A_168] {strides = array<i32>} : memref<160x128xf32, #tpu.memory_space<vmem>>, vector<1x16xf32>,
      %get3A_170 = vector.shape_cast %get3A_169 : vector<1x16xf32> to vector<16xf32>
      %add3A_171 = arith.addf %get3A_166, %get3A_170 : vector<16xf32>
      %max3A_172 = arith.constant 0.000000e+00 : f32
      %max3A_173 = vector.broadcast %max3A_172 : f32 to vector<16xf32>
      %max3A_174 = arith.maximumf %add3A_171, %max3A_173 : vector<16xf32>
      %swap3A_175 = arith.index_cast %scan3A_80 : i32 to index
      %swap3A_176 = arith.constant 80 : index
      %swap3A_177 = tpu.vector_load %arg9[%swap3A_175, %swap3A_176] {strides = array<i32>} : memref<160x128xf32, #tpu.memory_space<vmem>>, vector<1x16xf32>,
      %swap3A_178 = vector.shape_cast %swap3A_177 : vector<1x16xf32> to vector<16xf32>
      %swap3A_179 = vector.shape_cast %max3A_174 : vector<16xf32> to vector<1x16xf32>
      tpu.vector_store %arg9[%swap3A_175, %swap3A_176], %swap3A_179 {strides = array<i32>} : memref<160x128xf32, #tpu.memory_space<vmem>>, vector<1x16xf32>,
      %get3A_180 = arith.index_cast %scan3A_80 : i32 to index
      %get3A_181 = arith.constant 96 : index
      %get3A_182 = tpu.vector_load %arg9[%get3A_180, %get3A_181] {strides = array<i32>} : memref<160x128xf32, #tpu.memory_space<vmem>>, vector<1x16xf32>,
      %get3A_183 = vector.shape_cast %get3A_182 : vector<1x16xf32> to vector<16xf32>
      %get3A_184 = arith.index_cast %scan3A_80 : i32 to index
      %get3A_185 = arith.constant 96 : index
      %get3A_186 = tpu.vector_load %arg11[%get3A_184, %get3A_185] {strides = array<i32>} : memref<160x128xf32, #tpu.memory_space<vmem>>, vector<1x16xf32>,
      %get3A_187 = vector.shape_cast %get3A_186 : vector<1x16xf32> to vector<16xf32>
      %add3A_188 = arith.addf %get3A_183, %get3A_187 : vector<16xf32>
      %max3A_189 = arith.constant 0.000000e+00 : f32
      %max3A_190 = vector.broadcast %max3A_189 : f32 to vector<16xf32>
      %max3A_191 = arith.maximumf %add3A_188, %max3A_190 : vector<16xf32>
      %swap3A_192 = arith.index_cast %scan3A_80 : i32 to index
      %swap3A_193 = arith.constant 96 : index
      %swap3A_194 = tpu.vector_load %arg9[%swap3A_192, %swap3A_193] {strides = array<i32>} : memref<160x128xf32, #tpu.memory_space<vmem>>, vector<1x16xf32>,
      %swap3A_195 = vector.shape_cast %swap3A_194 : vector<1x16xf32> to vector<16xf32>
      %swap3A_196 = vector.shape_cast %max3A_191 : vector<16xf32> to vector<1x16xf32>
      tpu.vector_store %arg9[%swap3A_192, %swap3A_193], %swap3A_196 {strides = array<i32>} : memref<160x128xf32, #tpu.memory_space<vmem>>, vector<1x16xf32>,
      %get3A_197 = arith.index_cast %scan3A_80 : i32 to index
      %get3A_198 = arith.constant 112 : index
      %get3A_199 = tpu.vector_load %arg9[%get3A_197, %get3A_198] {strides = array<i32>} : memref<160x128xf32, #tpu.memory_space<vmem>>, vector<1x16xf32>,
      %get3A_200 = vector.shape_cast %get3A_199 : vector<1x16xf32> to vector<16xf32>
      %get3A_201 = arith.index_cast %scan3A_80 : i32 to index
      %get3A_202 = arith.constant 112 : index
      %get3A_203 = tpu.vector_load %arg11[%get3A_201, %get3A_202] {strides = array<i32>} : memref<160x128xf32, #tpu.memory_space<vmem>>, vector<1x16xf32>,
      %get3A_204 = vector.shape_cast %get3A_203 : vector<1x16xf32> to vector<16xf32>
      %add3A_205 = arith.addf %get3A_200, %get3A_204 : vector<16xf32>
      %max3A_206 = arith.constant 0.000000e+00 : f32
      %max3A_207 = vector.broadcast %max3A_206 : f32 to vector<16xf32>
      %max3A_208 = arith.maximumf %add3A_205, %max3A_207 : vector<16xf32>
      %swap3A_209 = arith.index_cast %scan3A_80 : i32 to index
      %swap3A_210 = arith.constant 112 : index
      %swap3A_211 = tpu.vector_load %arg9[%swap3A_209, %swap3A_210] {strides = array<i32>} : memref<160x128xf32, #tpu.memory_space<vmem>>, vector<1x16xf32>,
      %swap3A_212 = vector.shape_cast %swap3A_211 : vector<1x16xf32> to vector<16xf32>
      %swap3A_213 = vector.shape_cast %max3A_208 : vector<16xf32> to vector<1x16xf32>
      tpu.vector_store %arg9[%swap3A_209, %swap3A_210], %swap3A_213 {strides = array<i32>} : memref<160x128xf32, #tpu.memory_space<vmem>>, vector<1x16xf32>,
    }
    %scan3A_43 = arith.constant 160 : i32
    %add3A_44 = arith.constant 0 : i32
    %add3A_45 = arith.addi %mul3A_2, %add3A_44 : i32
    %dma_start3A_46 = arith.constant 0 : i32
    %dma_start3A_47 = tpu.memref_slice %arg6[%add3A_45, %dma_start3A_46] : memref<10240x128xf32, #tpu.memory_space<hbm>> -> memref<160x128xf32, #tpu.memory_space<hbm>>
    %dma_start3A_48 = arith.constant 0 : i32
    %dma_start3A_49 = tpu.memref_slice %arg6[%add3A_45, %dma_start3A_48] : memref<10240x128xf32, #tpu.memory_space<hbm>> -> memref<160x128xf32, #tpu.memory_space<hbm>>
    tpu.enqueue_dma source(%arg9 : memref<160x128xf32, #tpu.memory_space<vmem>>) target(%dma_start3A_49 : memref<160x128xf32, #tpu.memory_space<hbm>>) target_semaphore(%arg14 : memref<!tpu.dma_semaphore, #tpu.memory_space<semaphore_mem>>)
    %dma_wait3A_50 = arith.constant 0 : i32
    %dma_wait3A_51 = tpu.memref_slice %arg7[%dma_wait3A_50] : memref<320xi32, #tpu.memory_space<vmem>> -> memref<160xi32, #tpu.memory_space<vmem>>
    %dma_wait3A_52 = arith.constant 0 : i32
    %dma_wait3A_53 = arith.constant 0 : i32
    %dma_wait3A_54 = tpu.memref_slice %arg4[%dma_wait3A_52, %dma_wait3A_53] : memref<1001x128xf32, #tpu.memory_space<hbm>> -> memref<1001x128xf32, #tpu.memory_space<hbm>>
    tpu.wait_indirect_dma semaphore(%arg13 : memref<!tpu.dma_semaphore, #tpu.memory_space<semaphore_mem>>) src(%dma_wait3A_54 : memref<1001x128xf32, #tpu.memory_space<hbm>>) dst(%arg10 : memref<160x128xf32, #tpu.memory_space<vmem>>)
    %dma_wait3A_55 = arith.constant 0 : i32
    %dma_wait3A_56 = tpu.memref_slice %arg8[%dma_wait3A_55] : memref<320xi32, #tpu.memory_space<vmem>> -> memref<160xi32, #tpu.memory_space<vmem>>
    %dma_wait3A_57 = arith.constant 0 : i32
    %dma_wait3A_58 = arith.constant 0 : i32
    %dma_wait3A_59 = tpu.memref_slice %arg5[%dma_wait3A_57, %dma_wait3A_58] : memref<1001x128xf32, #tpu.memory_space<hbm>> -> memref<1001x128xf32, #tpu.memory_space<hbm>>
    tpu.wait_indirect_dma semaphore(%arg13 : memref<!tpu.dma_semaphore, #tpu.memory_space<semaphore_mem>>) src(%dma_wait3A_59 : memref<1001x128xf32, #tpu.memory_space<hbm>>) dst(%arg12 : memref<160x128xf32, #tpu.memory_space<vmem>>)
    %dma_wait3A_60 = arith.constant 0 : i32
    %dma_wait3A_61 = tpu.memref_slice %arg6[%mul3A_2, %dma_wait3A_60] : memref<10240x128xf32, #tpu.memory_space<hbm>> -> memref<160x128xf32, #tpu.memory_space<hbm>>
    %dma_wait3A_62 = arith.constant 0 : i32
    %dma_wait3A_63 = tpu.memref_slice %arg6[%mul3A_2, %dma_wait3A_62] : memref<10240x128xf32, #tpu.memory_space<hbm>> -> memref<160x128xf32, #tpu.memory_space<hbm>>
    tpu.wait_dma2 semaphore(%arg14 : memref<!tpu.dma_semaphore, #tpu.memory_space<semaphore_mem>>) src(%arg9 : memref<160x128xf32, #tpu.memory_space<vmem>>) dst(%dma_wait3A_63 : memref<160x128xf32, #tpu.memory_space<hbm>>)
    %scan3A_64 = arith.constant 0 : i32
    %scan3A_65 = arith.constant 0 : i32
    %scan3A_66 = arith.constant 160 : i32
    %scan3A_67 = arith.addi %scan3A_65, %scan3A_66 : i32
    %scan3A_68 = arith.constant 1 : i32
    scf.for %scan3A_80 = %scan3A_65 to %scan3A_67 step %scan3A_68  : i32 {
      %get3A = arith.index_cast %scan3A_80 : i32 to index
      %get3A_81 = arith.constant 0 : index
      %get3A_82 = tpu.vector_load %arg10[%get3A, %get3A_81] {strides = array<i32>} : memref<160x128xf32, #tpu.memory_space<vmem>>, vector<1x16xf32>,
      %get3A_83 = vector.shape_cast %get3A_82 : vector<1x16xf32> to vector<16xf32>
      %get3A_84 = arith.index_cast %scan3A_80 : i32 to index
      %get3A_85 = arith.constant 0 : index
      %get3A_86 = tpu.vector_load %arg12[%get3A_84, %get3A_85] {strides = array<i32>} : memref<160x128xf32, #tpu.memory_space<vmem>>, vector<1x16xf32>,
      %get3A_87 = vector.shape_cast %get3A_86 : vector<1x16xf32> to vector<16xf32>
      %add3A_88 = arith.addf %get3A_83, %get3A_87 : vector<16xf32>
      %max3A = arith.constant 0.000000e+00 : f32
      %max3A_89 = vector.broadcast %max3A : f32 to vector<16xf32>
      %max3A_90 = arith.maximumf %add3A_88, %max3A_89 : vector<16xf32>
      %swap3A = arith.index_cast %scan3A_80 : i32 to index
      %swap3A_91 = arith.constant 0 : index
      %swap3A_92 = tpu.vector_load %arg10[%swap3A, %swap3A_91] {strides = array<i32>} : memref<160x128xf32, #tpu.memory_space<vmem>>, vector<1x16xf32>,
      %swap3A_93 = vector.shape_cast %swap3A_92 : vector<1x16xf32> to vector<16xf32>
      %swap3A_94 = vector.shape_cast %max3A_90 : vector<16xf32> to vector<1x16xf32>
      tpu.vector_store %arg10[%swap3A, %swap3A_91], %swap3A_94 {strides = array<i32>} : memref<160x128xf32, #tpu.memory_space<vmem>>, vector<1x16xf32>,
      %get3A_95 = arith.index_cast %scan3A_80 : i32 to index
      %get3A_96 = arith.constant 16 : index
      %get3A_97 = tpu.vector_load %arg10[%get3A_95, %get3A_96] {strides = array<i32>} : memref<160x128xf32, #tpu.memory_space<vmem>>, vector<1x16xf32>,
      %get3A_98 = vector.shape_cast %get3A_97 : vector<1x16xf32> to vector<16xf32>
      %get3A_99 = arith.index_cast %scan3A_80 : i32 to index
      %get3A_100 = arith.constant 16 : index
      %get3A_101 = tpu.vector_load %arg12[%get3A_99, %get3A_100] {strides = array<i32>} : memref<160x128xf32, #tpu.memory_space<vmem>>, vector<1x16xf32>,
      %get3A_102 = vector.shape_cast %get3A_101 : vector<1x16xf32> to vector<16xf32>
      %add3A_103 = arith.addf %get3A_98, %get3A_102 : vector<16xf32>
      %max3A_104 = arith.constant 0.000000e+00 : f32
      %max3A_105 = vector.broadcast %max3A_104 : f32 to vector<16xf32>
      %max3A_106 = arith.maximumf %add3A_103, %max3A_105 : vector<16xf32>
      %swap3A_107 = arith.index_cast %scan3A_80 : i32 to index
      %swap3A_108 = arith.constant 16 : index
      %swap3A_109 = tpu.vector_load %arg10[%swap3A_107, %swap3A_108] {strides = array<i32>} : memref<160x128xf32, #tpu.memory_space<vmem>>, vector<1x16xf32>,
      %swap3A_110 = vector.shape_cast %swap3A_109 : vector<1x16xf32> to vector<16xf32>
      %swap3A_111 = vector.shape_cast %max3A_106 : vector<16xf32> to vector<1x16xf32>
      tpu.vector_store %arg10[%swap3A_107, %swap3A_108], %swap3A_111 {strides = array<i32>} : memref<160x128xf32, #tpu.memory_space<vmem>>, vector<1x16xf32>,
      %get3A_112 = arith.index_cast %scan3A_80 : i32 to index
      %get3A_113 = arith.constant 32 : index
      %get3A_114 = tpu.vector_load %arg10[%get3A_112, %get3A_113] {strides = array<i32>} : memref<160x128xf32, #tpu.memory_space<vmem>>, vector<1x16xf32>,
      %get3A_115 = vector.shape_cast %get3A_114 : vector<1x16xf32> to vector<16xf32>
      %get3A_116 = arith.index_cast %scan3A_80 : i32 to index
      %get3A_117 = arith.constant 32 : index
      %get3A_118 = tpu.vector_load %arg12[%get3A_116, %get3A_117] {strides = array<i32>} : memref<160x128xf32, #tpu.memory_space<vmem>>, vector<1x16xf32>,
      %get3A_119 = vector.shape_cast %get3A_118 : vector<1x16xf32> to vector<16xf32>
      %add3A_120 = arith.addf %get3A_115, %get3A_119 : vector<16xf32>
      %max3A_121 = arith.constant 0.000000e+00 : f32
      %max3A_122 = vector.broadcast %max3A_121 : f32 to vector<16xf32>
      %max3A_123 = arith.maximumf %add3A_120, %max3A_122 : vector<16xf32>
      %swap3A_124 = arith.index_cast %scan3A_80 : i32 to index
      %swap3A_125 = arith.constant 32 : index
      %swap3A_126 = tpu.vector_load %arg10[%swap3A_124, %swap3A_125] {strides = array<i32>} : memref<160x128xf32, #tpu.memory_space<vmem>>, vector<1x16xf32>,
      %swap3A_127 = vector.shape_cast %swap3A_126 : vector<1x16xf32> to vector<16xf32>
      %swap3A_128 = vector.shape_cast %max3A_123 : vector<16xf32> to vector<1x16xf32>
      tpu.vector_store %arg10[%swap3A_124, %swap3A_125], %swap3A_128 {strides = array<i32>} : memref<160x128xf32, #tpu.memory_space<vmem>>, vector<1x16xf32>,
      %get3A_129 = arith.index_cast %scan3A_80 : i32 to index
      %get3A_130 = arith.constant 48 : index
      %get3A_131 = tpu.vector_load %arg10[%get3A_129, %get3A_130] {strides = array<i32>} : memref<160x128xf32, #tpu.memory_space<vmem>>, vector<1x16xf32>,
      %get3A_132 = vector.shape_cast %get3A_131 : vector<1x16xf32> to vector<16xf32>
      %get3A_133 = arith.index_cast %scan3A_80 : i32 to index
      %get3A_134 = arith.constant 48 : index
      %get3A_135 = tpu.vector_load %arg12[%get3A_133, %get3A_134] {strides = array<i32>} : memref<160x128xf32, #tpu.memory_space<vmem>>, vector<1x16xf32>,
      %get3A_136 = vector.shape_cast %get3A_135 : vector<1x16xf32> to vector<16xf32>
      %add3A_137 = arith.addf %get3A_132, %get3A_136 : vector<16xf32>
      %max3A_138 = arith.constant 0.000000e+00 : f32
      %max3A_139 = vector.broadcast %max3A_138 : f32 to vector<16xf32>
      %max3A_140 = arith.maximumf %add3A_137, %max3A_139 : vector<16xf32>
      %swap3A_141 = arith.index_cast %scan3A_80 : i32 to index
      %swap3A_142 = arith.constant 48 : index
      %swap3A_143 = tpu.vector_load %arg10[%swap3A_141, %swap3A_142] {strides = array<i32>} : memref<160x128xf32, #tpu.memory_space<vmem>>, vector<1x16xf32>,
      %swap3A_144 = vector.shape_cast %swap3A_143 : vector<1x16xf32> to vector<16xf32>
      %swap3A_145 = vector.shape_cast %max3A_140 : vector<16xf32> to vector<1x16xf32>
      tpu.vector_store %arg10[%swap3A_141, %swap3A_142], %swap3A_145 {strides = array<i32>} : memref<160x128xf32, #tpu.memory_space<vmem>>, vector<1x16xf32>,
      %get3A_146 = arith.index_cast %scan3A_80 : i32 to index
      %get3A_147 = arith.constant 64 : index
      %get3A_148 = tpu.vector_load %arg10[%get3A_146, %get3A_147] {strides = array<i32>} : memref<160x128xf32, #tpu.memory_space<vmem>>, vector<1x16xf32>,
      %get3A_149 = vector.shape_cast %get3A_148 : vector<1x16xf32> to vector<16xf32>
      %get3A_150 = arith.index_cast %scan3A_80 : i32 to index
      %get3A_151 = arith.constant 64 : index
      %get3A_152 = tpu.vector_load %arg12[%get3A_150, %get3A_151] {strides = array<i32>} : memref<160x128xf32, #tpu.memory_space<vmem>>, vector<1x16xf32>,
      %get3A_153 = vector.shape_cast %get3A_152 : vector<1x16xf32> to vector<16xf32>
      %add3A_154 = arith.addf %get3A_149, %get3A_153 : vector<16xf32>
      %max3A_155 = arith.constant 0.000000e+00 : f32
      %max3A_156 = vector.broadcast %max3A_155 : f32 to vector<16xf32>
      %max3A_157 = arith.maximumf %add3A_154, %max3A_156 : vector<16xf32>
      %swap3A_158 = arith.index_cast %scan3A_80 : i32 to index
      %swap3A_159 = arith.constant 64 : index
      %swap3A_160 = tpu.vector_load %arg10[%swap3A_158, %swap3A_159] {strides = array<i32>} : memref<160x128xf32, #tpu.memory_space<vmem>>, vector<1x16xf32>,
      %swap3A_161 = vector.shape_cast %swap3A_160 : vector<1x16xf32> to vector<16xf32>
      %swap3A_162 = vector.shape_cast %max3A_157 : vector<16xf32> to vector<1x16xf32>
      tpu.vector_store %arg10[%swap3A_158, %swap3A_159], %swap3A_162 {strides = array<i32>} : memref<160x128xf32, #tpu.memory_space<vmem>>, vector<1x16xf32>,
      %get3A_163 = arith.index_cast %scan3A_80 : i32 to index
      %get3A_164 = arith.constant 80 : index
      %get3A_165 = tpu.vector_load %arg10[%get3A_163, %get3A_164] {strides = array<i32>} : memref<160x128xf32, #tpu.memory_space<vmem>>, vector<1x16xf32>,
      %get3A_166 = vector.shape_cast %get3A_165 : vector<1x16xf32> to vector<16xf32>
      %get3A_167 = arith.index_cast %scan3A_80 : i32 to index
      %get3A_168 = arith.constant 80 : index
      %get3A_169 = tpu.vector_load %arg12[%get3A_167, %get3A_168] {strides = array<i32>} : memref<160x128xf32, #tpu.memory_space<vmem>>, vector<1x16xf32>,
      %get3A_170 = vector.shape_cast %get3A_169 : vector<1x16xf32> to vector<16xf32>
      %add3A_171 = arith.addf %get3A_166, %get3A_170 : vector<16xf32>
      %max3A_172 = arith.constant 0.000000e+00 : f32
      %max3A_173 = vector.broadcast %max3A_172 : f32 to vector<16xf32>
      %max3A_174 = arith.maximumf %add3A_171, %max3A_173 : vector<16xf32>
      %swap3A_175 = arith.index_cast %scan3A_80 : i32 to index
      %swap3A_176 = arith.constant 80 : index
      %swap3A_177 = tpu.vector_load %arg10[%swap3A_175, %swap3A_176] {strides = array<i32>} : memref<160x128xf32, #tpu.memory_space<vmem>>, vector<1x16xf32>,
      %swap3A_178 = vector.shape_cast %swap3A_177 : vector<1x16xf32> to vector<16xf32>
      %swap3A_179 = vector.shape_cast %max3A_174 : vector<16xf32> to vector<1x16xf32>
      tpu.vector_store %arg10[%swap3A_175, %swap3A_176], %swap3A_179 {strides = array<i32>} : memref<160x128xf32, #tpu.memory_space<vmem>>, vector<1x16xf32>,
      %get3A_180 = arith.index_cast %scan3A_80 : i32 to index
      %get3A_181 = arith.constant 96 : index
      %get3A_182 = tpu.vector_load %arg10[%get3A_180, %get3A_181] {strides = array<i32>} : memref<160x128xf32, #tpu.memory_space<vmem>>, vector<1x16xf32>,
      %get3A_183 = vector.shape_cast %get3A_182 : vector<1x16xf32> to vector<16xf32>
      %get3A_184 = arith.index_cast %scan3A_80 : i32 to index
      %get3A_185 = arith.constant 96 : index
      %get3A_186 = tpu.vector_load %arg12[%get3A_184, %get3A_185] {strides = array<i32>} : memref<160x128xf32, #tpu.memory_space<vmem>>, vector<1x16xf32>,
      %get3A_187 = vector.shape_cast %get3A_186 : vector<1x16xf32> to vector<16xf32>
      %add3A_188 = arith.addf %get3A_183, %get3A_187 : vector<16xf32>
      %max3A_189 = arith.constant 0.000000e+00 : f32
      %max3A_190 = vector.broadcast %max3A_189 : f32 to vector<16xf32>
      %max3A_191 = arith.maximumf %add3A_188, %max3A_190 : vector<16xf32>
      %swap3A_192 = arith.index_cast %scan3A_80 : i32 to index
      %swap3A_193 = arith.constant 96 : index
      %swap3A_194 = tpu.vector_load %arg10[%swap3A_192, %swap3A_193] {strides = array<i32>} : memref<160x128xf32, #tpu.memory_space<vmem>>, vector<1x16xf32>,
      %swap3A_195 = vector.shape_cast %swap3A_194 : vector<1x16xf32> to vector<16xf32>
      %swap3A_196 = vector.shape_cast %max3A_191 : vector<16xf32> to vector<1x16xf32>
      tpu.vector_store %arg10[%swap3A_192, %swap3A_193], %swap3A_196 {strides = array<i32>} : memref<160x128xf32, #tpu.memory_space<vmem>>, vector<1x16xf32>,
      %get3A_197 = arith.index_cast %scan3A_80 : i32 to index
      %get3A_198 = arith.constant 112 : index
      %get3A_199 = tpu.vector_load %arg10[%get3A_197, %get3A_198] {strides = array<i32>} : memref<160x128xf32, #tpu.memory_space<vmem>>, vector<1x16xf32>,
      %get3A_200 = vector.shape_cast %get3A_199 : vector<1x16xf32> to vector<16xf32>
      %get3A_201 = arith.index_cast %scan3A_80 : i32 to index
      %get3A_202 = arith.constant 112 : index
      %get3A_203 = tpu.vector_load %arg12[%get3A_201, %get3A_202] {strides = array<i32>} : memref<160x128xf32, #tpu.memory_space<vmem>>, vector<1x16xf32>,
      %get3A_204 = vector.shape_cast %get3A_203 : vector<1x16xf32> to vector<16xf32>
      %add3A_205 = arith.addf %get3A_200, %get3A_204 : vector<16xf32>
      %max3A_206 = arith.constant 0.000000e+00 : f32
      %max3A_207 = vector.broadcast %max3A_206 : f32 to vector<16xf32>
      %max3A_208 = arith.maximumf %add3A_205, %max3A_207 : vector<16xf32>
      %swap3A_209 = arith.index_cast %scan3A_80 : i32 to index
      %swap3A_210 = arith.constant 112 : index
      %swap3A_211 = tpu.vector_load %arg10[%swap3A_209, %swap3A_210] {strides = array<i32>} : memref<160x128xf32, #tpu.memory_space<vmem>>, vector<1x16xf32>,
      %swap3A_212 = vector.shape_cast %swap3A_211 : vector<1x16xf32> to vector<16xf32>
      %swap3A_213 = vector.shape_cast %max3A_208 : vector<16xf32> to vector<1x16xf32>
      tpu.vector_store %arg10[%swap3A_209, %swap3A_210], %swap3A_213 {strides = array<i32>} : memref<160x128xf32, #tpu.memory_space<vmem>>, vector<1x16xf32>,
    }
    %scan3A_69 = arith.constant 160 : i32
    %add3A_70 = arith.constant 160 : i32
    %add3A_71 = arith.addi %mul3A_2, %add3A_70 : i32
    %dma_start3A_72 = arith.constant 0 : i32
    %dma_start3A_73 = tpu.memref_slice %arg6[%add3A_71, %dma_start3A_72] : memref<10240x128xf32, #tpu.memory_space<hbm>> -> memref<160x128xf32, #tpu.memory_space<hbm>>
    %dma_start3A_74 = arith.constant 0 : i32
    %dma_start3A_75 = tpu.memref_slice %arg6[%add3A_71, %dma_start3A_74] : memref<10240x128xf32, #tpu.memory_space<hbm>> -> memref<160x128xf32, #tpu.memory_space<hbm>>
    tpu.enqueue_dma source(%arg10 : memref<160x128xf32, #tpu.memory_space<vmem>>) target(%dma_start3A_75 : memref<160x128xf32, #tpu.memory_space<hbm>>) target_semaphore(%arg14 : memref<!tpu.dma_semaphore, #tpu.memory_space<semaphore_mem>>)
    %dma_wait3A_76 = arith.constant 0 : i32
    %dma_wait3A_77 = tpu.memref_slice %arg6[%mul3A_2, %dma_wait3A_76] : memref<10240x128xf32, #tpu.memory_space<hbm>> -> memref<160x128xf32, #tpu.memory_space<hbm>>
    %dma_wait3A_78 = arith.constant 0 : i32
    %dma_wait3A_79 = tpu.memref_slice %arg6[%mul3A_2, %dma_wait3A_78] : memref<10240x128xf32, #tpu.memory_space<hbm>> -> memref<160x128xf32, #tpu.memory_space<hbm>>
    tpu.wait_dma2 semaphore(%arg14 : memref<!tpu.dma_semaphore, #tpu.memory_space<semaphore_mem>>) src(%arg10 : memref<160x128xf32, #tpu.memory_space<vmem>>) dst(%dma_wait3A_79 : memref<160x128xf32, #tpu.memory_space<hbm>>)
    return
  }
}

#map = affine_map<(d0, d1) -> (0, 0)>
#map1 = affine_map<(d0, d1) -> (0, 0, 0)>
module attributes {stable_mosaic.version = 14 : i64} {
  func.func @_sc_edges(%arg0: i32, %arg1: i32, %arg2: memref<10240x128xf32, #tpu.memory_space<hbm>>, %arg3: memref<2x320000xi32, #tpu.memory_space<hbm>>, %arg4: memref<2x10240x128xf32, #tpu.memory_space<hbm>>, %arg5: memref<4x128xi32, #tpu.memory_space<vmem>>, %arg6: memref<4x128xi32, #tpu.memory_space<vmem>>, %arg7: memref<128x128xf32, #tpu.memory_space<vmem>>, %arg8: memref<128x128xf32, #tpu.memory_space<vmem>>, %arg9: memref<10240x128xf32, #tpu.memory_space<vmem_shared>>, %arg10: memref<!tpu.dma_semaphore, #tpu.memory_space<semaphore_mem>>, %arg11: memref<!tpu.dma_semaphore, #tpu.memory_space<semaphore_mem>>, %arg12: memref<!tpu.dma_semaphore, #tpu.memory_space<semaphore_mem>>) attributes {dimension_semantics = [#tpu.dimension_semantics<core_parallel>, #tpu.dimension_semantics<subcore_parallel>], iteration_bounds = array<i64: 2, 16>, scalar_prefetch = 0 : i64, scratch_operands = 8 : i64, tpu.core_type = #tpu.core_type<sc_vector_subcore>, window_params = [{transform_indices = #map}, {transform_indices = #map}, {transform_indices = #map1}]} {
    %mul3A = arith.constant 640 : i32
    %mul3A_0 = arith.muli %arg1, %mul3A : i32
    %mul3A_1 = arith.constant 16 : i32
    %mul3A_2 = arith.muli %arg0, %mul3A_1 : i32
    %add3A = arith.addi %mul3A_2, %arg1 : i32
    %mul3A_3 = arith.constant 10240 : i32
    %mul3A_4 = arith.muli %add3A, %mul3A_3 : i32
    %eq3A = arith.constant 31 : i32
    %eq3A_5 = arith.cmpi eq, %add3A, %eq3A : i32
    %jit3A = arith.constant 20 : i32
    %jit3A_6 = arith.constant 80 : i32
    %select_n3A = arith.select %eq3A_5, %jit3A, %jit3A_6 : i32
    %scan3A = arith.constant 0 : i32
    %scan3A_7 = arith.constant 0 : i32
    %scan3A_8 = arith.constant 128 : i32
    %scan3A_9 = arith.addi %scan3A_7, %scan3A_8 : i32
    %scan3A_10 = arith.constant 1 : i32
    scf.for %scan3A_910 = %scan3A_7 to %scan3A_9 step %scan3A_10  : i32 {
      %broadcast_in_dim3A = arith.constant 0.000000e+00 : f32
      %broadcast_in_dim3A_911 = vector.broadcast %broadcast_in_dim3A : f32 to vector<16xf32>
      %swap3A = arith.index_cast %scan3A_910 : i32 to index
      %swap3A_912 = arith.constant 0 : index
      %swap3A_913 = tpu.vector_load %arg7[%swap3A, %swap3A_912] {strides = array<i32>} : memref<128x128xf32, #tpu.memory_space<vmem>>, vector<1x16xf32>,
      %swap3A_914 = vector.shape_cast %swap3A_913 : vector<1x16xf32> to vector<16xf32>
      %swap3A_915 = vector.shape_cast %broadcast_in_dim3A_911 : vector<16xf32> to vector<1x16xf32>
      tpu.vector_store %arg7[%swap3A, %swap3A_912], %swap3A_915 {strides = array<i32>} : memref<128x128xf32, #tpu.memory_space<vmem>>, vector<1x16xf32>,
      %broadcast_in_dim3A_916 = arith.constant 0.000000e+00 : f32
      %broadcast_in_dim3A_917 = vector.broadcast %broadcast_in_dim3A_916 : f32 to vector<16xf32>
      %swap3A_918 = arith.index_cast %scan3A_910 : i32 to index
      %swap3A_919 = arith.constant 16 : index
      %swap3A_920 = tpu.vector_load %arg7[%swap3A_918, %swap3A_919] {strides = array<i32>} : memref<128x128xf32, #tpu.memory_space<vmem>>, vector<1x16xf32>,
      %swap3A_921 = vector.shape_cast %swap3A_920 : vector<1x16xf32> to vector<16xf32>
      %swap3A_922 = vector.shape_cast %broadcast_in_dim3A_917 : vector<16xf32> to vector<1x16xf32>
      tpu.vector_store %arg7[%swap3A_918, %swap3A_919], %swap3A_922 {strides = array<i32>} : memref<128x128xf32, #tpu.memory_space<vmem>>, vector<1x16xf32>,
      %broadcast_in_dim3A_923 = arith.constant 0.000000e+00 : f32
      %broadcast_in_dim3A_924 = vector.broadcast %broadcast_in_dim3A_923 : f32 to vector<16xf32>
      %swap3A_925 = arith.index_cast %scan3A_910 : i32 to index
      %swap3A_926 = arith.constant 32 : index
      %swap3A_927 = tpu.vector_load %arg7[%swap3A_925, %swap3A_926] {strides = array<i32>} : memref<128x128xf32, #tpu.memory_space<vmem>>, vector<1x16xf32>,
      %swap3A_928 = vector.shape_cast %swap3A_927 : vector<1x16xf32> to vector<16xf32>
      %swap3A_929 = vector.shape_cast %broadcast_in_dim3A_924 : vector<16xf32> to vector<1x16xf32>
      tpu.vector_store %arg7[%swap3A_925, %swap3A_926], %swap3A_929 {strides = array<i32>} : memref<128x128xf32, #tpu.memory_space<vmem>>, vector<1x16xf32>,
      %broadcast_in_dim3A_930 = arith.constant 0.000000e+00 : f32
      %broadcast_in_dim3A_931 = vector.broadcast %broadcast_in_dim3A_930 : f32 to vector<16xf32>
      %swap3A_932 = arith.index_cast %scan3A_910 : i32 to index
      %swap3A_933 = arith.constant 48 : index
      %swap3A_934 = tpu.vector_load %arg7[%swap3A_932, %swap3A_933] {strides = array<i32>} : memref<128x128xf32, #tpu.memory_space<vmem>>, vector<1x16xf32>,
      %swap3A_935 = vector.shape_cast %swap3A_934 : vector<1x16xf32> to vector<16xf32>
      %swap3A_936 = vector.shape_cast %broadcast_in_dim3A_931 : vector<16xf32> to vector<1x16xf32>
      tpu.vector_store %arg7[%swap3A_932, %swap3A_933], %swap3A_936 {strides = array<i32>} : memref<128x128xf32, #tpu.memory_space<vmem>>, vector<1x16xf32>,
      %broadcast_in_dim3A_937 = arith.constant 0.000000e+00 : f32
      %broadcast_in_dim3A_938 = vector.broadcast %broadcast_in_dim3A_937 : f32 to vector<16xf32>
      %swap3A_939 = arith.index_cast %scan3A_910 : i32 to index
      %swap3A_940 = arith.constant 64 : index
      %swap3A_941 = tpu.vector_load %arg7[%swap3A_939, %swap3A_940] {strides = array<i32>} : memref<128x128xf32, #tpu.memory_space<vmem>>, vector<1x16xf32>,
      %swap3A_942 = vector.shape_cast %swap3A_941 : vector<1x16xf32> to vector<16xf32>
      %swap3A_943 = vector.shape_cast %broadcast_in_dim3A_938 : vector<16xf32> to vector<1x16xf32>
      tpu.vector_store %arg7[%swap3A_939, %swap3A_940], %swap3A_943 {strides = array<i32>} : memref<128x128xf32, #tpu.memory_space<vmem>>, vector<1x16xf32>,
      %broadcast_in_dim3A_944 = arith.constant 0.000000e+00 : f32
      %broadcast_in_dim3A_945 = vector.broadcast %broadcast_in_dim3A_944 : f32 to vector<16xf32>
      %swap3A_946 = arith.index_cast %scan3A_910 : i32 to index
      %swap3A_947 = arith.constant 80 : index
      %swap3A_948 = tpu.vector_load %arg7[%swap3A_946, %swap3A_947] {strides = array<i32>} : memref<128x128xf32, #tpu.memory_space<vmem>>, vector<1x16xf32>,
      %swap3A_949 = vector.shape_cast %swap3A_948 : vector<1x16xf32> to vector<16xf32>
      %swap3A_950 = vector.shape_cast %broadcast_in_dim3A_945 : vector<16xf32> to vector<1x16xf32>
      tpu.vector_store %arg7[%swap3A_946, %swap3A_947], %swap3A_950 {strides = array<i32>} : memref<128x128xf32, #tpu.memory_space<vmem>>, vector<1x16xf32>,
      %broadcast_in_dim3A_951 = arith.constant 0.000000e+00 : f32
      %broadcast_in_dim3A_952 = vector.broadcast %broadcast_in_dim3A_951 : f32 to vector<16xf32>
      %swap3A_953 = arith.index_cast %scan3A_910 : i32 to index
      %swap3A_954 = arith.constant 96 : index
      %swap3A_955 = tpu.vector_load %arg7[%swap3A_953, %swap3A_954] {strides = array<i32>} : memref<128x128xf32, #tpu.memory_space<vmem>>, vector<1x16xf32>,
      %swap3A_956 = vector.shape_cast %swap3A_955 : vector<1x16xf32> to vector<16xf32>
      %swap3A_957 = vector.shape_cast %broadcast_in_dim3A_952 : vector<16xf32> to vector<1x16xf32>
      tpu.vector_store %arg7[%swap3A_953, %swap3A_954], %swap3A_957 {strides = array<i32>} : memref<128x128xf32, #tpu.memory_space<vmem>>, vector<1x16xf32>,
      %broadcast_in_dim3A_958 = arith.constant 0.000000e+00 : f32
      %broadcast_in_dim3A_959 = vector.broadcast %broadcast_in_dim3A_958 : f32 to vector<16xf32>
      %swap3A_960 = arith.index_cast %scan3A_910 : i32 to index
      %swap3A_961 = arith.constant 112 : index
      %swap3A_962 = tpu.vector_load %arg7[%swap3A_960, %swap3A_961] {strides = array<i32>} : memref<128x128xf32, #tpu.memory_space<vmem>>, vector<1x16xf32>,
      %swap3A_963 = vector.shape_cast %swap3A_962 : vector<1x16xf32> to vector<16xf32>
      %swap3A_964 = vector.shape_cast %broadcast_in_dim3A_959 : vector<16xf32> to vector<1x16xf32>
      tpu.vector_store %arg7[%swap3A_960, %swap3A_961], %swap3A_964 {strides = array<i32>} : memref<128x128xf32, #tpu.memory_space<vmem>>, vector<1x16xf32>,
    }
    %scan3A_11 = arith.constant 128 : i32
    %add3A_12 = arith.constant 0 : i32
    %add3A_13 = arith.addi %mul3A_0, %add3A_12 : i32
    "tpu.region"() ({
      %run_scoped3A = tpu.sem_alloc : memref<!tpu.dma_semaphore, #tpu.memory_space<semaphore_mem>>
      %dma_start3A_910 = arith.constant 0 : i32
      %dma_start3A_911 = tpu.memref_slice %arg9[%add3A_13, %dma_start3A_910] : memref<10240x128xf32, #tpu.memory_space<vmem_shared>> -> memref<128x128xf32, #tpu.memory_space<vmem_shared>>
      %dma_start3A_912 = arith.constant 0 : i32
      %dma_start3A_913 = tpu.memref_slice %arg9[%add3A_13, %dma_start3A_912] : memref<10240x128xf32, #tpu.memory_space<vmem_shared>> -> memref<128x128xf32, #tpu.memory_space<vmem_shared>>
      tpu.enqueue_dma source(%arg7 : memref<128x128xf32, #tpu.memory_space<vmem>>) target(%dma_start3A_913 : memref<128x128xf32, #tpu.memory_space<vmem_shared>>) target_semaphore(%run_scoped3A : memref<!tpu.dma_semaphore, #tpu.memory_space<semaphore_mem>>)
      %dma_wait3A_914 = arith.constant 0 : i32
      %dma_wait3A_915 = tpu.memref_slice %arg9[%add3A_13, %dma_wait3A_914] : memref<10240x128xf32, #tpu.memory_space<vmem_shared>> -> memref<128x128xf32, #tpu.memory_space<vmem_shared>>
      %dma_wait3A_916 = arith.constant 0 : i32
      %dma_wait3A_917 = tpu.memref_slice %arg9[%add3A_13, %dma_wait3A_916] : memref<10240x128xf32, #tpu.memory_space<vmem_shared>> -> memref<128x128xf32, #tpu.memory_space<vmem_shared>>
      tpu.wait_dma2 semaphore(%run_scoped3A : memref<!tpu.dma_semaphore, #tpu.memory_space<semaphore_mem>>) src(%arg7 : memref<128x128xf32, #tpu.memory_space<vmem>>) dst(%dma_wait3A_917 : memref<128x128xf32, #tpu.memory_space<vmem_shared>>)
      tpu.yield
    }) : () -> ()
    %add3A_14 = arith.constant 128 : i32
    %add3A_15 = arith.addi %mul3A_0, %add3A_14 : i32
    "tpu.region"() ({
      %run_scoped3A = tpu.sem_alloc : memref<!tpu.dma_semaphore, #tpu.memory_space<semaphore_mem>>
      %dma_start3A_910 = arith.constant 0 : i32
      %dma_start3A_911 = tpu.memref_slice %arg9[%add3A_15, %dma_start3A_910] : memref<10240x128xf32, #tpu.memory_space<vmem_shared>> -> memref<128x128xf32, #tpu.memory_space<vmem_shared>>
      %dma_start3A_912 = arith.constant 0 : i32
      %dma_start3A_913 = tpu.memref_slice %arg9[%add3A_15, %dma_start3A_912] : memref<10240x128xf32, #tpu.memory_space<vmem_shared>> -> memref<128x128xf32, #tpu.memory_space<vmem_shared>>
      tpu.enqueue_dma source(%arg7 : memref<128x128xf32, #tpu.memory_space<vmem>>) target(%dma_start3A_913 : memref<128x128xf32, #tpu.memory_space<vmem_shared>>) target_semaphore(%run_scoped3A : memref<!tpu.dma_semaphore, #tpu.memory_space<semaphore_mem>>)
      %dma_wait3A_914 = arith.constant 0 : i32
      %dma_wait3A_915 = tpu.memref_slice %arg9[%add3A_15, %dma_wait3A_914] : memref<10240x128xf32, #tpu.memory_space<vmem_shared>> -> memref<128x128xf32, #tpu.memory_space<vmem_shared>>
      %dma_wait3A_916 = arith.constant 0 : i32
      %dma_wait3A_917 = tpu.memref_slice %arg9[%add3A_15, %dma_wait3A_916] : memref<10240x128xf32, #tpu.memory_space<vmem_shared>> -> memref<128x128xf32, #tpu.memory_space<vmem_shared>>
      tpu.wait_dma2 semaphore(%run_scoped3A : memref<!tpu.dma_semaphore, #tpu.memory_space<semaphore_mem>>) src(%arg7 : memref<128x128xf32, #tpu.memory_space<vmem>>) dst(%dma_wait3A_917 : memref<128x128xf32, #tpu.memory_space<vmem_shared>>)
      tpu.yield
    }) : () -> ()
    %add3A_16 = arith.constant 256 : i32
    %add3A_17 = arith.addi %mul3A_0, %add3A_16 : i32
    "tpu.region"() ({
      %run_scoped3A = tpu.sem_alloc : memref<!tpu.dma_semaphore, #tpu.memory_space<semaphore_mem>>
      %dma_start3A_910 = arith.constant 0 : i32
      %dma_start3A_911 = tpu.memref_slice %arg9[%add3A_17, %dma_start3A_910] : memref<10240x128xf32, #tpu.memory_space<vmem_shared>> -> memref<128x128xf32, #tpu.memory_space<vmem_shared>>
      %dma_start3A_912 = arith.constant 0 : i32
      %dma_start3A_913 = tpu.memref_slice %arg9[%add3A_17, %dma_start3A_912] : memref<10240x128xf32, #tpu.memory_space<vmem_shared>> -> memref<128x128xf32, #tpu.memory_space<vmem_shared>>
      tpu.enqueue_dma source(%arg7 : memref<128x128xf32, #tpu.memory_space<vmem>>) target(%dma_start3A_913 : memref<128x128xf32, #tpu.memory_space<vmem_shared>>) target_semaphore(%run_scoped3A : memref<!tpu.dma_semaphore, #tpu.memory_space<semaphore_mem>>)
      %dma_wait3A_914 = arith.constant 0 : i32
      %dma_wait3A_915 = tpu.memref_slice %arg9[%add3A_17, %dma_wait3A_914] : memref<10240x128xf32, #tpu.memory_space<vmem_shared>> -> memref<128x128xf32, #tpu.memory_space<vmem_shared>>
      %dma_wait3A_916 = arith.constant 0 : i32
      %dma_wait3A_917 = tpu.memref_slice %arg9[%add3A_17, %dma_wait3A_916] : memref<10240x128xf32, #tpu.memory_space<vmem_shared>> -> memref<128x128xf32, #tpu.memory_space<vmem_shared>>
      tpu.wait_dma2 semaphore(%run_scoped3A : memref<!tpu.dma_semaphore, #tpu.memory_space<semaphore_mem>>) src(%arg7 : memref<128x128xf32, #tpu.memory_space<vmem>>) dst(%dma_wait3A_917 : memref<128x128xf32, #tpu.memory_space<vmem_shared>>)
      tpu.yield
    }) : () -> ()
    %add3A_18 = arith.constant 384 : i32
    %add3A_19 = arith.addi %mul3A_0, %add3A_18 : i32
    "tpu.region"() ({
      %run_scoped3A = tpu.sem_alloc : memref<!tpu.dma_semaphore, #tpu.memory_space<semaphore_mem>>
      %dma_start3A_910 = arith.constant 0 : i32
      %dma_start3A_911 = tpu.memref_slice %arg9[%add3A_19, %dma_start3A_910] : memref<10240x128xf32, #tpu.memory_space<vmem_shared>> -> memref<128x128xf32, #tpu.memory_space<vmem_shared>>
      %dma_start3A_912 = arith.constant 0 : i32
      %dma_start3A_913 = tpu.memref_slice %arg9[%add3A_19, %dma_start3A_912] : memref<10240x128xf32, #tpu.memory_space<vmem_shared>> -> memref<128x128xf32, #tpu.memory_space<vmem_shared>>
      tpu.enqueue_dma source(%arg7 : memref<128x128xf32, #tpu.memory_space<vmem>>) target(%dma_start3A_913 : memref<128x128xf32, #tpu.memory_space<vmem_shared>>) target_semaphore(%run_scoped3A : memref<!tpu.dma_semaphore, #tpu.memory_space<semaphore_mem>>)
      %dma_wait3A_914 = arith.constant 0 : i32
      %dma_wait3A_915 = tpu.memref_slice %arg9[%add3A_19, %dma_wait3A_914] : memref<10240x128xf32, #tpu.memory_space<vmem_shared>> -> memref<128x128xf32, #tpu.memory_space<vmem_shared>>
      %dma_wait3A_916 = arith.constant 0 : i32
      %dma_wait3A_917 = tpu.memref_slice %arg9[%add3A_19, %dma_wait3A_916] : memref<10240x128xf32, #tpu.memory_space<vmem_shared>> -> memref<128x128xf32, #tpu.memory_space<vmem_shared>>
      tpu.wait_dma2 semaphore(%run_scoped3A : memref<!tpu.dma_semaphore, #tpu.memory_space<semaphore_mem>>) src(%arg7 : memref<128x128xf32, #tpu.memory_space<vmem>>) dst(%dma_wait3A_917 : memref<128x128xf32, #tpu.memory_space<vmem_shared>>)
      tpu.yield
    }) : () -> ()
    %add3A_20 = arith.constant 512 : i32
    %add3A_21 = arith.addi %mul3A_0, %add3A_20 : i32
    "tpu.region"() ({
      %run_scoped3A = tpu.sem_alloc : memref<!tpu.dma_semaphore, #tpu.memory_space<semaphore_mem>>
      %dma_start3A_910 = arith.constant 0 : i32
      %dma_start3A_911 = tpu.memref_slice %arg9[%add3A_21, %dma_start3A_910] : memref<10240x128xf32, #tpu.memory_space<vmem_shared>> -> memref<128x128xf32, #tpu.memory_space<vmem_shared>>
      %dma_start3A_912 = arith.constant 0 : i32
      %dma_start3A_913 = tpu.memref_slice %arg9[%add3A_21, %dma_start3A_912] : memref<10240x128xf32, #tpu.memory_space<vmem_shared>> -> memref<128x128xf32, #tpu.memory_space<vmem_shared>>
      tpu.enqueue_dma source(%arg7 : memref<128x128xf32, #tpu.memory_space<vmem>>) target(%dma_start3A_913 : memref<128x128xf32, #tpu.memory_space<vmem_shared>>) target_semaphore(%run_scoped3A : memref<!tpu.dma_semaphore, #tpu.memory_space<semaphore_mem>>)
      %dma_wait3A_914 = arith.constant 0 : i32
      %dma_wait3A_915 = tpu.memref_slice %arg9[%add3A_21, %dma_wait3A_914] : memref<10240x128xf32, #tpu.memory_space<vmem_shared>> -> memref<128x128xf32, #tpu.memory_space<vmem_shared>>
      %dma_wait3A_916 = arith.constant 0 : i32
      %dma_wait3A_917 = tpu.memref_slice %arg9[%add3A_21, %dma_wait3A_916] : memref<10240x128xf32, #tpu.memory_space<vmem_shared>> -> memref<128x128xf32, #tpu.memory_space<vmem_shared>>
      tpu.wait_dma2 semaphore(%run_scoped3A : memref<!tpu.dma_semaphore, #tpu.memory_space<semaphore_mem>>) src(%arg7 : memref<128x128xf32, #tpu.memory_space<vmem>>) dst(%dma_wait3A_917 : memref<128x128xf32, #tpu.memory_space<vmem_shared>>)
      tpu.yield
    }) : () -> ()
    %barrier3A = arith.constant 0 : index
    tpu.barrier barrier_id(%barrier3A)
    %add3A_22 = arith.constant 0 : i32
    %add3A_23 = arith.addi %mul3A_4, %add3A_22 : i32
    %dma_start3A = arith.constant 0 : i32
    %dma_start3A_24 = arith.constant 0 : i32
    %dma_start3A_25 = arith.constant 0 : i32
    %dma_start3A_26 = tpu.memref_slice %arg5[%dma_start3A_24, %dma_start3A_25] : memref<4x128xi32, #tpu.memory_space<vmem>> -> memref<1x128xi32, #tpu.memory_space<vmem>>
    %dma_start3A_27 = tpu.memref_squeeze %dma_start3A_26 : memref<1x128xi32, #tpu.memory_space<vmem>> -> memref<128xi32, #tpu.memory_space<vmem>>
    %dma_start3A_28 = arith.constant 0 : i32
    %dma_start3A_29 = tpu.memref_slice %arg3[%dma_start3A, %dma_start3A_28] : memref<2x320000xi32, #tpu.memory_space<hbm>> -> memref<1x320000xi32, #tpu.memory_space<hbm>>
    %dma_start3A_30 = tpu.memref_squeeze %dma_start3A_29 : memref<1x320000xi32, #tpu.memory_space<hbm>> -> memref<320000xi32, #tpu.memory_space<hbm>>
    %dma_start3A_31 = tpu.memref_slice %dma_start3A_30[%add3A_23] : memref<320000xi32, #tpu.memory_space<hbm>> -> memref<128xi32, #tpu.memory_space<hbm>>
    %dma_start3A_32 = arith.constant 0 : i32
    %dma_start3A_33 = tpu.memref_slice %arg5[%dma_start3A_24, %dma_start3A_32] : memref<4x128xi32, #tpu.memory_space<vmem>> -> memref<1x128xi32, #tpu.memory_space<vmem>>
    %dma_start3A_34 = tpu.memref_squeeze %dma_start3A_33 : memref<1x128xi32, #tpu.memory_space<vmem>> -> memref<128xi32, #tpu.memory_space<vmem>>
    %dma_start3A_35 = arith.constant 0 : i32
    %dma_start3A_36 = tpu.memref_slice %arg3[%dma_start3A, %dma_start3A_35] : memref<2x320000xi32, #tpu.memory_space<hbm>> -> memref<1x320000xi32, #tpu.memory_space<hbm>>
    %dma_start3A_37 = tpu.memref_squeeze %dma_start3A_36 : memref<1x320000xi32, #tpu.memory_space<hbm>> -> memref<320000xi32, #tpu.memory_space<hbm>>
    %dma_start3A_38 = tpu.memref_slice %dma_start3A_37[%add3A_23] : memref<320000xi32, #tpu.memory_space<hbm>> -> memref<128xi32, #tpu.memory_space<hbm>>
    tpu.enqueue_dma source(%dma_start3A_38 : memref<128xi32, #tpu.memory_space<hbm>>) target(%dma_start3A_34 : memref<128xi32, #tpu.memory_space<vmem>>) target_semaphore(%arg10 : memref<!tpu.dma_semaphore, #tpu.memory_space<semaphore_mem>>)
    %add3A_39 = arith.constant 0 : i32
    %add3A_40 = arith.addi %mul3A_4, %add3A_39 : i32
    %dma_start3A_41 = arith.constant 1 : i32
    %dma_start3A_42 = arith.constant 0 : i32
    %dma_start3A_43 = arith.constant 0 : i32
    %dma_start3A_44 = tpu.memref_slice %arg6[%dma_start3A_42, %dma_start3A_43] : memref<4x128xi32, #tpu.memory_space<vmem>> -> memref<1x128xi32, #tpu.memory_space<vmem>>
    %dma_start3A_45 = tpu.memref_squeeze %dma_start3A_44 : memref<1x128xi32, #tpu.memory_space<vmem>> -> memref<128xi32, #tpu.memory_space<vmem>>
    %dma_start3A_46 = arith.constant 0 : i32
    %dma_start3A_47 = tpu.memref_slice %arg3[%dma_start3A_41, %dma_start3A_46] : memref<2x320000xi32, #tpu.memory_space<hbm>> -> memref<1x320000xi32, #tpu.memory_space<hbm>>
    %dma_start3A_48 = tpu.memref_squeeze %dma_start3A_47 : memref<1x320000xi32, #tpu.memory_space<hbm>> -> memref<320000xi32, #tpu.memory_space<hbm>>
    %dma_start3A_49 = tpu.memref_slice %dma_start3A_48[%add3A_40] : memref<320000xi32, #tpu.memory_space<hbm>> -> memref<128xi32, #tpu.memory_space<hbm>>
    %dma_start3A_50 = arith.constant 0 : i32
    %dma_start3A_51 = tpu.memref_slice %arg6[%dma_start3A_42, %dma_start3A_50] : memref<4x128xi32, #tpu.memory_space<vmem>> -> memref<1x128xi32, #tpu.memory_space<vmem>>
    %dma_start3A_52 = tpu.memref_squeeze %dma_start3A_51 : memref<1x128xi32, #tpu.memory_space<vmem>> -> memref<128xi32, #tpu.memory_space<vmem>>
    %dma_start3A_53 = arith.constant 0 : i32
    %dma_start3A_54 = tpu.memref_slice %arg3[%dma_start3A_41, %dma_start3A_53] : memref<2x320000xi32, #tpu.memory_space<hbm>> -> memref<1x320000xi32, #tpu.memory_space<hbm>>
    %dma_start3A_55 = tpu.memref_squeeze %dma_start3A_54 : memref<1x320000xi32, #tpu.memory_space<hbm>> -> memref<320000xi32, #tpu.memory_space<hbm>>
    %dma_start3A_56 = tpu.memref_slice %dma_start3A_55[%add3A_40] : memref<320000xi32, #tpu.memory_space<hbm>> -> memref<128xi32, #tpu.memory_space<hbm>>
    tpu.enqueue_dma source(%dma_start3A_56 : memref<128xi32, #tpu.memory_space<hbm>>) target(%dma_start3A_52 : memref<128xi32, #tpu.memory_space<vmem>>) target_semaphore(%arg10 : memref<!tpu.dma_semaphore, #tpu.memory_space<semaphore_mem>>)
    %add3A_57 = arith.constant 128 : i32
    %add3A_58 = arith.addi %mul3A_4, %add3A_57 : i32
    %dma_start3A_59 = arith.constant 0 : i32
    %dma_start3A_60 = arith.constant 1 : i32
    %dma_start3A_61 = arith.constant 0 : i32
    %dma_start3A_62 = tpu.memref_slice %arg5[%dma_start3A_60, %dma_start3A_61] : memref<4x128xi32, #tpu.memory_space<vmem>> -> memref<1x128xi32, #tpu.memory_space<vmem>>
    %dma_start3A_63 = tpu.memref_squeeze %dma_start3A_62 : memref<1x128xi32, #tpu.memory_space<vmem>> -> memref<128xi32, #tpu.memory_space<vmem>>
    %dma_start3A_64 = arith.constant 0 : i32
    %dma_start3A_65 = tpu.memref_slice %arg3[%dma_start3A_59, %dma_start3A_64] : memref<2x320000xi32, #tpu.memory_space<hbm>> -> memref<1x320000xi32, #tpu.memory_space<hbm>>
    %dma_start3A_66 = tpu.memref_squeeze %dma_start3A_65 : memref<1x320000xi32, #tpu.memory_space<hbm>> -> memref<320000xi32, #tpu.memory_space<hbm>>
    %dma_start3A_67 = tpu.memref_slice %dma_start3A_66[%add3A_58] : memref<320000xi32, #tpu.memory_space<hbm>> -> memref<128xi32, #tpu.memory_space<hbm>>
    %dma_start3A_68 = arith.constant 0 : i32
    %dma_start3A_69 = tpu.memref_slice %arg5[%dma_start3A_60, %dma_start3A_68] : memref<4x128xi32, #tpu.memory_space<vmem>> -> memref<1x128xi32, #tpu.memory_space<vmem>>
    %dma_start3A_70 = tpu.memref_squeeze %dma_start3A_69 : memref<1x128xi32, #tpu.memory_space<vmem>> -> memref<128xi32, #tpu.memory_space<vmem>>
    %dma_start3A_71 = arith.constant 0 : i32
    %dma_start3A_72 = tpu.memref_slice %arg3[%dma_start3A_59, %dma_start3A_71] : memref<2x320000xi32, #tpu.memory_space<hbm>> -> memref<1x320000xi32, #tpu.memory_space<hbm>>
    %dma_start3A_73 = tpu.memref_squeeze %dma_start3A_72 : memref<1x320000xi32, #tpu.memory_space<hbm>> -> memref<320000xi32, #tpu.memory_space<hbm>>
    %dma_start3A_74 = tpu.memref_slice %dma_start3A_73[%add3A_58] : memref<320000xi32, #tpu.memory_space<hbm>> -> memref<128xi32, #tpu.memory_space<hbm>>
    tpu.enqueue_dma source(%dma_start3A_74 : memref<128xi32, #tpu.memory_space<hbm>>) target(%dma_start3A_70 : memref<128xi32, #tpu.memory_space<vmem>>) target_semaphore(%arg10 : memref<!tpu.dma_semaphore, #tpu.memory_space<semaphore_mem>>)
    %add3A_75 = arith.constant 128 : i32
    %add3A_76 = arith.addi %mul3A_4, %add3A_75 : i32
    %dma_start3A_77 = arith.constant 1 : i32
    %dma_start3A_78 = arith.constant 1 : i32
    %dma_start3A_79 = arith.constant 0 : i32
    %dma_start3A_80 = tpu.memref_slice %arg6[%dma_start3A_78, %dma_start3A_79] : memref<4x128xi32, #tpu.memory_space<vmem>> -> memref<1x128xi32, #tpu.memory_space<vmem>>
    %dma_start3A_81 = tpu.memref_squeeze %dma_start3A_80 : memref<1x128xi32, #tpu.memory_space<vmem>> -> memref<128xi32, #tpu.memory_space<vmem>>
    %dma_start3A_82 = arith.constant 0 : i32
    %dma_start3A_83 = tpu.memref_slice %arg3[%dma_start3A_77, %dma_start3A_82] : memref<2x320000xi32, #tpu.memory_space<hbm>> -> memref<1x320000xi32, #tpu.memory_space<hbm>>
    %dma_start3A_84 = tpu.memref_squeeze %dma_start3A_83 : memref<1x320000xi32, #tpu.memory_space<hbm>> -> memref<320000xi32, #tpu.memory_space<hbm>>
    %dma_start3A_85 = tpu.memref_slice %dma_start3A_84[%add3A_76] : memref<320000xi32, #tpu.memory_space<hbm>> -> memref<128xi32, #tpu.memory_space<hbm>>
    %dma_start3A_86 = arith.constant 0 : i32
    %dma_start3A_87 = tpu.memref_slice %arg6[%dma_start3A_78, %dma_start3A_86] : memref<4x128xi32, #tpu.memory_space<vmem>> -> memref<1x128xi32, #tpu.memory_space<vmem>>
    %dma_start3A_88 = tpu.memref_squeeze %dma_start3A_87 : memref<1x128xi32, #tpu.memory_space<vmem>> -> memref<128xi32, #tpu.memory_space<vmem>>
    %dma_start3A_89 = arith.constant 0 : i32
    %dma_start3A_90 = tpu.memref_slice %arg3[%dma_start3A_77, %dma_start3A_89] : memref<2x320000xi32, #tpu.memory_space<hbm>> -> memref<1x320000xi32, #tpu.memory_space<hbm>>
    %dma_start3A_91 = tpu.memref_squeeze %dma_start3A_90 : memref<1x320000xi32, #tpu.memory_space<hbm>> -> memref<320000xi32, #tpu.memory_space<hbm>>
    %dma_start3A_92 = tpu.memref_slice %dma_start3A_91[%add3A_76] : memref<320000xi32, #tpu.memory_space<hbm>> -> memref<128xi32, #tpu.memory_space<hbm>>
    tpu.enqueue_dma source(%dma_start3A_92 : memref<128xi32, #tpu.memory_space<hbm>>) target(%dma_start3A_88 : memref<128xi32, #tpu.memory_space<vmem>>) target_semaphore(%arg10 : memref<!tpu.dma_semaphore, #tpu.memory_space<semaphore_mem>>)
    %dma_wait3A = arith.constant 0 : i32
    %dma_wait3A_93 = arith.constant 0 : i32
    %dma_wait3A_94 = arith.constant 0 : i32
    %dma_wait3A_95 = tpu.memref_slice %arg5[%dma_wait3A_93, %dma_wait3A_94] : memref<4x128xi32, #tpu.memory_space<vmem>> -> memref<1x128xi32, #tpu.memory_space<vmem>>
    %dma_wait3A_96 = tpu.memref_squeeze %dma_wait3A_95 : memref<1x128xi32, #tpu.memory_space<vmem>> -> memref<128xi32, #tpu.memory_space<vmem>>
    %dma_wait3A_97 = arith.constant 0 : i32
    %dma_wait3A_98 = tpu.memref_slice %arg3[%dma_wait3A, %dma_wait3A_97] : memref<2x320000xi32, #tpu.memory_space<hbm>> -> memref<1x320000xi32, #tpu.memory_space<hbm>>
    %dma_wait3A_99 = tpu.memref_squeeze %dma_wait3A_98 : memref<1x320000xi32, #tpu.memory_space<hbm>> -> memref<320000xi32, #tpu.memory_space<hbm>>
    %dma_wait3A_100 = arith.constant 0 : i32
    %dma_wait3A_101 = tpu.memref_slice %dma_wait3A_99[%dma_wait3A_100] : memref<320000xi32, #tpu.memory_space<hbm>> -> memref<128xi32, #tpu.memory_space<hbm>>
    %dma_wait3A_102 = arith.constant 0 : i32
    %dma_wait3A_103 = tpu.memref_slice %arg5[%dma_wait3A_93, %dma_wait3A_102] : memref<4x128xi32, #tpu.memory_space<vmem>> -> memref<1x128xi32, #tpu.memory_space<vmem>>
    %dma_wait3A_104 = tpu.memref_squeeze %dma_wait3A_103 : memref<1x128xi32, #tpu.memory_space<vmem>> -> memref<128xi32, #tpu.memory_space<vmem>>
    %dma_wait3A_105 = arith.constant 0 : i32
    %dma_wait3A_106 = tpu.memref_slice %arg3[%dma_wait3A, %dma_wait3A_105] : memref<2x320000xi32, #tpu.memory_space<hbm>> -> memref<1x320000xi32, #tpu.memory_space<hbm>>
    %dma_wait3A_107 = tpu.memref_squeeze %dma_wait3A_106 : memref<1x320000xi32, #tpu.memory_space<hbm>> -> memref<320000xi32, #tpu.memory_space<hbm>>
    %dma_wait3A_108 = arith.constant 0 : i32
    %dma_wait3A_109 = tpu.memref_slice %dma_wait3A_107[%dma_wait3A_108] : memref<320000xi32, #tpu.memory_space<hbm>> -> memref<128xi32, #tpu.memory_space<hbm>>
    tpu.wait_dma2 semaphore(%arg10 : memref<!tpu.dma_semaphore, #tpu.memory_space<semaphore_mem>>) src(%dma_wait3A_109 : memref<128xi32, #tpu.memory_space<hbm>>) dst(%dma_wait3A_104 : memref<128xi32, #tpu.memory_space<vmem>>)
    %dma_wait3A_110 = arith.constant 1 : i32
    %dma_wait3A_111 = arith.constant 0 : i32
    %dma_wait3A_112 = arith.constant 0 : i32
    %dma_wait3A_113 = tpu.memref_slice %arg6[%dma_wait3A_111, %dma_wait3A_112] : memref<4x128xi32, #tpu.memory_space<vmem>> -> memref<1x128xi32, #tpu.memory_space<vmem>>
    %dma_wait3A_114 = tpu.memref_squeeze %dma_wait3A_113 : memref<1x128xi32, #tpu.memory_space<vmem>> -> memref<128xi32, #tpu.memory_space<vmem>>
    %dma_wait3A_115 = arith.constant 0 : i32
    %dma_wait3A_116 = tpu.memref_slice %arg3[%dma_wait3A_110, %dma_wait3A_115] : memref<2x320000xi32, #tpu.memory_space<hbm>> -> memref<1x320000xi32, #tpu.memory_space<hbm>>
    %dma_wait3A_117 = tpu.memref_squeeze %dma_wait3A_116 : memref<1x320000xi32, #tpu.memory_space<hbm>> -> memref<320000xi32, #tpu.memory_space<hbm>>
    %dma_wait3A_118 = arith.constant 0 : i32
    %dma_wait3A_119 = tpu.memref_slice %dma_wait3A_117[%dma_wait3A_118] : memref<320000xi32, #tpu.memory_space<hbm>> -> memref<128xi32, #tpu.memory_space<hbm>>
    %dma_wait3A_120 = arith.constant 0 : i32
    %dma_wait3A_121 = tpu.memref_slice %arg6[%dma_wait3A_111, %dma_wait3A_120] : memref<4x128xi32, #tpu.memory_space<vmem>> -> memref<1x128xi32, #tpu.memory_space<vmem>>
    %dma_wait3A_122 = tpu.memref_squeeze %dma_wait3A_121 : memref<1x128xi32, #tpu.memory_space<vmem>> -> memref<128xi32, #tpu.memory_space<vmem>>
    %dma_wait3A_123 = arith.constant 0 : i32
    %dma_wait3A_124 = tpu.memref_slice %arg3[%dma_wait3A_110, %dma_wait3A_123] : memref<2x320000xi32, #tpu.memory_space<hbm>> -> memref<1x320000xi32, #tpu.memory_space<hbm>>
    %dma_wait3A_125 = tpu.memref_squeeze %dma_wait3A_124 : memref<1x320000xi32, #tpu.memory_space<hbm>> -> memref<320000xi32, #tpu.memory_space<hbm>>
    %dma_wait3A_126 = arith.constant 0 : i32
    %dma_wait3A_127 = tpu.memref_slice %dma_wait3A_125[%dma_wait3A_126] : memref<320000xi32, #tpu.memory_space<hbm>> -> memref<128xi32, #tpu.memory_space<hbm>>
    tpu.wait_dma2 semaphore(%arg10 : memref<!tpu.dma_semaphore, #tpu.memory_space<semaphore_mem>>) src(%dma_wait3A_127 : memref<128xi32, #tpu.memory_space<hbm>>) dst(%dma_wait3A_122 : memref<128xi32, #tpu.memory_space<vmem>>)
    %dma_start3A_128 = arith.constant 0 : i32
    %dma_start3A_129 = arith.constant 0 : i32
    %dma_start3A_130 = tpu.memref_slice %arg5[%dma_start3A_128, %dma_start3A_129] : memref<4x128xi32, #tpu.memory_space<vmem>> -> memref<1x128xi32, #tpu.memory_space<vmem>>
    %dma_start3A_131 = tpu.memref_squeeze %dma_start3A_130 : memref<1x128xi32, #tpu.memory_space<vmem>> -> memref<128xi32, #tpu.memory_space<vmem>>
    %dma_start3A_132 = arith.constant 0 : i32
    %dma_start3A_133 = arith.constant 0 : i32
    %dma_start3A_134 = tpu.memref_slice %arg2[%dma_start3A_132, %dma_start3A_133] : memref<10240x128xf32, #tpu.memory_space<hbm>> -> memref<10240x128xf32, #tpu.memory_space<hbm>>
    tpu.enqueue_indirect_dma source(%dma_start3A_134 : memref<10240x128xf32, #tpu.memory_space<hbm>>) target(%arg7 : memref<128x128xf32, #tpu.memory_space<vmem>>) offsets(%dma_start3A_131 : memref<128xi32, #tpu.memory_space<vmem>>) semaphore(%arg11 : memref<!tpu.dma_semaphore, #tpu.memory_space<semaphore_mem>>)
    %add3A_135 = arith.constant 256 : i32
    %add3A_136 = arith.addi %mul3A_4, %add3A_135 : i32
    %dma_start3A_137 = arith.constant 0 : i32
    %dma_start3A_138 = arith.constant 2 : i32
    %dma_start3A_139 = arith.constant 0 : i32
    %dma_start3A_140 = tpu.memref_slice %arg5[%dma_start3A_138, %dma_start3A_139] : memref<4x128xi32, #tpu.memory_space<vmem>> -> memref<1x128xi32, #tpu.memory_space<vmem>>
    %dma_start3A_141 = tpu.memref_squeeze %dma_start3A_140 : memref<1x128xi32, #tpu.memory_space<vmem>> -> memref<128xi32, #tpu.memory_space<vmem>>
    %dma_start3A_142 = arith.constant 0 : i32
    %dma_start3A_143 = tpu.memref_slice %arg3[%dma_start3A_137, %dma_start3A_142] : memref<2x320000xi32, #tpu.memory_space<hbm>> -> memref<1x320000xi32, #tpu.memory_space<hbm>>
    %dma_start3A_144 = tpu.memref_squeeze %dma_start3A_143 : memref<1x320000xi32, #tpu.memory_space<hbm>> -> memref<320000xi32, #tpu.memory_space<hbm>>
    %dma_start3A_145 = tpu.memref_slice %dma_start3A_144[%add3A_136] : memref<320000xi32, #tpu.memory_space<hbm>> -> memref<128xi32, #tpu.memory_space<hbm>>
    %dma_start3A_146 = arith.constant 0 : i32
    %dma_start3A_147 = tpu.memref_slice %arg5[%dma_start3A_138, %dma_start3A_146] : memref<4x128xi32, #tpu.memory_space<vmem>> -> memref<1x128xi32, #tpu.memory_space<vmem>>
    %dma_start3A_148 = tpu.memref_squeeze %dma_start3A_147 : memref<1x128xi32, #tpu.memory_space<vmem>> -> memref<128xi32, #tpu.memory_space<vmem>>
    %dma_start3A_149 = arith.constant 0 : i32
    %dma_start3A_150 = tpu.memref_slice %arg3[%dma_start3A_137, %dma_start3A_149] : memref<2x320000xi32, #tpu.memory_space<hbm>> -> memref<1x320000xi32, #tpu.memory_space<hbm>>
    %dma_start3A_151 = tpu.memref_squeeze %dma_start3A_150 : memref<1x320000xi32, #tpu.memory_space<hbm>> -> memref<320000xi32, #tpu.memory_space<hbm>>
    %dma_start3A_152 = tpu.memref_slice %dma_start3A_151[%add3A_136] : memref<320000xi32, #tpu.memory_space<hbm>> -> memref<128xi32, #tpu.memory_space<hbm>>
    tpu.enqueue_dma source(%dma_start3A_152 : memref<128xi32, #tpu.memory_space<hbm>>) target(%dma_start3A_148 : memref<128xi32, #tpu.memory_space<vmem>>) target_semaphore(%arg10 : memref<!tpu.dma_semaphore, #tpu.memory_space<semaphore_mem>>)
    %add3A_153 = arith.constant 256 : i32
    %add3A_154 = arith.addi %mul3A_4, %add3A_153 : i32
    %dma_start3A_155 = arith.constant 1 : i32
    %dma_start3A_156 = arith.constant 2 : i32
    %dma_start3A_157 = arith.constant 0 : i32
    %dma_start3A_158 = tpu.memref_slice %arg6[%dma_start3A_156, %dma_start3A_157] : memref<4x128xi32, #tpu.memory_space<vmem>> -> memref<1x128xi32, #tpu.memory_space<vmem>>
    %dma_start3A_159 = tpu.memref_squeeze %dma_start3A_158 : memref<1x128xi32, #tpu.memory_space<vmem>> -> memref<128xi32, #tpu.memory_space<vmem>>
    %dma_start3A_160 = arith.constant 0 : i32
    %dma_start3A_161 = tpu.memref_slice %arg3[%dma_start3A_155, %dma_start3A_160] : memref<2x320000xi32, #tpu.memory_space<hbm>> -> memref<1x320000xi32, #tpu.memory_space<hbm>>
    %dma_start3A_162 = tpu.memref_squeeze %dma_start3A_161 : memref<1x320000xi32, #tpu.memory_space<hbm>> -> memref<320000xi32, #tpu.memory_space<hbm>>
    %dma_start3A_163 = tpu.memref_slice %dma_start3A_162[%add3A_154] : memref<320000xi32, #tpu.memory_space<hbm>> -> memref<128xi32, #tpu.memory_space<hbm>>
    %dma_start3A_164 = arith.constant 0 : i32
    %dma_start3A_165 = tpu.memref_slice %arg6[%dma_start3A_156, %dma_start3A_164] : memref<4x128xi32, #tpu.memory_space<vmem>> -> memref<1x128xi32, #tpu.memory_space<vmem>>
    %dma_start3A_166 = tpu.memref_squeeze %dma_start3A_165 : memref<1x128xi32, #tpu.memory_space<vmem>> -> memref<128xi32, #tpu.memory_space<vmem>>
    %dma_start3A_167 = arith.constant 0 : i32
    %dma_start3A_168 = tpu.memref_slice %arg3[%dma_start3A_155, %dma_start3A_167] : memref<2x320000xi32, #tpu.memory_space<hbm>> -> memref<1x320000xi32, #tpu.memory_space<hbm>>
    %dma_start3A_169 = tpu.memref_squeeze %dma_start3A_168 : memref<1x320000xi32, #tpu.memory_space<hbm>> -> memref<320000xi32, #tpu.memory_space<hbm>>
    %dma_start3A_170 = tpu.memref_slice %dma_start3A_169[%add3A_154] : memref<320000xi32, #tpu.memory_space<hbm>> -> memref<128xi32, #tpu.memory_space<hbm>>
    tpu.enqueue_dma source(%dma_start3A_170 : memref<128xi32, #tpu.memory_space<hbm>>) target(%dma_start3A_166 : memref<128xi32, #tpu.memory_space<vmem>>) target_semaphore(%arg10 : memref<!tpu.dma_semaphore, #tpu.memory_space<semaphore_mem>>)
    %dma_wait3A_171 = arith.constant 0 : i32
    %dma_wait3A_172 = arith.constant 1 : i32
    %dma_wait3A_173 = arith.constant 0 : i32
    %dma_wait3A_174 = tpu.memref_slice %arg5[%dma_wait3A_172, %dma_wait3A_173] : memref<4x128xi32, #tpu.memory_space<vmem>> -> memref<1x128xi32, #tpu.memory_space<vmem>>
    %dma_wait3A_175 = tpu.memref_squeeze %dma_wait3A_174 : memref<1x128xi32, #tpu.memory_space<vmem>> -> memref<128xi32, #tpu.memory_space<vmem>>
    %dma_wait3A_176 = arith.constant 0 : i32
    %dma_wait3A_177 = tpu.memref_slice %arg3[%dma_wait3A_171, %dma_wait3A_176] : memref<2x320000xi32, #tpu.memory_space<hbm>> -> memref<1x320000xi32, #tpu.memory_space<hbm>>
    %dma_wait3A_178 = tpu.memref_squeeze %dma_wait3A_177 : memref<1x320000xi32, #tpu.memory_space<hbm>> -> memref<320000xi32, #tpu.memory_space<hbm>>
    %dma_wait3A_179 = arith.constant 0 : i32
    %dma_wait3A_180 = tpu.memref_slice %dma_wait3A_178[%dma_wait3A_179] : memref<320000xi32, #tpu.memory_space<hbm>> -> memref<128xi32, #tpu.memory_space<hbm>>
    %dma_wait3A_181 = arith.constant 0 : i32
    %dma_wait3A_182 = tpu.memref_slice %arg5[%dma_wait3A_172, %dma_wait3A_181] : memref<4x128xi32, #tpu.memory_space<vmem>> -> memref<1x128xi32, #tpu.memory_space<vmem>>
    %dma_wait3A_183 = tpu.memref_squeeze %dma_wait3A_182 : memref<1x128xi32, #tpu.memory_space<vmem>> -> memref<128xi32, #tpu.memory_space<vmem>>
    %dma_wait3A_184 = arith.constant 0 : i32
    %dma_wait3A_185 = tpu.memref_slice %arg3[%dma_wait3A_171, %dma_wait3A_184] : memref<2x320000xi32, #tpu.memory_space<hbm>> -> memref<1x320000xi32, #tpu.memory_space<hbm>>
    %dma_wait3A_186 = tpu.memref_squeeze %dma_wait3A_185 : memref<1x320000xi32, #tpu.memory_space<hbm>> -> memref<320000xi32, #tpu.memory_space<hbm>>
    %dma_wait3A_187 = arith.constant 0 : i32
    %dma_wait3A_188 = tpu.memref_slice %dma_wait3A_186[%dma_wait3A_187] : memref<320000xi32, #tpu.memory_space<hbm>> -> memref<128xi32, #tpu.memory_space<hbm>>
    tpu.wait_dma2 semaphore(%arg10 : memref<!tpu.dma_semaphore, #tpu.memory_space<semaphore_mem>>) src(%dma_wait3A_188 : memref<128xi32, #tpu.memory_space<hbm>>) dst(%dma_wait3A_183 : memref<128xi32, #tpu.memory_space<vmem>>)
    %dma_wait3A_189 = arith.constant 1 : i32
    %dma_wait3A_190 = arith.constant 1 : i32
    %dma_wait3A_191 = arith.constant 0 : i32
    %dma_wait3A_192 = tpu.memref_slice %arg6[%dma_wait3A_190, %dma_wait3A_191] : memref<4x128xi32, #tpu.memory_space<vmem>> -> memref<1x128xi32, #tpu.memory_space<vmem>>
    %dma_wait3A_193 = tpu.memref_squeeze %dma_wait3A_192 : memref<1x128xi32, #tpu.memory_space<vmem>> -> memref<128xi32, #tpu.memory_space<vmem>>
    %dma_wait3A_194 = arith.constant 0 : i32
    %dma_wait3A_195 = tpu.memref_slice %arg3[%dma_wait3A_189, %dma_wait3A_194] : memref<2x320000xi32, #tpu.memory_space<hbm>> -> memref<1x320000xi32, #tpu.memory_space<hbm>>
    %dma_wait3A_196 = tpu.memref_squeeze %dma_wait3A_195 : memref<1x320000xi32, #tpu.memory_space<hbm>> -> memref<320000xi32, #tpu.memory_space<hbm>>
    %dma_wait3A_197 = arith.constant 0 : i32
    %dma_wait3A_198 = tpu.memref_slice %dma_wait3A_196[%dma_wait3A_197] : memref<320000xi32, #tpu.memory_space<hbm>> -> memref<128xi32, #tpu.memory_space<hbm>>
    %dma_wait3A_199 = arith.constant 0 : i32
    %dma_wait3A_200 = tpu.memref_slice %arg6[%dma_wait3A_190, %dma_wait3A_199] : memref<4x128xi32, #tpu.memory_space<vmem>> -> memref<1x128xi32, #tpu.memory_space<vmem>>
    %dma_wait3A_201 = tpu.memref_squeeze %dma_wait3A_200 : memref<1x128xi32, #tpu.memory_space<vmem>> -> memref<128xi32, #tpu.memory_space<vmem>>
    %dma_wait3A_202 = arith.constant 0 : i32
    %dma_wait3A_203 = tpu.memref_slice %arg3[%dma_wait3A_189, %dma_wait3A_202] : memref<2x320000xi32, #tpu.memory_space<hbm>> -> memref<1x320000xi32, #tpu.memory_space<hbm>>
    %dma_wait3A_204 = tpu.memref_squeeze %dma_wait3A_203 : memref<1x320000xi32, #tpu.memory_space<hbm>> -> memref<320000xi32, #tpu.memory_space<hbm>>
    %dma_wait3A_205 = arith.constant 0 : i32
    %dma_wait3A_206 = tpu.memref_slice %dma_wait3A_204[%dma_wait3A_205] : memref<320000xi32, #tpu.memory_space<hbm>> -> memref<128xi32, #tpu.memory_space<hbm>>
    tpu.wait_dma2 semaphore(%arg10 : memref<!tpu.dma_semaphore, #tpu.memory_space<semaphore_mem>>) src(%dma_wait3A_206 : memref<128xi32, #tpu.memory_space<hbm>>) dst(%dma_wait3A_201 : memref<128xi32, #tpu.memory_space<vmem>>)
    %dma_start3A_207 = arith.constant 1 : i32
    %dma_start3A_208 = arith.constant 0 : i32
    %dma_start3A_209 = tpu.memref_slice %arg5[%dma_start3A_207, %dma_start3A_208] : memref<4x128xi32, #tpu.memory_space<vmem>> -> memref<1x128xi32, #tpu.memory_space<vmem>>
    %dma_start3A_210 = tpu.memref_squeeze %dma_start3A_209 : memref<1x128xi32, #tpu.memory_space<vmem>> -> memref<128xi32, #tpu.memory_space<vmem>>
    %dma_start3A_211 = arith.constant 0 : i32
    %dma_start3A_212 = arith.constant 0 : i32
    %dma_start3A_213 = tpu.memref_slice %arg2[%dma_start3A_211, %dma_start3A_212] : memref<10240x128xf32, #tpu.memory_space<hbm>> -> memref<10240x128xf32, #tpu.memory_space<hbm>>
    tpu.enqueue_indirect_dma source(%dma_start3A_213 : memref<10240x128xf32, #tpu.memory_space<hbm>>) target(%arg8 : memref<128x128xf32, #tpu.memory_space<vmem>>) offsets(%dma_start3A_210 : memref<128xi32, #tpu.memory_space<vmem>>) semaphore(%arg11 : memref<!tpu.dma_semaphore, #tpu.memory_space<semaphore_mem>>)
    %dma_wait3A_214 = arith.constant 0 : i32
    %dma_wait3A_215 = arith.constant 0 : i32
    %dma_wait3A_216 = tpu.memref_slice %arg5[%dma_wait3A_214, %dma_wait3A_215] : memref<4x128xi32, #tpu.memory_space<vmem>> -> memref<1x128xi32, #tpu.memory_space<vmem>>
    %dma_wait3A_217 = tpu.memref_squeeze %dma_wait3A_216 : memref<1x128xi32, #tpu.memory_space<vmem>> -> memref<128xi32, #tpu.memory_space<vmem>>
    %dma_wait3A_218 = arith.constant 0 : i32
    %dma_wait3A_219 = arith.constant 0 : i32
    %dma_wait3A_220 = tpu.memref_slice %arg2[%dma_wait3A_218, %dma_wait3A_219] : memref<10240x128xf32, #tpu.memory_space<hbm>> -> memref<10240x128xf32, #tpu.memory_space<hbm>>
    tpu.wait_indirect_dma semaphore(%arg11 : memref<!tpu.dma_semaphore, #tpu.memory_space<semaphore_mem>>) src(%dma_wait3A_220 : memref<10240x128xf32, #tpu.memory_space<hbm>>) dst(%arg7 : memref<128x128xf32, #tpu.memory_space<vmem>>)
    %dma_start3A_221 = arith.constant 0 : i32
    %dma_start3A_222 = arith.constant 0 : i32
    %dma_start3A_223 = tpu.memref_slice %arg6[%dma_start3A_221, %dma_start3A_222] : memref<4x128xi32, #tpu.memory_space<vmem>> -> memref<1x128xi32, #tpu.memory_space<vmem>>
    %dma_start3A_224 = tpu.memref_squeeze %dma_start3A_223 : memref<1x128xi32, #tpu.memory_space<vmem>> -> memref<128xi32, #tpu.memory_space<vmem>>
    %dma_start3A_225 = arith.constant 0 : i32
    %dma_start3A_226 = arith.constant 0 : i32
    %dma_start3A_227 = tpu.memref_slice %arg9[%dma_start3A_225, %dma_start3A_226] : memref<10240x128xf32, #tpu.memory_space<vmem_shared>> -> memref<10240x128xf32, #tpu.memory_space<vmem_shared>>
    tpu.enqueue_indirect_dma source(%arg7 : memref<128x128xf32, #tpu.memory_space<vmem>>) target(%dma_start3A_227 : memref<10240x128xf32, #tpu.memory_space<vmem_shared>>) offsets(%dma_start3A_224 : memref<128xi32, #tpu.memory_space<vmem>>) semaphore(%arg12 : memref<!tpu.dma_semaphore, #tpu.memory_space<semaphore_mem>>) {add = true}
    %add3A_228 = arith.constant 384 : i32
    %add3A_229 = arith.addi %mul3A_4, %add3A_228 : i32
    %dma_start3A_230 = arith.constant 0 : i32
    %dma_start3A_231 = arith.constant 3 : i32
    %dma_start3A_232 = arith.constant 0 : i32
    %dma_start3A_233 = tpu.memref_slice %arg5[%dma_start3A_231, %dma_start3A_232] : memref<4x128xi32, #tpu.memory_space<vmem>> -> memref<1x128xi32, #tpu.memory_space<vmem>>
    %dma_start3A_234 = tpu.memref_squeeze %dma_start3A_233 : memref<1x128xi32, #tpu.memory_space<vmem>> -> memref<128xi32, #tpu.memory_space<vmem>>
    %dma_start3A_235 = arith.constant 0 : i32
    %dma_start3A_236 = tpu.memref_slice %arg3[%dma_start3A_230, %dma_start3A_235] : memref<2x320000xi32, #tpu.memory_space<hbm>> -> memref<1x320000xi32, #tpu.memory_space<hbm>>
    %dma_start3A_237 = tpu.memref_squeeze %dma_start3A_236 : memref<1x320000xi32, #tpu.memory_space<hbm>> -> memref<320000xi32, #tpu.memory_space<hbm>>
    %dma_start3A_238 = tpu.memref_slice %dma_start3A_237[%add3A_229] : memref<320000xi32, #tpu.memory_space<hbm>> -> memref<128xi32, #tpu.memory_space<hbm>>
    %dma_start3A_239 = arith.constant 0 : i32
    %dma_start3A_240 = tpu.memref_slice %arg5[%dma_start3A_231, %dma_start3A_239] : memref<4x128xi32, #tpu.memory_space<vmem>> -> memref<1x128xi32, #tpu.memory_space<vmem>>
    %dma_start3A_241 = tpu.memref_squeeze %dma_start3A_240 : memref<1x128xi32, #tpu.memory_space<vmem>> -> memref<128xi32, #tpu.memory_space<vmem>>
    %dma_start3A_242 = arith.constant 0 : i32
    %dma_start3A_243 = tpu.memref_slice %arg3[%dma_start3A_230, %dma_start3A_242] : memref<2x320000xi32, #tpu.memory_space<hbm>> -> memref<1x320000xi32, #tpu.memory_space<hbm>>
    %dma_start3A_244 = tpu.memref_squeeze %dma_start3A_243 : memref<1x320000xi32, #tpu.memory_space<hbm>> -> memref<320000xi32, #tpu.memory_space<hbm>>
    %dma_start3A_245 = tpu.memref_slice %dma_start3A_244[%add3A_229] : memref<320000xi32, #tpu.memory_space<hbm>> -> memref<128xi32, #tpu.memory_space<hbm>>
    tpu.enqueue_dma source(%dma_start3A_245 : memref<128xi32, #tpu.memory_space<hbm>>) target(%dma_start3A_241 : memref<128xi32, #tpu.memory_space<vmem>>) target_semaphore(%arg10 : memref<!tpu.dma_semaphore, #tpu.memory_space<semaphore_mem>>)
    %add3A_246 = arith.constant 384 : i32
    %add3A_247 = arith.addi %mul3A_4, %add3A_246 : i32
    %dma_start3A_248 = arith.constant 1 : i32
    %dma_start3A_249 = arith.constant 3 : i32
    %dma_start3A_250 = arith.constant 0 : i32
    %dma_start3A_251 = tpu.memref_slice %arg6[%dma_start3A_249, %dma_start3A_250] : memref<4x128xi32, #tpu.memory_space<vmem>> -> memref<1x128xi32, #tpu.memory_space<vmem>>
    %dma_start3A_252 = tpu.memref_squeeze %dma_start3A_251 : memref<1x128xi32, #tpu.memory_space<vmem>> -> memref<128xi32, #tpu.memory_space<vmem>>
    %dma_start3A_253 = arith.constant 0 : i32
    %dma_start3A_254 = tpu.memref_slice %arg3[%dma_start3A_248, %dma_start3A_253] : memref<2x320000xi32, #tpu.memory_space<hbm>> -> memref<1x320000xi32, #tpu.memory_space<hbm>>
    %dma_start3A_255 = tpu.memref_squeeze %dma_start3A_254 : memref<1x320000xi32, #tpu.memory_space<hbm>> -> memref<320000xi32, #tpu.memory_space<hbm>>
    %dma_start3A_256 = tpu.memref_slice %dma_start3A_255[%add3A_247] : memref<320000xi32, #tpu.memory_space<hbm>> -> memref<128xi32, #tpu.memory_space<hbm>>
    %dma_start3A_257 = arith.constant 0 : i32
    %dma_start3A_258 = tpu.memref_slice %arg6[%dma_start3A_249, %dma_start3A_257] : memref<4x128xi32, #tpu.memory_space<vmem>> -> memref<1x128xi32, #tpu.memory_space<vmem>>
    %dma_start3A_259 = tpu.memref_squeeze %dma_start3A_258 : memref<1x128xi32, #tpu.memory_space<vmem>> -> memref<128xi32, #tpu.memory_space<vmem>>
    %dma_start3A_260 = arith.constant 0 : i32
    %dma_start3A_261 = tpu.memref_slice %arg3[%dma_start3A_248, %dma_start3A_260] : memref<2x320000xi32, #tpu.memory_space<hbm>> -> memref<1x320000xi32, #tpu.memory_space<hbm>>
    %dma_start3A_262 = tpu.memref_squeeze %dma_start3A_261 : memref<1x320000xi32, #tpu.memory_space<hbm>> -> memref<320000xi32, #tpu.memory_space<hbm>>
    %dma_start3A_263 = tpu.memref_slice %dma_start3A_262[%add3A_247] : memref<320000xi32, #tpu.memory_space<hbm>> -> memref<128xi32, #tpu.memory_space<hbm>>
    tpu.enqueue_dma source(%dma_start3A_263 : memref<128xi32, #tpu.memory_space<hbm>>) target(%dma_start3A_259 : memref<128xi32, #tpu.memory_space<vmem>>) target_semaphore(%arg10 : memref<!tpu.dma_semaphore, #tpu.memory_space<semaphore_mem>>)
    %dma_wait3A_264 = arith.constant 0 : i32
    %dma_wait3A_265 = arith.constant 2 : i32
    %dma_wait3A_266 = arith.constant 0 : i32
    %dma_wait3A_267 = tpu.memref_slice %arg5[%dma_wait3A_265, %dma_wait3A_266] : memref<4x128xi32, #tpu.memory_space<vmem>> -> memref<1x128xi32, #tpu.memory_space<vmem>>
    %dma_wait3A_268 = tpu.memref_squeeze %dma_wait3A_267 : memref<1x128xi32, #tpu.memory_space<vmem>> -> memref<128xi32, #tpu.memory_space<vmem>>
    %dma_wait3A_269 = arith.constant 0 : i32
    %dma_wait3A_270 = tpu.memref_slice %arg3[%dma_wait3A_264, %dma_wait3A_269] : memref<2x320000xi32, #tpu.memory_space<hbm>> -> memref<1x320000xi32, #tpu.memory_space<hbm>>
    %dma_wait3A_271 = tpu.memref_squeeze %dma_wait3A_270 : memref<1x320000xi32, #tpu.memory_space<hbm>> -> memref<320000xi32, #tpu.memory_space<hbm>>
    %dma_wait3A_272 = arith.constant 0 : i32
    %dma_wait3A_273 = tpu.memref_slice %dma_wait3A_271[%dma_wait3A_272] : memref<320000xi32, #tpu.memory_space<hbm>> -> memref<128xi32, #tpu.memory_space<hbm>>
    %dma_wait3A_274 = arith.constant 0 : i32
    %dma_wait3A_275 = tpu.memref_slice %arg5[%dma_wait3A_265, %dma_wait3A_274] : memref<4x128xi32, #tpu.memory_space<vmem>> -> memref<1x128xi32, #tpu.memory_space<vmem>>
    %dma_wait3A_276 = tpu.memref_squeeze %dma_wait3A_275 : memref<1x128xi32, #tpu.memory_space<vmem>> -> memref<128xi32, #tpu.memory_space<vmem>>
    %dma_wait3A_277 = arith.constant 0 : i32
    %dma_wait3A_278 = tpu.memref_slice %arg3[%dma_wait3A_264, %dma_wait3A_277] : memref<2x320000xi32, #tpu.memory_space<hbm>> -> memref<1x320000xi32, #tpu.memory_space<hbm>>
    %dma_wait3A_279 = tpu.memref_squeeze %dma_wait3A_278 : memref<1x320000xi32, #tpu.memory_space<hbm>> -> memref<320000xi32, #tpu.memory_space<hbm>>
    %dma_wait3A_280 = arith.constant 0 : i32
    %dma_wait3A_281 = tpu.memref_slice %dma_wait3A_279[%dma_wait3A_280] : memref<320000xi32, #tpu.memory_space<hbm>> -> memref<128xi32, #tpu.memory_space<hbm>>
    tpu.wait_dma2 semaphore(%arg10 : memref<!tpu.dma_semaphore, #tpu.memory_space<semaphore_mem>>) src(%dma_wait3A_281 : memref<128xi32, #tpu.memory_space<hbm>>) dst(%dma_wait3A_276 : memref<128xi32, #tpu.memory_space<vmem>>)
    %dma_wait3A_282 = arith.constant 1 : i32
    %dma_wait3A_283 = arith.constant 2 : i32
    %dma_wait3A_284 = arith.constant 0 : i32
    %dma_wait3A_285 = tpu.memref_slice %arg6[%dma_wait3A_283, %dma_wait3A_284] : memref<4x128xi32, #tpu.memory_space<vmem>> -> memref<1x128xi32, #tpu.memory_space<vmem>>
    %dma_wait3A_286 = tpu.memref_squeeze %dma_wait3A_285 : memref<1x128xi32, #tpu.memory_space<vmem>> -> memref<128xi32, #tpu.memory_space<vmem>>
    %dma_wait3A_287 = arith.constant 0 : i32
    %dma_wait3A_288 = tpu.memref_slice %arg3[%dma_wait3A_282, %dma_wait3A_287] : memref<2x320000xi32, #tpu.memory_space<hbm>> -> memref<1x320000xi32, #tpu.memory_space<hbm>>
    %dma_wait3A_289 = tpu.memref_squeeze %dma_wait3A_288 : memref<1x320000xi32, #tpu.memory_space<hbm>> -> memref<320000xi32, #tpu.memory_space<hbm>>
    %dma_wait3A_290 = arith.constant 0 : i32
    %dma_wait3A_291 = tpu.memref_slice %dma_wait3A_289[%dma_wait3A_290] : memref<320000xi32, #tpu.memory_space<hbm>> -> memref<128xi32, #tpu.memory_space<hbm>>
    %dma_wait3A_292 = arith.constant 0 : i32
    %dma_wait3A_293 = tpu.memref_slice %arg6[%dma_wait3A_283, %dma_wait3A_292] : memref<4x128xi32, #tpu.memory_space<vmem>> -> memref<1x128xi32, #tpu.memory_space<vmem>>
    %dma_wait3A_294 = tpu.memref_squeeze %dma_wait3A_293 : memref<1x128xi32, #tpu.memory_space<vmem>> -> memref<128xi32, #tpu.memory_space<vmem>>
    %dma_wait3A_295 = arith.constant 0 : i32
    %dma_wait3A_296 = tpu.memref_slice %arg3[%dma_wait3A_282, %dma_wait3A_295] : memref<2x320000xi32, #tpu.memory_space<hbm>> -> memref<1x320000xi32, #tpu.memory_space<hbm>>
    %dma_wait3A_297 = tpu.memref_squeeze %dma_wait3A_296 : memref<1x320000xi32, #tpu.memory_space<hbm>> -> memref<320000xi32, #tpu.memory_space<hbm>>
    %dma_wait3A_298 = arith.constant 0 : i32
    %dma_wait3A_299 = tpu.memref_slice %dma_wait3A_297[%dma_wait3A_298] : memref<320000xi32, #tpu.memory_space<hbm>> -> memref<128xi32, #tpu.memory_space<hbm>>
    tpu.wait_dma2 semaphore(%arg10 : memref<!tpu.dma_semaphore, #tpu.memory_space<semaphore_mem>>) src(%dma_wait3A_299 : memref<128xi32, #tpu.memory_space<hbm>>) dst(%dma_wait3A_294 : memref<128xi32, #tpu.memory_space<vmem>>)
    %dma_wait3A_300 = arith.constant 0 : i32
    %dma_wait3A_301 = arith.constant 0 : i32
    %dma_wait3A_302 = tpu.memref_slice %arg6[%dma_wait3A_300, %dma_wait3A_301] : memref<4x128xi32, #tpu.memory_space<vmem>> -> memref<1x128xi32, #tpu.memory_space<vmem>>
    %dma_wait3A_303 = tpu.memref_squeeze %dma_wait3A_302 : memref<1x128xi32, #tpu.memory_space<vmem>> -> memref<128xi32, #tpu.memory_space<vmem>>
    %dma_wait3A_304 = arith.constant 0 : i32
    %dma_wait3A_305 = arith.constant 0 : i32
    %dma_wait3A_306 = tpu.memref_slice %arg9[%dma_wait3A_304, %dma_wait3A_305] : memref<10240x128xf32, #tpu.memory_space<vmem_shared>> -> memref<10240x128xf32, #tpu.memory_space<vmem_shared>>
    tpu.wait_indirect_dma semaphore(%arg12 : memref<!tpu.dma_semaphore, #tpu.memory_space<semaphore_mem>>) src(%arg7 : memref<128x128xf32, #tpu.memory_space<vmem>>) dst(%dma_wait3A_306 : memref<10240x128xf32, #tpu.memory_space<vmem_shared>>)
    %dma_start3A_307 = arith.constant 2 : i32
    %dma_start3A_308 = arith.constant 0 : i32
    %dma_start3A_309 = tpu.memref_slice %arg5[%dma_start3A_307, %dma_start3A_308] : memref<4x128xi32, #tpu.memory_space<vmem>> -> memref<1x128xi32, #tpu.memory_space<vmem>>
    %dma_start3A_310 = tpu.memref_squeeze %dma_start3A_309 : memref<1x128xi32, #tpu.memory_space<vmem>> -> memref<128xi32, #tpu.memory_space<vmem>>
    %dma_start3A_311 = arith.constant 0 : i32
    %dma_start3A_312 = arith.constant 0 : i32
    %dma_start3A_313 = tpu.memref_slice %arg2[%dma_start3A_311, %dma_start3A_312] : memref<10240x128xf32, #tpu.memory_space<hbm>> -> memref<10240x128xf32, #tpu.memory_space<hbm>>
    tpu.enqueue_indirect_dma source(%dma_start3A_313 : memref<10240x128xf32, #tpu.memory_space<hbm>>) target(%arg7 : memref<128x128xf32, #tpu.memory_space<vmem>>) offsets(%dma_start3A_310 : memref<128xi32, #tpu.memory_space<vmem>>) semaphore(%arg11 : memref<!tpu.dma_semaphore, #tpu.memory_space<semaphore_mem>>)
    %dma_wait3A_314 = arith.constant 0 : i32
    %dma_wait3A_315 = arith.constant 0 : i32
    %dma_wait3A_316 = tpu.memref_slice %arg5[%dma_wait3A_314, %dma_wait3A_315] : memref<4x128xi32, #tpu.memory_space<vmem>> -> memref<1x128xi32, #tpu.memory_space<vmem>>
    %dma_wait3A_317 = tpu.memref_squeeze %dma_wait3A_316 : memref<1x128xi32, #tpu.memory_space<vmem>> -> memref<128xi32, #tpu.memory_space<vmem>>
    %dma_wait3A_318 = arith.constant 0 : i32
    %dma_wait3A_319 = arith.constant 0 : i32
    %dma_wait3A_320 = tpu.memref_slice %arg2[%dma_wait3A_318, %dma_wait3A_319] : memref<10240x128xf32, #tpu.memory_space<hbm>> -> memref<10240x128xf32, #tpu.memory_space<hbm>>
    tpu.wait_indirect_dma semaphore(%arg11 : memref<!tpu.dma_semaphore, #tpu.memory_space<semaphore_mem>>) src(%dma_wait3A_320 : memref<10240x128xf32, #tpu.memory_space<hbm>>) dst(%arg8 : memref<128x128xf32, #tpu.memory_space<vmem>>)
    %dma_start3A_321 = arith.constant 1 : i32
    %dma_start3A_322 = arith.constant 0 : i32
    %dma_start3A_323 = tpu.memref_slice %arg6[%dma_start3A_321, %dma_start3A_322] : memref<4x128xi32, #tpu.memory_space<vmem>> -> memref<1x128xi32, #tpu.memory_space<vmem>>
    %dma_start3A_324 = tpu.memref_squeeze %dma_start3A_323 : memref<1x128xi32, #tpu.memory_space<vmem>> -> memref<128xi32, #tpu.memory_space<vmem>>
    %dma_start3A_325 = arith.constant 0 : i32
    %dma_start3A_326 = arith.constant 0 : i32
    %dma_start3A_327 = tpu.memref_slice %arg9[%dma_start3A_325, %dma_start3A_326] : memref<10240x128xf32, #tpu.memory_space<vmem_shared>> -> memref<10240x128xf32, #tpu.memory_space<vmem_shared>>
    tpu.enqueue_indirect_dma source(%arg8 : memref<128x128xf32, #tpu.memory_space<vmem>>) target(%dma_start3A_327 : memref<10240x128xf32, #tpu.memory_space<vmem_shared>>) offsets(%dma_start3A_324 : memref<128xi32, #tpu.memory_space<vmem>>) semaphore(%arg12 : memref<!tpu.dma_semaphore, #tpu.memory_space<semaphore_mem>>) {add = true}
    %sub3A = arith.constant 8 : i32
    %sub3A_328 = arith.subi %select_n3A, %sub3A : i32
    %jit3A_329 = arith.constant 4 : i32
    %div3A = arith.divsi %sub3A_328, %jit3A_329 : i32
    %sign3A = arith.constant 0 : i32
    %sign3A_330 = arith.cmpi sgt, %sub3A_328, %sign3A : i32
    %sign3A_331 = arith.extui %sign3A_330 : i1 to i32
    %sign3A_332 = arith.constant 0 : i32
    %sign3A_333 = arith.cmpi slt, %sub3A_328, %sign3A_332 : i32
    %sign3A_334 = arith.extui %sign3A_333 : i1 to i32
    %sign3A_335 = arith.subi %sign3A_331, %sign3A_334 : i32
    %sign3A_336 = arith.constant 0 : i32
    %sign3A_337 = arith.cmpi sgt, %jit3A_329, %sign3A_336 : i32
    %sign3A_338 = arith.extui %sign3A_337 : i1 to i32
    %sign3A_339 = arith.constant 0 : i32
    %sign3A_340 = arith.cmpi slt, %jit3A_329, %sign3A_339 : i32
    %sign3A_341 = arith.extui %sign3A_340 : i1 to i32
    %sign3A_342 = arith.subi %sign3A_338, %sign3A_341 : i32
    %ne3A = arith.cmpi ne, %sign3A_335, %sign3A_342 : i32
    %rem3A = arith.remsi %sub3A_328, %jit3A_329 : i32
    %ne3A_343 = arith.constant 0 : i32
    %ne3A_344 = arith.cmpi ne, %rem3A, %ne3A_343 : i32
    %and3A = arith.andi %ne3A, %ne3A_344 : i1
    %sub3A_345 = arith.constant 1 : i32
    %sub3A_346 = arith.subi %div3A, %sub3A_345 : i32
    %select_n3A_347 = arith.select %and3A, %sub3A_346, %div3A : i32
    %while3A = arith.constant 0 : i32
    %while3A_348 = arith.constant 0 : i32
    %while3A_349 = arith.subi %select_n3A_347, %while3A_348 : i32
    %while3A_350 = arith.addi %while3A_348, %while3A_349 : i32
    %while3A_351 = arith.constant 1 : i32
    %while3A_352 = arith.divsi %while3A_349, %while3A_351 : i32
    %while3A_353 = arith.muli %while3A_352, %while3A_351 : i32
    %while3A_354 = arith.addi %while3A_348, %while3A_353 : i32
    %while3A_355 = arith.constant 1 : i32
    scf.for %while3A_910 = %while3A_348 to %while3A_354 step %while3A_355  : i32 {
      %mul3A_911 = arith.constant 4 : i32
      %mul3A_912 = arith.muli %mul3A_911, %while3A_910 : i32
      %add3A_913 = arith.constant 2 : i32
      %add3A_914 = arith.addi %mul3A_912, %add3A_913 : i32
      %add3A_915 = arith.constant 0 : i32
      %add3A_916 = arith.addi %add3A_914, %add3A_915 : i32
      %add3A_917 = arith.constant 2 : i32
      %add3A_918 = arith.addi %add3A_916, %add3A_917 : i32
      %mul3A_919 = arith.constant 128 : i32
      %mul3A_920 = arith.muli %add3A_918, %mul3A_919 : i32
      %add3A_921 = arith.addi %mul3A_4, %mul3A_920 : i32
      %dma_start3A_922 = arith.constant 0 : i32
      %dma_start3A_923 = arith.constant 0 : i32
      %dma_start3A_924 = arith.constant 0 : i32
      %dma_start3A_925 = tpu.memref_slice %arg5[%dma_start3A_923, %dma_start3A_924] : memref<4x128xi32, #tpu.memory_space<vmem>> -> memref<1x128xi32, #tpu.memory_space<vmem>>
      %dma_start3A_926 = tpu.memref_squeeze %dma_start3A_925 : memref<1x128xi32, #tpu.memory_space<vmem>> -> memref<128xi32, #tpu.memory_space<vmem>>
      %dma_start3A_927 = arith.constant 0 : i32
      %dma_start3A_928 = tpu.memref_slice %arg3[%dma_start3A_922, %dma_start3A_927] : memref<2x320000xi32, #tpu.memory_space<hbm>> -> memref<1x320000xi32, #tpu.memory_space<hbm>>
      %dma_start3A_929 = tpu.memref_squeeze %dma_start3A_928 : memref<1x320000xi32, #tpu.memory_space<hbm>> -> memref<320000xi32, #tpu.memory_space<hbm>>
      %dma_start3A_930 = tpu.memref_slice %dma_start3A_929[%add3A_921] : memref<320000xi32, #tpu.memory_space<hbm>> -> memref<128xi32, #tpu.memory_space<hbm>>
      %dma_start3A_931 = arith.constant 0 : i32
      %dma_start3A_932 = tpu.memref_slice %arg5[%dma_start3A_923, %dma_start3A_931] : memref<4x128xi32, #tpu.memory_space<vmem>> -> memref<1x128xi32, #tpu.memory_space<vmem>>
      %dma_start3A_933 = tpu.memref_squeeze %dma_start3A_932 : memref<1x128xi32, #tpu.memory_space<vmem>> -> memref<128xi32, #tpu.memory_space<vmem>>
      %dma_start3A_934 = arith.constant 0 : i32
      %dma_start3A_935 = tpu.memref_slice %arg3[%dma_start3A_922, %dma_start3A_934] : memref<2x320000xi32, #tpu.memory_space<hbm>> -> memref<1x320000xi32, #tpu.memory_space<hbm>>
      %dma_start3A_936 = tpu.memref_squeeze %dma_start3A_935 : memref<1x320000xi32, #tpu.memory_space<hbm>> -> memref<320000xi32, #tpu.memory_space<hbm>>
      %dma_start3A_937 = tpu.memref_slice %dma_start3A_936[%add3A_921] : memref<320000xi32, #tpu.memory_space<hbm>> -> memref<128xi32, #tpu.memory_space<hbm>>
      tpu.enqueue_dma source(%dma_start3A_937 : memref<128xi32, #tpu.memory_space<hbm>>) target(%dma_start3A_933 : memref<128xi32, #tpu.memory_space<vmem>>) target_semaphore(%arg10 : memref<!tpu.dma_semaphore, #tpu.memory_space<semaphore_mem>>)
      %mul3A_938 = arith.constant 128 : i32
      %mul3A_939 = arith.muli %add3A_918, %mul3A_938 : i32
      %add3A_940 = arith.addi %mul3A_4, %mul3A_939 : i32
      %dma_start3A_941 = arith.constant 1 : i32
      %dma_start3A_942 = arith.constant 0 : i32
      %dma_start3A_943 = arith.constant 0 : i32
      %dma_start3A_944 = tpu.memref_slice %arg6[%dma_start3A_942, %dma_start3A_943] : memref<4x128xi32, #tpu.memory_space<vmem>> -> memref<1x128xi32, #tpu.memory_space<vmem>>
      %dma_start3A_945 = tpu.memref_squeeze %dma_start3A_944 : memref<1x128xi32, #tpu.memory_space<vmem>> -> memref<128xi32, #tpu.memory_space<vmem>>
      %dma_start3A_946 = arith.constant 0 : i32
      %dma_start3A_947 = tpu.memref_slice %arg3[%dma_start3A_941, %dma_start3A_946] : memref<2x320000xi32, #tpu.memory_space<hbm>> -> memref<1x320000xi32, #tpu.memory_space<hbm>>
      %dma_start3A_948 = tpu.memref_squeeze %dma_start3A_947 : memref<1x320000xi32, #tpu.memory_space<hbm>> -> memref<320000xi32, #tpu.memory_space<hbm>>
      %dma_start3A_949 = tpu.memref_slice %dma_start3A_948[%add3A_940] : memref<320000xi32, #tpu.memory_space<hbm>> -> memref<128xi32, #tpu.memory_space<hbm>>
      %dma_start3A_950 = arith.constant 0 : i32
      %dma_start3A_951 = tpu.memref_slice %arg6[%dma_start3A_942, %dma_start3A_950] : memref<4x128xi32, #tpu.memory_space<vmem>> -> memref<1x128xi32, #tpu.memory_space<vmem>>
      %dma_start3A_952 = tpu.memref_squeeze %dma_start3A_951 : memref<1x128xi32, #tpu.memory_space<vmem>> -> memref<128xi32, #tpu.memory_space<vmem>>
      %dma_start3A_953 = arith.constant 0 : i32
      %dma_start3A_954 = tpu.memref_slice %arg3[%dma_start3A_941, %dma_start3A_953] : memref<2x320000xi32, #tpu.memory_space<hbm>> -> memref<1x320000xi32, #tpu.memory_space<hbm>>
      %dma_start3A_955 = tpu.memref_squeeze %dma_start3A_954 : memref<1x320000xi32, #tpu.memory_space<hbm>> -> memref<320000xi32, #tpu.memory_space<hbm>>
      %dma_start3A_956 = tpu.memref_slice %dma_start3A_955[%add3A_940] : memref<320000xi32, #tpu.memory_space<hbm>> -> memref<128xi32, #tpu.memory_space<hbm>>
      tpu.enqueue_dma source(%dma_start3A_956 : memref<128xi32, #tpu.memory_space<hbm>>) target(%dma_start3A_952 : memref<128xi32, #tpu.memory_space<vmem>>) target_semaphore(%arg10 : memref<!tpu.dma_semaphore, #tpu.memory_space<semaphore_mem>>)
      %dma_wait3A_957 = arith.constant 0 : i32
      %dma_wait3A_958 = arith.constant 3 : i32
      %dma_wait3A_959 = arith.constant 0 : i32
      %dma_wait3A_960 = tpu.memref_slice %arg5[%dma_wait3A_958, %dma_wait3A_959] : memref<4x128xi32, #tpu.memory_space<vmem>> -> memref<1x128xi32, #tpu.memory_space<vmem>>
      %dma_wait3A_961 = tpu.memref_squeeze %dma_wait3A_960 : memref<1x128xi32, #tpu.memory_space<vmem>> -> memref<128xi32, #tpu.memory_space<vmem>>
      %dma_wait3A_962 = arith.constant 0 : i32
      %dma_wait3A_963 = tpu.memref_slice %arg3[%dma_wait3A_957, %dma_wait3A_962] : memref<2x320000xi32, #tpu.memory_space<hbm>> -> memref<1x320000xi32, #tpu.memory_space<hbm>>
      %dma_wait3A_964 = tpu.memref_squeeze %dma_wait3A_963 : memref<1x320000xi32, #tpu.memory_space<hbm>> -> memref<320000xi32, #tpu.memory_space<hbm>>
      %dma_wait3A_965 = arith.constant 0 : i32
      %dma_wait3A_966 = tpu.memref_slice %dma_wait3A_964[%dma_wait3A_965] : memref<320000xi32, #tpu.memory_space<hbm>> -> memref<128xi32, #tpu.memory_space<hbm>>
      %dma_wait3A_967 = arith.constant 0 : i32
      %dma_wait3A_968 = tpu.memref_slice %arg5[%dma_wait3A_958, %dma_wait3A_967] : memref<4x128xi32, #tpu.memory_space<vmem>> -> memref<1x128xi32, #tpu.memory_space<vmem>>
      %dma_wait3A_969 = tpu.memref_squeeze %dma_wait3A_968 : memref<1x128xi32, #tpu.memory_space<vmem>> -> memref<128xi32, #tpu.memory_space<vmem>>
      %dma_wait3A_970 = arith.constant 0 : i32
      %dma_wait3A_971 = tpu.memref_slice %arg3[%dma_wait3A_957, %dma_wait3A_970] : memref<2x320000xi32, #tpu.memory_space<hbm>> -> memref<1x320000xi32, #tpu.memory_space<hbm>>
      %dma_wait3A_972 = tpu.memref_squeeze %dma_wait3A_971 : memref<1x320000xi32, #tpu.memory_space<hbm>> -> memref<320000xi32, #tpu.memory_space<hbm>>
      %dma_wait3A_973 = arith.constant 0 : i32
      %dma_wait3A_974 = tpu.memref_slice %dma_wait3A_972[%dma_wait3A_973] : memref<320000xi32, #tpu.memory_space<hbm>> -> memref<128xi32, #tpu.memory_space<hbm>>
      tpu.wait_dma2 semaphore(%arg10 : memref<!tpu.dma_semaphore, #tpu.memory_space<semaphore_mem>>) src(%dma_wait3A_974 : memref<128xi32, #tpu.memory_space<hbm>>) dst(%dma_wait3A_969 : memref<128xi32, #tpu.memory_space<vmem>>)
      %dma_wait3A_975 = arith.constant 1 : i32
      %dma_wait3A_976 = arith.constant 3 : i32
      %dma_wait3A_977 = arith.constant 0 : i32
      %dma_wait3A_978 = tpu.memref_slice %arg6[%dma_wait3A_976, %dma_wait3A_977] : memref<4x128xi32, #tpu.memory_space<vmem>> -> memref<1x128xi32, #tpu.memory_space<vmem>>
      %dma_wait3A_979 = tpu.memref_squeeze %dma_wait3A_978 : memref<1x128xi32, #tpu.memory_space<vmem>> -> memref<128xi32, #tpu.memory_space<vmem>>
      %dma_wait3A_980 = arith.constant 0 : i32
      %dma_wait3A_981 = tpu.memref_slice %arg3[%dma_wait3A_975, %dma_wait3A_980] : memref<2x320000xi32, #tpu.memory_space<hbm>> -> memref<1x320000xi32, #tpu.memory_space<hbm>>
      %dma_wait3A_982 = tpu.memref_squeeze %dma_wait3A_981 : memref<1x320000xi32, #tpu.memory_space<hbm>> -> memref<320000xi32, #tpu.memory_space<hbm>>
      %dma_wait3A_983 = arith.constant 0 : i32
      %dma_wait3A_984 = tpu.memref_slice %dma_wait3A_982[%dma_wait3A_983] : memref<320000xi32, #tpu.memory_space<hbm>> -> memref<128xi32, #tpu.memory_space<hbm>>
      %dma_wait3A_985 = arith.constant 0 : i32
      %dma_wait3A_986 = tpu.memref_slice %arg6[%dma_wait3A_976, %dma_wait3A_985] : memref<4x128xi32, #tpu.memory_space<vmem>> -> memref<1x128xi32, #tpu.memory_space<vmem>>
      %dma_wait3A_987 = tpu.memref_squeeze %dma_wait3A_986 : memref<1x128xi32, #tpu.memory_space<vmem>> -> memref<128xi32, #tpu.memory_space<vmem>>
      %dma_wait3A_988 = arith.constant 0 : i32
      %dma_wait3A_989 = tpu.memref_slice %arg3[%dma_wait3A_975, %dma_wait3A_988] : memref<2x320000xi32, #tpu.memory_space<hbm>> -> memref<1x320000xi32, #tpu.memory_space<hbm>>
      %dma_wait3A_990 = tpu.memref_squeeze %dma_wait3A_989 : memref<1x320000xi32, #tpu.memory_space<hbm>> -> memref<320000xi32, #tpu.memory_space<hbm>>
      %dma_wait3A_991 = arith.constant 0 : i32
      %dma_wait3A_992 = tpu.memref_slice %dma_wait3A_990[%dma_wait3A_991] : memref<320000xi32, #tpu.memory_space<hbm>> -> memref<128xi32, #tpu.memory_space<hbm>>
      tpu.wait_dma2 semaphore(%arg10 : memref<!tpu.dma_semaphore, #tpu.memory_space<semaphore_mem>>) src(%dma_wait3A_992 : memref<128xi32, #tpu.memory_space<hbm>>) dst(%dma_wait3A_987 : memref<128xi32, #tpu.memory_space<vmem>>)
      %dma_wait3A_993 = arith.constant 0 : i32
      %dma_wait3A_994 = arith.constant 0 : i32
      %dma_wait3A_995 = tpu.memref_slice %arg6[%dma_wait3A_993, %dma_wait3A_994] : memref<4x128xi32, #tpu.memory_space<vmem>> -> memref<1x128xi32, #tpu.memory_space<vmem>>
      %dma_wait3A_996 = tpu.memref_squeeze %dma_wait3A_995 : memref<1x128xi32, #tpu.memory_space<vmem>> -> memref<128xi32, #tpu.memory_space<vmem>>
      %dma_wait3A_997 = arith.constant 0 : i32
      %dma_wait3A_998 = arith.constant 0 : i32
      %dma_wait3A_999 = tpu.memref_slice %arg9[%dma_wait3A_997, %dma_wait3A_998] : memref<10240x128xf32, #tpu.memory_space<vmem_shared>> -> memref<10240x128xf32, #tpu.memory_space<vmem_shared>>
      tpu.wait_indirect_dma semaphore(%arg12 : memref<!tpu.dma_semaphore, #tpu.memory_space<semaphore_mem>>) src(%arg8 : memref<128x128xf32, #tpu.memory_space<vmem>>) dst(%dma_wait3A_999 : memref<10240x128xf32, #tpu.memory_space<vmem_shared>>)
      %dma_start3A_1000 = arith.constant 3 : i32
      %dma_start3A_1001 = arith.constant 0 : i32
      %dma_start3A_1002 = tpu.memref_slice %arg5[%dma_start3A_1000, %dma_start3A_1001] : memref<4x128xi32, #tpu.memory_space<vmem>> -> memref<1x128xi32, #tpu.memory_space<vmem>>
      %dma_start3A_1003 = tpu.memref_squeeze %dma_start3A_1002 : memref<1x128xi32, #tpu.memory_space<vmem>> -> memref<128xi32, #tpu.memory_space<vmem>>
      %dma_start3A_1004 = arith.constant 0 : i32
      %dma_start3A_1005 = arith.constant 0 : i32
      %dma_start3A_1006 = tpu.memref_slice %arg2[%dma_start3A_1004, %dma_start3A_1005] : memref<10240x128xf32, #tpu.memory_space<hbm>> -> memref<10240x128xf32, #tpu.memory_space<hbm>>
      tpu.enqueue_indirect_dma source(%dma_start3A_1006 : memref<10240x128xf32, #tpu.memory_space<hbm>>) target(%arg8 : memref<128x128xf32, #tpu.memory_space<vmem>>) offsets(%dma_start3A_1003 : memref<128xi32, #tpu.memory_space<vmem>>) semaphore(%arg11 : memref<!tpu.dma_semaphore, #tpu.memory_space<semaphore_mem>>)
      %dma_wait3A_1007 = arith.constant 0 : i32
      %dma_wait3A_1008 = arith.constant 0 : i32
      %dma_wait3A_1009 = tpu.memref_slice %arg5[%dma_wait3A_1007, %dma_wait3A_1008] : memref<4x128xi32, #tpu.memory_space<vmem>> -> memref<1x128xi32, #tpu.memory_space<vmem>>
      %dma_wait3A_1010 = tpu.memref_squeeze %dma_wait3A_1009 : memref<1x128xi32, #tpu.memory_space<vmem>> -> memref<128xi32, #tpu.memory_space<vmem>>
      %dma_wait3A_1011 = arith.constant 0 : i32
      %dma_wait3A_1012 = arith.constant 0 : i32
      %dma_wait3A_1013 = tpu.memref_slice %arg2[%dma_wait3A_1011, %dma_wait3A_1012] : memref<10240x128xf32, #tpu.memory_space<hbm>> -> memref<10240x128xf32, #tpu.memory_space<hbm>>
      tpu.wait_indirect_dma semaphore(%arg11 : memref<!tpu.dma_semaphore, #tpu.memory_space<semaphore_mem>>) src(%dma_wait3A_1013 : memref<10240x128xf32, #tpu.memory_space<hbm>>) dst(%arg7 : memref<128x128xf32, #tpu.memory_space<vmem>>)
      %dma_start3A_1014 = arith.constant 2 : i32
      %dma_start3A_1015 = arith.constant 0 : i32
      %dma_start3A_1016 = tpu.memref_slice %arg6[%dma_start3A_1014, %dma_start3A_1015] : memref<4x128xi32, #tpu.memory_space<vmem>> -> memref<1x128xi32, #tpu.memory_space<vmem>>
      %dma_start3A_1017 = tpu.memref_squeeze %dma_start3A_1016 : memref<1x128xi32, #tpu.memory_space<vmem>> -> memref<128xi32, #tpu.memory_space<vmem>>
      %dma_start3A_1018 = arith.constant 0 : i32
      %dma_start3A_1019 = arith.constant 0 : i32
      %dma_start3A_1020 = tpu.memref_slice %arg9[%dma_start3A_1018, %dma_start3A_1019] : memref<10240x128xf32, #tpu.memory_space<vmem_shared>> -> memref<10240x128xf32, #tpu.memory_space<vmem_shared>>
      tpu.enqueue_indirect_dma source(%arg7 : memref<128x128xf32, #tpu.memory_space<vmem>>) target(%dma_start3A_1020 : memref<10240x128xf32, #tpu.memory_space<vmem_shared>>) offsets(%dma_start3A_1017 : memref<128xi32, #tpu.memory_space<vmem>>) semaphore(%arg12 : memref<!tpu.dma_semaphore, #tpu.memory_space<semaphore_mem>>) {add = true}
      %add3A_1021 = arith.constant 1 : i32
      %add3A_1022 = arith.addi %add3A_914, %add3A_1021 : i32
      %add3A_1023 = arith.constant 2 : i32
      %add3A_1024 = arith.addi %add3A_1022, %add3A_1023 : i32
      %mul3A_1025 = arith.constant 128 : i32
      %mul3A_1026 = arith.muli %add3A_1024, %mul3A_1025 : i32
      %add3A_1027 = arith.addi %mul3A_4, %mul3A_1026 : i32
      %dma_start3A_1028 = arith.constant 0 : i32
      %dma_start3A_1029 = arith.constant 1 : i32
      %dma_start3A_1030 = arith.constant 0 : i32
      %dma_start3A_1031 = tpu.memref_slice %arg5[%dma_start3A_1029, %dma_start3A_1030] : memref<4x128xi32, #tpu.memory_space<vmem>> -> memref<1x128xi32, #tpu.memory_space<vmem>>
      %dma_start3A_1032 = tpu.memref_squeeze %dma_start3A_1031 : memref<1x128xi32, #tpu.memory_space<vmem>> -> memref<128xi32, #tpu.memory_space<vmem>>
      %dma_start3A_1033 = arith.constant 0 : i32
      %dma_start3A_1034 = tpu.memref_slice %arg3[%dma_start3A_1028, %dma_start3A_1033] : memref<2x320000xi32, #tpu.memory_space<hbm>> -> memref<1x320000xi32, #tpu.memory_space<hbm>>
      %dma_start3A_1035 = tpu.memref_squeeze %dma_start3A_1034 : memref<1x320000xi32, #tpu.memory_space<hbm>> -> memref<320000xi32, #tpu.memory_space<hbm>>
      %dma_start3A_1036 = tpu.memref_slice %dma_start3A_1035[%add3A_1027] : memref<320000xi32, #tpu.memory_space<hbm>> -> memref<128xi32, #tpu.memory_space<hbm>>
      %dma_start3A_1037 = arith.constant 0 : i32
      %dma_start3A_1038 = tpu.memref_slice %arg5[%dma_start3A_1029, %dma_start3A_1037] : memref<4x128xi32, #tpu.memory_space<vmem>> -> memref<1x128xi32, #tpu.memory_space<vmem>>
      %dma_start3A_1039 = tpu.memref_squeeze %dma_start3A_1038 : memref<1x128xi32, #tpu.memory_space<vmem>> -> memref<128xi32, #tpu.memory_space<vmem>>
      %dma_start3A_1040 = arith.constant 0 : i32
      %dma_start3A_1041 = tpu.memref_slice %arg3[%dma_start3A_1028, %dma_start3A_1040] : memref<2x320000xi32, #tpu.memory_space<hbm>> -> memref<1x320000xi32, #tpu.memory_space<hbm>>
      %dma_start3A_1042 = tpu.memref_squeeze %dma_start3A_1041 : memref<1x320000xi32, #tpu.memory_space<hbm>> -> memref<320000xi32, #tpu.memory_space<hbm>>
      %dma_start3A_1043 = tpu.memref_slice %dma_start3A_1042[%add3A_1027] : memref<320000xi32, #tpu.memory_space<hbm>> -> memref<128xi32, #tpu.memory_space<hbm>>
      tpu.enqueue_dma source(%dma_start3A_1043 : memref<128xi32, #tpu.memory_space<hbm>>) target(%dma_start3A_1039 : memref<128xi32, #tpu.memory_space<vmem>>) target_semaphore(%arg10 : memref<!tpu.dma_semaphore, #tpu.memory_space<semaphore_mem>>)
      %mul3A_1044 = arith.constant 128 : i32
      %mul3A_1045 = arith.muli %add3A_1024, %mul3A_1044 : i32
      %add3A_1046 = arith.addi %mul3A_4, %mul3A_1045 : i32
      %dma_start3A_1047 = arith.constant 1 : i32
      %dma_start3A_1048 = arith.constant 1 : i32
      %dma_start3A_1049 = arith.constant 0 : i32
      %dma_start3A_1050 = tpu.memref_slice %arg6[%dma_start3A_1048, %dma_start3A_1049] : memref<4x128xi32, #tpu.memory_space<vmem>> -> memref<1x128xi32, #tpu.memory_space<vmem>>
      %dma_start3A_1051 = tpu.memref_squeeze %dma_start3A_1050 : memref<1x128xi32, #tpu.memory_space<vmem>> -> memref<128xi32, #tpu.memory_space<vmem>>
      %dma_start3A_1052 = arith.constant 0 : i32
      %dma_start3A_1053 = tpu.memref_slice %arg3[%dma_start3A_1047, %dma_start3A_1052] : memref<2x320000xi32, #tpu.memory_space<hbm>> -> memref<1x320000xi32, #tpu.memory_space<hbm>>
      %dma_start3A_1054 = tpu.memref_squeeze %dma_start3A_1053 : memref<1x320000xi32, #tpu.memory_space<hbm>> -> memref<320000xi32, #tpu.memory_space<hbm>>
      %dma_start3A_1055 = tpu.memref_slice %dma_start3A_1054[%add3A_1046] : memref<320000xi32, #tpu.memory_space<hbm>> -> memref<128xi32, #tpu.memory_space<hbm>>
      %dma_start3A_1056 = arith.constant 0 : i32
      %dma_start3A_1057 = tpu.memref_slice %arg6[%dma_start3A_1048, %dma_start3A_1056] : memref<4x128xi32, #tpu.memory_space<vmem>> -> memref<1x128xi32, #tpu.memory_space<vmem>>
      %dma_start3A_1058 = tpu.memref_squeeze %dma_start3A_1057 : memref<1x128xi32, #tpu.memory_space<vmem>> -> memref<128xi32, #tpu.memory_space<vmem>>
      %dma_start3A_1059 = arith.constant 0 : i32
      %dma_start3A_1060 = tpu.memref_slice %arg3[%dma_start3A_1047, %dma_start3A_1059] : memref<2x320000xi32, #tpu.memory_space<hbm>> -> memref<1x320000xi32, #tpu.memory_space<hbm>>
      %dma_start3A_1061 = tpu.memref_squeeze %dma_start3A_1060 : memref<1x320000xi32, #tpu.memory_space<hbm>> -> memref<320000xi32, #tpu.memory_space<hbm>>
      %dma_start3A_1062 = tpu.memref_slice %dma_start3A_1061[%add3A_1046] : memref<320000xi32, #tpu.memory_space<hbm>> -> memref<128xi32, #tpu.memory_space<hbm>>
      tpu.enqueue_dma source(%dma_start3A_1062 : memref<128xi32, #tpu.memory_space<hbm>>) target(%dma_start3A_1058 : memref<128xi32, #tpu.memory_space<vmem>>) target_semaphore(%arg10 : memref<!tpu.dma_semaphore, #tpu.memory_space<semaphore_mem>>)
      %dma_wait3A_1063 = arith.constant 0 : i32
      %dma_wait3A_1064 = arith.constant 0 : i32
      %dma_wait3A_1065 = arith.constant 0 : i32
      %dma_wait3A_1066 = tpu.memref_slice %arg5[%dma_wait3A_1064, %dma_wait3A_1065] : memref<4x128xi32, #tpu.memory_space<vmem>> -> memref<1x128xi32, #tpu.memory_space<vmem>>
      %dma_wait3A_1067 = tpu.memref_squeeze %dma_wait3A_1066 : memref<1x128xi32, #tpu.memory_space<vmem>> -> memref<128xi32, #tpu.memory_space<vmem>>
      %dma_wait3A_1068 = arith.constant 0 : i32
      %dma_wait3A_1069 = tpu.memref_slice %arg3[%dma_wait3A_1063, %dma_wait3A_1068] : memref<2x320000xi32, #tpu.memory_space<hbm>> -> memref<1x320000xi32, #tpu.memory_space<hbm>>
      %dma_wait3A_1070 = tpu.memref_squeeze %dma_wait3A_1069 : memref<1x320000xi32, #tpu.memory_space<hbm>> -> memref<320000xi32, #tpu.memory_space<hbm>>
      %dma_wait3A_1071 = arith.constant 0 : i32
      %dma_wait3A_1072 = tpu.memref_slice %dma_wait3A_1070[%dma_wait3A_1071] : memref<320000xi32, #tpu.memory_space<hbm>> -> memref<128xi32, #tpu.memory_space<hbm>>
      %dma_wait3A_1073 = arith.constant 0 : i32
      %dma_wait3A_1074 = tpu.memref_slice %arg5[%dma_wait3A_1064, %dma_wait3A_1073] : memref<4x128xi32, #tpu.memory_space<vmem>> -> memref<1x128xi32, #tpu.memory_space<vmem>>
      %dma_wait3A_1075 = tpu.memref_squeeze %dma_wait3A_1074 : memref<1x128xi32, #tpu.memory_space<vmem>> -> memref<128xi32, #tpu.memory_space<vmem>>
      %dma_wait3A_1076 = arith.constant 0 : i32
      %dma_wait3A_1077 = tpu.memref_slice %arg3[%dma_wait3A_1063, %dma_wait3A_1076] : memref<2x320000xi32, #tpu.memory_space<hbm>> -> memref<1x320000xi32, #tpu.memory_space<hbm>>
      %dma_wait3A_1078 = tpu.memref_squeeze %dma_wait3A_1077 : memref<1x320000xi32, #tpu.memory_space<hbm>> -> memref<320000xi32, #tpu.memory_space<hbm>>
      %dma_wait3A_1079 = arith.constant 0 : i32
      %dma_wait3A_1080 = tpu.memref_slice %dma_wait3A_1078[%dma_wait3A_1079] : memref<320000xi32, #tpu.memory_space<hbm>> -> memref<128xi32, #tpu.memory_space<hbm>>
      tpu.wait_dma2 semaphore(%arg10 : memref<!tpu.dma_semaphore, #tpu.memory_space<semaphore_mem>>) src(%dma_wait3A_1080 : memref<128xi32, #tpu.memory_space<hbm>>) dst(%dma_wait3A_1075 : memref<128xi32, #tpu.memory_space<vmem>>)
      %dma_wait3A_1081 = arith.constant 1 : i32
      %dma_wait3A_1082 = arith.constant 0 : i32
      %dma_wait3A_1083 = arith.constant 0 : i32
      %dma_wait3A_1084 = tpu.memref_slice %arg6[%dma_wait3A_1082, %dma_wait3A_1083] : memref<4x128xi32, #tpu.memory_space<vmem>> -> memref<1x128xi32, #tpu.memory_space<vmem>>
      %dma_wait3A_1085 = tpu.memref_squeeze %dma_wait3A_1084 : memref<1x128xi32, #tpu.memory_space<vmem>> -> memref<128xi32, #tpu.memory_space<vmem>>
      %dma_wait3A_1086 = arith.constant 0 : i32
      %dma_wait3A_1087 = tpu.memref_slice %arg3[%dma_wait3A_1081, %dma_wait3A_1086] : memref<2x320000xi32, #tpu.memory_space<hbm>> -> memref<1x320000xi32, #tpu.memory_space<hbm>>
      %dma_wait3A_1088 = tpu.memref_squeeze %dma_wait3A_1087 : memref<1x320000xi32, #tpu.memory_space<hbm>> -> memref<320000xi32, #tpu.memory_space<hbm>>
      %dma_wait3A_1089 = arith.constant 0 : i32
      %dma_wait3A_1090 = tpu.memref_slice %dma_wait3A_1088[%dma_wait3A_1089] : memref<320000xi32, #tpu.memory_space<hbm>> -> memref<128xi32, #tpu.memory_space<hbm>>
      %dma_wait3A_1091 = arith.constant 0 : i32
      %dma_wait3A_1092 = tpu.memref_slice %arg6[%dma_wait3A_1082, %dma_wait3A_1091] : memref<4x128xi32, #tpu.memory_space<vmem>> -> memref<1x128xi32, #tpu.memory_space<vmem>>
      %dma_wait3A_1093 = tpu.memref_squeeze %dma_wait3A_1092 : memref<1x128xi32, #tpu.memory_space<vmem>> -> memref<128xi32, #tpu.memory_space<vmem>>
      %dma_wait3A_1094 = arith.constant 0 : i32
      %dma_wait3A_1095 = tpu.memref_slice %arg3[%dma_wait3A_1081, %dma_wait3A_1094] : memref<2x320000xi32, #tpu.memory_space<hbm>> -> memref<1x320000xi32, #tpu.memory_space<hbm>>
      %dma_wait3A_1096 = tpu.memref_squeeze %dma_wait3A_1095 : memref<1x320000xi32, #tpu.memory_space<hbm>> -> memref<320000xi32, #tpu.memory_space<hbm>>
      %dma_wait3A_1097 = arith.constant 0 : i32
      %dma_wait3A_1098 = tpu.memref_slice %dma_wait3A_1096[%dma_wait3A_1097] : memref<320000xi32, #tpu.memory_space<hbm>> -> memref<128xi32, #tpu.memory_space<hbm>>
      tpu.wait_dma2 semaphore(%arg10 : memref<!tpu.dma_semaphore, #tpu.memory_space<semaphore_mem>>) src(%dma_wait3A_1098 : memref<128xi32, #tpu.memory_space<hbm>>) dst(%dma_wait3A_1093 : memref<128xi32, #tpu.memory_space<vmem>>)
      %dma_wait3A_1099 = arith.constant 0 : i32
      %dma_wait3A_1100 = arith.constant 0 : i32
      %dma_wait3A_1101 = tpu.memref_slice %arg6[%dma_wait3A_1099, %dma_wait3A_1100] : memref<4x128xi32, #tpu.memory_space<vmem>> -> memref<1x128xi32, #tpu.memory_space<vmem>>
      %dma_wait3A_1102 = tpu.memref_squeeze %dma_wait3A_1101 : memref<1x128xi32, #tpu.memory_space<vmem>> -> memref<128xi32, #tpu.memory_space<vmem>>
      %dma_wait3A_1103 = arith.constant 0 : i32
      %dma_wait3A_1104 = arith.constant 0 : i32
      %dma_wait3A_1105 = tpu.memref_slice %arg9[%dma_wait3A_1103, %dma_wait3A_1104] : memref<10240x128xf32, #tpu.memory_space<vmem_shared>> -> memref<10240x128xf32, #tpu.memory_space<vmem_shared>>
      tpu.wait_indirect_dma semaphore(%arg12 : memref<!tpu.dma_semaphore, #tpu.memory_space<semaphore_mem>>) src(%arg7 : memref<128x128xf32, #tpu.memory_space<vmem>>) dst(%dma_wait3A_1105 : memref<10240x128xf32, #tpu.memory_space<vmem_shared>>)
      %dma_start3A_1106 = arith.constant 0 : i32
      %dma_start3A_1107 = arith.constant 0 : i32
      %dma_start3A_1108 = tpu.memref_slice %arg5[%dma_start3A_1106, %dma_start3A_1107] : memref<4x128xi32, #tpu.memory_space<vmem>> -> memref<1x128xi32, #tpu.memory_space<vmem>>
      %dma_start3A_1109 = tpu.memref_squeeze %dma_start3A_1108 : memref<1x128xi32, #tpu.memory_space<vmem>> -> memref<128xi32, #tpu.memory_space<vmem>>
      %dma_start3A_1110 = arith.constant 0 : i32
      %dma_start3A_1111 = arith.constant 0 : i32
      %dma_start3A_1112 = tpu.memref_slice %arg2[%dma_start3A_1110, %dma_start3A_1111] : memref<10240x128xf32, #tpu.memory_space<hbm>> -> memref<10240x128xf32, #tpu.memory_space<hbm>>
      tpu.enqueue_indirect_dma source(%dma_start3A_1112 : memref<10240x128xf32, #tpu.memory_space<hbm>>) target(%arg7 : memref<128x128xf32, #tpu.memory_space<vmem>>) offsets(%dma_start3A_1109 : memref<128xi32, #tpu.memory_space<vmem>>) semaphore(%arg11 : memref<!tpu.dma_semaphore, #tpu.memory_space<semaphore_mem>>)
      %dma_wait3A_1113 = arith.constant 0 : i32
      %dma_wait3A_1114 = arith.constant 0 : i32
      %dma_wait3A_1115 = tpu.memref_slice %arg5[%dma_wait3A_1113, %dma_wait3A_1114] : memref<4x128xi32, #tpu.memory_space<vmem>> -> memref<1x128xi32, #tpu.memory_space<vmem>>
      %dma_wait3A_1116 = tpu.memref_squeeze %dma_wait3A_1115 : memref<1x128xi32, #tpu.memory_space<vmem>> -> memref<128xi32, #tpu.memory_space<vmem>>
      %dma_wait3A_1117 = arith.constant 0 : i32
      %dma_wait3A_1118 = arith.constant 0 : i32
      %dma_wait3A_1119 = tpu.memref_slice %arg2[%dma_wait3A_1117, %dma_wait3A_1118] : memref<10240x128xf32, #tpu.memory_space<hbm>> -> memref<10240x128xf32, #tpu.memory_space<hbm>>
      tpu.wait_indirect_dma semaphore(%arg11 : memref<!tpu.dma_semaphore, #tpu.memory_space<semaphore_mem>>) src(%dma_wait3A_1119 : memref<10240x128xf32, #tpu.memory_space<hbm>>) dst(%arg8 : memref<128x128xf32, #tpu.memory_space<vmem>>)
      %dma_start3A_1120 = arith.constant 3 : i32
      %dma_start3A_1121 = arith.constant 0 : i32
      %dma_start3A_1122 = tpu.memref_slice %arg6[%dma_start3A_1120, %dma_start3A_1121] : memref<4x128xi32, #tpu.memory_space<vmem>> -> memref<1x128xi32, #tpu.memory_space<vmem>>
      %dma_start3A_1123 = tpu.memref_squeeze %dma_start3A_1122 : memref<1x128xi32, #tpu.memory_space<vmem>> -> memref<128xi32, #tpu.memory_space<vmem>>
      %dma_start3A_1124 = arith.constant 0 : i32
      %dma_start3A_1125 = arith.constant 0 : i32
      %dma_start3A_1126 = tpu.memref_slice %arg9[%dma_start3A_1124, %dma_start3A_1125] : memref<10240x128xf32, #tpu.memory_space<vmem_shared>> -> memref<10240x128xf32, #tpu.memory_space<vmem_shared>>
      tpu.enqueue_indirect_dma source(%arg8 : memref<128x128xf32, #tpu.memory_space<vmem>>) target(%dma_start3A_1126 : memref<10240x128xf32, #tpu.memory_space<vmem_shared>>) offsets(%dma_start3A_1123 : memref<128xi32, #tpu.memory_space<vmem>>) semaphore(%arg12 : memref<!tpu.dma_semaphore, #tpu.memory_space<semaphore_mem>>) {add = true}
      %add3A_1127 = arith.constant 2 : i32
      %add3A_1128 = arith.addi %add3A_914, %add3A_1127 : i32
      %add3A_1129 = arith.constant 2 : i32
      %add3A_1130 = arith.addi %add3A_1128, %add3A_1129 : i32
      %mul3A_1131 = arith.constant 128 : i32
      %mul3A_1132 = arith.muli %add3A_1130, %mul3A_1131 : i32
      %add3A_1133 = arith.addi %mul3A_4, %mul3A_1132 : i32
      %dma_start3A_1134 = arith.constant 0 : i32
      %dma_start3A_1135 = arith.constant 2 : i32
      %dma_start3A_1136 = arith.constant 0 : i32
      %dma_start3A_1137 = tpu.memref_slice %arg5[%dma_start3A_1135, %dma_start3A_1136] : memref<4x128xi32, #tpu.memory_space<vmem>> -> memref<1x128xi32, #tpu.memory_space<vmem>>
      %dma_start3A_1138 = tpu.memref_squeeze %dma_start3A_1137 : memref<1x128xi32, #tpu.memory_space<vmem>> -> memref<128xi32, #tpu.memory_space<vmem>>
      %dma_start3A_1139 = arith.constant 0 : i32
      %dma_start3A_1140 = tpu.memref_slice %arg3[%dma_start3A_1134, %dma_start3A_1139] : memref<2x320000xi32, #tpu.memory_space<hbm>> -> memref<1x320000xi32, #tpu.memory_space<hbm>>
      %dma_start3A_1141 = tpu.memref_squeeze %dma_start3A_1140 : memref<1x320000xi32, #tpu.memory_space<hbm>> -> memref<320000xi32, #tpu.memory_space<hbm>>
      %dma_start3A_1142 = tpu.memref_slice %dma_start3A_1141[%add3A_1133] : memref<320000xi32, #tpu.memory_space<hbm>> -> memref<128xi32, #tpu.memory_space<hbm>>
      %dma_start3A_1143 = arith.constant 0 : i32
      %dma_start3A_1144 = tpu.memref_slice %arg5[%dma_start3A_1135, %dma_start3A_1143] : memref<4x128xi32, #tpu.memory_space<vmem>> -> memref<1x128xi32, #tpu.memory_space<vmem>>
      %dma_start3A_1145 = tpu.memref_squeeze %dma_start3A_1144 : memref<1x128xi32, #tpu.memory_space<vmem>> -> memref<128xi32, #tpu.memory_space<vmem>>
      %dma_start3A_1146 = arith.constant 0 : i32
      %dma_start3A_1147 = tpu.memref_slice %arg3[%dma_start3A_1134, %dma_start3A_1146] : memref<2x320000xi32, #tpu.memory_space<hbm>> -> memref<1x320000xi32, #tpu.memory_space<hbm>>
      %dma_start3A_1148 = tpu.memref_squeeze %dma_start3A_1147 : memref<1x320000xi32, #tpu.memory_space<hbm>> -> memref<320000xi32, #tpu.memory_space<hbm>>
      %dma_start3A_1149 = tpu.memref_slice %dma_start3A_1148[%add3A_1133] : memref<320000xi32, #tpu.memory_space<hbm>> -> memref<128xi32, #tpu.memory_space<hbm>>
      tpu.enqueue_dma source(%dma_start3A_1149 : memref<128xi32, #tpu.memory_space<hbm>>) target(%dma_start3A_1145 : memref<128xi32, #tpu.memory_space<vmem>>) target_semaphore(%arg10 : memref<!tpu.dma_semaphore, #tpu.memory_space<semaphore_mem>>)
      %mul3A_1150 = arith.constant 128 : i32
      %mul3A_1151 = arith.muli %add3A_1130, %mul3A_1150 : i32
      %add3A_1152 = arith.addi %mul3A_4, %mul3A_1151 : i32
      %dma_start3A_1153 = arith.constant 1 : i32
      %dma_start3A_1154 = arith.constant 2 : i32
      %dma_start3A_1155 = arith.constant 0 : i32
      %dma_start3A_1156 = tpu.memref_slice %arg6[%dma_start3A_1154, %dma_start3A_1155] : memref<4x128xi32, #tpu.memory_space<vmem>> -> memref<1x128xi32, #tpu.memory_space<vmem>>
      %dma_start3A_1157 = tpu.memref_squeeze %dma_start3A_1156 : memref<1x128xi32, #tpu.memory_space<vmem>> -> memref<128xi32, #tpu.memory_space<vmem>>
      %dma_start3A_1158 = arith.constant 0 : i32
      %dma_start3A_1159 = tpu.memref_slice %arg3[%dma_start3A_1153, %dma_start3A_1158] : memref<2x320000xi32, #tpu.memory_space<hbm>> -> memref<1x320000xi32, #tpu.memory_space<hbm>>
      %dma_start3A_1160 = tpu.memref_squeeze %dma_start3A_1159 : memref<1x320000xi32, #tpu.memory_space<hbm>> -> memref<320000xi32, #tpu.memory_space<hbm>>
      %dma_start3A_1161 = tpu.memref_slice %dma_start3A_1160[%add3A_1152] : memref<320000xi32, #tpu.memory_space<hbm>> -> memref<128xi32, #tpu.memory_space<hbm>>
      %dma_start3A_1162 = arith.constant 0 : i32
      %dma_start3A_1163 = tpu.memref_slice %arg6[%dma_start3A_1154, %dma_start3A_1162] : memref<4x128xi32, #tpu.memory_space<vmem>> -> memref<1x128xi32, #tpu.memory_space<vmem>>
      %dma_start3A_1164 = tpu.memref_squeeze %dma_start3A_1163 : memref<1x128xi32, #tpu.memory_space<vmem>> -> memref<128xi32, #tpu.memory_space<vmem>>
      %dma_start3A_1165 = arith.constant 0 : i32
      %dma_start3A_1166 = tpu.memref_slice %arg3[%dma_start3A_1153, %dma_start3A_1165] : memref<2x320000xi32, #tpu.memory_space<hbm>> -> memref<1x320000xi32, #tpu.memory_space<hbm>>
      %dma_start3A_1167 = tpu.memref_squeeze %dma_start3A_1166 : memref<1x320000xi32, #tpu.memory_space<hbm>> -> memref<320000xi32, #tpu.memory_space<hbm>>
      %dma_start3A_1168 = tpu.memref_slice %dma_start3A_1167[%add3A_1152] : memref<320000xi32, #tpu.memory_space<hbm>> -> memref<128xi32, #tpu.memory_space<hbm>>
      tpu.enqueue_dma source(%dma_start3A_1168 : memref<128xi32, #tpu.memory_space<hbm>>) target(%dma_start3A_1164 : memref<128xi32, #tpu.memory_space<vmem>>) target_semaphore(%arg10 : memref<!tpu.dma_semaphore, #tpu.memory_space<semaphore_mem>>)
      %dma_wait3A_1169 = arith.constant 0 : i32
      %dma_wait3A_1170 = arith.constant 1 : i32
      %dma_wait3A_1171 = arith.constant 0 : i32
      %dma_wait3A_1172 = tpu.memref_slice %arg5[%dma_wait3A_1170, %dma_wait3A_1171] : memref<4x128xi32, #tpu.memory_space<vmem>> -> memref<1x128xi32, #tpu.memory_space<vmem>>
      %dma_wait3A_1173 = tpu.memref_squeeze %dma_wait3A_1172 : memref<1x128xi32, #tpu.memory_space<vmem>> -> memref<128xi32, #tpu.memory_space<vmem>>
      %dma_wait3A_1174 = arith.constant 0 : i32
      %dma_wait3A_1175 = tpu.memref_slice %arg3[%dma_wait3A_1169, %dma_wait3A_1174] : memref<2x320000xi32, #tpu.memory_space<hbm>> -> memref<1x320000xi32, #tpu.memory_space<hbm>>
      %dma_wait3A_1176 = tpu.memref_squeeze %dma_wait3A_1175 : memref<1x320000xi32, #tpu.memory_space<hbm>> -> memref<320000xi32, #tpu.memory_space<hbm>>
      %dma_wait3A_1177 = arith.constant 0 : i32
      %dma_wait3A_1178 = tpu.memref_slice %dma_wait3A_1176[%dma_wait3A_1177] : memref<320000xi32, #tpu.memory_space<hbm>> -> memref<128xi32, #tpu.memory_space<hbm>>
      %dma_wait3A_1179 = arith.constant 0 : i32
      %dma_wait3A_1180 = tpu.memref_slice %arg5[%dma_wait3A_1170, %dma_wait3A_1179] : memref<4x128xi32, #tpu.memory_space<vmem>> -> memref<1x128xi32, #tpu.memory_space<vmem>>
      %dma_wait3A_1181 = tpu.memref_squeeze %dma_wait3A_1180 : memref<1x128xi32, #tpu.memory_space<vmem>> -> memref<128xi32, #tpu.memory_space<vmem>>
      %dma_wait3A_1182 = arith.constant 0 : i32
      %dma_wait3A_1183 = tpu.memref_slice %arg3[%dma_wait3A_1169, %dma_wait3A_1182] : memref<2x320000xi32, #tpu.memory_space<hbm>> -> memref<1x320000xi32, #tpu.memory_space<hbm>>
      %dma_wait3A_1184 = tpu.memref_squeeze %dma_wait3A_1183 : memref<1x320000xi32, #tpu.memory_space<hbm>> -> memref<320000xi32, #tpu.memory_space<hbm>>
      %dma_wait3A_1185 = arith.constant 0 : i32
      %dma_wait3A_1186 = tpu.memref_slice %dma_wait3A_1184[%dma_wait3A_1185] : memref<320000xi32, #tpu.memory_space<hbm>> -> memref<128xi32, #tpu.memory_space<hbm>>
      tpu.wait_dma2 semaphore(%arg10 : memref<!tpu.dma_semaphore, #tpu.memory_space<semaphore_mem>>) src(%dma_wait3A_1186 : memref<128xi32, #tpu.memory_space<hbm>>) dst(%dma_wait3A_1181 : memref<128xi32, #tpu.memory_space<vmem>>)
      %dma_wait3A_1187 = arith.constant 1 : i32
      %dma_wait3A_1188 = arith.constant 1 : i32
      %dma_wait3A_1189 = arith.constant 0 : i32
      %dma_wait3A_1190 = tpu.memref_slice %arg6[%dma_wait3A_1188, %dma_wait3A_1189] : memref<4x128xi32, #tpu.memory_space<vmem>> -> memref<1x128xi32, #tpu.memory_space<vmem>>
      %dma_wait3A_1191 = tpu.memref_squeeze %dma_wait3A_1190 : memref<1x128xi32, #tpu.memory_space<vmem>> -> memref<128xi32, #tpu.memory_space<vmem>>
      %dma_wait3A_1192 = arith.constant 0 : i32
      %dma_wait3A_1193 = tpu.memref_slice %arg3[%dma_wait3A_1187, %dma_wait3A_1192] : memref<2x320000xi32, #tpu.memory_space<hbm>> -> memref<1x320000xi32, #tpu.memory_space<hbm>>
      %dma_wait3A_1194 = tpu.memref_squeeze %dma_wait3A_1193 : memref<1x320000xi32, #tpu.memory_space<hbm>> -> memref<320000xi32, #tpu.memory_space<hbm>>
      %dma_wait3A_1195 = arith.constant 0 : i32
      %dma_wait3A_1196 = tpu.memref_slice %dma_wait3A_1194[%dma_wait3A_1195] : memref<320000xi32, #tpu.memory_space<hbm>> -> memref<128xi32, #tpu.memory_space<hbm>>
      %dma_wait3A_1197 = arith.constant 0 : i32
      %dma_wait3A_1198 = tpu.memref_slice %arg6[%dma_wait3A_1188, %dma_wait3A_1197] : memref<4x128xi32, #tpu.memory_space<vmem>> -> memref<1x128xi32, #tpu.memory_space<vmem>>
      %dma_wait3A_1199 = tpu.memref_squeeze %dma_wait3A_1198 : memref<1x128xi32, #tpu.memory_space<vmem>> -> memref<128xi32, #tpu.memory_space<vmem>>
      %dma_wait3A_1200 = arith.constant 0 : i32
      %dma_wait3A_1201 = tpu.memref_slice %arg3[%dma_wait3A_1187, %dma_wait3A_1200] : memref<2x320000xi32, #tpu.memory_space<hbm>> -> memref<1x320000xi32, #tpu.memory_space<hbm>>
      %dma_wait3A_1202 = tpu.memref_squeeze %dma_wait3A_1201 : memref<1x320000xi32, #tpu.memory_space<hbm>> -> memref<320000xi32, #tpu.memory_space<hbm>>
      %dma_wait3A_1203 = arith.constant 0 : i32
      %dma_wait3A_1204 = tpu.memref_slice %dma_wait3A_1202[%dma_wait3A_1203] : memref<320000xi32, #tpu.memory_space<hbm>> -> memref<128xi32, #tpu.memory_space<hbm>>
      tpu.wait_dma2 semaphore(%arg10 : memref<!tpu.dma_semaphore, #tpu.memory_space<semaphore_mem>>) src(%dma_wait3A_1204 : memref<128xi32, #tpu.memory_space<hbm>>) dst(%dma_wait3A_1199 : memref<128xi32, #tpu.memory_space<vmem>>)
      %dma_wait3A_1205 = arith.constant 0 : i32
      %dma_wait3A_1206 = arith.constant 0 : i32
      %dma_wait3A_1207 = tpu.memref_slice %arg6[%dma_wait3A_1205, %dma_wait3A_1206] : memref<4x128xi32, #tpu.memory_space<vmem>> -> memref<1x128xi32, #tpu.memory_space<vmem>>
      %dma_wait3A_1208 = tpu.memref_squeeze %dma_wait3A_1207 : memref<1x128xi32, #tpu.memory_space<vmem>> -> memref<128xi32, #tpu.memory_space<vmem>>
      %dma_wait3A_1209 = arith.constant 0 : i32
      %dma_wait3A_1210 = arith.constant 0 : i32
      %dma_wait3A_1211 = tpu.memref_slice %arg9[%dma_wait3A_1209, %dma_wait3A_1210] : memref<10240x128xf32, #tpu.memory_space<vmem_shared>> -> memref<10240x128xf32, #tpu.memory_space<vmem_shared>>
      tpu.wait_indirect_dma semaphore(%arg12 : memref<!tpu.dma_semaphore, #tpu.memory_space<semaphore_mem>>) src(%arg8 : memref<128x128xf32, #tpu.memory_space<vmem>>) dst(%dma_wait3A_1211 : memref<10240x128xf32, #tpu.memory_space<vmem_shared>>)
      %dma_start3A_1212 = arith.constant 1 : i32
      %dma_start3A_1213 = arith.constant 0 : i32
      %dma_start3A_1214 = tpu.memref_slice %arg5[%dma_start3A_1212, %dma_start3A_1213] : memref<4x128xi32, #tpu.memory_space<vmem>> -> memref<1x128xi32, #tpu.memory_space<vmem>>
      %dma_start3A_1215 = tpu.memref_squeeze %dma_start3A_1214 : memref<1x128xi32, #tpu.memory_space<vmem>> -> memref<128xi32, #tpu.memory_space<vmem>>
      %dma_start3A_1216 = arith.constant 0 : i32
      %dma_start3A_1217 = arith.constant 0 : i32
      %dma_start3A_1218 = tpu.memref_slice %arg2[%dma_start3A_1216, %dma_start3A_1217] : memref<10240x128xf32, #tpu.memory_space<hbm>> -> memref<10240x128xf32, #tpu.memory_space<hbm>>
      tpu.enqueue_indirect_dma source(%dma_start3A_1218 : memref<10240x128xf32, #tpu.memory_space<hbm>>) target(%arg8 : memref<128x128xf32, #tpu.memory_space<vmem>>) offsets(%dma_start3A_1215 : memref<128xi32, #tpu.memory_space<vmem>>) semaphore(%arg11 : memref<!tpu.dma_semaphore, #tpu.memory_space<semaphore_mem>>)
      %dma_wait3A_1219 = arith.constant 0 : i32
      %dma_wait3A_1220 = arith.constant 0 : i32
      %dma_wait3A_1221 = tpu.memref_slice %arg5[%dma_wait3A_1219, %dma_wait3A_1220] : memref<4x128xi32, #tpu.memory_space<vmem>> -> memref<1x128xi32, #tpu.memory_space<vmem>>
      %dma_wait3A_1222 = tpu.memref_squeeze %dma_wait3A_1221 : memref<1x128xi32, #tpu.memory_space<vmem>> -> memref<128xi32, #tpu.memory_space<vmem>>
      %dma_wait3A_1223 = arith.constant 0 : i32
      %dma_wait3A_1224 = arith.constant 0 : i32
      %dma_wait3A_1225 = tpu.memref_slice %arg2[%dma_wait3A_1223, %dma_wait3A_1224] : memref<10240x128xf32, #tpu.memory_space<hbm>> -> memref<10240x128xf32, #tpu.memory_space<hbm>>
      tpu.wait_indirect_dma semaphore(%arg11 : memref<!tpu.dma_semaphore, #tpu.memory_space<semaphore_mem>>) src(%dma_wait3A_1225 : memref<10240x128xf32, #tpu.memory_space<hbm>>) dst(%arg7 : memref<128x128xf32, #tpu.memory_space<vmem>>)
      %dma_start3A_1226 = arith.constant 0 : i32
      %dma_start3A_1227 = arith.constant 0 : i32
      %dma_start3A_1228 = tpu.memref_slice %arg6[%dma_start3A_1226, %dma_start3A_1227] : memref<4x128xi32, #tpu.memory_space<vmem>> -> memref<1x128xi32, #tpu.memory_space<vmem>>
      %dma_start3A_1229 = tpu.memref_squeeze %dma_start3A_1228 : memref<1x128xi32, #tpu.memory_space<vmem>> -> memref<128xi32, #tpu.memory_space<vmem>>
      %dma_start3A_1230 = arith.constant 0 : i32
      %dma_start3A_1231 = arith.constant 0 : i32
      %dma_start3A_1232 = tpu.memref_slice %arg9[%dma_start3A_1230, %dma_start3A_1231] : memref<10240x128xf32, #tpu.memory_space<vmem_shared>> -> memref<10240x128xf32, #tpu.memory_space<vmem_shared>>
      tpu.enqueue_indirect_dma source(%arg7 : memref<128x128xf32, #tpu.memory_space<vmem>>) target(%dma_start3A_1232 : memref<10240x128xf32, #tpu.memory_space<vmem_shared>>) offsets(%dma_start3A_1229 : memref<128xi32, #tpu.memory_space<vmem>>) semaphore(%arg12 : memref<!tpu.dma_semaphore, #tpu.memory_space<semaphore_mem>>) {add = true}
      %add3A_1233 = arith.constant 3 : i32
      %add3A_1234 = arith.addi %add3A_914, %add3A_1233 : i32
      %add3A_1235 = arith.constant 2 : i32
      %add3A_1236 = arith.addi %add3A_1234, %add3A_1235 : i32
      %mul3A_1237 = arith.constant 128 : i32
      %mul3A_1238 = arith.muli %add3A_1236, %mul3A_1237 : i32
      %add3A_1239 = arith.addi %mul3A_4, %mul3A_1238 : i32
      %dma_start3A_1240 = arith.constant 0 : i32
      %dma_start3A_1241 = arith.constant 3 : i32
      %dma_start3A_1242 = arith.constant 0 : i32
      %dma_start3A_1243 = tpu.memref_slice %arg5[%dma_start3A_1241, %dma_start3A_1242] : memref<4x128xi32, #tpu.memory_space<vmem>> -> memref<1x128xi32, #tpu.memory_space<vmem>>
      %dma_start3A_1244 = tpu.memref_squeeze %dma_start3A_1243 : memref<1x128xi32, #tpu.memory_space<vmem>> -> memref<128xi32, #tpu.memory_space<vmem>>
      %dma_start3A_1245 = arith.constant 0 : i32
      %dma_start3A_1246 = tpu.memref_slice %arg3[%dma_start3A_1240, %dma_start3A_1245] : memref<2x320000xi32, #tpu.memory_space<hbm>> -> memref<1x320000xi32, #tpu.memory_space<hbm>>
      %dma_start3A_1247 = tpu.memref_squeeze %dma_start3A_1246 : memref<1x320000xi32, #tpu.memory_space<hbm>> -> memref<320000xi32, #tpu.memory_space<hbm>>
      %dma_start3A_1248 = tpu.memref_slice %dma_start3A_1247[%add3A_1239] : memref<320000xi32, #tpu.memory_space<hbm>> -> memref<128xi32, #tpu.memory_space<hbm>>
      %dma_start3A_1249 = arith.constant 0 : i32
      %dma_start3A_1250 = tpu.memref_slice %arg5[%dma_start3A_1241, %dma_start3A_1249] : memref<4x128xi32, #tpu.memory_space<vmem>> -> memref<1x128xi32, #tpu.memory_space<vmem>>
      %dma_start3A_1251 = tpu.memref_squeeze %dma_start3A_1250 : memref<1x128xi32, #tpu.memory_space<vmem>> -> memref<128xi32, #tpu.memory_space<vmem>>
      %dma_start3A_1252 = arith.constant 0 : i32
      %dma_start3A_1253 = tpu.memref_slice %arg3[%dma_start3A_1240, %dma_start3A_1252] : memref<2x320000xi32, #tpu.memory_space<hbm>> -> memref<1x320000xi32, #tpu.memory_space<hbm>>
      %dma_start3A_1254 = tpu.memref_squeeze %dma_start3A_1253 : memref<1x320000xi32, #tpu.memory_space<hbm>> -> memref<320000xi32, #tpu.memory_space<hbm>>
      %dma_start3A_1255 = tpu.memref_slice %dma_start3A_1254[%add3A_1239] : memref<320000xi32, #tpu.memory_space<hbm>> -> memref<128xi32, #tpu.memory_space<hbm>>
      tpu.enqueue_dma source(%dma_start3A_1255 : memref<128xi32, #tpu.memory_space<hbm>>) target(%dma_start3A_1251 : memref<128xi32, #tpu.memory_space<vmem>>) target_semaphore(%arg10 : memref<!tpu.dma_semaphore, #tpu.memory_space<semaphore_mem>>)
      %mul3A_1256 = arith.constant 128 : i32
      %mul3A_1257 = arith.muli %add3A_1236, %mul3A_1256 : i32
      %add3A_1258 = arith.addi %mul3A_4, %mul3A_1257 : i32
      %dma_start3A_1259 = arith.constant 1 : i32
      %dma_start3A_1260 = arith.constant 3 : i32
      %dma_start3A_1261 = arith.constant 0 : i32
      %dma_start3A_1262 = tpu.memref_slice %arg6[%dma_start3A_1260, %dma_start3A_1261] : memref<4x128xi32, #tpu.memory_space<vmem>> -> memref<1x128xi32, #tpu.memory_space<vmem>>
      %dma_start3A_1263 = tpu.memref_squeeze %dma_start3A_1262 : memref<1x128xi32, #tpu.memory_space<vmem>> -> memref<128xi32, #tpu.memory_space<vmem>>
      %dma_start3A_1264 = arith.constant 0 : i32
      %dma_start3A_1265 = tpu.memref_slice %arg3[%dma_start3A_1259, %dma_start3A_1264] : memref<2x320000xi32, #tpu.memory_space<hbm>> -> memref<1x320000xi32, #tpu.memory_space<hbm>>
      %dma_start3A_1266 = tpu.memref_squeeze %dma_start3A_1265 : memref<1x320000xi32, #tpu.memory_space<hbm>> -> memref<320000xi32, #tpu.memory_space<hbm>>
      %dma_start3A_1267 = tpu.memref_slice %dma_start3A_1266[%add3A_1258] : memref<320000xi32, #tpu.memory_space<hbm>> -> memref<128xi32, #tpu.memory_space<hbm>>
      %dma_start3A_1268 = arith.constant 0 : i32
      %dma_start3A_1269 = tpu.memref_slice %arg6[%dma_start3A_1260, %dma_start3A_1268] : memref<4x128xi32, #tpu.memory_space<vmem>> -> memref<1x128xi32, #tpu.memory_space<vmem>>
      %dma_start3A_1270 = tpu.memref_squeeze %dma_start3A_1269 : memref<1x128xi32, #tpu.memory_space<vmem>> -> memref<128xi32, #tpu.memory_space<vmem>>
      %dma_start3A_1271 = arith.constant 0 : i32
      %dma_start3A_1272 = tpu.memref_slice %arg3[%dma_start3A_1259, %dma_start3A_1271] : memref<2x320000xi32, #tpu.memory_space<hbm>> -> memref<1x320000xi32, #tpu.memory_space<hbm>>
      %dma_start3A_1273 = tpu.memref_squeeze %dma_start3A_1272 : memref<1x320000xi32, #tpu.memory_space<hbm>> -> memref<320000xi32, #tpu.memory_space<hbm>>
      %dma_start3A_1274 = tpu.memref_slice %dma_start3A_1273[%add3A_1258] : memref<320000xi32, #tpu.memory_space<hbm>> -> memref<128xi32, #tpu.memory_space<hbm>>
      tpu.enqueue_dma source(%dma_start3A_1274 : memref<128xi32, #tpu.memory_space<hbm>>) target(%dma_start3A_1270 : memref<128xi32, #tpu.memory_space<vmem>>) target_semaphore(%arg10 : memref<!tpu.dma_semaphore, #tpu.memory_space<semaphore_mem>>)
      %dma_wait3A_1275 = arith.constant 0 : i32
      %dma_wait3A_1276 = arith.constant 2 : i32
      %dma_wait3A_1277 = arith.constant 0 : i32
      %dma_wait3A_1278 = tpu.memref_slice %arg5[%dma_wait3A_1276, %dma_wait3A_1277] : memref<4x128xi32, #tpu.memory_space<vmem>> -> memref<1x128xi32, #tpu.memory_space<vmem>>
      %dma_wait3A_1279 = tpu.memref_squeeze %dma_wait3A_1278 : memref<1x128xi32, #tpu.memory_space<vmem>> -> memref<128xi32, #tpu.memory_space<vmem>>
      %dma_wait3A_1280 = arith.constant 0 : i32
      %dma_wait3A_1281 = tpu.memref_slice %arg3[%dma_wait3A_1275, %dma_wait3A_1280] : memref<2x320000xi32, #tpu.memory_space<hbm>> -> memref<1x320000xi32, #tpu.memory_space<hbm>>
      %dma_wait3A_1282 = tpu.memref_squeeze %dma_wait3A_1281 : memref<1x320000xi32, #tpu.memory_space<hbm>> -> memref<320000xi32, #tpu.memory_space<hbm>>
      %dma_wait3A_1283 = arith.constant 0 : i32
      %dma_wait3A_1284 = tpu.memref_slice %dma_wait3A_1282[%dma_wait3A_1283] : memref<320000xi32, #tpu.memory_space<hbm>> -> memref<128xi32, #tpu.memory_space<hbm>>
      %dma_wait3A_1285 = arith.constant 0 : i32
      %dma_wait3A_1286 = tpu.memref_slice %arg5[%dma_wait3A_1276, %dma_wait3A_1285] : memref<4x128xi32, #tpu.memory_space<vmem>> -> memref<1x128xi32, #tpu.memory_space<vmem>>
      %dma_wait3A_1287 = tpu.memref_squeeze %dma_wait3A_1286 : memref<1x128xi32, #tpu.memory_space<vmem>> -> memref<128xi32, #tpu.memory_space<vmem>>
      %dma_wait3A_1288 = arith.constant 0 : i32
      %dma_wait3A_1289 = tpu.memref_slice %arg3[%dma_wait3A_1275, %dma_wait3A_1288] : memref<2x320000xi32, #tpu.memory_space<hbm>> -> memref<1x320000xi32, #tpu.memory_space<hbm>>
      %dma_wait3A_1290 = tpu.memref_squeeze %dma_wait3A_1289 : memref<1x320000xi32, #tpu.memory_space<hbm>> -> memref<320000xi32, #tpu.memory_space<hbm>>
      %dma_wait3A_1291 = arith.constant 0 : i32
      %dma_wait3A_1292 = tpu.memref_slice %dma_wait3A_1290[%dma_wait3A_1291] : memref<320000xi32, #tpu.memory_space<hbm>> -> memref<128xi32, #tpu.memory_space<hbm>>
      tpu.wait_dma2 semaphore(%arg10 : memref<!tpu.dma_semaphore, #tpu.memory_space<semaphore_mem>>) src(%dma_wait3A_1292 : memref<128xi32, #tpu.memory_space<hbm>>) dst(%dma_wait3A_1287 : memref<128xi32, #tpu.memory_space<vmem>>)
      %dma_wait3A_1293 = arith.constant 1 : i32
      %dma_wait3A_1294 = arith.constant 2 : i32
      %dma_wait3A_1295 = arith.constant 0 : i32
      %dma_wait3A_1296 = tpu.memref_slice %arg6[%dma_wait3A_1294, %dma_wait3A_1295] : memref<4x128xi32, #tpu.memory_space<vmem>> -> memref<1x128xi32, #tpu.memory_space<vmem>>
      %dma_wait3A_1297 = tpu.memref_squeeze %dma_wait3A_1296 : memref<1x128xi32, #tpu.memory_space<vmem>> -> memref<128xi32, #tpu.memory_space<vmem>>
      %dma_wait3A_1298 = arith.constant 0 : i32
      %dma_wait3A_1299 = tpu.memref_slice %arg3[%dma_wait3A_1293, %dma_wait3A_1298] : memref<2x320000xi32, #tpu.memory_space<hbm>> -> memref<1x320000xi32, #tpu.memory_space<hbm>>
      %dma_wait3A_1300 = tpu.memref_squeeze %dma_wait3A_1299 : memref<1x320000xi32, #tpu.memory_space<hbm>> -> memref<320000xi32, #tpu.memory_space<hbm>>
      %dma_wait3A_1301 = arith.constant 0 : i32
      %dma_wait3A_1302 = tpu.memref_slice %dma_wait3A_1300[%dma_wait3A_1301] : memref<320000xi32, #tpu.memory_space<hbm>> -> memref<128xi32, #tpu.memory_space<hbm>>
      %dma_wait3A_1303 = arith.constant 0 : i32
      %dma_wait3A_1304 = tpu.memref_slice %arg6[%dma_wait3A_1294, %dma_wait3A_1303] : memref<4x128xi32, #tpu.memory_space<vmem>> -> memref<1x128xi32, #tpu.memory_space<vmem>>
      %dma_wait3A_1305 = tpu.memref_squeeze %dma_wait3A_1304 : memref<1x128xi32, #tpu.memory_space<vmem>> -> memref<128xi32, #tpu.memory_space<vmem>>
      %dma_wait3A_1306 = arith.constant 0 : i32
      %dma_wait3A_1307 = tpu.memref_slice %arg3[%dma_wait3A_1293, %dma_wait3A_1306] : memref<2x320000xi32, #tpu.memory_space<hbm>> -> memref<1x320000xi32, #tpu.memory_space<hbm>>
      %dma_wait3A_1308 = tpu.memref_squeeze %dma_wait3A_1307 : memref<1x320000xi32, #tpu.memory_space<hbm>> -> memref<320000xi32, #tpu.memory_space<hbm>>
      %dma_wait3A_1309 = arith.constant 0 : i32
      %dma_wait3A_1310 = tpu.memref_slice %dma_wait3A_1308[%dma_wait3A_1309] : memref<320000xi32, #tpu.memory_space<hbm>> -> memref<128xi32, #tpu.memory_space<hbm>>
      tpu.wait_dma2 semaphore(%arg10 : memref<!tpu.dma_semaphore, #tpu.memory_space<semaphore_mem>>) src(%dma_wait3A_1310 : memref<128xi32, #tpu.memory_space<hbm>>) dst(%dma_wait3A_1305 : memref<128xi32, #tpu.memory_space<vmem>>)
      %dma_wait3A_1311 = arith.constant 0 : i32
      %dma_wait3A_1312 = arith.constant 0 : i32
      %dma_wait3A_1313 = tpu.memref_slice %arg6[%dma_wait3A_1311, %dma_wait3A_1312] : memref<4x128xi32, #tpu.memory_space<vmem>> -> memref<1x128xi32, #tpu.memory_space<vmem>>
      %dma_wait3A_1314 = tpu.memref_squeeze %dma_wait3A_1313 : memref<1x128xi32, #tpu.memory_space<vmem>> -> memref<128xi32, #tpu.memory_space<vmem>>
      %dma_wait3A_1315 = arith.constant 0 : i32
      %dma_wait3A_1316 = arith.constant 0 : i32
      %dma_wait3A_1317 = tpu.memref_slice %arg9[%dma_wait3A_1315, %dma_wait3A_1316] : memref<10240x128xf32, #tpu.memory_space<vmem_shared>> -> memref<10240x128xf32, #tpu.memory_space<vmem_shared>>
      tpu.wait_indirect_dma semaphore(%arg12 : memref<!tpu.dma_semaphore, #tpu.memory_space<semaphore_mem>>) src(%arg7 : memref<128x128xf32, #tpu.memory_space<vmem>>) dst(%dma_wait3A_1317 : memref<10240x128xf32, #tpu.memory_space<vmem_shared>>)
      %dma_start3A_1318 = arith.constant 2 : i32
      %dma_start3A_1319 = arith.constant 0 : i32
      %dma_start3A_1320 = tpu.memref_slice %arg5[%dma_start3A_1318, %dma_start3A_1319] : memref<4x128xi32, #tpu.memory_space<vmem>> -> memref<1x128xi32, #tpu.memory_space<vmem>>
      %dma_start3A_1321 = tpu.memref_squeeze %dma_start3A_1320 : memref<1x128xi32, #tpu.memory_space<vmem>> -> memref<128xi32, #tpu.memory_space<vmem>>
      %dma_start3A_1322 = arith.constant 0 : i32
      %dma_start3A_1323 = arith.constant 0 : i32
      %dma_start3A_1324 = tpu.memref_slice %arg2[%dma_start3A_1322, %dma_start3A_1323] : memref<10240x128xf32, #tpu.memory_space<hbm>> -> memref<10240x128xf32, #tpu.memory_space<hbm>>
      tpu.enqueue_indirect_dma source(%dma_start3A_1324 : memref<10240x128xf32, #tpu.memory_space<hbm>>) target(%arg7 : memref<128x128xf32, #tpu.memory_space<vmem>>) offsets(%dma_start3A_1321 : memref<128xi32, #tpu.memory_space<vmem>>) semaphore(%arg11 : memref<!tpu.dma_semaphore, #tpu.memory_space<semaphore_mem>>)
      %dma_wait3A_1325 = arith.constant 0 : i32
      %dma_wait3A_1326 = arith.constant 0 : i32
      %dma_wait3A_1327 = tpu.memref_slice %arg5[%dma_wait3A_1325, %dma_wait3A_1326] : memref<4x128xi32, #tpu.memory_space<vmem>> -> memref<1x128xi32, #tpu.memory_space<vmem>>
      %dma_wait3A_1328 = tpu.memref_squeeze %dma_wait3A_1327 : memref<1x128xi32, #tpu.memory_space<vmem>> -> memref<128xi32, #tpu.memory_space<vmem>>
      %dma_wait3A_1329 = arith.constant 0 : i32
      %dma_wait3A_1330 = arith.constant 0 : i32
      %dma_wait3A_1331 = tpu.memref_slice %arg2[%dma_wait3A_1329, %dma_wait3A_1330] : memref<10240x128xf32, #tpu.memory_space<hbm>> -> memref<10240x128xf32, #tpu.memory_space<hbm>>
      tpu.wait_indirect_dma semaphore(%arg11 : memref<!tpu.dma_semaphore, #tpu.memory_space<semaphore_mem>>) src(%dma_wait3A_1331 : memref<10240x128xf32, #tpu.memory_space<hbm>>) dst(%arg8 : memref<128x128xf32, #tpu.memory_space<vmem>>)
      %dma_start3A_1332 = arith.constant 1 : i32
      %dma_start3A_1333 = arith.constant 0 : i32
      %dma_start3A_1334 = tpu.memref_slice %arg6[%dma_start3A_1332, %dma_start3A_1333] : memref<4x128xi32, #tpu.memory_space<vmem>> -> memref<1x128xi32, #tpu.memory_space<vmem>>
      %dma_start3A_1335 = tpu.memref_squeeze %dma_start3A_1334 : memref<1x128xi32, #tpu.memory_space<vmem>> -> memref<128xi32, #tpu.memory_space<vmem>>
      %dma_start3A_1336 = arith.constant 0 : i32
      %dma_start3A_1337 = arith.constant 0 : i32
      %dma_start3A_1338 = tpu.memref_slice %arg9[%dma_start3A_1336, %dma_start3A_1337] : memref<10240x128xf32, #tpu.memory_space<vmem_shared>> -> memref<10240x128xf32, #tpu.memory_space<vmem_shared>>
      tpu.enqueue_indirect_dma source(%arg8 : memref<128x128xf32, #tpu.memory_space<vmem>>) target(%dma_start3A_1338 : memref<10240x128xf32, #tpu.memory_space<vmem_shared>>) offsets(%dma_start3A_1335 : memref<128xi32, #tpu.memory_space<vmem>>) semaphore(%arg12 : memref<!tpu.dma_semaphore, #tpu.memory_space<semaphore_mem>>) {add = true}
    }
    %while3A_356 = arith.constant 1 : i32
    scf.for %while3A_910 = %while3A_354 to %while3A_350 step %while3A_356  : i32 {
      %mul3A_911 = arith.constant 4 : i32
      %mul3A_912 = arith.muli %mul3A_911, %while3A_910 : i32
      %add3A_913 = arith.constant 2 : i32
      %add3A_914 = arith.addi %mul3A_912, %add3A_913 : i32
      %add3A_915 = arith.constant 0 : i32
      %add3A_916 = arith.addi %add3A_914, %add3A_915 : i32
      %add3A_917 = arith.constant 2 : i32
      %add3A_918 = arith.addi %add3A_916, %add3A_917 : i32
      %mul3A_919 = arith.constant 128 : i32
      %mul3A_920 = arith.muli %add3A_918, %mul3A_919 : i32
      %add3A_921 = arith.addi %mul3A_4, %mul3A_920 : i32
      %dma_start3A_922 = arith.constant 0 : i32
      %dma_start3A_923 = arith.constant 0 : i32
      %dma_start3A_924 = arith.constant 0 : i32
      %dma_start3A_925 = tpu.memref_slice %arg5[%dma_start3A_923, %dma_start3A_924] : memref<4x128xi32, #tpu.memory_space<vmem>> -> memref<1x128xi32, #tpu.memory_space<vmem>>
      %dma_start3A_926 = tpu.memref_squeeze %dma_start3A_925 : memref<1x128xi32, #tpu.memory_space<vmem>> -> memref<128xi32, #tpu.memory_space<vmem>>
      %dma_start3A_927 = arith.constant 0 : i32
      %dma_start3A_928 = tpu.memref_slice %arg3[%dma_start3A_922, %dma_start3A_927] : memref<2x320000xi32, #tpu.memory_space<hbm>> -> memref<1x320000xi32, #tpu.memory_space<hbm>>
      %dma_start3A_929 = tpu.memref_squeeze %dma_start3A_928 : memref<1x320000xi32, #tpu.memory_space<hbm>> -> memref<320000xi32, #tpu.memory_space<hbm>>
      %dma_start3A_930 = tpu.memref_slice %dma_start3A_929[%add3A_921] : memref<320000xi32, #tpu.memory_space<hbm>> -> memref<128xi32, #tpu.memory_space<hbm>>
      %dma_start3A_931 = arith.constant 0 : i32
      %dma_start3A_932 = tpu.memref_slice %arg5[%dma_start3A_923, %dma_start3A_931] : memref<4x128xi32, #tpu.memory_space<vmem>> -> memref<1x128xi32, #tpu.memory_space<vmem>>
      %dma_start3A_933 = tpu.memref_squeeze %dma_start3A_932 : memref<1x128xi32, #tpu.memory_space<vmem>> -> memref<128xi32, #tpu.memory_space<vmem>>
      %dma_start3A_934 = arith.constant 0 : i32
      %dma_start3A_935 = tpu.memref_slice %arg3[%dma_start3A_922, %dma_start3A_934] : memref<2x320000xi32, #tpu.memory_space<hbm>> -> memref<1x320000xi32, #tpu.memory_space<hbm>>
      %dma_start3A_936 = tpu.memref_squeeze %dma_start3A_935 : memref<1x320000xi32, #tpu.memory_space<hbm>> -> memref<320000xi32, #tpu.memory_space<hbm>>
      %dma_start3A_937 = tpu.memref_slice %dma_start3A_936[%add3A_921] : memref<320000xi32, #tpu.memory_space<hbm>> -> memref<128xi32, #tpu.memory_space<hbm>>
      tpu.enqueue_dma source(%dma_start3A_937 : memref<128xi32, #tpu.memory_space<hbm>>) target(%dma_start3A_933 : memref<128xi32, #tpu.memory_space<vmem>>) target_semaphore(%arg10 : memref<!tpu.dma_semaphore, #tpu.memory_space<semaphore_mem>>)
      %mul3A_938 = arith.constant 128 : i32
      %mul3A_939 = arith.muli %add3A_918, %mul3A_938 : i32
      %add3A_940 = arith.addi %mul3A_4, %mul3A_939 : i32
      %dma_start3A_941 = arith.constant 1 : i32
      %dma_start3A_942 = arith.constant 0 : i32
      %dma_start3A_943 = arith.constant 0 : i32
      %dma_start3A_944 = tpu.memref_slice %arg6[%dma_start3A_942, %dma_start3A_943] : memref<4x128xi32, #tpu.memory_space<vmem>> -> memref<1x128xi32, #tpu.memory_space<vmem>>
      %dma_start3A_945 = tpu.memref_squeeze %dma_start3A_944 : memref<1x128xi32, #tpu.memory_space<vmem>> -> memref<128xi32, #tpu.memory_space<vmem>>
      %dma_start3A_946 = arith.constant 0 : i32
      %dma_start3A_947 = tpu.memref_slice %arg3[%dma_start3A_941, %dma_start3A_946] : memref<2x320000xi32, #tpu.memory_space<hbm>> -> memref<1x320000xi32, #tpu.memory_space<hbm>>
      %dma_start3A_948 = tpu.memref_squeeze %dma_start3A_947 : memref<1x320000xi32, #tpu.memory_space<hbm>> -> memref<320000xi32, #tpu.memory_space<hbm>>
      %dma_start3A_949 = tpu.memref_slice %dma_start3A_948[%add3A_940] : memref<320000xi32, #tpu.memory_space<hbm>> -> memref<128xi32, #tpu.memory_space<hbm>>
      %dma_start3A_950 = arith.constant 0 : i32
      %dma_start3A_951 = tpu.memref_slice %arg6[%dma_start3A_942, %dma_start3A_950] : memref<4x128xi32, #tpu.memory_space<vmem>> -> memref<1x128xi32, #tpu.memory_space<vmem>>
      %dma_start3A_952 = tpu.memref_squeeze %dma_start3A_951 : memref<1x128xi32, #tpu.memory_space<vmem>> -> memref<128xi32, #tpu.memory_space<vmem>>
      %dma_start3A_953 = arith.constant 0 : i32
      %dma_start3A_954 = tpu.memref_slice %arg3[%dma_start3A_941, %dma_start3A_953] : memref<2x320000xi32, #tpu.memory_space<hbm>> -> memref<1x320000xi32, #tpu.memory_space<hbm>>
      %dma_start3A_955 = tpu.memref_squeeze %dma_start3A_954 : memref<1x320000xi32, #tpu.memory_space<hbm>> -> memref<320000xi32, #tpu.memory_space<hbm>>
      %dma_start3A_956 = tpu.memref_slice %dma_start3A_955[%add3A_940] : memref<320000xi32, #tpu.memory_space<hbm>> -> memref<128xi32, #tpu.memory_space<hbm>>
      tpu.enqueue_dma source(%dma_start3A_956 : memref<128xi32, #tpu.memory_space<hbm>>) target(%dma_start3A_952 : memref<128xi32, #tpu.memory_space<vmem>>) target_semaphore(%arg10 : memref<!tpu.dma_semaphore, #tpu.memory_space<semaphore_mem>>)
      %dma_wait3A_957 = arith.constant 0 : i32
      %dma_wait3A_958 = arith.constant 3 : i32
      %dma_wait3A_959 = arith.constant 0 : i32
      %dma_wait3A_960 = tpu.memref_slice %arg5[%dma_wait3A_958, %dma_wait3A_959] : memref<4x128xi32, #tpu.memory_space<vmem>> -> memref<1x128xi32, #tpu.memory_space<vmem>>
      %dma_wait3A_961 = tpu.memref_squeeze %dma_wait3A_960 : memref<1x128xi32, #tpu.memory_space<vmem>> -> memref<128xi32, #tpu.memory_space<vmem>>
      %dma_wait3A_962 = arith.constant 0 : i32
      %dma_wait3A_963 = tpu.memref_slice %arg3[%dma_wait3A_957, %dma_wait3A_962] : memref<2x320000xi32, #tpu.memory_space<hbm>> -> memref<1x320000xi32, #tpu.memory_space<hbm>>
      %dma_wait3A_964 = tpu.memref_squeeze %dma_wait3A_963 : memref<1x320000xi32, #tpu.memory_space<hbm>> -> memref<320000xi32, #tpu.memory_space<hbm>>
      %dma_wait3A_965 = arith.constant 0 : i32
      %dma_wait3A_966 = tpu.memref_slice %dma_wait3A_964[%dma_wait3A_965] : memref<320000xi32, #tpu.memory_space<hbm>> -> memref<128xi32, #tpu.memory_space<hbm>>
      %dma_wait3A_967 = arith.constant 0 : i32
      %dma_wait3A_968 = tpu.memref_slice %arg5[%dma_wait3A_958, %dma_wait3A_967] : memref<4x128xi32, #tpu.memory_space<vmem>> -> memref<1x128xi32, #tpu.memory_space<vmem>>
      %dma_wait3A_969 = tpu.memref_squeeze %dma_wait3A_968 : memref<1x128xi32, #tpu.memory_space<vmem>> -> memref<128xi32, #tpu.memory_space<vmem>>
      %dma_wait3A_970 = arith.constant 0 : i32
      %dma_wait3A_971 = tpu.memref_slice %arg3[%dma_wait3A_957, %dma_wait3A_970] : memref<2x320000xi32, #tpu.memory_space<hbm>> -> memref<1x320000xi32, #tpu.memory_space<hbm>>
      %dma_wait3A_972 = tpu.memref_squeeze %dma_wait3A_971 : memref<1x320000xi32, #tpu.memory_space<hbm>> -> memref<320000xi32, #tpu.memory_space<hbm>>
      %dma_wait3A_973 = arith.constant 0 : i32
      %dma_wait3A_974 = tpu.memref_slice %dma_wait3A_972[%dma_wait3A_973] : memref<320000xi32, #tpu.memory_space<hbm>> -> memref<128xi32, #tpu.memory_space<hbm>>
      tpu.wait_dma2 semaphore(%arg10 : memref<!tpu.dma_semaphore, #tpu.memory_space<semaphore_mem>>) src(%dma_wait3A_974 : memref<128xi32, #tpu.memory_space<hbm>>) dst(%dma_wait3A_969 : memref<128xi32, #tpu.memory_space<vmem>>)
      %dma_wait3A_975 = arith.constant 1 : i32
      %dma_wait3A_976 = arith.constant 3 : i32
      %dma_wait3A_977 = arith.constant 0 : i32
      %dma_wait3A_978 = tpu.memref_slice %arg6[%dma_wait3A_976, %dma_wait3A_977] : memref<4x128xi32, #tpu.memory_space<vmem>> -> memref<1x128xi32, #tpu.memory_space<vmem>>
      %dma_wait3A_979 = tpu.memref_squeeze %dma_wait3A_978 : memref<1x128xi32, #tpu.memory_space<vmem>> -> memref<128xi32, #tpu.memory_space<vmem>>
      %dma_wait3A_980 = arith.constant 0 : i32
      %dma_wait3A_981 = tpu.memref_slice %arg3[%dma_wait3A_975, %dma_wait3A_980] : memref<2x320000xi32, #tpu.memory_space<hbm>> -> memref<1x320000xi32, #tpu.memory_space<hbm>>
      %dma_wait3A_982 = tpu.memref_squeeze %dma_wait3A_981 : memref<1x320000xi32, #tpu.memory_space<hbm>> -> memref<320000xi32, #tpu.memory_space<hbm>>
      %dma_wait3A_983 = arith.constant 0 : i32
      %dma_wait3A_984 = tpu.memref_slice %dma_wait3A_982[%dma_wait3A_983] : memref<320000xi32, #tpu.memory_space<hbm>> -> memref<128xi32, #tpu.memory_space<hbm>>
      %dma_wait3A_985 = arith.constant 0 : i32
      %dma_wait3A_986 = tpu.memref_slice %arg6[%dma_wait3A_976, %dma_wait3A_985] : memref<4x128xi32, #tpu.memory_space<vmem>> -> memref<1x128xi32, #tpu.memory_space<vmem>>
      %dma_wait3A_987 = tpu.memref_squeeze %dma_wait3A_986 : memref<1x128xi32, #tpu.memory_space<vmem>> -> memref<128xi32, #tpu.memory_space<vmem>>
      %dma_wait3A_988 = arith.constant 0 : i32
      %dma_wait3A_989 = tpu.memref_slice %arg3[%dma_wait3A_975, %dma_wait3A_988] : memref<2x320000xi32, #tpu.memory_space<hbm>> -> memref<1x320000xi32, #tpu.memory_space<hbm>>
      %dma_wait3A_990 = tpu.memref_squeeze %dma_wait3A_989 : memref<1x320000xi32, #tpu.memory_space<hbm>> -> memref<320000xi32, #tpu.memory_space<hbm>>
      %dma_wait3A_991 = arith.constant 0 : i32
      %dma_wait3A_992 = tpu.memref_slice %dma_wait3A_990[%dma_wait3A_991] : memref<320000xi32, #tpu.memory_space<hbm>> -> memref<128xi32, #tpu.memory_space<hbm>>
      tpu.wait_dma2 semaphore(%arg10 : memref<!tpu.dma_semaphore, #tpu.memory_space<semaphore_mem>>) src(%dma_wait3A_992 : memref<128xi32, #tpu.memory_space<hbm>>) dst(%dma_wait3A_987 : memref<128xi32, #tpu.memory_space<vmem>>)
      %dma_wait3A_993 = arith.constant 0 : i32
      %dma_wait3A_994 = arith.constant 0 : i32
      %dma_wait3A_995 = tpu.memref_slice %arg6[%dma_wait3A_993, %dma_wait3A_994] : memref<4x128xi32, #tpu.memory_space<vmem>> -> memref<1x128xi32, #tpu.memory_space<vmem>>
      %dma_wait3A_996 = tpu.memref_squeeze %dma_wait3A_995 : memref<1x128xi32, #tpu.memory_space<vmem>> -> memref<128xi32, #tpu.memory_space<vmem>>
      %dma_wait3A_997 = arith.constant 0 : i32
      %dma_wait3A_998 = arith.constant 0 : i32
      %dma_wait3A_999 = tpu.memref_slice %arg9[%dma_wait3A_997, %dma_wait3A_998] : memref<10240x128xf32, #tpu.memory_space<vmem_shared>> -> memref<10240x128xf32, #tpu.memory_space<vmem_shared>>
      tpu.wait_indirect_dma semaphore(%arg12 : memref<!tpu.dma_semaphore, #tpu.memory_space<semaphore_mem>>) src(%arg8 : memref<128x128xf32, #tpu.memory_space<vmem>>) dst(%dma_wait3A_999 : memref<10240x128xf32, #tpu.memory_space<vmem_shared>>)
      %dma_start3A_1000 = arith.constant 3 : i32
      %dma_start3A_1001 = arith.constant 0 : i32
      %dma_start3A_1002 = tpu.memref_slice %arg5[%dma_start3A_1000, %dma_start3A_1001] : memref<4x128xi32, #tpu.memory_space<vmem>> -> memref<1x128xi32, #tpu.memory_space<vmem>>
      %dma_start3A_1003 = tpu.memref_squeeze %dma_start3A_1002 : memref<1x128xi32, #tpu.memory_space<vmem>> -> memref<128xi32, #tpu.memory_space<vmem>>
      %dma_start3A_1004 = arith.constant 0 : i32
      %dma_start3A_1005 = arith.constant 0 : i32
      %dma_start3A_1006 = tpu.memref_slice %arg2[%dma_start3A_1004, %dma_start3A_1005] : memref<10240x128xf32, #tpu.memory_space<hbm>> -> memref<10240x128xf32, #tpu.memory_space<hbm>>
      tpu.enqueue_indirect_dma source(%dma_start3A_1006 : memref<10240x128xf32, #tpu.memory_space<hbm>>) target(%arg8 : memref<128x128xf32, #tpu.memory_space<vmem>>) offsets(%dma_start3A_1003 : memref<128xi32, #tpu.memory_space<vmem>>) semaphore(%arg11 : memref<!tpu.dma_semaphore, #tpu.memory_space<semaphore_mem>>)
      %dma_wait3A_1007 = arith.constant 0 : i32
      %dma_wait3A_1008 = arith.constant 0 : i32
      %dma_wait3A_1009 = tpu.memref_slice %arg5[%dma_wait3A_1007, %dma_wait3A_1008] : memref<4x128xi32, #tpu.memory_space<vmem>> -> memref<1x128xi32, #tpu.memory_space<vmem>>
      %dma_wait3A_1010 = tpu.memref_squeeze %dma_wait3A_1009 : memref<1x128xi32, #tpu.memory_space<vmem>> -> memref<128xi32, #tpu.memory_space<vmem>>
      %dma_wait3A_1011 = arith.constant 0 : i32
      %dma_wait3A_1012 = arith.constant 0 : i32
      %dma_wait3A_1013 = tpu.memref_slice %arg2[%dma_wait3A_1011, %dma_wait3A_1012] : memref<10240x128xf32, #tpu.memory_space<hbm>> -> memref<10240x128xf32, #tpu.memory_space<hbm>>
      tpu.wait_indirect_dma semaphore(%arg11 : memref<!tpu.dma_semaphore, #tpu.memory_space<semaphore_mem>>) src(%dma_wait3A_1013 : memref<10240x128xf32, #tpu.memory_space<hbm>>) dst(%arg7 : memref<128x128xf32, #tpu.memory_space<vmem>>)
      %dma_start3A_1014 = arith.constant 2 : i32
      %dma_start3A_1015 = arith.constant 0 : i32
      %dma_start3A_1016 = tpu.memref_slice %arg6[%dma_start3A_1014, %dma_start3A_1015] : memref<4x128xi32, #tpu.memory_space<vmem>> -> memref<1x128xi32, #tpu.memory_space<vmem>>
      %dma_start3A_1017 = tpu.memref_squeeze %dma_start3A_1016 : memref<1x128xi32, #tpu.memory_space<vmem>> -> memref<128xi32, #tpu.memory_space<vmem>>
      %dma_start3A_1018 = arith.constant 0 : i32
      %dma_start3A_1019 = arith.constant 0 : i32
      %dma_start3A_1020 = tpu.memref_slice %arg9[%dma_start3A_1018, %dma_start3A_1019] : memref<10240x128xf32, #tpu.memory_space<vmem_shared>> -> memref<10240x128xf32, #tpu.memory_space<vmem_shared>>
      tpu.enqueue_indirect_dma source(%arg7 : memref<128x128xf32, #tpu.memory_space<vmem>>) target(%dma_start3A_1020 : memref<10240x128xf32, #tpu.memory_space<vmem_shared>>) offsets(%dma_start3A_1017 : memref<128xi32, #tpu.memory_space<vmem>>) semaphore(%arg12 : memref<!tpu.dma_semaphore, #tpu.memory_space<semaphore_mem>>) {add = true}
      %add3A_1021 = arith.constant 1 : i32
      %add3A_1022 = arith.addi %add3A_914, %add3A_1021 : i32
      %add3A_1023 = arith.constant 2 : i32
      %add3A_1024 = arith.addi %add3A_1022, %add3A_1023 : i32
      %mul3A_1025 = arith.constant 128 : i32
      %mul3A_1026 = arith.muli %add3A_1024, %mul3A_1025 : i32
      %add3A_1027 = arith.addi %mul3A_4, %mul3A_1026 : i32
      %dma_start3A_1028 = arith.constant 0 : i32
      %dma_start3A_1029 = arith.constant 1 : i32
      %dma_start3A_1030 = arith.constant 0 : i32
      %dma_start3A_1031 = tpu.memref_slice %arg5[%dma_start3A_1029, %dma_start3A_1030] : memref<4x128xi32, #tpu.memory_space<vmem>> -> memref<1x128xi32, #tpu.memory_space<vmem>>
      %dma_start3A_1032 = tpu.memref_squeeze %dma_start3A_1031 : memref<1x128xi32, #tpu.memory_space<vmem>> -> memref<128xi32, #tpu.memory_space<vmem>>
      %dma_start3A_1033 = arith.constant 0 : i32
      %dma_start3A_1034 = tpu.memref_slice %arg3[%dma_start3A_1028, %dma_start3A_1033] : memref<2x320000xi32, #tpu.memory_space<hbm>> -> memref<1x320000xi32, #tpu.memory_space<hbm>>
      %dma_start3A_1035 = tpu.memref_squeeze %dma_start3A_1034 : memref<1x320000xi32, #tpu.memory_space<hbm>> -> memref<320000xi32, #tpu.memory_space<hbm>>
      %dma_start3A_1036 = tpu.memref_slice %dma_start3A_1035[%add3A_1027] : memref<320000xi32, #tpu.memory_space<hbm>> -> memref<128xi32, #tpu.memory_space<hbm>>
      %dma_start3A_1037 = arith.constant 0 : i32
      %dma_start3A_1038 = tpu.memref_slice %arg5[%dma_start3A_1029, %dma_start3A_1037] : memref<4x128xi32, #tpu.memory_space<vmem>> -> memref<1x128xi32, #tpu.memory_space<vmem>>
      %dma_start3A_1039 = tpu.memref_squeeze %dma_start3A_1038 : memref<1x128xi32, #tpu.memory_space<vmem>> -> memref<128xi32, #tpu.memory_space<vmem>>
      %dma_start3A_1040 = arith.constant 0 : i32
      %dma_start3A_1041 = tpu.memref_slice %arg3[%dma_start3A_1028, %dma_start3A_1040] : memref<2x320000xi32, #tpu.memory_space<hbm>> -> memref<1x320000xi32, #tpu.memory_space<hbm>>
      %dma_start3A_1042 = tpu.memref_squeeze %dma_start3A_1041 : memref<1x320000xi32, #tpu.memory_space<hbm>> -> memref<320000xi32, #tpu.memory_space<hbm>>
      %dma_start3A_1043 = tpu.memref_slice %dma_start3A_1042[%add3A_1027] : memref<320000xi32, #tpu.memory_space<hbm>> -> memref<128xi32, #tpu.memory_space<hbm>>
      tpu.enqueue_dma source(%dma_start3A_1043 : memref<128xi32, #tpu.memory_space<hbm>>) target(%dma_start3A_1039 : memref<128xi32, #tpu.memory_space<vmem>>) target_semaphore(%arg10 : memref<!tpu.dma_semaphore, #tpu.memory_space<semaphore_mem>>)
      %mul3A_1044 = arith.constant 128 : i32
      %mul3A_1045 = arith.muli %add3A_1024, %mul3A_1044 : i32
      %add3A_1046 = arith.addi %mul3A_4, %mul3A_1045 : i32
      %dma_start3A_1047 = arith.constant 1 : i32
      %dma_start3A_1048 = arith.constant 1 : i32
      %dma_start3A_1049 = arith.constant 0 : i32
      %dma_start3A_1050 = tpu.memref_slice %arg6[%dma_start3A_1048, %dma_start3A_1049] : memref<4x128xi32, #tpu.memory_space<vmem>> -> memref<1x128xi32, #tpu.memory_space<vmem>>
      %dma_start3A_1051 = tpu.memref_squeeze %dma_start3A_1050 : memref<1x128xi32, #tpu.memory_space<vmem>> -> memref<128xi32, #tpu.memory_space<vmem>>
      %dma_start3A_1052 = arith.constant 0 : i32
      %dma_start3A_1053 = tpu.memref_slice %arg3[%dma_start3A_1047, %dma_start3A_1052] : memref<2x320000xi32, #tpu.memory_space<hbm>> -> memref<1x320000xi32, #tpu.memory_space<hbm>>
      %dma_start3A_1054 = tpu.memref_squeeze %dma_start3A_1053 : memref<1x320000xi32, #tpu.memory_space<hbm>> -> memref<320000xi32, #tpu.memory_space<hbm>>
      %dma_start3A_1055 = tpu.memref_slice %dma_start3A_1054[%add3A_1046] : memref<320000xi32, #tpu.memory_space<hbm>> -> memref<128xi32, #tpu.memory_space<hbm>>
      %dma_start3A_1056 = arith.constant 0 : i32
      %dma_start3A_1057 = tpu.memref_slice %arg6[%dma_start3A_1048, %dma_start3A_1056] : memref<4x128xi32, #tpu.memory_space<vmem>> -> memref<1x128xi32, #tpu.memory_space<vmem>>
      %dma_start3A_1058 = tpu.memref_squeeze %dma_start3A_1057 : memref<1x128xi32, #tpu.memory_space<vmem>> -> memref<128xi32, #tpu.memory_space<vmem>>
      %dma_start3A_1059 = arith.constant 0 : i32
      %dma_start3A_1060 = tpu.memref_slice %arg3[%dma_start3A_1047, %dma_start3A_1059] : memref<2x320000xi32, #tpu.memory_space<hbm>> -> memref<1x320000xi32, #tpu.memory_space<hbm>>
      %dma_start3A_1061 = tpu.memref_squeeze %dma_start3A_1060 : memref<1x320000xi32, #tpu.memory_space<hbm>> -> memref<320000xi32, #tpu.memory_space<hbm>>
      %dma_start3A_1062 = tpu.memref_slice %dma_start3A_1061[%add3A_1046] : memref<320000xi32, #tpu.memory_space<hbm>> -> memref<128xi32, #tpu.memory_space<hbm>>
      tpu.enqueue_dma source(%dma_start3A_1062 : memref<128xi32, #tpu.memory_space<hbm>>) target(%dma_start3A_1058 : memref<128xi32, #tpu.memory_space<vmem>>) target_semaphore(%arg10 : memref<!tpu.dma_semaphore, #tpu.memory_space<semaphore_mem>>)
      %dma_wait3A_1063 = arith.constant 0 : i32
      %dma_wait3A_1064 = arith.constant 0 : i32
      %dma_wait3A_1065 = arith.constant 0 : i32
      %dma_wait3A_1066 = tpu.memref_slice %arg5[%dma_wait3A_1064, %dma_wait3A_1065] : memref<4x128xi32, #tpu.memory_space<vmem>> -> memref<1x128xi32, #tpu.memory_space<vmem>>
      %dma_wait3A_1067 = tpu.memref_squeeze %dma_wait3A_1066 : memref<1x128xi32, #tpu.memory_space<vmem>> -> memref<128xi32, #tpu.memory_space<vmem>>
      %dma_wait3A_1068 = arith.constant 0 : i32
      %dma_wait3A_1069 = tpu.memref_slice %arg3[%dma_wait3A_1063, %dma_wait3A_1068] : memref<2x320000xi32, #tpu.memory_space<hbm>> -> memref<1x320000xi32, #tpu.memory_space<hbm>>
      %dma_wait3A_1070 = tpu.memref_squeeze %dma_wait3A_1069 : memref<1x320000xi32, #tpu.memory_space<hbm>> -> memref<320000xi32, #tpu.memory_space<hbm>>
      %dma_wait3A_1071 = arith.constant 0 : i32
      %dma_wait3A_1072 = tpu.memref_slice %dma_wait3A_1070[%dma_wait3A_1071] : memref<320000xi32, #tpu.memory_space<hbm>> -> memref<128xi32, #tpu.memory_space<hbm>>
      %dma_wait3A_1073 = arith.constant 0 : i32
      %dma_wait3A_1074 = tpu.memref_slice %arg5[%dma_wait3A_1064, %dma_wait3A_1073] : memref<4x128xi32, #tpu.memory_space<vmem>> -> memref<1x128xi32, #tpu.memory_space<vmem>>
      %dma_wait3A_1075 = tpu.memref_squeeze %dma_wait3A_1074 : memref<1x128xi32, #tpu.memory_space<vmem>> -> memref<128xi32, #tpu.memory_space<vmem>>
      %dma_wait3A_1076 = arith.constant 0 : i32
      %dma_wait3A_1077 = tpu.memref_slice %arg3[%dma_wait3A_1063, %dma_wait3A_1076] : memref<2x320000xi32, #tpu.memory_space<hbm>> -> memref<1x320000xi32, #tpu.memory_space<hbm>>
      %dma_wait3A_1078 = tpu.memref_squeeze %dma_wait3A_1077 : memref<1x320000xi32, #tpu.memory_space<hbm>> -> memref<320000xi32, #tpu.memory_space<hbm>>
      %dma_wait3A_1079 = arith.constant 0 : i32
      %dma_wait3A_1080 = tpu.memref_slice %dma_wait3A_1078[%dma_wait3A_1079] : memref<320000xi32, #tpu.memory_space<hbm>> -> memref<128xi32, #tpu.memory_space<hbm>>
      tpu.wait_dma2 semaphore(%arg10 : memref<!tpu.dma_semaphore, #tpu.memory_space<semaphore_mem>>) src(%dma_wait3A_1080 : memref<128xi32, #tpu.memory_space<hbm>>) dst(%dma_wait3A_1075 : memref<128xi32, #tpu.memory_space<vmem>>)
      %dma_wait3A_1081 = arith.constant 1 : i32
      %dma_wait3A_1082 = arith.constant 0 : i32
      %dma_wait3A_1083 = arith.constant 0 : i32
      %dma_wait3A_1084 = tpu.memref_slice %arg6[%dma_wait3A_1082, %dma_wait3A_1083] : memref<4x128xi32, #tpu.memory_space<vmem>> -> memref<1x128xi32, #tpu.memory_space<vmem>>
      %dma_wait3A_1085 = tpu.memref_squeeze %dma_wait3A_1084 : memref<1x128xi32, #tpu.memory_space<vmem>> -> memref<128xi32, #tpu.memory_space<vmem>>
      %dma_wait3A_1086 = arith.constant 0 : i32
      %dma_wait3A_1087 = tpu.memref_slice %arg3[%dma_wait3A_1081, %dma_wait3A_1086] : memref<2x320000xi32, #tpu.memory_space<hbm>> -> memref<1x320000xi32, #tpu.memory_space<hbm>>
      %dma_wait3A_1088 = tpu.memref_squeeze %dma_wait3A_1087 : memref<1x320000xi32, #tpu.memory_space<hbm>> -> memref<320000xi32, #tpu.memory_space<hbm>>
      %dma_wait3A_1089 = arith.constant 0 : i32
      %dma_wait3A_1090 = tpu.memref_slice %dma_wait3A_1088[%dma_wait3A_1089] : memref<320000xi32, #tpu.memory_space<hbm>> -> memref<128xi32, #tpu.memory_space<hbm>>
      %dma_wait3A_1091 = arith.constant 0 : i32
      %dma_wait3A_1092 = tpu.memref_slice %arg6[%dma_wait3A_1082, %dma_wait3A_1091] : memref<4x128xi32, #tpu.memory_space<vmem>> -> memref<1x128xi32, #tpu.memory_space<vmem>>
      %dma_wait3A_1093 = tpu.memref_squeeze %dma_wait3A_1092 : memref<1x128xi32, #tpu.memory_space<vmem>> -> memref<128xi32, #tpu.memory_space<vmem>>
      %dma_wait3A_1094 = arith.constant 0 : i32
      %dma_wait3A_1095 = tpu.memref_slice %arg3[%dma_wait3A_1081, %dma_wait3A_1094] : memref<2x320000xi32, #tpu.memory_space<hbm>> -> memref<1x320000xi32, #tpu.memory_space<hbm>>
      %dma_wait3A_1096 = tpu.memref_squeeze %dma_wait3A_1095 : memref<1x320000xi32, #tpu.memory_space<hbm>> -> memref<320000xi32, #tpu.memory_space<hbm>>
      %dma_wait3A_1097 = arith.constant 0 : i32
      %dma_wait3A_1098 = tpu.memref_slice %dma_wait3A_1096[%dma_wait3A_1097] : memref<320000xi32, #tpu.memory_space<hbm>> -> memref<128xi32, #tpu.memory_space<hbm>>
      tpu.wait_dma2 semaphore(%arg10 : memref<!tpu.dma_semaphore, #tpu.memory_space<semaphore_mem>>) src(%dma_wait3A_1098 : memref<128xi32, #tpu.memory_space<hbm>>) dst(%dma_wait3A_1093 : memref<128xi32, #tpu.memory_space<vmem>>)
      %dma_wait3A_1099 = arith.constant 0 : i32
      %dma_wait3A_1100 = arith.constant 0 : i32
      %dma_wait3A_1101 = tpu.memref_slice %arg6[%dma_wait3A_1099, %dma_wait3A_1100] : memref<4x128xi32, #tpu.memory_space<vmem>> -> memref<1x128xi32, #tpu.memory_space<vmem>>
      %dma_wait3A_1102 = tpu.memref_squeeze %dma_wait3A_1101 : memref<1x128xi32, #tpu.memory_space<vmem>> -> memref<128xi32, #tpu.memory_space<vmem>>
      %dma_wait3A_1103 = arith.constant 0 : i32
      %dma_wait3A_1104 = arith.constant 0 : i32
      %dma_wait3A_1105 = tpu.memref_slice %arg9[%dma_wait3A_1103, %dma_wait3A_1104] : memref<10240x128xf32, #tpu.memory_space<vmem_shared>> -> memref<10240x128xf32, #tpu.memory_space<vmem_shared>>
      tpu.wait_indirect_dma semaphore(%arg12 : memref<!tpu.dma_semaphore, #tpu.memory_space<semaphore_mem>>) src(%arg7 : memref<128x128xf32, #tpu.memory_space<vmem>>) dst(%dma_wait3A_1105 : memref<10240x128xf32, #tpu.memory_space<vmem_shared>>)
      %dma_start3A_1106 = arith.constant 0 : i32
      %dma_start3A_1107 = arith.constant 0 : i32
      %dma_start3A_1108 = tpu.memref_slice %arg5[%dma_start3A_1106, %dma_start3A_1107] : memref<4x128xi32, #tpu.memory_space<vmem>> -> memref<1x128xi32, #tpu.memory_space<vmem>>
      %dma_start3A_1109 = tpu.memref_squeeze %dma_start3A_1108 : memref<1x128xi32, #tpu.memory_space<vmem>> -> memref<128xi32, #tpu.memory_space<vmem>>
      %dma_start3A_1110 = arith.constant 0 : i32
      %dma_start3A_1111 = arith.constant 0 : i32
      %dma_start3A_1112 = tpu.memref_slice %arg2[%dma_start3A_1110, %dma_start3A_1111] : memref<10240x128xf32, #tpu.memory_space<hbm>> -> memref<10240x128xf32, #tpu.memory_space<hbm>>
      tpu.enqueue_indirect_dma source(%dma_start3A_1112 : memref<10240x128xf32, #tpu.memory_space<hbm>>) target(%arg7 : memref<128x128xf32, #tpu.memory_space<vmem>>) offsets(%dma_start3A_1109 : memref<128xi32, #tpu.memory_space<vmem>>) semaphore(%arg11 : memref<!tpu.dma_semaphore, #tpu.memory_space<semaphore_mem>>)
      %dma_wait3A_1113 = arith.constant 0 : i32
      %dma_wait3A_1114 = arith.constant 0 : i32
      %dma_wait3A_1115 = tpu.memref_slice %arg5[%dma_wait3A_1113, %dma_wait3A_1114] : memref<4x128xi32, #tpu.memory_space<vmem>> -> memref<1x128xi32, #tpu.memory_space<vmem>>
      %dma_wait3A_1116 = tpu.memref_squeeze %dma_wait3A_1115 : memref<1x128xi32, #tpu.memory_space<vmem>> -> memref<128xi32, #tpu.memory_space<vmem>>
      %dma_wait3A_1117 = arith.constant 0 : i32
      %dma_wait3A_1118 = arith.constant 0 : i32
      %dma_wait3A_1119 = tpu.memref_slice %arg2[%dma_wait3A_1117, %dma_wait3A_1118] : memref<10240x128xf32, #tpu.memory_space<hbm>> -> memref<10240x128xf32, #tpu.memory_space<hbm>>
      tpu.wait_indirect_dma semaphore(%arg11 : memref<!tpu.dma_semaphore, #tpu.memory_space<semaphore_mem>>) src(%dma_wait3A_1119 : memref<10240x128xf32, #tpu.memory_space<hbm>>) dst(%arg8 : memref<128x128xf32, #tpu.memory_space<vmem>>)
      %dma_start3A_1120 = arith.constant 3 : i32
      %dma_start3A_1121 = arith.constant 0 : i32
      %dma_start3A_1122 = tpu.memref_slice %arg6[%dma_start3A_1120, %dma_start3A_1121] : memref<4x128xi32, #tpu.memory_space<vmem>> -> memref<1x128xi32, #tpu.memory_space<vmem>>
      %dma_start3A_1123 = tpu.memref_squeeze %dma_start3A_1122 : memref<1x128xi32, #tpu.memory_space<vmem>> -> memref<128xi32, #tpu.memory_space<vmem>>
      %dma_start3A_1124 = arith.constant 0 : i32
      %dma_start3A_1125 = arith.constant 0 : i32
      %dma_start3A_1126 = tpu.memref_slice %arg9[%dma_start3A_1124, %dma_start3A_1125] : memref<10240x128xf32, #tpu.memory_space<vmem_shared>> -> memref<10240x128xf32, #tpu.memory_space<vmem_shared>>
      tpu.enqueue_indirect_dma source(%arg8 : memref<128x128xf32, #tpu.memory_space<vmem>>) target(%dma_start3A_1126 : memref<10240x128xf32, #tpu.memory_space<vmem_shared>>) offsets(%dma_start3A_1123 : memref<128xi32, #tpu.memory_space<vmem>>) semaphore(%arg12 : memref<!tpu.dma_semaphore, #tpu.memory_space<semaphore_mem>>) {add = true}
      %add3A_1127 = arith.constant 2 : i32
      %add3A_1128 = arith.addi %add3A_914, %add3A_1127 : i32
      %add3A_1129 = arith.constant 2 : i32
      %add3A_1130 = arith.addi %add3A_1128, %add3A_1129 : i32
      %mul3A_1131 = arith.constant 128 : i32
      %mul3A_1132 = arith.muli %add3A_1130, %mul3A_1131 : i32
      %add3A_1133 = arith.addi %mul3A_4, %mul3A_1132 : i32
      %dma_start3A_1134 = arith.constant 0 : i32
      %dma_start3A_1135 = arith.constant 2 : i32
      %dma_start3A_1136 = arith.constant 0 : i32
      %dma_start3A_1137 = tpu.memref_slice %arg5[%dma_start3A_1135, %dma_start3A_1136] : memref<4x128xi32, #tpu.memory_space<vmem>> -> memref<1x128xi32, #tpu.memory_space<vmem>>
      %dma_start3A_1138 = tpu.memref_squeeze %dma_start3A_1137 : memref<1x128xi32, #tpu.memory_space<vmem>> -> memref<128xi32, #tpu.memory_space<vmem>>
      %dma_start3A_1139 = arith.constant 0 : i32
      %dma_start3A_1140 = tpu.memref_slice %arg3[%dma_start3A_1134, %dma_start3A_1139] : memref<2x320000xi32, #tpu.memory_space<hbm>> -> memref<1x320000xi32, #tpu.memory_space<hbm>>
      %dma_start3A_1141 = tpu.memref_squeeze %dma_start3A_1140 : memref<1x320000xi32, #tpu.memory_space<hbm>> -> memref<320000xi32, #tpu.memory_space<hbm>>
      %dma_start3A_1142 = tpu.memref_slice %dma_start3A_1141[%add3A_1133] : memref<320000xi32, #tpu.memory_space<hbm>> -> memref<128xi32, #tpu.memory_space<hbm>>
      %dma_start3A_1143 = arith.constant 0 : i32
      %dma_start3A_1144 = tpu.memref_slice %arg5[%dma_start3A_1135, %dma_start3A_1143] : memref<4x128xi32, #tpu.memory_space<vmem>> -> memref<1x128xi32, #tpu.memory_space<vmem>>
      %dma_start3A_1145 = tpu.memref_squeeze %dma_start3A_1144 : memref<1x128xi32, #tpu.memory_space<vmem>> -> memref<128xi32, #tpu.memory_space<vmem>>
      %dma_start3A_1146 = arith.constant 0 : i32
      %dma_start3A_1147 = tpu.memref_slice %arg3[%dma_start3A_1134, %dma_start3A_1146] : memref<2x320000xi32, #tpu.memory_space<hbm>> -> memref<1x320000xi32, #tpu.memory_space<hbm>>
      %dma_start3A_1148 = tpu.memref_squeeze %dma_start3A_1147 : memref<1x320000xi32, #tpu.memory_space<hbm>> -> memref<320000xi32, #tpu.memory_space<hbm>>
      %dma_start3A_1149 = tpu.memref_slice %dma_start3A_1148[%add3A_1133] : memref<320000xi32, #tpu.memory_space<hbm>> -> memref<128xi32, #tpu.memory_space<hbm>>
      tpu.enqueue_dma source(%dma_start3A_1149 : memref<128xi32, #tpu.memory_space<hbm>>) target(%dma_start3A_1145 : memref<128xi32, #tpu.memory_space<vmem>>) target_semaphore(%arg10 : memref<!tpu.dma_semaphore, #tpu.memory_space<semaphore_mem>>)
      %mul3A_1150 = arith.constant 128 : i32
      %mul3A_1151 = arith.muli %add3A_1130, %mul3A_1150 : i32
      %add3A_1152 = arith.addi %mul3A_4, %mul3A_1151 : i32
      %dma_start3A_1153 = arith.constant 1 : i32
      %dma_start3A_1154 = arith.constant 2 : i32
      %dma_start3A_1155 = arith.constant 0 : i32
      %dma_start3A_1156 = tpu.memref_slice %arg6[%dma_start3A_1154, %dma_start3A_1155] : memref<4x128xi32, #tpu.memory_space<vmem>> -> memref<1x128xi32, #tpu.memory_space<vmem>>
      %dma_start3A_1157 = tpu.memref_squeeze %dma_start3A_1156 : memref<1x128xi32, #tpu.memory_space<vmem>> -> memref<128xi32, #tpu.memory_space<vmem>>
      %dma_start3A_1158 = arith.constant 0 : i32
      %dma_start3A_1159 = tpu.memref_slice %arg3[%dma_start3A_1153, %dma_start3A_1158] : memref<2x320000xi32, #tpu.memory_space<hbm>> -> memref<1x320000xi32, #tpu.memory_space<hbm>>
      %dma_start3A_1160 = tpu.memref_squeeze %dma_start3A_1159 : memref<1x320000xi32, #tpu.memory_space<hbm>> -> memref<320000xi32, #tpu.memory_space<hbm>>
      %dma_start3A_1161 = tpu.memref_slice %dma_start3A_1160[%add3A_1152] : memref<320000xi32, #tpu.memory_space<hbm>> -> memref<128xi32, #tpu.memory_space<hbm>>
      %dma_start3A_1162 = arith.constant 0 : i32
      %dma_start3A_1163 = tpu.memref_slice %arg6[%dma_start3A_1154, %dma_start3A_1162] : memref<4x128xi32, #tpu.memory_space<vmem>> -> memref<1x128xi32, #tpu.memory_space<vmem>>
      %dma_start3A_1164 = tpu.memref_squeeze %dma_start3A_1163 : memref<1x128xi32, #tpu.memory_space<vmem>> -> memref<128xi32, #tpu.memory_space<vmem>>
      %dma_start3A_1165 = arith.constant 0 : i32
      %dma_start3A_1166 = tpu.memref_slice %arg3[%dma_start3A_1153, %dma_start3A_1165] : memref<2x320000xi32, #tpu.memory_space<hbm>> -> memref<1x320000xi32, #tpu.memory_space<hbm>>
      %dma_start3A_1167 = tpu.memref_squeeze %dma_start3A_1166 : memref<1x320000xi32, #tpu.memory_space<hbm>> -> memref<320000xi32, #tpu.memory_space<hbm>>
      %dma_start3A_1168 = tpu.memref_slice %dma_start3A_1167[%add3A_1152] : memref<320000xi32, #tpu.memory_space<hbm>> -> memref<128xi32, #tpu.memory_space<hbm>>
      tpu.enqueue_dma source(%dma_start3A_1168 : memref<128xi32, #tpu.memory_space<hbm>>) target(%dma_start3A_1164 : memref<128xi32, #tpu.memory_space<vmem>>) target_semaphore(%arg10 : memref<!tpu.dma_semaphore, #tpu.memory_space<semaphore_mem>>)
      %dma_wait3A_1169 = arith.constant 0 : i32
      %dma_wait3A_1170 = arith.constant 1 : i32
      %dma_wait3A_1171 = arith.constant 0 : i32
      %dma_wait3A_1172 = tpu.memref_slice %arg5[%dma_wait3A_1170, %dma_wait3A_1171] : memref<4x128xi32, #tpu.memory_space<vmem>> -> memref<1x128xi32, #tpu.memory_space<vmem>>
      %dma_wait3A_1173 = tpu.memref_squeeze %dma_wait3A_1172 : memref<1x128xi32, #tpu.memory_space<vmem>> -> memref<128xi32, #tpu.memory_space<vmem>>
      %dma_wait3A_1174 = arith.constant 0 : i32
      %dma_wait3A_1175 = tpu.memref_slice %arg3[%dma_wait3A_1169, %dma_wait3A_1174] : memref<2x320000xi32, #tpu.memory_space<hbm>> -> memref<1x320000xi32, #tpu.memory_space<hbm>>
      %dma_wait3A_1176 = tpu.memref_squeeze %dma_wait3A_1175 : memref<1x320000xi32, #tpu.memory_space<hbm>> -> memref<320000xi32, #tpu.memory_space<hbm>>
      %dma_wait3A_1177 = arith.constant 0 : i32
      %dma_wait3A_1178 = tpu.memref_slice %dma_wait3A_1176[%dma_wait3A_1177] : memref<320000xi32, #tpu.memory_space<hbm>> -> memref<128xi32, #tpu.memory_space<hbm>>
      %dma_wait3A_1179 = arith.constant 0 : i32
      %dma_wait3A_1180 = tpu.memref_slice %arg5[%dma_wait3A_1170, %dma_wait3A_1179] : memref<4x128xi32, #tpu.memory_space<vmem>> -> memref<1x128xi32, #tpu.memory_space<vmem>>
      %dma_wait3A_1181 = tpu.memref_squeeze %dma_wait3A_1180 : memref<1x128xi32, #tpu.memory_space<vmem>> -> memref<128xi32, #tpu.memory_space<vmem>>
      %dma_wait3A_1182 = arith.constant 0 : i32
      %dma_wait3A_1183 = tpu.memref_slice %arg3[%dma_wait3A_1169, %dma_wait3A_1182] : memref<2x320000xi32, #tpu.memory_space<hbm>> -> memref<1x320000xi32, #tpu.memory_space<hbm>>
      %dma_wait3A_1184 = tpu.memref_squeeze %dma_wait3A_1183 : memref<1x320000xi32, #tpu.memory_space<hbm>> -> memref<320000xi32, #tpu.memory_space<hbm>>
      %dma_wait3A_1185 = arith.constant 0 : i32
      %dma_wait3A_1186 = tpu.memref_slice %dma_wait3A_1184[%dma_wait3A_1185] : memref<320000xi32, #tpu.memory_space<hbm>> -> memref<128xi32, #tpu.memory_space<hbm>>
      tpu.wait_dma2 semaphore(%arg10 : memref<!tpu.dma_semaphore, #tpu.memory_space<semaphore_mem>>) src(%dma_wait3A_1186 : memref<128xi32, #tpu.memory_space<hbm>>) dst(%dma_wait3A_1181 : memref<128xi32, #tpu.memory_space<vmem>>)
      %dma_wait3A_1187 = arith.constant 1 : i32
      %dma_wait3A_1188 = arith.constant 1 : i32
      %dma_wait3A_1189 = arith.constant 0 : i32
      %dma_wait3A_1190 = tpu.memref_slice %arg6[%dma_wait3A_1188, %dma_wait3A_1189] : memref<4x128xi32, #tpu.memory_space<vmem>> -> memref<1x128xi32, #tpu.memory_space<vmem>>
      %dma_wait3A_1191 = tpu.memref_squeeze %dma_wait3A_1190 : memref<1x128xi32, #tpu.memory_space<vmem>> -> memref<128xi32, #tpu.memory_space<vmem>>
      %dma_wait3A_1192 = arith.constant 0 : i32
      %dma_wait3A_1193 = tpu.memref_slice %arg3[%dma_wait3A_1187, %dma_wait3A_1192] : memref<2x320000xi32, #tpu.memory_space<hbm>> -> memref<1x320000xi32, #tpu.memory_space<hbm>>
      %dma_wait3A_1194 = tpu.memref_squeeze %dma_wait3A_1193 : memref<1x320000xi32, #tpu.memory_space<hbm>> -> memref<320000xi32, #tpu.memory_space<hbm>>
      %dma_wait3A_1195 = arith.constant 0 : i32
      %dma_wait3A_1196 = tpu.memref_slice %dma_wait3A_1194[%dma_wait3A_1195] : memref<320000xi32, #tpu.memory_space<hbm>> -> memref<128xi32, #tpu.memory_space<hbm>>
      %dma_wait3A_1197 = arith.constant 0 : i32
      %dma_wait3A_1198 = tpu.memref_slice %arg6[%dma_wait3A_1188, %dma_wait3A_1197] : memref<4x128xi32, #tpu.memory_space<vmem>> -> memref<1x128xi32, #tpu.memory_space<vmem>>
      %dma_wait3A_1199 = tpu.memref_squeeze %dma_wait3A_1198 : memref<1x128xi32, #tpu.memory_space<vmem>> -> memref<128xi32, #tpu.memory_space<vmem>>
      %dma_wait3A_1200 = arith.constant 0 : i32
      %dma_wait3A_1201 = tpu.memref_slice %arg3[%dma_wait3A_1187, %dma_wait3A_1200] : memref<2x320000xi32, #tpu.memory_space<hbm>> -> memref<1x320000xi32, #tpu.memory_space<hbm>>
      %dma_wait3A_1202 = tpu.memref_squeeze %dma_wait3A_1201 : memref<1x320000xi32, #tpu.memory_space<hbm>> -> memref<320000xi32, #tpu.memory_space<hbm>>
      %dma_wait3A_1203 = arith.constant 0 : i32
      %dma_wait3A_1204 = tpu.memref_slice %dma_wait3A_1202[%dma_wait3A_1203] : memref<320000xi32, #tpu.memory_space<hbm>> -> memref<128xi32, #tpu.memory_space<hbm>>
      tpu.wait_dma2 semaphore(%arg10 : memref<!tpu.dma_semaphore, #tpu.memory_space<semaphore_mem>>) src(%dma_wait3A_1204 : memref<128xi32, #tpu.memory_space<hbm>>) dst(%dma_wait3A_1199 : memref<128xi32, #tpu.memory_space<vmem>>)
      %dma_wait3A_1205 = arith.constant 0 : i32
      %dma_wait3A_1206 = arith.constant 0 : i32
      %dma_wait3A_1207 = tpu.memref_slice %arg6[%dma_wait3A_1205, %dma_wait3A_1206] : memref<4x128xi32, #tpu.memory_space<vmem>> -> memref<1x128xi32, #tpu.memory_space<vmem>>
      %dma_wait3A_1208 = tpu.memref_squeeze %dma_wait3A_1207 : memref<1x128xi32, #tpu.memory_space<vmem>> -> memref<128xi32, #tpu.memory_space<vmem>>
      %dma_wait3A_1209 = arith.constant 0 : i32
      %dma_wait3A_1210 = arith.constant 0 : i32
      %dma_wait3A_1211 = tpu.memref_slice %arg9[%dma_wait3A_1209, %dma_wait3A_1210] : memref<10240x128xf32, #tpu.memory_space<vmem_shared>> -> memref<10240x128xf32, #tpu.memory_space<vmem_shared>>
      tpu.wait_indirect_dma semaphore(%arg12 : memref<!tpu.dma_semaphore, #tpu.memory_space<semaphore_mem>>) src(%arg8 : memref<128x128xf32, #tpu.memory_space<vmem>>) dst(%dma_wait3A_1211 : memref<10240x128xf32, #tpu.memory_space<vmem_shared>>)
      %dma_start3A_1212 = arith.constant 1 : i32
      %dma_start3A_1213 = arith.constant 0 : i32
      %dma_start3A_1214 = tpu.memref_slice %arg5[%dma_start3A_1212, %dma_start3A_1213] : memref<4x128xi32, #tpu.memory_space<vmem>> -> memref<1x128xi32, #tpu.memory_space<vmem>>
      %dma_start3A_1215 = tpu.memref_squeeze %dma_start3A_1214 : memref<1x128xi32, #tpu.memory_space<vmem>> -> memref<128xi32, #tpu.memory_space<vmem>>
      %dma_start3A_1216 = arith.constant 0 : i32
      %dma_start3A_1217 = arith.constant 0 : i32
      %dma_start3A_1218 = tpu.memref_slice %arg2[%dma_start3A_1216, %dma_start3A_1217] : memref<10240x128xf32, #tpu.memory_space<hbm>> -> memref<10240x128xf32, #tpu.memory_space<hbm>>
      tpu.enqueue_indirect_dma source(%dma_start3A_1218 : memref<10240x128xf32, #tpu.memory_space<hbm>>) target(%arg8 : memref<128x128xf32, #tpu.memory_space<vmem>>) offsets(%dma_start3A_1215 : memref<128xi32, #tpu.memory_space<vmem>>) semaphore(%arg11 : memref<!tpu.dma_semaphore, #tpu.memory_space<semaphore_mem>>)
      %dma_wait3A_1219 = arith.constant 0 : i32
      %dma_wait3A_1220 = arith.constant 0 : i32
      %dma_wait3A_1221 = tpu.memref_slice %arg5[%dma_wait3A_1219, %dma_wait3A_1220] : memref<4x128xi32, #tpu.memory_space<vmem>> -> memref<1x128xi32, #tpu.memory_space<vmem>>
      %dma_wait3A_1222 = tpu.memref_squeeze %dma_wait3A_1221 : memref<1x128xi32, #tpu.memory_space<vmem>> -> memref<128xi32, #tpu.memory_space<vmem>>
      %dma_wait3A_1223 = arith.constant 0 : i32
      %dma_wait3A_1224 = arith.constant 0 : i32
      %dma_wait3A_1225 = tpu.memref_slice %arg2[%dma_wait3A_1223, %dma_wait3A_1224] : memref<10240x128xf32, #tpu.memory_space<hbm>> -> memref<10240x128xf32, #tpu.memory_space<hbm>>
      tpu.wait_indirect_dma semaphore(%arg11 : memref<!tpu.dma_semaphore, #tpu.memory_space<semaphore_mem>>) src(%dma_wait3A_1225 : memref<10240x128xf32, #tpu.memory_space<hbm>>) dst(%arg7 : memref<128x128xf32, #tpu.memory_space<vmem>>)
      %dma_start3A_1226 = arith.constant 0 : i32
      %dma_start3A_1227 = arith.constant 0 : i32
      %dma_start3A_1228 = tpu.memref_slice %arg6[%dma_start3A_1226, %dma_start3A_1227] : memref<4x128xi32, #tpu.memory_space<vmem>> -> memref<1x128xi32, #tpu.memory_space<vmem>>
      %dma_start3A_1229 = tpu.memref_squeeze %dma_start3A_1228 : memref<1x128xi32, #tpu.memory_space<vmem>> -> memref<128xi32, #tpu.memory_space<vmem>>
      %dma_start3A_1230 = arith.constant 0 : i32
      %dma_start3A_1231 = arith.constant 0 : i32
      %dma_start3A_1232 = tpu.memref_slice %arg9[%dma_start3A_1230, %dma_start3A_1231] : memref<10240x128xf32, #tpu.memory_space<vmem_shared>> -> memref<10240x128xf32, #tpu.memory_space<vmem_shared>>
      tpu.enqueue_indirect_dma source(%arg7 : memref<128x128xf32, #tpu.memory_space<vmem>>) target(%dma_start3A_1232 : memref<10240x128xf32, #tpu.memory_space<vmem_shared>>) offsets(%dma_start3A_1229 : memref<128xi32, #tpu.memory_space<vmem>>) semaphore(%arg12 : memref<!tpu.dma_semaphore, #tpu.memory_space<semaphore_mem>>) {add = true}
      %add3A_1233 = arith.constant 3 : i32
      %add3A_1234 = arith.addi %add3A_914, %add3A_1233 : i32
      %add3A_1235 = arith.constant 2 : i32
      %add3A_1236 = arith.addi %add3A_1234, %add3A_1235 : i32
      %mul3A_1237 = arith.constant 128 : i32
      %mul3A_1238 = arith.muli %add3A_1236, %mul3A_1237 : i32
      %add3A_1239 = arith.addi %mul3A_4, %mul3A_1238 : i32
      %dma_start3A_1240 = arith.constant 0 : i32
      %dma_start3A_1241 = arith.constant 3 : i32
      %dma_start3A_1242 = arith.constant 0 : i32
      %dma_start3A_1243 = tpu.memref_slice %arg5[%dma_start3A_1241, %dma_start3A_1242] : memref<4x128xi32, #tpu.memory_space<vmem>> -> memref<1x128xi32, #tpu.memory_space<vmem>>
      %dma_start3A_1244 = tpu.memref_squeeze %dma_start3A_1243 : memref<1x128xi32, #tpu.memory_space<vmem>> -> memref<128xi32, #tpu.memory_space<vmem>>
      %dma_start3A_1245 = arith.constant 0 : i32
      %dma_start3A_1246 = tpu.memref_slice %arg3[%dma_start3A_1240, %dma_start3A_1245] : memref<2x320000xi32, #tpu.memory_space<hbm>> -> memref<1x320000xi32, #tpu.memory_space<hbm>>
      %dma_start3A_1247 = tpu.memref_squeeze %dma_start3A_1246 : memref<1x320000xi32, #tpu.memory_space<hbm>> -> memref<320000xi32, #tpu.memory_space<hbm>>
      %dma_start3A_1248 = tpu.memref_slice %dma_start3A_1247[%add3A_1239] : memref<320000xi32, #tpu.memory_space<hbm>> -> memref<128xi32, #tpu.memory_space<hbm>>
      %dma_start3A_1249 = arith.constant 0 : i32
      %dma_start3A_1250 = tpu.memref_slice %arg5[%dma_start3A_1241, %dma_start3A_1249] : memref<4x128xi32, #tpu.memory_space<vmem>> -> memref<1x128xi32, #tpu.memory_space<vmem>>
      %dma_start3A_1251 = tpu.memref_squeeze %dma_start3A_1250 : memref<1x128xi32, #tpu.memory_space<vmem>> -> memref<128xi32, #tpu.memory_space<vmem>>
      %dma_start3A_1252 = arith.constant 0 : i32
      %dma_start3A_1253 = tpu.memref_slice %arg3[%dma_start3A_1240, %dma_start3A_1252] : memref<2x320000xi32, #tpu.memory_space<hbm>> -> memref<1x320000xi32, #tpu.memory_space<hbm>>
      %dma_start3A_1254 = tpu.memref_squeeze %dma_start3A_1253 : memref<1x320000xi32, #tpu.memory_space<hbm>> -> memref<320000xi32, #tpu.memory_space<hbm>>
      %dma_start3A_1255 = tpu.memref_slice %dma_start3A_1254[%add3A_1239] : memref<320000xi32, #tpu.memory_space<hbm>> -> memref<128xi32, #tpu.memory_space<hbm>>
      tpu.enqueue_dma source(%dma_start3A_1255 : memref<128xi32, #tpu.memory_space<hbm>>) target(%dma_start3A_1251 : memref<128xi32, #tpu.memory_space<vmem>>) target_semaphore(%arg10 : memref<!tpu.dma_semaphore, #tpu.memory_space<semaphore_mem>>)
      %mul3A_1256 = arith.constant 128 : i32
      %mul3A_1257 = arith.muli %add3A_1236, %mul3A_1256 : i32
      %add3A_1258 = arith.addi %mul3A_4, %mul3A_1257 : i32
      %dma_start3A_1259 = arith.constant 1 : i32
      %dma_start3A_1260 = arith.constant 3 : i32
      %dma_start3A_1261 = arith.constant 0 : i32
      %dma_start3A_1262 = tpu.memref_slice %arg6[%dma_start3A_1260, %dma_start3A_1261] : memref<4x128xi32, #tpu.memory_space<vmem>> -> memref<1x128xi32, #tpu.memory_space<vmem>>
      %dma_start3A_1263 = tpu.memref_squeeze %dma_start3A_1262 : memref<1x128xi32, #tpu.memory_space<vmem>> -> memref<128xi32, #tpu.memory_space<vmem>>
      %dma_start3A_1264 = arith.constant 0 : i32
      %dma_start3A_1265 = tpu.memref_slice %arg3[%dma_start3A_1259, %dma_start3A_1264] : memref<2x320000xi32, #tpu.memory_space<hbm>> -> memref<1x320000xi32, #tpu.memory_space<hbm>>
      %dma_start3A_1266 = tpu.memref_squeeze %dma_start3A_1265 : memref<1x320000xi32, #tpu.memory_space<hbm>> -> memref<320000xi32, #tpu.memory_space<hbm>>
      %dma_start3A_1267 = tpu.memref_slice %dma_start3A_1266[%add3A_1258] : memref<320000xi32, #tpu.memory_space<hbm>> -> memref<128xi32, #tpu.memory_space<hbm>>
      %dma_start3A_1268 = arith.constant 0 : i32
      %dma_start3A_1269 = tpu.memref_slice %arg6[%dma_start3A_1260, %dma_start3A_1268] : memref<4x128xi32, #tpu.memory_space<vmem>> -> memref<1x128xi32, #tpu.memory_space<vmem>>
      %dma_start3A_1270 = tpu.memref_squeeze %dma_start3A_1269 : memref<1x128xi32, #tpu.memory_space<vmem>> -> memref<128xi32, #tpu.memory_space<vmem>>
      %dma_start3A_1271 = arith.constant 0 : i32
      %dma_start3A_1272 = tpu.memref_slice %arg3[%dma_start3A_1259, %dma_start3A_1271] : memref<2x320000xi32, #tpu.memory_space<hbm>> -> memref<1x320000xi32, #tpu.memory_space<hbm>>
      %dma_start3A_1273 = tpu.memref_squeeze %dma_start3A_1272 : memref<1x320000xi32, #tpu.memory_space<hbm>> -> memref<320000xi32, #tpu.memory_space<hbm>>
      %dma_start3A_1274 = tpu.memref_slice %dma_start3A_1273[%add3A_1258] : memref<320000xi32, #tpu.memory_space<hbm>> -> memref<128xi32, #tpu.memory_space<hbm>>
      tpu.enqueue_dma source(%dma_start3A_1274 : memref<128xi32, #tpu.memory_space<hbm>>) target(%dma_start3A_1270 : memref<128xi32, #tpu.memory_space<vmem>>) target_semaphore(%arg10 : memref<!tpu.dma_semaphore, #tpu.memory_space<semaphore_mem>>)
      %dma_wait3A_1275 = arith.constant 0 : i32
      %dma_wait3A_1276 = arith.constant 2 : i32
      %dma_wait3A_1277 = arith.constant 0 : i32
      %dma_wait3A_1278 = tpu.memref_slice %arg5[%dma_wait3A_1276, %dma_wait3A_1277] : memref<4x128xi32, #tpu.memory_space<vmem>> -> memref<1x128xi32, #tpu.memory_space<vmem>>
      %dma_wait3A_1279 = tpu.memref_squeeze %dma_wait3A_1278 : memref<1x128xi32, #tpu.memory_space<vmem>> -> memref<128xi32, #tpu.memory_space<vmem>>
      %dma_wait3A_1280 = arith.constant 0 : i32
      %dma_wait3A_1281 = tpu.memref_slice %arg3[%dma_wait3A_1275, %dma_wait3A_1280] : memref<2x320000xi32, #tpu.memory_space<hbm>> -> memref<1x320000xi32, #tpu.memory_space<hbm>>
      %dma_wait3A_1282 = tpu.memref_squeeze %dma_wait3A_1281 : memref<1x320000xi32, #tpu.memory_space<hbm>> -> memref<320000xi32, #tpu.memory_space<hbm>>
      %dma_wait3A_1283 = arith.constant 0 : i32
      %dma_wait3A_1284 = tpu.memref_slice %dma_wait3A_1282[%dma_wait3A_1283] : memref<320000xi32, #tpu.memory_space<hbm>> -> memref<128xi32, #tpu.memory_space<hbm>>
      %dma_wait3A_1285 = arith.constant 0 : i32
      %dma_wait3A_1286 = tpu.memref_slice %arg5[%dma_wait3A_1276, %dma_wait3A_1285] : memref<4x128xi32, #tpu.memory_space<vmem>> -> memref<1x128xi32, #tpu.memory_space<vmem>>
      %dma_wait3A_1287 = tpu.memref_squeeze %dma_wait3A_1286 : memref<1x128xi32, #tpu.memory_space<vmem>> -> memref<128xi32, #tpu.memory_space<vmem>>
      %dma_wait3A_1288 = arith.constant 0 : i32
      %dma_wait3A_1289 = tpu.memref_slice %arg3[%dma_wait3A_1275, %dma_wait3A_1288] : memref<2x320000xi32, #tpu.memory_space<hbm>> -> memref<1x320000xi32, #tpu.memory_space<hbm>>
      %dma_wait3A_1290 = tpu.memref_squeeze %dma_wait3A_1289 : memref<1x320000xi32, #tpu.memory_space<hbm>> -> memref<320000xi32, #tpu.memory_space<hbm>>
      %dma_wait3A_1291 = arith.constant 0 : i32
      %dma_wait3A_1292 = tpu.memref_slice %dma_wait3A_1290[%dma_wait3A_1291] : memref<320000xi32, #tpu.memory_space<hbm>> -> memref<128xi32, #tpu.memory_space<hbm>>
      tpu.wait_dma2 semaphore(%arg10 : memref<!tpu.dma_semaphore, #tpu.memory_space<semaphore_mem>>) src(%dma_wait3A_1292 : memref<128xi32, #tpu.memory_space<hbm>>) dst(%dma_wait3A_1287 : memref<128xi32, #tpu.memory_space<vmem>>)
      %dma_wait3A_1293 = arith.constant 1 : i32
      %dma_wait3A_1294 = arith.constant 2 : i32
      %dma_wait3A_1295 = arith.constant 0 : i32
      %dma_wait3A_1296 = tpu.memref_slice %arg6[%dma_wait3A_1294, %dma_wait3A_1295] : memref<4x128xi32, #tpu.memory_space<vmem>> -> memref<1x128xi32, #tpu.memory_space<vmem>>
      %dma_wait3A_1297 = tpu.memref_squeeze %dma_wait3A_1296 : memref<1x128xi32, #tpu.memory_space<vmem>> -> memref<128xi32, #tpu.memory_space<vmem>>
      %dma_wait3A_1298 = arith.constant 0 : i32
      %dma_wait3A_1299 = tpu.memref_slice %arg3[%dma_wait3A_1293, %dma_wait3A_1298] : memref<2x320000xi32, #tpu.memory_space<hbm>> -> memref<1x320000xi32, #tpu.memory_space<hbm>>
      %dma_wait3A_1300 = tpu.memref_squeeze %dma_wait3A_1299 : memref<1x320000xi32, #tpu.memory_space<hbm>> -> memref<320000xi32, #tpu.memory_space<hbm>>
      %dma_wait3A_1301 = arith.constant 0 : i32
      %dma_wait3A_1302 = tpu.memref_slice %dma_wait3A_1300[%dma_wait3A_1301] : memref<320000xi32, #tpu.memory_space<hbm>> -> memref<128xi32, #tpu.memory_space<hbm>>
      %dma_wait3A_1303 = arith.constant 0 : i32
      %dma_wait3A_1304 = tpu.memref_slice %arg6[%dma_wait3A_1294, %dma_wait3A_1303] : memref<4x128xi32, #tpu.memory_space<vmem>> -> memref<1x128xi32, #tpu.memory_space<vmem>>
      %dma_wait3A_1305 = tpu.memref_squeeze %dma_wait3A_1304 : memref<1x128xi32, #tpu.memory_space<vmem>> -> memref<128xi32, #tpu.memory_space<vmem>>
      %dma_wait3A_1306 = arith.constant 0 : i32
      %dma_wait3A_1307 = tpu.memref_slice %arg3[%dma_wait3A_1293, %dma_wait3A_1306] : memref<2x320000xi32, #tpu.memory_space<hbm>> -> memref<1x320000xi32, #tpu.memory_space<hbm>>
      %dma_wait3A_1308 = tpu.memref_squeeze %dma_wait3A_1307 : memref<1x320000xi32, #tpu.memory_space<hbm>> -> memref<320000xi32, #tpu.memory_space<hbm>>
      %dma_wait3A_1309 = arith.constant 0 : i32
      %dma_wait3A_1310 = tpu.memref_slice %dma_wait3A_1308[%dma_wait3A_1309] : memref<320000xi32, #tpu.memory_space<hbm>> -> memref<128xi32, #tpu.memory_space<hbm>>
      tpu.wait_dma2 semaphore(%arg10 : memref<!tpu.dma_semaphore, #tpu.memory_space<semaphore_mem>>) src(%dma_wait3A_1310 : memref<128xi32, #tpu.memory_space<hbm>>) dst(%dma_wait3A_1305 : memref<128xi32, #tpu.memory_space<vmem>>)
      %dma_wait3A_1311 = arith.constant 0 : i32
      %dma_wait3A_1312 = arith.constant 0 : i32
      %dma_wait3A_1313 = tpu.memref_slice %arg6[%dma_wait3A_1311, %dma_wait3A_1312] : memref<4x128xi32, #tpu.memory_space<vmem>> -> memref<1x128xi32, #tpu.memory_space<vmem>>
      %dma_wait3A_1314 = tpu.memref_squeeze %dma_wait3A_1313 : memref<1x128xi32, #tpu.memory_space<vmem>> -> memref<128xi32, #tpu.memory_space<vmem>>
      %dma_wait3A_1315 = arith.constant 0 : i32
      %dma_wait3A_1316 = arith.constant 0 : i32
      %dma_wait3A_1317 = tpu.memref_slice %arg9[%dma_wait3A_1315, %dma_wait3A_1316] : memref<10240x128xf32, #tpu.memory_space<vmem_shared>> -> memref<10240x128xf32, #tpu.memory_space<vmem_shared>>
      tpu.wait_indirect_dma semaphore(%arg12 : memref<!tpu.dma_semaphore, #tpu.memory_space<semaphore_mem>>) src(%arg7 : memref<128x128xf32, #tpu.memory_space<vmem>>) dst(%dma_wait3A_1317 : memref<10240x128xf32, #tpu.memory_space<vmem_shared>>)
      %dma_start3A_1318 = arith.constant 2 : i32
      %dma_start3A_1319 = arith.constant 0 : i32
      %dma_start3A_1320 = tpu.memref_slice %arg5[%dma_start3A_1318, %dma_start3A_1319] : memref<4x128xi32, #tpu.memory_space<vmem>> -> memref<1x128xi32, #tpu.memory_space<vmem>>
      %dma_start3A_1321 = tpu.memref_squeeze %dma_start3A_1320 : memref<1x128xi32, #tpu.memory_space<vmem>> -> memref<128xi32, #tpu.memory_space<vmem>>
      %dma_start3A_1322 = arith.constant 0 : i32
      %dma_start3A_1323 = arith.constant 0 : i32
      %dma_start3A_1324 = tpu.memref_slice %arg2[%dma_start3A_1322, %dma_start3A_1323] : memref<10240x128xf32, #tpu.memory_space<hbm>> -> memref<10240x128xf32, #tpu.memory_space<hbm>>
      tpu.enqueue_indirect_dma source(%dma_start3A_1324 : memref<10240x128xf32, #tpu.memory_space<hbm>>) target(%arg7 : memref<128x128xf32, #tpu.memory_space<vmem>>) offsets(%dma_start3A_1321 : memref<128xi32, #tpu.memory_space<vmem>>) semaphore(%arg11 : memref<!tpu.dma_semaphore, #tpu.memory_space<semaphore_mem>>)
      %dma_wait3A_1325 = arith.constant 0 : i32
      %dma_wait3A_1326 = arith.constant 0 : i32
      %dma_wait3A_1327 = tpu.memref_slice %arg5[%dma_wait3A_1325, %dma_wait3A_1326] : memref<4x128xi32, #tpu.memory_space<vmem>> -> memref<1x128xi32, #tpu.memory_space<vmem>>
      %dma_wait3A_1328 = tpu.memref_squeeze %dma_wait3A_1327 : memref<1x128xi32, #tpu.memory_space<vmem>> -> memref<128xi32, #tpu.memory_space<vmem>>
      %dma_wait3A_1329 = arith.constant 0 : i32
      %dma_wait3A_1330 = arith.constant 0 : i32
      %dma_wait3A_1331 = tpu.memref_slice %arg2[%dma_wait3A_1329, %dma_wait3A_1330] : memref<10240x128xf32, #tpu.memory_space<hbm>> -> memref<10240x128xf32, #tpu.memory_space<hbm>>
      tpu.wait_indirect_dma semaphore(%arg11 : memref<!tpu.dma_semaphore, #tpu.memory_space<semaphore_mem>>) src(%dma_wait3A_1331 : memref<10240x128xf32, #tpu.memory_space<hbm>>) dst(%arg8 : memref<128x128xf32, #tpu.memory_space<vmem>>)
      %dma_start3A_1332 = arith.constant 1 : i32
      %dma_start3A_1333 = arith.constant 0 : i32
      %dma_start3A_1334 = tpu.memref_slice %arg6[%dma_start3A_1332, %dma_start3A_1333] : memref<4x128xi32, #tpu.memory_space<vmem>> -> memref<1x128xi32, #tpu.memory_space<vmem>>
      %dma_start3A_1335 = tpu.memref_squeeze %dma_start3A_1334 : memref<1x128xi32, #tpu.memory_space<vmem>> -> memref<128xi32, #tpu.memory_space<vmem>>
      %dma_start3A_1336 = arith.constant 0 : i32
      %dma_start3A_1337 = arith.constant 0 : i32
      %dma_start3A_1338 = tpu.memref_slice %arg9[%dma_start3A_1336, %dma_start3A_1337] : memref<10240x128xf32, #tpu.memory_space<vmem_shared>> -> memref<10240x128xf32, #tpu.memory_space<vmem_shared>>
      tpu.enqueue_indirect_dma source(%arg8 : memref<128x128xf32, #tpu.memory_space<vmem>>) target(%dma_start3A_1338 : memref<10240x128xf32, #tpu.memory_space<vmem_shared>>) offsets(%dma_start3A_1335 : memref<128xi32, #tpu.memory_space<vmem>>) semaphore(%arg12 : memref<!tpu.dma_semaphore, #tpu.memory_space<semaphore_mem>>) {add = true}
    }
    %sub3A_357 = arith.constant 6 : i32
    %sub3A_358 = arith.subi %select_n3A, %sub3A_357 : i32
    %add3A_359 = arith.constant 0 : i32
    %add3A_360 = arith.addi %sub3A_358, %add3A_359 : i32
    %add3A_361 = arith.constant 2 : i32
    %add3A_362 = arith.addi %add3A_360, %add3A_361 : i32
    %mul3A_363 = arith.constant 128 : i32
    %mul3A_364 = arith.muli %add3A_362, %mul3A_363 : i32
    %add3A_365 = arith.addi %mul3A_4, %mul3A_364 : i32
    %dma_start3A_366 = arith.constant 0 : i32
    %dma_start3A_367 = arith.constant 0 : i32
    %dma_start3A_368 = arith.constant 0 : i32
    %dma_start3A_369 = tpu.memref_slice %arg5[%dma_start3A_367, %dma_start3A_368] : memref<4x128xi32, #tpu.memory_space<vmem>> -> memref<1x128xi32, #tpu.memory_space<vmem>>
    %dma_start3A_370 = tpu.memref_squeeze %dma_start3A_369 : memref<1x128xi32, #tpu.memory_space<vmem>> -> memref<128xi32, #tpu.memory_space<vmem>>
    %dma_start3A_371 = arith.constant 0 : i32
    %dma_start3A_372 = tpu.memref_slice %arg3[%dma_start3A_366, %dma_start3A_371] : memref<2x320000xi32, #tpu.memory_space<hbm>> -> memref<1x320000xi32, #tpu.memory_space<hbm>>
    %dma_start3A_373 = tpu.memref_squeeze %dma_start3A_372 : memref<1x320000xi32, #tpu.memory_space<hbm>> -> memref<320000xi32, #tpu.memory_space<hbm>>
    %dma_start3A_374 = tpu.memref_slice %dma_start3A_373[%add3A_365] : memref<320000xi32, #tpu.memory_space<hbm>> -> memref<128xi32, #tpu.memory_space<hbm>>
    %dma_start3A_375 = arith.constant 0 : i32
    %dma_start3A_376 = tpu.memref_slice %arg5[%dma_start3A_367, %dma_start3A_375] : memref<4x128xi32, #tpu.memory_space<vmem>> -> memref<1x128xi32, #tpu.memory_space<vmem>>
    %dma_start3A_377 = tpu.memref_squeeze %dma_start3A_376 : memref<1x128xi32, #tpu.memory_space<vmem>> -> memref<128xi32, #tpu.memory_space<vmem>>
    %dma_start3A_378 = arith.constant 0 : i32
    %dma_start3A_379 = tpu.memref_slice %arg3[%dma_start3A_366, %dma_start3A_378] : memref<2x320000xi32, #tpu.memory_space<hbm>> -> memref<1x320000xi32, #tpu.memory_space<hbm>>
    %dma_start3A_380 = tpu.memref_squeeze %dma_start3A_379 : memref<1x320000xi32, #tpu.memory_space<hbm>> -> memref<320000xi32, #tpu.memory_space<hbm>>
    %dma_start3A_381 = tpu.memref_slice %dma_start3A_380[%add3A_365] : memref<320000xi32, #tpu.memory_space<hbm>> -> memref<128xi32, #tpu.memory_space<hbm>>
    tpu.enqueue_dma source(%dma_start3A_381 : memref<128xi32, #tpu.memory_space<hbm>>) target(%dma_start3A_377 : memref<128xi32, #tpu.memory_space<vmem>>) target_semaphore(%arg10 : memref<!tpu.dma_semaphore, #tpu.memory_space<semaphore_mem>>)
    %mul3A_382 = arith.constant 128 : i32
    %mul3A_383 = arith.muli %add3A_362, %mul3A_382 : i32
    %add3A_384 = arith.addi %mul3A_4, %mul3A_383 : i32
    %dma_start3A_385 = arith.constant 1 : i32
    %dma_start3A_386 = arith.constant 0 : i32
    %dma_start3A_387 = arith.constant 0 : i32
    %dma_start3A_388 = tpu.memref_slice %arg6[%dma_start3A_386, %dma_start3A_387] : memref<4x128xi32, #tpu.memory_space<vmem>> -> memref<1x128xi32, #tpu.memory_space<vmem>>
    %dma_start3A_389 = tpu.memref_squeeze %dma_start3A_388 : memref<1x128xi32, #tpu.memory_space<vmem>> -> memref<128xi32, #tpu.memory_space<vmem>>
    %dma_start3A_390 = arith.constant 0 : i32
    %dma_start3A_391 = tpu.memref_slice %arg3[%dma_start3A_385, %dma_start3A_390] : memref<2x320000xi32, #tpu.memory_space<hbm>> -> memref<1x320000xi32, #tpu.memory_space<hbm>>
    %dma_start3A_392 = tpu.memref_squeeze %dma_start3A_391 : memref<1x320000xi32, #tpu.memory_space<hbm>> -> memref<320000xi32, #tpu.memory_space<hbm>>
    %dma_start3A_393 = tpu.memref_slice %dma_start3A_392[%add3A_384] : memref<320000xi32, #tpu.memory_space<hbm>> -> memref<128xi32, #tpu.memory_space<hbm>>
    %dma_start3A_394 = arith.constant 0 : i32
    %dma_start3A_395 = tpu.memref_slice %arg6[%dma_start3A_386, %dma_start3A_394] : memref<4x128xi32, #tpu.memory_space<vmem>> -> memref<1x128xi32, #tpu.memory_space<vmem>>
    %dma_start3A_396 = tpu.memref_squeeze %dma_start3A_395 : memref<1x128xi32, #tpu.memory_space<vmem>> -> memref<128xi32, #tpu.memory_space<vmem>>
    %dma_start3A_397 = arith.constant 0 : i32
    %dma_start3A_398 = tpu.memref_slice %arg3[%dma_start3A_385, %dma_start3A_397] : memref<2x320000xi32, #tpu.memory_space<hbm>> -> memref<1x320000xi32, #tpu.memory_space<hbm>>
    %dma_start3A_399 = tpu.memref_squeeze %dma_start3A_398 : memref<1x320000xi32, #tpu.memory_space<hbm>> -> memref<320000xi32, #tpu.memory_space<hbm>>
    %dma_start3A_400 = tpu.memref_slice %dma_start3A_399[%add3A_384] : memref<320000xi32, #tpu.memory_space<hbm>> -> memref<128xi32, #tpu.memory_space<hbm>>
    tpu.enqueue_dma source(%dma_start3A_400 : memref<128xi32, #tpu.memory_space<hbm>>) target(%dma_start3A_396 : memref<128xi32, #tpu.memory_space<vmem>>) target_semaphore(%arg10 : memref<!tpu.dma_semaphore, #tpu.memory_space<semaphore_mem>>)
    %dma_wait3A_401 = arith.constant 0 : i32
    %dma_wait3A_402 = arith.constant 3 : i32
    %dma_wait3A_403 = arith.constant 0 : i32
    %dma_wait3A_404 = tpu.memref_slice %arg5[%dma_wait3A_402, %dma_wait3A_403] : memref<4x128xi32, #tpu.memory_space<vmem>> -> memref<1x128xi32, #tpu.memory_space<vmem>>
    %dma_wait3A_405 = tpu.memref_squeeze %dma_wait3A_404 : memref<1x128xi32, #tpu.memory_space<vmem>> -> memref<128xi32, #tpu.memory_space<vmem>>
    %dma_wait3A_406 = arith.constant 0 : i32
    %dma_wait3A_407 = tpu.memref_slice %arg3[%dma_wait3A_401, %dma_wait3A_406] : memref<2x320000xi32, #tpu.memory_space<hbm>> -> memref<1x320000xi32, #tpu.memory_space<hbm>>
    %dma_wait3A_408 = tpu.memref_squeeze %dma_wait3A_407 : memref<1x320000xi32, #tpu.memory_space<hbm>> -> memref<320000xi32, #tpu.memory_space<hbm>>
    %dma_wait3A_409 = arith.constant 0 : i32
    %dma_wait3A_410 = tpu.memref_slice %dma_wait3A_408[%dma_wait3A_409] : memref<320000xi32, #tpu.memory_space<hbm>> -> memref<128xi32, #tpu.memory_space<hbm>>
    %dma_wait3A_411 = arith.constant 0 : i32
    %dma_wait3A_412 = tpu.memref_slice %arg5[%dma_wait3A_402, %dma_wait3A_411] : memref<4x128xi32, #tpu.memory_space<vmem>> -> memref<1x128xi32, #tpu.memory_space<vmem>>
    %dma_wait3A_413 = tpu.memref_squeeze %dma_wait3A_412 : memref<1x128xi32, #tpu.memory_space<vmem>> -> memref<128xi32, #tpu.memory_space<vmem>>
    %dma_wait3A_414 = arith.constant 0 : i32
    %dma_wait3A_415 = tpu.memref_slice %arg3[%dma_wait3A_401, %dma_wait3A_414] : memref<2x320000xi32, #tpu.memory_space<hbm>> -> memref<1x320000xi32, #tpu.memory_space<hbm>>
    %dma_wait3A_416 = tpu.memref_squeeze %dma_wait3A_415 : memref<1x320000xi32, #tpu.memory_space<hbm>> -> memref<320000xi32, #tpu.memory_space<hbm>>
    %dma_wait3A_417 = arith.constant 0 : i32
    %dma_wait3A_418 = tpu.memref_slice %dma_wait3A_416[%dma_wait3A_417] : memref<320000xi32, #tpu.memory_space<hbm>> -> memref<128xi32, #tpu.memory_space<hbm>>
    tpu.wait_dma2 semaphore(%arg10 : memref<!tpu.dma_semaphore, #tpu.memory_space<semaphore_mem>>) src(%dma_wait3A_418 : memref<128xi32, #tpu.memory_space<hbm>>) dst(%dma_wait3A_413 : memref<128xi32, #tpu.memory_space<vmem>>)
    %dma_wait3A_419 = arith.constant 1 : i32
    %dma_wait3A_420 = arith.constant 3 : i32
    %dma_wait3A_421 = arith.constant 0 : i32
    %dma_wait3A_422 = tpu.memref_slice %arg6[%dma_wait3A_420, %dma_wait3A_421] : memref<4x128xi32, #tpu.memory_space<vmem>> -> memref<1x128xi32, #tpu.memory_space<vmem>>
    %dma_wait3A_423 = tpu.memref_squeeze %dma_wait3A_422 : memref<1x128xi32, #tpu.memory_space<vmem>> -> memref<128xi32, #tpu.memory_space<vmem>>
    %dma_wait3A_424 = arith.constant 0 : i32
    %dma_wait3A_425 = tpu.memref_slice %arg3[%dma_wait3A_419, %dma_wait3A_424] : memref<2x320000xi32, #tpu.memory_space<hbm>> -> memref<1x320000xi32, #tpu.memory_space<hbm>>
    %dma_wait3A_426 = tpu.memref_squeeze %dma_wait3A_425 : memref<1x320000xi32, #tpu.memory_space<hbm>> -> memref<320000xi32, #tpu.memory_space<hbm>>
    %dma_wait3A_427 = arith.constant 0 : i32
    %dma_wait3A_428 = tpu.memref_slice %dma_wait3A_426[%dma_wait3A_427] : memref<320000xi32, #tpu.memory_space<hbm>> -> memref<128xi32, #tpu.memory_space<hbm>>
    %dma_wait3A_429 = arith.constant 0 : i32
    %dma_wait3A_430 = tpu.memref_slice %arg6[%dma_wait3A_420, %dma_wait3A_429] : memref<4x128xi32, #tpu.memory_space<vmem>> -> memref<1x128xi32, #tpu.memory_space<vmem>>
    %dma_wait3A_431 = tpu.memref_squeeze %dma_wait3A_430 : memref<1x128xi32, #tpu.memory_space<vmem>> -> memref<128xi32, #tpu.memory_space<vmem>>
    %dma_wait3A_432 = arith.constant 0 : i32
    %dma_wait3A_433 = tpu.memref_slice %arg3[%dma_wait3A_419, %dma_wait3A_432] : memref<2x320000xi32, #tpu.memory_space<hbm>> -> memref<1x320000xi32, #tpu.memory_space<hbm>>
    %dma_wait3A_434 = tpu.memref_squeeze %dma_wait3A_433 : memref<1x320000xi32, #tpu.memory_space<hbm>> -> memref<320000xi32, #tpu.memory_space<hbm>>
    %dma_wait3A_435 = arith.constant 0 : i32
    %dma_wait3A_436 = tpu.memref_slice %dma_wait3A_434[%dma_wait3A_435] : memref<320000xi32, #tpu.memory_space<hbm>> -> memref<128xi32, #tpu.memory_space<hbm>>
    tpu.wait_dma2 semaphore(%arg10 : memref<!tpu.dma_semaphore, #tpu.memory_space<semaphore_mem>>) src(%dma_wait3A_436 : memref<128xi32, #tpu.memory_space<hbm>>) dst(%dma_wait3A_431 : memref<128xi32, #tpu.memory_space<vmem>>)
    %dma_wait3A_437 = arith.constant 0 : i32
    %dma_wait3A_438 = arith.constant 0 : i32
    %dma_wait3A_439 = tpu.memref_slice %arg6[%dma_wait3A_437, %dma_wait3A_438] : memref<4x128xi32, #tpu.memory_space<vmem>> -> memref<1x128xi32, #tpu.memory_space<vmem>>
    %dma_wait3A_440 = tpu.memref_squeeze %dma_wait3A_439 : memref<1x128xi32, #tpu.memory_space<vmem>> -> memref<128xi32, #tpu.memory_space<vmem>>
    %dma_wait3A_441 = arith.constant 0 : i32
    %dma_wait3A_442 = arith.constant 0 : i32
    %dma_wait3A_443 = tpu.memref_slice %arg9[%dma_wait3A_441, %dma_wait3A_442] : memref<10240x128xf32, #tpu.memory_space<vmem_shared>> -> memref<10240x128xf32, #tpu.memory_space<vmem_shared>>
    tpu.wait_indirect_dma semaphore(%arg12 : memref<!tpu.dma_semaphore, #tpu.memory_space<semaphore_mem>>) src(%arg8 : memref<128x128xf32, #tpu.memory_space<vmem>>) dst(%dma_wait3A_443 : memref<10240x128xf32, #tpu.memory_space<vmem_shared>>)
    %dma_start3A_444 = arith.constant 3 : i32
    %dma_start3A_445 = arith.constant 0 : i32
    %dma_start3A_446 = tpu.memref_slice %arg5[%dma_start3A_444, %dma_start3A_445] : memref<4x128xi32, #tpu.memory_space<vmem>> -> memref<1x128xi32, #tpu.memory_space<vmem>>
    %dma_start3A_447 = tpu.memref_squeeze %dma_start3A_446 : memref<1x128xi32, #tpu.memory_space<vmem>> -> memref<128xi32, #tpu.memory_space<vmem>>
    %dma_start3A_448 = arith.constant 0 : i32
    %dma_start3A_449 = arith.constant 0 : i32
    %dma_start3A_450 = tpu.memref_slice %arg2[%dma_start3A_448, %dma_start3A_449] : memref<10240x128xf32, #tpu.memory_space<hbm>> -> memref<10240x128xf32, #tpu.memory_space<hbm>>
    tpu.enqueue_indirect_dma source(%dma_start3A_450 : memref<10240x128xf32, #tpu.memory_space<hbm>>) target(%arg8 : memref<128x128xf32, #tpu.memory_space<vmem>>) offsets(%dma_start3A_447 : memref<128xi32, #tpu.memory_space<vmem>>) semaphore(%arg11 : memref<!tpu.dma_semaphore, #tpu.memory_space<semaphore_mem>>)
    %dma_wait3A_451 = arith.constant 0 : i32
    %dma_wait3A_452 = arith.constant 0 : i32
    %dma_wait3A_453 = tpu.memref_slice %arg5[%dma_wait3A_451, %dma_wait3A_452] : memref<4x128xi32, #tpu.memory_space<vmem>> -> memref<1x128xi32, #tpu.memory_space<vmem>>
    %dma_wait3A_454 = tpu.memref_squeeze %dma_wait3A_453 : memref<1x128xi32, #tpu.memory_space<vmem>> -> memref<128xi32, #tpu.memory_space<vmem>>
    %dma_wait3A_455 = arith.constant 0 : i32
    %dma_wait3A_456 = arith.constant 0 : i32
    %dma_wait3A_457 = tpu.memref_slice %arg2[%dma_wait3A_455, %dma_wait3A_456] : memref<10240x128xf32, #tpu.memory_space<hbm>> -> memref<10240x128xf32, #tpu.memory_space<hbm>>
    tpu.wait_indirect_dma semaphore(%arg11 : memref<!tpu.dma_semaphore, #tpu.memory_space<semaphore_mem>>) src(%dma_wait3A_457 : memref<10240x128xf32, #tpu.memory_space<hbm>>) dst(%arg7 : memref<128x128xf32, #tpu.memory_space<vmem>>)
    %dma_start3A_458 = arith.constant 2 : i32
    %dma_start3A_459 = arith.constant 0 : i32
    %dma_start3A_460 = tpu.memref_slice %arg6[%dma_start3A_458, %dma_start3A_459] : memref<4x128xi32, #tpu.memory_space<vmem>> -> memref<1x128xi32, #tpu.memory_space<vmem>>
    %dma_start3A_461 = tpu.memref_squeeze %dma_start3A_460 : memref<1x128xi32, #tpu.memory_space<vmem>> -> memref<128xi32, #tpu.memory_space<vmem>>
    %dma_start3A_462 = arith.constant 0 : i32
    %dma_start3A_463 = arith.constant 0 : i32
    %dma_start3A_464 = tpu.memref_slice %arg9[%dma_start3A_462, %dma_start3A_463] : memref<10240x128xf32, #tpu.memory_space<vmem_shared>> -> memref<10240x128xf32, #tpu.memory_space<vmem_shared>>
    tpu.enqueue_indirect_dma source(%arg7 : memref<128x128xf32, #tpu.memory_space<vmem>>) target(%dma_start3A_464 : memref<10240x128xf32, #tpu.memory_space<vmem_shared>>) offsets(%dma_start3A_461 : memref<128xi32, #tpu.memory_space<vmem>>) semaphore(%arg12 : memref<!tpu.dma_semaphore, #tpu.memory_space<semaphore_mem>>) {add = true}
    %sub3A_465 = arith.constant 6 : i32
    %sub3A_466 = arith.subi %select_n3A, %sub3A_465 : i32
    %add3A_467 = arith.constant 1 : i32
    %add3A_468 = arith.addi %sub3A_466, %add3A_467 : i32
    %add3A_469 = arith.constant 2 : i32
    %add3A_470 = arith.addi %add3A_468, %add3A_469 : i32
    %mul3A_471 = arith.constant 128 : i32
    %mul3A_472 = arith.muli %add3A_470, %mul3A_471 : i32
    %add3A_473 = arith.addi %mul3A_4, %mul3A_472 : i32
    %dma_start3A_474 = arith.constant 0 : i32
    %dma_start3A_475 = arith.constant 1 : i32
    %dma_start3A_476 = arith.constant 0 : i32
    %dma_start3A_477 = tpu.memref_slice %arg5[%dma_start3A_475, %dma_start3A_476] : memref<4x128xi32, #tpu.memory_space<vmem>> -> memref<1x128xi32, #tpu.memory_space<vmem>>
    %dma_start3A_478 = tpu.memref_squeeze %dma_start3A_477 : memref<1x128xi32, #tpu.memory_space<vmem>> -> memref<128xi32, #tpu.memory_space<vmem>>
    %dma_start3A_479 = arith.constant 0 : i32
    %dma_start3A_480 = tpu.memref_slice %arg3[%dma_start3A_474, %dma_start3A_479] : memref<2x320000xi32, #tpu.memory_space<hbm>> -> memref<1x320000xi32, #tpu.memory_space<hbm>>
    %dma_start3A_481 = tpu.memref_squeeze %dma_start3A_480 : memref<1x320000xi32, #tpu.memory_space<hbm>> -> memref<320000xi32, #tpu.memory_space<hbm>>
    %dma_start3A_482 = tpu.memref_slice %dma_start3A_481[%add3A_473] : memref<320000xi32, #tpu.memory_space<hbm>> -> memref<128xi32, #tpu.memory_space<hbm>>
    %dma_start3A_483 = arith.constant 0 : i32
    %dma_start3A_484 = tpu.memref_slice %arg5[%dma_start3A_475, %dma_start3A_483] : memref<4x128xi32, #tpu.memory_space<vmem>> -> memref<1x128xi32, #tpu.memory_space<vmem>>
    %dma_start3A_485 = tpu.memref_squeeze %dma_start3A_484 : memref<1x128xi32, #tpu.memory_space<vmem>> -> memref<128xi32, #tpu.memory_space<vmem>>
    %dma_start3A_486 = arith.constant 0 : i32
    %dma_start3A_487 = tpu.memref_slice %arg3[%dma_start3A_474, %dma_start3A_486] : memref<2x320000xi32, #tpu.memory_space<hbm>> -> memref<1x320000xi32, #tpu.memory_space<hbm>>
    %dma_start3A_488 = tpu.memref_squeeze %dma_start3A_487 : memref<1x320000xi32, #tpu.memory_space<hbm>> -> memref<320000xi32, #tpu.memory_space<hbm>>
    %dma_start3A_489 = tpu.memref_slice %dma_start3A_488[%add3A_473] : memref<320000xi32, #tpu.memory_space<hbm>> -> memref<128xi32, #tpu.memory_space<hbm>>
    tpu.enqueue_dma source(%dma_start3A_489 : memref<128xi32, #tpu.memory_space<hbm>>) target(%dma_start3A_485 : memref<128xi32, #tpu.memory_space<vmem>>) target_semaphore(%arg10 : memref<!tpu.dma_semaphore, #tpu.memory_space<semaphore_mem>>)
    %mul3A_490 = arith.constant 128 : i32
    %mul3A_491 = arith.muli %add3A_470, %mul3A_490 : i32
    %add3A_492 = arith.addi %mul3A_4, %mul3A_491 : i32
    %dma_start3A_493 = arith.constant 1 : i32
    %dma_start3A_494 = arith.constant 1 : i32
    %dma_start3A_495 = arith.constant 0 : i32
    %dma_start3A_496 = tpu.memref_slice %arg6[%dma_start3A_494, %dma_start3A_495] : memref<4x128xi32, #tpu.memory_space<vmem>> -> memref<1x128xi32, #tpu.memory_space<vmem>>
    %dma_start3A_497 = tpu.memref_squeeze %dma_start3A_496 : memref<1x128xi32, #tpu.memory_space<vmem>> -> memref<128xi32, #tpu.memory_space<vmem>>
    %dma_start3A_498 = arith.constant 0 : i32
    %dma_start3A_499 = tpu.memref_slice %arg3[%dma_start3A_493, %dma_start3A_498] : memref<2x320000xi32, #tpu.memory_space<hbm>> -> memref<1x320000xi32, #tpu.memory_space<hbm>>
    %dma_start3A_500 = tpu.memref_squeeze %dma_start3A_499 : memref<1x320000xi32, #tpu.memory_space<hbm>> -> memref<320000xi32, #tpu.memory_space<hbm>>
    %dma_start3A_501 = tpu.memref_slice %dma_start3A_500[%add3A_492] : memref<320000xi32, #tpu.memory_space<hbm>> -> memref<128xi32, #tpu.memory_space<hbm>>
    %dma_start3A_502 = arith.constant 0 : i32
    %dma_start3A_503 = tpu.memref_slice %arg6[%dma_start3A_494, %dma_start3A_502] : memref<4x128xi32, #tpu.memory_space<vmem>> -> memref<1x128xi32, #tpu.memory_space<vmem>>
    %dma_start3A_504 = tpu.memref_squeeze %dma_start3A_503 : memref<1x128xi32, #tpu.memory_space<vmem>> -> memref<128xi32, #tpu.memory_space<vmem>>
    %dma_start3A_505 = arith.constant 0 : i32
    %dma_start3A_506 = tpu.memref_slice %arg3[%dma_start3A_493, %dma_start3A_505] : memref<2x320000xi32, #tpu.memory_space<hbm>> -> memref<1x320000xi32, #tpu.memory_space<hbm>>
    %dma_start3A_507 = tpu.memref_squeeze %dma_start3A_506 : memref<1x320000xi32, #tpu.memory_space<hbm>> -> memref<320000xi32, #tpu.memory_space<hbm>>
    %dma_start3A_508 = tpu.memref_slice %dma_start3A_507[%add3A_492] : memref<320000xi32, #tpu.memory_space<hbm>> -> memref<128xi32, #tpu.memory_space<hbm>>
    tpu.enqueue_dma source(%dma_start3A_508 : memref<128xi32, #tpu.memory_space<hbm>>) target(%dma_start3A_504 : memref<128xi32, #tpu.memory_space<vmem>>) target_semaphore(%arg10 : memref<!tpu.dma_semaphore, #tpu.memory_space<semaphore_mem>>)
    %dma_wait3A_509 = arith.constant 0 : i32
    %dma_wait3A_510 = arith.constant 0 : i32
    %dma_wait3A_511 = arith.constant 0 : i32
    %dma_wait3A_512 = tpu.memref_slice %arg5[%dma_wait3A_510, %dma_wait3A_511] : memref<4x128xi32, #tpu.memory_space<vmem>> -> memref<1x128xi32, #tpu.memory_space<vmem>>
    %dma_wait3A_513 = tpu.memref_squeeze %dma_wait3A_512 : memref<1x128xi32, #tpu.memory_space<vmem>> -> memref<128xi32, #tpu.memory_space<vmem>>
    %dma_wait3A_514 = arith.constant 0 : i32
    %dma_wait3A_515 = tpu.memref_slice %arg3[%dma_wait3A_509, %dma_wait3A_514] : memref<2x320000xi32, #tpu.memory_space<hbm>> -> memref<1x320000xi32, #tpu.memory_space<hbm>>
    %dma_wait3A_516 = tpu.memref_squeeze %dma_wait3A_515 : memref<1x320000xi32, #tpu.memory_space<hbm>> -> memref<320000xi32, #tpu.memory_space<hbm>>
    %dma_wait3A_517 = arith.constant 0 : i32
    %dma_wait3A_518 = tpu.memref_slice %dma_wait3A_516[%dma_wait3A_517] : memref<320000xi32, #tpu.memory_space<hbm>> -> memref<128xi32, #tpu.memory_space<hbm>>
    %dma_wait3A_519 = arith.constant 0 : i32
    %dma_wait3A_520 = tpu.memref_slice %arg5[%dma_wait3A_510, %dma_wait3A_519] : memref<4x128xi32, #tpu.memory_space<vmem>> -> memref<1x128xi32, #tpu.memory_space<vmem>>
    %dma_wait3A_521 = tpu.memref_squeeze %dma_wait3A_520 : memref<1x128xi32, #tpu.memory_space<vmem>> -> memref<128xi32, #tpu.memory_space<vmem>>
    %dma_wait3A_522 = arith.constant 0 : i32
    %dma_wait3A_523 = tpu.memref_slice %arg3[%dma_wait3A_509, %dma_wait3A_522] : memref<2x320000xi32, #tpu.memory_space<hbm>> -> memref<1x320000xi32, #tpu.memory_space<hbm>>
    %dma_wait3A_524 = tpu.memref_squeeze %dma_wait3A_523 : memref<1x320000xi32, #tpu.memory_space<hbm>> -> memref<320000xi32, #tpu.memory_space<hbm>>
    %dma_wait3A_525 = arith.constant 0 : i32
    %dma_wait3A_526 = tpu.memref_slice %dma_wait3A_524[%dma_wait3A_525] : memref<320000xi32, #tpu.memory_space<hbm>> -> memref<128xi32, #tpu.memory_space<hbm>>
    tpu.wait_dma2 semaphore(%arg10 : memref<!tpu.dma_semaphore, #tpu.memory_space<semaphore_mem>>) src(%dma_wait3A_526 : memref<128xi32, #tpu.memory_space<hbm>>) dst(%dma_wait3A_521 : memref<128xi32, #tpu.memory_space<vmem>>)
    %dma_wait3A_527 = arith.constant 1 : i32
    %dma_wait3A_528 = arith.constant 0 : i32
    %dma_wait3A_529 = arith.constant 0 : i32
    %dma_wait3A_530 = tpu.memref_slice %arg6[%dma_wait3A_528, %dma_wait3A_529] : memref<4x128xi32, #tpu.memory_space<vmem>> -> memref<1x128xi32, #tpu.memory_space<vmem>>
    %dma_wait3A_531 = tpu.memref_squeeze %dma_wait3A_530 : memref<1x128xi32, #tpu.memory_space<vmem>> -> memref<128xi32, #tpu.memory_space<vmem>>
    %dma_wait3A_532 = arith.constant 0 : i32
    %dma_wait3A_533 = tpu.memref_slice %arg3[%dma_wait3A_527, %dma_wait3A_532] : memref<2x320000xi32, #tpu.memory_space<hbm>> -> memref<1x320000xi32, #tpu.memory_space<hbm>>
    %dma_wait3A_534 = tpu.memref_squeeze %dma_wait3A_533 : memref<1x320000xi32, #tpu.memory_space<hbm>> -> memref<320000xi32, #tpu.memory_space<hbm>>
    %dma_wait3A_535 = arith.constant 0 : i32
    %dma_wait3A_536 = tpu.memref_slice %dma_wait3A_534[%dma_wait3A_535] : memref<320000xi32, #tpu.memory_space<hbm>> -> memref<128xi32, #tpu.memory_space<hbm>>
    %dma_wait3A_537 = arith.constant 0 : i32
    %dma_wait3A_538 = tpu.memref_slice %arg6[%dma_wait3A_528, %dma_wait3A_537] : memref<4x128xi32, #tpu.memory_space<vmem>> -> memref<1x128xi32, #tpu.memory_space<vmem>>
    %dma_wait3A_539 = tpu.memref_squeeze %dma_wait3A_538 : memref<1x128xi32, #tpu.memory_space<vmem>> -> memref<128xi32, #tpu.memory_space<vmem>>
    %dma_wait3A_540 = arith.constant 0 : i32
    %dma_wait3A_541 = tpu.memref_slice %arg3[%dma_wait3A_527, %dma_wait3A_540] : memref<2x320000xi32, #tpu.memory_space<hbm>> -> memref<1x320000xi32, #tpu.memory_space<hbm>>
    %dma_wait3A_542 = tpu.memref_squeeze %dma_wait3A_541 : memref<1x320000xi32, #tpu.memory_space<hbm>> -> memref<320000xi32, #tpu.memory_space<hbm>>
    %dma_wait3A_543 = arith.constant 0 : i32
    %dma_wait3A_544 = tpu.memref_slice %dma_wait3A_542[%dma_wait3A_543] : memref<320000xi32, #tpu.memory_space<hbm>> -> memref<128xi32, #tpu.memory_space<hbm>>
    tpu.wait_dma2 semaphore(%arg10 : memref<!tpu.dma_semaphore, #tpu.memory_space<semaphore_mem>>) src(%dma_wait3A_544 : memref<128xi32, #tpu.memory_space<hbm>>) dst(%dma_wait3A_539 : memref<128xi32, #tpu.memory_space<vmem>>)
    %dma_wait3A_545 = arith.constant 0 : i32
    %dma_wait3A_546 = arith.constant 0 : i32
    %dma_wait3A_547 = tpu.memref_slice %arg6[%dma_wait3A_545, %dma_wait3A_546] : memref<4x128xi32, #tpu.memory_space<vmem>> -> memref<1x128xi32, #tpu.memory_space<vmem>>
    %dma_wait3A_548 = tpu.memref_squeeze %dma_wait3A_547 : memref<1x128xi32, #tpu.memory_space<vmem>> -> memref<128xi32, #tpu.memory_space<vmem>>
    %dma_wait3A_549 = arith.constant 0 : i32
    %dma_wait3A_550 = arith.constant 0 : i32
    %dma_wait3A_551 = tpu.memref_slice %arg9[%dma_wait3A_549, %dma_wait3A_550] : memref<10240x128xf32, #tpu.memory_space<vmem_shared>> -> memref<10240x128xf32, #tpu.memory_space<vmem_shared>>
    tpu.wait_indirect_dma semaphore(%arg12 : memref<!tpu.dma_semaphore, #tpu.memory_space<semaphore_mem>>) src(%arg7 : memref<128x128xf32, #tpu.memory_space<vmem>>) dst(%dma_wait3A_551 : memref<10240x128xf32, #tpu.memory_space<vmem_shared>>)
    %dma_start3A_552 = arith.constant 0 : i32
    %dma_start3A_553 = arith.constant 0 : i32
    %dma_start3A_554 = tpu.memref_slice %arg5[%dma_start3A_552, %dma_start3A_553] : memref<4x128xi32, #tpu.memory_space<vmem>> -> memref<1x128xi32, #tpu.memory_space<vmem>>
    %dma_start3A_555 = tpu.memref_squeeze %dma_start3A_554 : memref<1x128xi32, #tpu.memory_space<vmem>> -> memref<128xi32, #tpu.memory_space<vmem>>
    %dma_start3A_556 = arith.constant 0 : i32
    %dma_start3A_557 = arith.constant 0 : i32
    %dma_start3A_558 = tpu.memref_slice %arg2[%dma_start3A_556, %dma_start3A_557] : memref<10240x128xf32, #tpu.memory_space<hbm>> -> memref<10240x128xf32, #tpu.memory_space<hbm>>
    tpu.enqueue_indirect_dma source(%dma_start3A_558 : memref<10240x128xf32, #tpu.memory_space<hbm>>) target(%arg7 : memref<128x128xf32, #tpu.memory_space<vmem>>) offsets(%dma_start3A_555 : memref<128xi32, #tpu.memory_space<vmem>>) semaphore(%arg11 : memref<!tpu.dma_semaphore, #tpu.memory_space<semaphore_mem>>)
    %dma_wait3A_559 = arith.constant 0 : i32
    %dma_wait3A_560 = arith.constant 0 : i32
    %dma_wait3A_561 = tpu.memref_slice %arg5[%dma_wait3A_559, %dma_wait3A_560] : memref<4x128xi32, #tpu.memory_space<vmem>> -> memref<1x128xi32, #tpu.memory_space<vmem>>
    %dma_wait3A_562 = tpu.memref_squeeze %dma_wait3A_561 : memref<1x128xi32, #tpu.memory_space<vmem>> -> memref<128xi32, #tpu.memory_space<vmem>>
    %dma_wait3A_563 = arith.constant 0 : i32
    %dma_wait3A_564 = arith.constant 0 : i32
    %dma_wait3A_565 = tpu.memref_slice %arg2[%dma_wait3A_563, %dma_wait3A_564] : memref<10240x128xf32, #tpu.memory_space<hbm>> -> memref<10240x128xf32, #tpu.memory_space<hbm>>
    tpu.wait_indirect_dma semaphore(%arg11 : memref<!tpu.dma_semaphore, #tpu.memory_space<semaphore_mem>>) src(%dma_wait3A_565 : memref<10240x128xf32, #tpu.memory_space<hbm>>) dst(%arg8 : memref<128x128xf32, #tpu.memory_space<vmem>>)
    %dma_start3A_566 = arith.constant 3 : i32
    %dma_start3A_567 = arith.constant 0 : i32
    %dma_start3A_568 = tpu.memref_slice %arg6[%dma_start3A_566, %dma_start3A_567] : memref<4x128xi32, #tpu.memory_space<vmem>> -> memref<1x128xi32, #tpu.memory_space<vmem>>
    %dma_start3A_569 = tpu.memref_squeeze %dma_start3A_568 : memref<1x128xi32, #tpu.memory_space<vmem>> -> memref<128xi32, #tpu.memory_space<vmem>>
    %dma_start3A_570 = arith.constant 0 : i32
    %dma_start3A_571 = arith.constant 0 : i32
    %dma_start3A_572 = tpu.memref_slice %arg9[%dma_start3A_570, %dma_start3A_571] : memref<10240x128xf32, #tpu.memory_space<vmem_shared>> -> memref<10240x128xf32, #tpu.memory_space<vmem_shared>>
    tpu.enqueue_indirect_dma source(%arg8 : memref<128x128xf32, #tpu.memory_space<vmem>>) target(%dma_start3A_572 : memref<10240x128xf32, #tpu.memory_space<vmem_shared>>) offsets(%dma_start3A_569 : memref<128xi32, #tpu.memory_space<vmem>>) semaphore(%arg12 : memref<!tpu.dma_semaphore, #tpu.memory_space<semaphore_mem>>) {add = true}
    %sub3A_573 = arith.constant 6 : i32
    %sub3A_574 = arith.subi %select_n3A, %sub3A_573 : i32
    %add3A_575 = arith.constant 2 : i32
    %add3A_576 = arith.addi %sub3A_574, %add3A_575 : i32
    %add3A_577 = arith.constant 2 : i32
    %add3A_578 = arith.addi %add3A_576, %add3A_577 : i32
    %mul3A_579 = arith.constant 128 : i32
    %mul3A_580 = arith.muli %add3A_578, %mul3A_579 : i32
    %add3A_581 = arith.addi %mul3A_4, %mul3A_580 : i32
    %dma_start3A_582 = arith.constant 0 : i32
    %dma_start3A_583 = arith.constant 2 : i32
    %dma_start3A_584 = arith.constant 0 : i32
    %dma_start3A_585 = tpu.memref_slice %arg5[%dma_start3A_583, %dma_start3A_584] : memref<4x128xi32, #tpu.memory_space<vmem>> -> memref<1x128xi32, #tpu.memory_space<vmem>>
    %dma_start3A_586 = tpu.memref_squeeze %dma_start3A_585 : memref<1x128xi32, #tpu.memory_space<vmem>> -> memref<128xi32, #tpu.memory_space<vmem>>
    %dma_start3A_587 = arith.constant 0 : i32
    %dma_start3A_588 = tpu.memref_slice %arg3[%dma_start3A_582, %dma_start3A_587] : memref<2x320000xi32, #tpu.memory_space<hbm>> -> memref<1x320000xi32, #tpu.memory_space<hbm>>
    %dma_start3A_589 = tpu.memref_squeeze %dma_start3A_588 : memref<1x320000xi32, #tpu.memory_space<hbm>> -> memref<320000xi32, #tpu.memory_space<hbm>>
    %dma_start3A_590 = tpu.memref_slice %dma_start3A_589[%add3A_581] : memref<320000xi32, #tpu.memory_space<hbm>> -> memref<128xi32, #tpu.memory_space<hbm>>
    %dma_start3A_591 = arith.constant 0 : i32
    %dma_start3A_592 = tpu.memref_slice %arg5[%dma_start3A_583, %dma_start3A_591] : memref<4x128xi32, #tpu.memory_space<vmem>> -> memref<1x128xi32, #tpu.memory_space<vmem>>
    %dma_start3A_593 = tpu.memref_squeeze %dma_start3A_592 : memref<1x128xi32, #tpu.memory_space<vmem>> -> memref<128xi32, #tpu.memory_space<vmem>>
    %dma_start3A_594 = arith.constant 0 : i32
    %dma_start3A_595 = tpu.memref_slice %arg3[%dma_start3A_582, %dma_start3A_594] : memref<2x320000xi32, #tpu.memory_space<hbm>> -> memref<1x320000xi32, #tpu.memory_space<hbm>>
    %dma_start3A_596 = tpu.memref_squeeze %dma_start3A_595 : memref<1x320000xi32, #tpu.memory_space<hbm>> -> memref<320000xi32, #tpu.memory_space<hbm>>
    %dma_start3A_597 = tpu.memref_slice %dma_start3A_596[%add3A_581] : memref<320000xi32, #tpu.memory_space<hbm>> -> memref<128xi32, #tpu.memory_space<hbm>>
    tpu.enqueue_dma source(%dma_start3A_597 : memref<128xi32, #tpu.memory_space<hbm>>) target(%dma_start3A_593 : memref<128xi32, #tpu.memory_space<vmem>>) target_semaphore(%arg10 : memref<!tpu.dma_semaphore, #tpu.memory_space<semaphore_mem>>)
    %mul3A_598 = arith.constant 128 : i32
    %mul3A_599 = arith.muli %add3A_578, %mul3A_598 : i32
    %add3A_600 = arith.addi %mul3A_4, %mul3A_599 : i32
    %dma_start3A_601 = arith.constant 1 : i32
    %dma_start3A_602 = arith.constant 2 : i32
    %dma_start3A_603 = arith.constant 0 : i32
    %dma_start3A_604 = tpu.memref_slice %arg6[%dma_start3A_602, %dma_start3A_603] : memref<4x128xi32, #tpu.memory_space<vmem>> -> memref<1x128xi32, #tpu.memory_space<vmem>>
    %dma_start3A_605 = tpu.memref_squeeze %dma_start3A_604 : memref<1x128xi32, #tpu.memory_space<vmem>> -> memref<128xi32, #tpu.memory_space<vmem>>
    %dma_start3A_606 = arith.constant 0 : i32
    %dma_start3A_607 = tpu.memref_slice %arg3[%dma_start3A_601, %dma_start3A_606] : memref<2x320000xi32, #tpu.memory_space<hbm>> -> memref<1x320000xi32, #tpu.memory_space<hbm>>
    %dma_start3A_608 = tpu.memref_squeeze %dma_start3A_607 : memref<1x320000xi32, #tpu.memory_space<hbm>> -> memref<320000xi32, #tpu.memory_space<hbm>>
    %dma_start3A_609 = tpu.memref_slice %dma_start3A_608[%add3A_600] : memref<320000xi32, #tpu.memory_space<hbm>> -> memref<128xi32, #tpu.memory_space<hbm>>
    %dma_start3A_610 = arith.constant 0 : i32
    %dma_start3A_611 = tpu.memref_slice %arg6[%dma_start3A_602, %dma_start3A_610] : memref<4x128xi32, #tpu.memory_space<vmem>> -> memref<1x128xi32, #tpu.memory_space<vmem>>
    %dma_start3A_612 = tpu.memref_squeeze %dma_start3A_611 : memref<1x128xi32, #tpu.memory_space<vmem>> -> memref<128xi32, #tpu.memory_space<vmem>>
    %dma_start3A_613 = arith.constant 0 : i32
    %dma_start3A_614 = tpu.memref_slice %arg3[%dma_start3A_601, %dma_start3A_613] : memref<2x320000xi32, #tpu.memory_space<hbm>> -> memref<1x320000xi32, #tpu.memory_space<hbm>>
    %dma_start3A_615 = tpu.memref_squeeze %dma_start3A_614 : memref<1x320000xi32, #tpu.memory_space<hbm>> -> memref<320000xi32, #tpu.memory_space<hbm>>
    %dma_start3A_616 = tpu.memref_slice %dma_start3A_615[%add3A_600] : memref<320000xi32, #tpu.memory_space<hbm>> -> memref<128xi32, #tpu.memory_space<hbm>>
    tpu.enqueue_dma source(%dma_start3A_616 : memref<128xi32, #tpu.memory_space<hbm>>) target(%dma_start3A_612 : memref<128xi32, #tpu.memory_space<vmem>>) target_semaphore(%arg10 : memref<!tpu.dma_semaphore, #tpu.memory_space<semaphore_mem>>)
    %dma_wait3A_617 = arith.constant 0 : i32
    %dma_wait3A_618 = arith.constant 1 : i32
    %dma_wait3A_619 = arith.constant 0 : i32
    %dma_wait3A_620 = tpu.memref_slice %arg5[%dma_wait3A_618, %dma_wait3A_619] : memref<4x128xi32, #tpu.memory_space<vmem>> -> memref<1x128xi32, #tpu.memory_space<vmem>>
    %dma_wait3A_621 = tpu.memref_squeeze %dma_wait3A_620 : memref<1x128xi32, #tpu.memory_space<vmem>> -> memref<128xi32, #tpu.memory_space<vmem>>
    %dma_wait3A_622 = arith.constant 0 : i32
    %dma_wait3A_623 = tpu.memref_slice %arg3[%dma_wait3A_617, %dma_wait3A_622] : memref<2x320000xi32, #tpu.memory_space<hbm>> -> memref<1x320000xi32, #tpu.memory_space<hbm>>
    %dma_wait3A_624 = tpu.memref_squeeze %dma_wait3A_623 : memref<1x320000xi32, #tpu.memory_space<hbm>> -> memref<320000xi32, #tpu.memory_space<hbm>>
    %dma_wait3A_625 = arith.constant 0 : i32
    %dma_wait3A_626 = tpu.memref_slice %dma_wait3A_624[%dma_wait3A_625] : memref<320000xi32, #tpu.memory_space<hbm>> -> memref<128xi32, #tpu.memory_space<hbm>>
    %dma_wait3A_627 = arith.constant 0 : i32
    %dma_wait3A_628 = tpu.memref_slice %arg5[%dma_wait3A_618, %dma_wait3A_627] : memref<4x128xi32, #tpu.memory_space<vmem>> -> memref<1x128xi32, #tpu.memory_space<vmem>>
    %dma_wait3A_629 = tpu.memref_squeeze %dma_wait3A_628 : memref<1x128xi32, #tpu.memory_space<vmem>> -> memref<128xi32, #tpu.memory_space<vmem>>
    %dma_wait3A_630 = arith.constant 0 : i32
    %dma_wait3A_631 = tpu.memref_slice %arg3[%dma_wait3A_617, %dma_wait3A_630] : memref<2x320000xi32, #tpu.memory_space<hbm>> -> memref<1x320000xi32, #tpu.memory_space<hbm>>
    %dma_wait3A_632 = tpu.memref_squeeze %dma_wait3A_631 : memref<1x320000xi32, #tpu.memory_space<hbm>> -> memref<320000xi32, #tpu.memory_space<hbm>>
    %dma_wait3A_633 = arith.constant 0 : i32
    %dma_wait3A_634 = tpu.memref_slice %dma_wait3A_632[%dma_wait3A_633] : memref<320000xi32, #tpu.memory_space<hbm>> -> memref<128xi32, #tpu.memory_space<hbm>>
    tpu.wait_dma2 semaphore(%arg10 : memref<!tpu.dma_semaphore, #tpu.memory_space<semaphore_mem>>) src(%dma_wait3A_634 : memref<128xi32, #tpu.memory_space<hbm>>) dst(%dma_wait3A_629 : memref<128xi32, #tpu.memory_space<vmem>>)
    %dma_wait3A_635 = arith.constant 1 : i32
    %dma_wait3A_636 = arith.constant 1 : i32
    %dma_wait3A_637 = arith.constant 0 : i32
    %dma_wait3A_638 = tpu.memref_slice %arg6[%dma_wait3A_636, %dma_wait3A_637] : memref<4x128xi32, #tpu.memory_space<vmem>> -> memref<1x128xi32, #tpu.memory_space<vmem>>
    %dma_wait3A_639 = tpu.memref_squeeze %dma_wait3A_638 : memref<1x128xi32, #tpu.memory_space<vmem>> -> memref<128xi32, #tpu.memory_space<vmem>>
    %dma_wait3A_640 = arith.constant 0 : i32
    %dma_wait3A_641 = tpu.memref_slice %arg3[%dma_wait3A_635, %dma_wait3A_640] : memref<2x320000xi32, #tpu.memory_space<hbm>> -> memref<1x320000xi32, #tpu.memory_space<hbm>>
    %dma_wait3A_642 = tpu.memref_squeeze %dma_wait3A_641 : memref<1x320000xi32, #tpu.memory_space<hbm>> -> memref<320000xi32, #tpu.memory_space<hbm>>
    %dma_wait3A_643 = arith.constant 0 : i32
    %dma_wait3A_644 = tpu.memref_slice %dma_wait3A_642[%dma_wait3A_643] : memref<320000xi32, #tpu.memory_space<hbm>> -> memref<128xi32, #tpu.memory_space<hbm>>
    %dma_wait3A_645 = arith.constant 0 : i32
    %dma_wait3A_646 = tpu.memref_slice %arg6[%dma_wait3A_636, %dma_wait3A_645] : memref<4x128xi32, #tpu.memory_space<vmem>> -> memref<1x128xi32, #tpu.memory_space<vmem>>
    %dma_wait3A_647 = tpu.memref_squeeze %dma_wait3A_646 : memref<1x128xi32, #tpu.memory_space<vmem>> -> memref<128xi32, #tpu.memory_space<vmem>>
    %dma_wait3A_648 = arith.constant 0 : i32
    %dma_wait3A_649 = tpu.memref_slice %arg3[%dma_wait3A_635, %dma_wait3A_648] : memref<2x320000xi32, #tpu.memory_space<hbm>> -> memref<1x320000xi32, #tpu.memory_space<hbm>>
    %dma_wait3A_650 = tpu.memref_squeeze %dma_wait3A_649 : memref<1x320000xi32, #tpu.memory_space<hbm>> -> memref<320000xi32, #tpu.memory_space<hbm>>
    %dma_wait3A_651 = arith.constant 0 : i32
    %dma_wait3A_652 = tpu.memref_slice %dma_wait3A_650[%dma_wait3A_651] : memref<320000xi32, #tpu.memory_space<hbm>> -> memref<128xi32, #tpu.memory_space<hbm>>
    tpu.wait_dma2 semaphore(%arg10 : memref<!tpu.dma_semaphore, #tpu.memory_space<semaphore_mem>>) src(%dma_wait3A_652 : memref<128xi32, #tpu.memory_space<hbm>>) dst(%dma_wait3A_647 : memref<128xi32, #tpu.memory_space<vmem>>)
    %dma_wait3A_653 = arith.constant 0 : i32
    %dma_wait3A_654 = arith.constant 0 : i32
    %dma_wait3A_655 = tpu.memref_slice %arg6[%dma_wait3A_653, %dma_wait3A_654] : memref<4x128xi32, #tpu.memory_space<vmem>> -> memref<1x128xi32, #tpu.memory_space<vmem>>
    %dma_wait3A_656 = tpu.memref_squeeze %dma_wait3A_655 : memref<1x128xi32, #tpu.memory_space<vmem>> -> memref<128xi32, #tpu.memory_space<vmem>>
    %dma_wait3A_657 = arith.constant 0 : i32
    %dma_wait3A_658 = arith.constant 0 : i32
    %dma_wait3A_659 = tpu.memref_slice %arg9[%dma_wait3A_657, %dma_wait3A_658] : memref<10240x128xf32, #tpu.memory_space<vmem_shared>> -> memref<10240x128xf32, #tpu.memory_space<vmem_shared>>
    tpu.wait_indirect_dma semaphore(%arg12 : memref<!tpu.dma_semaphore, #tpu.memory_space<semaphore_mem>>) src(%arg8 : memref<128x128xf32, #tpu.memory_space<vmem>>) dst(%dma_wait3A_659 : memref<10240x128xf32, #tpu.memory_space<vmem_shared>>)
    %dma_start3A_660 = arith.constant 1 : i32
    %dma_start3A_661 = arith.constant 0 : i32
    %dma_start3A_662 = tpu.memref_slice %arg5[%dma_start3A_660, %dma_start3A_661] : memref<4x128xi32, #tpu.memory_space<vmem>> -> memref<1x128xi32, #tpu.memory_space<vmem>>
    %dma_start3A_663 = tpu.memref_squeeze %dma_start3A_662 : memref<1x128xi32, #tpu.memory_space<vmem>> -> memref<128xi32, #tpu.memory_space<vmem>>
    %dma_start3A_664 = arith.constant 0 : i32
    %dma_start3A_665 = arith.constant 0 : i32
    %dma_start3A_666 = tpu.memref_slice %arg2[%dma_start3A_664, %dma_start3A_665] : memref<10240x128xf32, #tpu.memory_space<hbm>> -> memref<10240x128xf32, #tpu.memory_space<hbm>>
    tpu.enqueue_indirect_dma source(%dma_start3A_666 : memref<10240x128xf32, #tpu.memory_space<hbm>>) target(%arg8 : memref<128x128xf32, #tpu.memory_space<vmem>>) offsets(%dma_start3A_663 : memref<128xi32, #tpu.memory_space<vmem>>) semaphore(%arg11 : memref<!tpu.dma_semaphore, #tpu.memory_space<semaphore_mem>>)
    %dma_wait3A_667 = arith.constant 0 : i32
    %dma_wait3A_668 = arith.constant 0 : i32
    %dma_wait3A_669 = tpu.memref_slice %arg5[%dma_wait3A_667, %dma_wait3A_668] : memref<4x128xi32, #tpu.memory_space<vmem>> -> memref<1x128xi32, #tpu.memory_space<vmem>>
    %dma_wait3A_670 = tpu.memref_squeeze %dma_wait3A_669 : memref<1x128xi32, #tpu.memory_space<vmem>> -> memref<128xi32, #tpu.memory_space<vmem>>
    %dma_wait3A_671 = arith.constant 0 : i32
    %dma_wait3A_672 = arith.constant 0 : i32
    %dma_wait3A_673 = tpu.memref_slice %arg2[%dma_wait3A_671, %dma_wait3A_672] : memref<10240x128xf32, #tpu.memory_space<hbm>> -> memref<10240x128xf32, #tpu.memory_space<hbm>>
    tpu.wait_indirect_dma semaphore(%arg11 : memref<!tpu.dma_semaphore, #tpu.memory_space<semaphore_mem>>) src(%dma_wait3A_673 : memref<10240x128xf32, #tpu.memory_space<hbm>>) dst(%arg7 : memref<128x128xf32, #tpu.memory_space<vmem>>)
    %dma_start3A_674 = arith.constant 0 : i32
    %dma_start3A_675 = arith.constant 0 : i32
    %dma_start3A_676 = tpu.memref_slice %arg6[%dma_start3A_674, %dma_start3A_675] : memref<4x128xi32, #tpu.memory_space<vmem>> -> memref<1x128xi32, #tpu.memory_space<vmem>>
    %dma_start3A_677 = tpu.memref_squeeze %dma_start3A_676 : memref<1x128xi32, #tpu.memory_space<vmem>> -> memref<128xi32, #tpu.memory_space<vmem>>
    %dma_start3A_678 = arith.constant 0 : i32
    %dma_start3A_679 = arith.constant 0 : i32
    %dma_start3A_680 = tpu.memref_slice %arg9[%dma_start3A_678, %dma_start3A_679] : memref<10240x128xf32, #tpu.memory_space<vmem_shared>> -> memref<10240x128xf32, #tpu.memory_space<vmem_shared>>
    tpu.enqueue_indirect_dma source(%arg7 : memref<128x128xf32, #tpu.memory_space<vmem>>) target(%dma_start3A_680 : memref<10240x128xf32, #tpu.memory_space<vmem_shared>>) offsets(%dma_start3A_677 : memref<128xi32, #tpu.memory_space<vmem>>) semaphore(%arg12 : memref<!tpu.dma_semaphore, #tpu.memory_space<semaphore_mem>>) {add = true}
    %sub3A_681 = arith.constant 6 : i32
    %sub3A_682 = arith.subi %select_n3A, %sub3A_681 : i32
    %add3A_683 = arith.constant 3 : i32
    %add3A_684 = arith.addi %sub3A_682, %add3A_683 : i32
    %add3A_685 = arith.constant 2 : i32
    %add3A_686 = arith.addi %add3A_684, %add3A_685 : i32
    %mul3A_687 = arith.constant 128 : i32
    %mul3A_688 = arith.muli %add3A_686, %mul3A_687 : i32
    %add3A_689 = arith.addi %mul3A_4, %mul3A_688 : i32
    %dma_start3A_690 = arith.constant 0 : i32
    %dma_start3A_691 = arith.constant 3 : i32
    %dma_start3A_692 = arith.constant 0 : i32
    %dma_start3A_693 = tpu.memref_slice %arg5[%dma_start3A_691, %dma_start3A_692] : memref<4x128xi32, #tpu.memory_space<vmem>> -> memref<1x128xi32, #tpu.memory_space<vmem>>
    %dma_start3A_694 = tpu.memref_squeeze %dma_start3A_693 : memref<1x128xi32, #tpu.memory_space<vmem>> -> memref<128xi32, #tpu.memory_space<vmem>>
    %dma_start3A_695 = arith.constant 0 : i32
    %dma_start3A_696 = tpu.memref_slice %arg3[%dma_start3A_690, %dma_start3A_695] : memref<2x320000xi32, #tpu.memory_space<hbm>> -> memref<1x320000xi32, #tpu.memory_space<hbm>>
    %dma_start3A_697 = tpu.memref_squeeze %dma_start3A_696 : memref<1x320000xi32, #tpu.memory_space<hbm>> -> memref<320000xi32, #tpu.memory_space<hbm>>
    %dma_start3A_698 = tpu.memref_slice %dma_start3A_697[%add3A_689] : memref<320000xi32, #tpu.memory_space<hbm>> -> memref<128xi32, #tpu.memory_space<hbm>>
    %dma_start3A_699 = arith.constant 0 : i32
    %dma_start3A_700 = tpu.memref_slice %arg5[%dma_start3A_691, %dma_start3A_699] : memref<4x128xi32, #tpu.memory_space<vmem>> -> memref<1x128xi32, #tpu.memory_space<vmem>>
    %dma_start3A_701 = tpu.memref_squeeze %dma_start3A_700 : memref<1x128xi32, #tpu.memory_space<vmem>> -> memref<128xi32, #tpu.memory_space<vmem>>
    %dma_start3A_702 = arith.constant 0 : i32
    %dma_start3A_703 = tpu.memref_slice %arg3[%dma_start3A_690, %dma_start3A_702] : memref<2x320000xi32, #tpu.memory_space<hbm>> -> memref<1x320000xi32, #tpu.memory_space<hbm>>
    %dma_start3A_704 = tpu.memref_squeeze %dma_start3A_703 : memref<1x320000xi32, #tpu.memory_space<hbm>> -> memref<320000xi32, #tpu.memory_space<hbm>>
    %dma_start3A_705 = tpu.memref_slice %dma_start3A_704[%add3A_689] : memref<320000xi32, #tpu.memory_space<hbm>> -> memref<128xi32, #tpu.memory_space<hbm>>
    tpu.enqueue_dma source(%dma_start3A_705 : memref<128xi32, #tpu.memory_space<hbm>>) target(%dma_start3A_701 : memref<128xi32, #tpu.memory_space<vmem>>) target_semaphore(%arg10 : memref<!tpu.dma_semaphore, #tpu.memory_space<semaphore_mem>>)
    %mul3A_706 = arith.constant 128 : i32
    %mul3A_707 = arith.muli %add3A_686, %mul3A_706 : i32
    %add3A_708 = arith.addi %mul3A_4, %mul3A_707 : i32
    %dma_start3A_709 = arith.constant 1 : i32
    %dma_start3A_710 = arith.constant 3 : i32
    %dma_start3A_711 = arith.constant 0 : i32
    %dma_start3A_712 = tpu.memref_slice %arg6[%dma_start3A_710, %dma_start3A_711] : memref<4x128xi32, #tpu.memory_space<vmem>> -> memref<1x128xi32, #tpu.memory_space<vmem>>
    %dma_start3A_713 = tpu.memref_squeeze %dma_start3A_712 : memref<1x128xi32, #tpu.memory_space<vmem>> -> memref<128xi32, #tpu.memory_space<vmem>>
    %dma_start3A_714 = arith.constant 0 : i32
    %dma_start3A_715 = tpu.memref_slice %arg3[%dma_start3A_709, %dma_start3A_714] : memref<2x320000xi32, #tpu.memory_space<hbm>> -> memref<1x320000xi32, #tpu.memory_space<hbm>>
    %dma_start3A_716 = tpu.memref_squeeze %dma_start3A_715 : memref<1x320000xi32, #tpu.memory_space<hbm>> -> memref<320000xi32, #tpu.memory_space<hbm>>
    %dma_start3A_717 = tpu.memref_slice %dma_start3A_716[%add3A_708] : memref<320000xi32, #tpu.memory_space<hbm>> -> memref<128xi32, #tpu.memory_space<hbm>>
    %dma_start3A_718 = arith.constant 0 : i32
    %dma_start3A_719 = tpu.memref_slice %arg6[%dma_start3A_710, %dma_start3A_718] : memref<4x128xi32, #tpu.memory_space<vmem>> -> memref<1x128xi32, #tpu.memory_space<vmem>>
    %dma_start3A_720 = tpu.memref_squeeze %dma_start3A_719 : memref<1x128xi32, #tpu.memory_space<vmem>> -> memref<128xi32, #tpu.memory_space<vmem>>
    %dma_start3A_721 = arith.constant 0 : i32
    %dma_start3A_722 = tpu.memref_slice %arg3[%dma_start3A_709, %dma_start3A_721] : memref<2x320000xi32, #tpu.memory_space<hbm>> -> memref<1x320000xi32, #tpu.memory_space<hbm>>
    %dma_start3A_723 = tpu.memref_squeeze %dma_start3A_722 : memref<1x320000xi32, #tpu.memory_space<hbm>> -> memref<320000xi32, #tpu.memory_space<hbm>>
    %dma_start3A_724 = tpu.memref_slice %dma_start3A_723[%add3A_708] : memref<320000xi32, #tpu.memory_space<hbm>> -> memref<128xi32, #tpu.memory_space<hbm>>
    tpu.enqueue_dma source(%dma_start3A_724 : memref<128xi32, #tpu.memory_space<hbm>>) target(%dma_start3A_720 : memref<128xi32, #tpu.memory_space<vmem>>) target_semaphore(%arg10 : memref<!tpu.dma_semaphore, #tpu.memory_space<semaphore_mem>>)
    %dma_wait3A_725 = arith.constant 0 : i32
    %dma_wait3A_726 = arith.constant 2 : i32
    %dma_wait3A_727 = arith.constant 0 : i32
    %dma_wait3A_728 = tpu.memref_slice %arg5[%dma_wait3A_726, %dma_wait3A_727] : memref<4x128xi32, #tpu.memory_space<vmem>> -> memref<1x128xi32, #tpu.memory_space<vmem>>
    %dma_wait3A_729 = tpu.memref_squeeze %dma_wait3A_728 : memref<1x128xi32, #tpu.memory_space<vmem>> -> memref<128xi32, #tpu.memory_space<vmem>>
    %dma_wait3A_730 = arith.constant 0 : i32
    %dma_wait3A_731 = tpu.memref_slice %arg3[%dma_wait3A_725, %dma_wait3A_730] : memref<2x320000xi32, #tpu.memory_space<hbm>> -> memref<1x320000xi32, #tpu.memory_space<hbm>>
    %dma_wait3A_732 = tpu.memref_squeeze %dma_wait3A_731 : memref<1x320000xi32, #tpu.memory_space<hbm>> -> memref<320000xi32, #tpu.memory_space<hbm>>
    %dma_wait3A_733 = arith.constant 0 : i32
    %dma_wait3A_734 = tpu.memref_slice %dma_wait3A_732[%dma_wait3A_733] : memref<320000xi32, #tpu.memory_space<hbm>> -> memref<128xi32, #tpu.memory_space<hbm>>
    %dma_wait3A_735 = arith.constant 0 : i32
    %dma_wait3A_736 = tpu.memref_slice %arg5[%dma_wait3A_726, %dma_wait3A_735] : memref<4x128xi32, #tpu.memory_space<vmem>> -> memref<1x128xi32, #tpu.memory_space<vmem>>
    %dma_wait3A_737 = tpu.memref_squeeze %dma_wait3A_736 : memref<1x128xi32, #tpu.memory_space<vmem>> -> memref<128xi32, #tpu.memory_space<vmem>>
    %dma_wait3A_738 = arith.constant 0 : i32
    %dma_wait3A_739 = tpu.memref_slice %arg3[%dma_wait3A_725, %dma_wait3A_738] : memref<2x320000xi32, #tpu.memory_space<hbm>> -> memref<1x320000xi32, #tpu.memory_space<hbm>>
    %dma_wait3A_740 = tpu.memref_squeeze %dma_wait3A_739 : memref<1x320000xi32, #tpu.memory_space<hbm>> -> memref<320000xi32, #tpu.memory_space<hbm>>
    %dma_wait3A_741 = arith.constant 0 : i32
    %dma_wait3A_742 = tpu.memref_slice %dma_wait3A_740[%dma_wait3A_741] : memref<320000xi32, #tpu.memory_space<hbm>> -> memref<128xi32, #tpu.memory_space<hbm>>
    tpu.wait_dma2 semaphore(%arg10 : memref<!tpu.dma_semaphore, #tpu.memory_space<semaphore_mem>>) src(%dma_wait3A_742 : memref<128xi32, #tpu.memory_space<hbm>>) dst(%dma_wait3A_737 : memref<128xi32, #tpu.memory_space<vmem>>)
    %dma_wait3A_743 = arith.constant 1 : i32
    %dma_wait3A_744 = arith.constant 2 : i32
    %dma_wait3A_745 = arith.constant 0 : i32
    %dma_wait3A_746 = tpu.memref_slice %arg6[%dma_wait3A_744, %dma_wait3A_745] : memref<4x128xi32, #tpu.memory_space<vmem>> -> memref<1x128xi32, #tpu.memory_space<vmem>>
    %dma_wait3A_747 = tpu.memref_squeeze %dma_wait3A_746 : memref<1x128xi32, #tpu.memory_space<vmem>> -> memref<128xi32, #tpu.memory_space<vmem>>
    %dma_wait3A_748 = arith.constant 0 : i32
    %dma_wait3A_749 = tpu.memref_slice %arg3[%dma_wait3A_743, %dma_wait3A_748] : memref<2x320000xi32, #tpu.memory_space<hbm>> -> memref<1x320000xi32, #tpu.memory_space<hbm>>
    %dma_wait3A_750 = tpu.memref_squeeze %dma_wait3A_749 : memref<1x320000xi32, #tpu.memory_space<hbm>> -> memref<320000xi32, #tpu.memory_space<hbm>>
    %dma_wait3A_751 = arith.constant 0 : i32
    %dma_wait3A_752 = tpu.memref_slice %dma_wait3A_750[%dma_wait3A_751] : memref<320000xi32, #tpu.memory_space<hbm>> -> memref<128xi32, #tpu.memory_space<hbm>>
    %dma_wait3A_753 = arith.constant 0 : i32
    %dma_wait3A_754 = tpu.memref_slice %arg6[%dma_wait3A_744, %dma_wait3A_753] : memref<4x128xi32, #tpu.memory_space<vmem>> -> memref<1x128xi32, #tpu.memory_space<vmem>>
    %dma_wait3A_755 = tpu.memref_squeeze %dma_wait3A_754 : memref<1x128xi32, #tpu.memory_space<vmem>> -> memref<128xi32, #tpu.memory_space<vmem>>
    %dma_wait3A_756 = arith.constant 0 : i32
    %dma_wait3A_757 = tpu.memref_slice %arg3[%dma_wait3A_743, %dma_wait3A_756] : memref<2x320000xi32, #tpu.memory_space<hbm>> -> memref<1x320000xi32, #tpu.memory_space<hbm>>
    %dma_wait3A_758 = tpu.memref_squeeze %dma_wait3A_757 : memref<1x320000xi32, #tpu.memory_space<hbm>> -> memref<320000xi32, #tpu.memory_space<hbm>>
    %dma_wait3A_759 = arith.constant 0 : i32
    %dma_wait3A_760 = tpu.memref_slice %dma_wait3A_758[%dma_wait3A_759] : memref<320000xi32, #tpu.memory_space<hbm>> -> memref<128xi32, #tpu.memory_space<hbm>>
    tpu.wait_dma2 semaphore(%arg10 : memref<!tpu.dma_semaphore, #tpu.memory_space<semaphore_mem>>) src(%dma_wait3A_760 : memref<128xi32, #tpu.memory_space<hbm>>) dst(%dma_wait3A_755 : memref<128xi32, #tpu.memory_space<vmem>>)
    %dma_wait3A_761 = arith.constant 0 : i32
    %dma_wait3A_762 = arith.constant 0 : i32
    %dma_wait3A_763 = tpu.memref_slice %arg6[%dma_wait3A_761, %dma_wait3A_762] : memref<4x128xi32, #tpu.memory_space<vmem>> -> memref<1x128xi32, #tpu.memory_space<vmem>>
    %dma_wait3A_764 = tpu.memref_squeeze %dma_wait3A_763 : memref<1x128xi32, #tpu.memory_space<vmem>> -> memref<128xi32, #tpu.memory_space<vmem>>
    %dma_wait3A_765 = arith.constant 0 : i32
    %dma_wait3A_766 = arith.constant 0 : i32
    %dma_wait3A_767 = tpu.memref_slice %arg9[%dma_wait3A_765, %dma_wait3A_766] : memref<10240x128xf32, #tpu.memory_space<vmem_shared>> -> memref<10240x128xf32, #tpu.memory_space<vmem_shared>>
    tpu.wait_indirect_dma semaphore(%arg12 : memref<!tpu.dma_semaphore, #tpu.memory_space<semaphore_mem>>) src(%arg7 : memref<128x128xf32, #tpu.memory_space<vmem>>) dst(%dma_wait3A_767 : memref<10240x128xf32, #tpu.memory_space<vmem_shared>>)
    %dma_start3A_768 = arith.constant 2 : i32
    %dma_start3A_769 = arith.constant 0 : i32
    %dma_start3A_770 = tpu.memref_slice %arg5[%dma_start3A_768, %dma_start3A_769] : memref<4x128xi32, #tpu.memory_space<vmem>> -> memref<1x128xi32, #tpu.memory_space<vmem>>
    %dma_start3A_771 = tpu.memref_squeeze %dma_start3A_770 : memref<1x128xi32, #tpu.memory_space<vmem>> -> memref<128xi32, #tpu.memory_space<vmem>>
    %dma_start3A_772 = arith.constant 0 : i32
    %dma_start3A_773 = arith.constant 0 : i32
    %dma_start3A_774 = tpu.memref_slice %arg2[%dma_start3A_772, %dma_start3A_773] : memref<10240x128xf32, #tpu.memory_space<hbm>> -> memref<10240x128xf32, #tpu.memory_space<hbm>>
    tpu.enqueue_indirect_dma source(%dma_start3A_774 : memref<10240x128xf32, #tpu.memory_space<hbm>>) target(%arg7 : memref<128x128xf32, #tpu.memory_space<vmem>>) offsets(%dma_start3A_771 : memref<128xi32, #tpu.memory_space<vmem>>) semaphore(%arg11 : memref<!tpu.dma_semaphore, #tpu.memory_space<semaphore_mem>>)
    %dma_wait3A_775 = arith.constant 0 : i32
    %dma_wait3A_776 = arith.constant 0 : i32
    %dma_wait3A_777 = tpu.memref_slice %arg5[%dma_wait3A_775, %dma_wait3A_776] : memref<4x128xi32, #tpu.memory_space<vmem>> -> memref<1x128xi32, #tpu.memory_space<vmem>>
    %dma_wait3A_778 = tpu.memref_squeeze %dma_wait3A_777 : memref<1x128xi32, #tpu.memory_space<vmem>> -> memref<128xi32, #tpu.memory_space<vmem>>
    %dma_wait3A_779 = arith.constant 0 : i32
    %dma_wait3A_780 = arith.constant 0 : i32
    %dma_wait3A_781 = tpu.memref_slice %arg2[%dma_wait3A_779, %dma_wait3A_780] : memref<10240x128xf32, #tpu.memory_space<hbm>> -> memref<10240x128xf32, #tpu.memory_space<hbm>>
    tpu.wait_indirect_dma semaphore(%arg11 : memref<!tpu.dma_semaphore, #tpu.memory_space<semaphore_mem>>) src(%dma_wait3A_781 : memref<10240x128xf32, #tpu.memory_space<hbm>>) dst(%arg8 : memref<128x128xf32, #tpu.memory_space<vmem>>)
    %dma_start3A_782 = arith.constant 1 : i32
    %dma_start3A_783 = arith.constant 0 : i32
    %dma_start3A_784 = tpu.memref_slice %arg6[%dma_start3A_782, %dma_start3A_783] : memref<4x128xi32, #tpu.memory_space<vmem>> -> memref<1x128xi32, #tpu.memory_space<vmem>>
    %dma_start3A_785 = tpu.memref_squeeze %dma_start3A_784 : memref<1x128xi32, #tpu.memory_space<vmem>> -> memref<128xi32, #tpu.memory_space<vmem>>
    %dma_start3A_786 = arith.constant 0 : i32
    %dma_start3A_787 = arith.constant 0 : i32
    %dma_start3A_788 = tpu.memref_slice %arg9[%dma_start3A_786, %dma_start3A_787] : memref<10240x128xf32, #tpu.memory_space<vmem_shared>> -> memref<10240x128xf32, #tpu.memory_space<vmem_shared>>
    tpu.enqueue_indirect_dma source(%arg8 : memref<128x128xf32, #tpu.memory_space<vmem>>) target(%dma_start3A_788 : memref<10240x128xf32, #tpu.memory_space<vmem_shared>>) offsets(%dma_start3A_785 : memref<128xi32, #tpu.memory_space<vmem>>) semaphore(%arg12 : memref<!tpu.dma_semaphore, #tpu.memory_space<semaphore_mem>>) {add = true}
    %sub3A_789 = arith.constant 6 : i32
    %sub3A_790 = arith.subi %select_n3A, %sub3A_789 : i32
    %add3A_791 = arith.constant 4 : i32
    %add3A_792 = arith.addi %sub3A_790, %add3A_791 : i32
    %dma_wait3A_793 = arith.constant 0 : i32
    %dma_wait3A_794 = arith.constant 3 : i32
    %dma_wait3A_795 = arith.constant 0 : i32
    %dma_wait3A_796 = tpu.memref_slice %arg5[%dma_wait3A_794, %dma_wait3A_795] : memref<4x128xi32, #tpu.memory_space<vmem>> -> memref<1x128xi32, #tpu.memory_space<vmem>>
    %dma_wait3A_797 = tpu.memref_squeeze %dma_wait3A_796 : memref<1x128xi32, #tpu.memory_space<vmem>> -> memref<128xi32, #tpu.memory_space<vmem>>
    %dma_wait3A_798 = arith.constant 0 : i32
    %dma_wait3A_799 = tpu.memref_slice %arg3[%dma_wait3A_793, %dma_wait3A_798] : memref<2x320000xi32, #tpu.memory_space<hbm>> -> memref<1x320000xi32, #tpu.memory_space<hbm>>
    %dma_wait3A_800 = tpu.memref_squeeze %dma_wait3A_799 : memref<1x320000xi32, #tpu.memory_space<hbm>> -> memref<320000xi32, #tpu.memory_space<hbm>>
    %dma_wait3A_801 = arith.constant 0 : i32
    %dma_wait3A_802 = tpu.memref_slice %dma_wait3A_800[%dma_wait3A_801] : memref<320000xi32, #tpu.memory_space<hbm>> -> memref<128xi32, #tpu.memory_space<hbm>>
    %dma_wait3A_803 = arith.constant 0 : i32
    %dma_wait3A_804 = tpu.memref_slice %arg5[%dma_wait3A_794, %dma_wait3A_803] : memref<4x128xi32, #tpu.memory_space<vmem>> -> memref<1x128xi32, #tpu.memory_space<vmem>>
    %dma_wait3A_805 = tpu.memref_squeeze %dma_wait3A_804 : memref<1x128xi32, #tpu.memory_space<vmem>> -> memref<128xi32, #tpu.memory_space<vmem>>
    %dma_wait3A_806 = arith.constant 0 : i32
    %dma_wait3A_807 = tpu.memref_slice %arg3[%dma_wait3A_793, %dma_wait3A_806] : memref<2x320000xi32, #tpu.memory_space<hbm>> -> memref<1x320000xi32, #tpu.memory_space<hbm>>
    %dma_wait3A_808 = tpu.memref_squeeze %dma_wait3A_807 : memref<1x320000xi32, #tpu.memory_space<hbm>> -> memref<320000xi32, #tpu.memory_space<hbm>>
    %dma_wait3A_809 = arith.constant 0 : i32
    %dma_wait3A_810 = tpu.memref_slice %dma_wait3A_808[%dma_wait3A_809] : memref<320000xi32, #tpu.memory_space<hbm>> -> memref<128xi32, #tpu.memory_space<hbm>>
    tpu.wait_dma2 semaphore(%arg10 : memref<!tpu.dma_semaphore, #tpu.memory_space<semaphore_mem>>) src(%dma_wait3A_810 : memref<128xi32, #tpu.memory_space<hbm>>) dst(%dma_wait3A_805 : memref<128xi32, #tpu.memory_space<vmem>>)
    %dma_wait3A_811 = arith.constant 1 : i32
    %dma_wait3A_812 = arith.constant 3 : i32
    %dma_wait3A_813 = arith.constant 0 : i32
    %dma_wait3A_814 = tpu.memref_slice %arg6[%dma_wait3A_812, %dma_wait3A_813] : memref<4x128xi32, #tpu.memory_space<vmem>> -> memref<1x128xi32, #tpu.memory_space<vmem>>
    %dma_wait3A_815 = tpu.memref_squeeze %dma_wait3A_814 : memref<1x128xi32, #tpu.memory_space<vmem>> -> memref<128xi32, #tpu.memory_space<vmem>>
    %dma_wait3A_816 = arith.constant 0 : i32
    %dma_wait3A_817 = tpu.memref_slice %arg3[%dma_wait3A_811, %dma_wait3A_816] : memref<2x320000xi32, #tpu.memory_space<hbm>> -> memref<1x320000xi32, #tpu.memory_space<hbm>>
    %dma_wait3A_818 = tpu.memref_squeeze %dma_wait3A_817 : memref<1x320000xi32, #tpu.memory_space<hbm>> -> memref<320000xi32, #tpu.memory_space<hbm>>
    %dma_wait3A_819 = arith.constant 0 : i32
    %dma_wait3A_820 = tpu.memref_slice %dma_wait3A_818[%dma_wait3A_819] : memref<320000xi32, #tpu.memory_space<hbm>> -> memref<128xi32, #tpu.memory_space<hbm>>
    %dma_wait3A_821 = arith.constant 0 : i32
    %dma_wait3A_822 = tpu.memref_slice %arg6[%dma_wait3A_812, %dma_wait3A_821] : memref<4x128xi32, #tpu.memory_space<vmem>> -> memref<1x128xi32, #tpu.memory_space<vmem>>
    %dma_wait3A_823 = tpu.memref_squeeze %dma_wait3A_822 : memref<1x128xi32, #tpu.memory_space<vmem>> -> memref<128xi32, #tpu.memory_space<vmem>>
    %dma_wait3A_824 = arith.constant 0 : i32
    %dma_wait3A_825 = tpu.memref_slice %arg3[%dma_wait3A_811, %dma_wait3A_824] : memref<2x320000xi32, #tpu.memory_space<hbm>> -> memref<1x320000xi32, #tpu.memory_space<hbm>>
    %dma_wait3A_826 = tpu.memref_squeeze %dma_wait3A_825 : memref<1x320000xi32, #tpu.memory_space<hbm>> -> memref<320000xi32, #tpu.memory_space<hbm>>
    %dma_wait3A_827 = arith.constant 0 : i32
    %dma_wait3A_828 = tpu.memref_slice %dma_wait3A_826[%dma_wait3A_827] : memref<320000xi32, #tpu.memory_space<hbm>> -> memref<128xi32, #tpu.memory_space<hbm>>
    tpu.wait_dma2 semaphore(%arg10 : memref<!tpu.dma_semaphore, #tpu.memory_space<semaphore_mem>>) src(%dma_wait3A_828 : memref<128xi32, #tpu.memory_space<hbm>>) dst(%dma_wait3A_823 : memref<128xi32, #tpu.memory_space<vmem>>)
    %dma_wait3A_829 = arith.constant 0 : i32
    %dma_wait3A_830 = arith.constant 0 : i32
    %dma_wait3A_831 = tpu.memref_slice %arg6[%dma_wait3A_829, %dma_wait3A_830] : memref<4x128xi32, #tpu.memory_space<vmem>> -> memref<1x128xi32, #tpu.memory_space<vmem>>
    %dma_wait3A_832 = tpu.memref_squeeze %dma_wait3A_831 : memref<1x128xi32, #tpu.memory_space<vmem>> -> memref<128xi32, #tpu.memory_space<vmem>>
    %dma_wait3A_833 = arith.constant 0 : i32
    %dma_wait3A_834 = arith.constant 0 : i32
    %dma_wait3A_835 = tpu.memref_slice %arg9[%dma_wait3A_833, %dma_wait3A_834] : memref<10240x128xf32, #tpu.memory_space<vmem_shared>> -> memref<10240x128xf32, #tpu.memory_space<vmem_shared>>
    tpu.wait_indirect_dma semaphore(%arg12 : memref<!tpu.dma_semaphore, #tpu.memory_space<semaphore_mem>>) src(%arg8 : memref<128x128xf32, #tpu.memory_space<vmem>>) dst(%dma_wait3A_835 : memref<10240x128xf32, #tpu.memory_space<vmem_shared>>)
    %dma_start3A_836 = arith.constant 3 : i32
    %dma_start3A_837 = arith.constant 0 : i32
    %dma_start3A_838 = tpu.memref_slice %arg5[%dma_start3A_836, %dma_start3A_837] : memref<4x128xi32, #tpu.memory_space<vmem>> -> memref<1x128xi32, #tpu.memory_space<vmem>>
    %dma_start3A_839 = tpu.memref_squeeze %dma_start3A_838 : memref<1x128xi32, #tpu.memory_space<vmem>> -> memref<128xi32, #tpu.memory_space<vmem>>
    %dma_start3A_840 = arith.constant 0 : i32
    %dma_start3A_841 = arith.constant 0 : i32
    %dma_start3A_842 = tpu.memref_slice %arg2[%dma_start3A_840, %dma_start3A_841] : memref<10240x128xf32, #tpu.memory_space<hbm>> -> memref<10240x128xf32, #tpu.memory_space<hbm>>
    tpu.enqueue_indirect_dma source(%dma_start3A_842 : memref<10240x128xf32, #tpu.memory_space<hbm>>) target(%arg8 : memref<128x128xf32, #tpu.memory_space<vmem>>) offsets(%dma_start3A_839 : memref<128xi32, #tpu.memory_space<vmem>>) semaphore(%arg11 : memref<!tpu.dma_semaphore, #tpu.memory_space<semaphore_mem>>)
    %dma_wait3A_843 = arith.constant 0 : i32
    %dma_wait3A_844 = arith.constant 0 : i32
    %dma_wait3A_845 = tpu.memref_slice %arg5[%dma_wait3A_843, %dma_wait3A_844] : memref<4x128xi32, #tpu.memory_space<vmem>> -> memref<1x128xi32, #tpu.memory_space<vmem>>
    %dma_wait3A_846 = tpu.memref_squeeze %dma_wait3A_845 : memref<1x128xi32, #tpu.memory_space<vmem>> -> memref<128xi32, #tpu.memory_space<vmem>>
    %dma_wait3A_847 = arith.constant 0 : i32
    %dma_wait3A_848 = arith.constant 0 : i32
    %dma_wait3A_849 = tpu.memref_slice %arg2[%dma_wait3A_847, %dma_wait3A_848] : memref<10240x128xf32, #tpu.memory_space<hbm>> -> memref<10240x128xf32, #tpu.memory_space<hbm>>
    tpu.wait_indirect_dma semaphore(%arg11 : memref<!tpu.dma_semaphore, #tpu.memory_space<semaphore_mem>>) src(%dma_wait3A_849 : memref<10240x128xf32, #tpu.memory_space<hbm>>) dst(%arg7 : memref<128x128xf32, #tpu.memory_space<vmem>>)
    %dma_start3A_850 = arith.constant 2 : i32
    %dma_start3A_851 = arith.constant 0 : i32
    %dma_start3A_852 = tpu.memref_slice %arg6[%dma_start3A_850, %dma_start3A_851] : memref<4x128xi32, #tpu.memory_space<vmem>> -> memref<1x128xi32, #tpu.memory_space<vmem>>
    %dma_start3A_853 = tpu.memref_squeeze %dma_start3A_852 : memref<1x128xi32, #tpu.memory_space<vmem>> -> memref<128xi32, #tpu.memory_space<vmem>>
    %dma_start3A_854 = arith.constant 0 : i32
    %dma_start3A_855 = arith.constant 0 : i32
    %dma_start3A_856 = tpu.memref_slice %arg9[%dma_start3A_854, %dma_start3A_855] : memref<10240x128xf32, #tpu.memory_space<vmem_shared>> -> memref<10240x128xf32, #tpu.memory_space<vmem_shared>>
    tpu.enqueue_indirect_dma source(%arg7 : memref<128x128xf32, #tpu.memory_space<vmem>>) target(%dma_start3A_856 : memref<10240x128xf32, #tpu.memory_space<vmem_shared>>) offsets(%dma_start3A_853 : memref<128xi32, #tpu.memory_space<vmem>>) semaphore(%arg12 : memref<!tpu.dma_semaphore, #tpu.memory_space<semaphore_mem>>) {add = true}
    %sub3A_857 = arith.constant 6 : i32
    %sub3A_858 = arith.subi %select_n3A, %sub3A_857 : i32
    %add3A_859 = arith.constant 5 : i32
    %add3A_860 = arith.addi %sub3A_858, %add3A_859 : i32
    %dma_wait3A_861 = arith.constant 0 : i32
    %dma_wait3A_862 = arith.constant 0 : i32
    %dma_wait3A_863 = tpu.memref_slice %arg6[%dma_wait3A_861, %dma_wait3A_862] : memref<4x128xi32, #tpu.memory_space<vmem>> -> memref<1x128xi32, #tpu.memory_space<vmem>>
    %dma_wait3A_864 = tpu.memref_squeeze %dma_wait3A_863 : memref<1x128xi32, #tpu.memory_space<vmem>> -> memref<128xi32, #tpu.memory_space<vmem>>
    %dma_wait3A_865 = arith.constant 0 : i32
    %dma_wait3A_866 = arith.constant 0 : i32
    %dma_wait3A_867 = tpu.memref_slice %arg9[%dma_wait3A_865, %dma_wait3A_866] : memref<10240x128xf32, #tpu.memory_space<vmem_shared>> -> memref<10240x128xf32, #tpu.memory_space<vmem_shared>>
    tpu.wait_indirect_dma semaphore(%arg12 : memref<!tpu.dma_semaphore, #tpu.memory_space<semaphore_mem>>) src(%arg7 : memref<128x128xf32, #tpu.memory_space<vmem>>) dst(%dma_wait3A_867 : memref<10240x128xf32, #tpu.memory_space<vmem_shared>>)
    %dma_wait3A_868 = arith.constant 0 : i32
    %dma_wait3A_869 = arith.constant 0 : i32
    %dma_wait3A_870 = tpu.memref_slice %arg5[%dma_wait3A_868, %dma_wait3A_869] : memref<4x128xi32, #tpu.memory_space<vmem>> -> memref<1x128xi32, #tpu.memory_space<vmem>>
    %dma_wait3A_871 = tpu.memref_squeeze %dma_wait3A_870 : memref<1x128xi32, #tpu.memory_space<vmem>> -> memref<128xi32, #tpu.memory_space<vmem>>
    %dma_wait3A_872 = arith.constant 0 : i32
    %dma_wait3A_873 = arith.constant 0 : i32
    %dma_wait3A_874 = tpu.memref_slice %arg2[%dma_wait3A_872, %dma_wait3A_873] : memref<10240x128xf32, #tpu.memory_space<hbm>> -> memref<10240x128xf32, #tpu.memory_space<hbm>>
    tpu.wait_indirect_dma semaphore(%arg11 : memref<!tpu.dma_semaphore, #tpu.memory_space<semaphore_mem>>) src(%dma_wait3A_874 : memref<10240x128xf32, #tpu.memory_space<hbm>>) dst(%arg8 : memref<128x128xf32, #tpu.memory_space<vmem>>)
    %dma_start3A_875 = arith.constant 3 : i32
    %dma_start3A_876 = arith.constant 0 : i32
    %dma_start3A_877 = tpu.memref_slice %arg6[%dma_start3A_875, %dma_start3A_876] : memref<4x128xi32, #tpu.memory_space<vmem>> -> memref<1x128xi32, #tpu.memory_space<vmem>>
    %dma_start3A_878 = tpu.memref_squeeze %dma_start3A_877 : memref<1x128xi32, #tpu.memory_space<vmem>> -> memref<128xi32, #tpu.memory_space<vmem>>
    %dma_start3A_879 = arith.constant 0 : i32
    %dma_start3A_880 = arith.constant 0 : i32
    %dma_start3A_881 = tpu.memref_slice %arg9[%dma_start3A_879, %dma_start3A_880] : memref<10240x128xf32, #tpu.memory_space<vmem_shared>> -> memref<10240x128xf32, #tpu.memory_space<vmem_shared>>
    tpu.enqueue_indirect_dma source(%arg8 : memref<128x128xf32, #tpu.memory_space<vmem>>) target(%dma_start3A_881 : memref<10240x128xf32, #tpu.memory_space<vmem_shared>>) offsets(%dma_start3A_878 : memref<128xi32, #tpu.memory_space<vmem>>) semaphore(%arg12 : memref<!tpu.dma_semaphore, #tpu.memory_space<semaphore_mem>>) {add = true}
    %dma_wait3A_882 = arith.constant 0 : i32
    %dma_wait3A_883 = arith.constant 0 : i32
    %dma_wait3A_884 = tpu.memref_slice %arg6[%dma_wait3A_882, %dma_wait3A_883] : memref<4x128xi32, #tpu.memory_space<vmem>> -> memref<1x128xi32, #tpu.memory_space<vmem>>
    %dma_wait3A_885 = tpu.memref_squeeze %dma_wait3A_884 : memref<1x128xi32, #tpu.memory_space<vmem>> -> memref<128xi32, #tpu.memory_space<vmem>>
    %dma_wait3A_886 = arith.constant 0 : i32
    %dma_wait3A_887 = arith.constant 0 : i32
    %dma_wait3A_888 = tpu.memref_slice %arg9[%dma_wait3A_886, %dma_wait3A_887] : memref<10240x128xf32, #tpu.memory_space<vmem_shared>> -> memref<10240x128xf32, #tpu.memory_space<vmem_shared>>
    tpu.wait_indirect_dma semaphore(%arg12 : memref<!tpu.dma_semaphore, #tpu.memory_space<semaphore_mem>>) src(%arg8 : memref<128x128xf32, #tpu.memory_space<vmem>>) dst(%dma_wait3A_888 : memref<10240x128xf32, #tpu.memory_space<vmem_shared>>)
    %barrier3A_889 = arith.constant 0 : index
    tpu.barrier barrier_id(%barrier3A_889)
    %add3A_890 = arith.constant 0 : i32
    %add3A_891 = arith.addi %mul3A_0, %add3A_890 : i32
    "tpu.region"() ({
      %run_scoped3A = tpu.sem_alloc : memref<!tpu.dma_semaphore, #tpu.memory_space<semaphore_mem>>
      %dma_start3A_910 = arith.constant 0 : i32
      %dma_start3A_911 = tpu.memref_slice %arg9[%add3A_891, %dma_start3A_910] : memref<10240x128xf32, #tpu.memory_space<vmem_shared>> -> memref<128x128xf32, #tpu.memory_space<vmem_shared>>
      %dma_start3A_912 = arith.constant 0 : i32
      %dma_start3A_913 = tpu.memref_slice %arg9[%add3A_891, %dma_start3A_912] : memref<10240x128xf32, #tpu.memory_space<vmem_shared>> -> memref<128x128xf32, #tpu.memory_space<vmem_shared>>
      tpu.enqueue_dma source(%dma_start3A_913 : memref<128x128xf32, #tpu.memory_space<vmem_shared>>) target(%arg7 : memref<128x128xf32, #tpu.memory_space<vmem>>) target_semaphore(%run_scoped3A : memref<!tpu.dma_semaphore, #tpu.memory_space<semaphore_mem>>)
      %dma_wait3A_914 = arith.constant 0 : i32
      %dma_wait3A_915 = tpu.memref_slice %arg9[%add3A_891, %dma_wait3A_914] : memref<10240x128xf32, #tpu.memory_space<vmem_shared>> -> memref<128x128xf32, #tpu.memory_space<vmem_shared>>
      %dma_wait3A_916 = arith.constant 0 : i32
      %dma_wait3A_917 = tpu.memref_slice %arg9[%add3A_891, %dma_wait3A_916] : memref<10240x128xf32, #tpu.memory_space<vmem_shared>> -> memref<128x128xf32, #tpu.memory_space<vmem_shared>>
      tpu.wait_dma2 semaphore(%run_scoped3A : memref<!tpu.dma_semaphore, #tpu.memory_space<semaphore_mem>>) src(%dma_wait3A_917 : memref<128x128xf32, #tpu.memory_space<vmem_shared>>) dst(%arg7 : memref<128x128xf32, #tpu.memory_space<vmem>>)
      tpu.yield
    }) : () -> ()
    %add3A_892 = arith.constant 0 : i32
    %add3A_893 = arith.addi %mul3A_0, %add3A_892 : i32
    "tpu.region"() ({
      %run_scoped3A = tpu.sem_alloc : memref<!tpu.dma_semaphore, #tpu.memory_space<semaphore_mem>>
      %dma_start3A_910 = arith.constant 0 : i32
      %dma_start3A_911 = arith.constant 0 : i32
      %dma_start3A_912 = tpu.memref_slice %arg4[%arg0, %dma_start3A_910, %dma_start3A_911] : memref<2x10240x128xf32, #tpu.memory_space<hbm>> -> memref<1x10240x128xf32, #tpu.memory_space<hbm>>
      %dma_start3A_913 = tpu.memref_squeeze %dma_start3A_912 : memref<1x10240x128xf32, #tpu.memory_space<hbm>> -> memref<10240x128xf32, #tpu.memory_space<hbm>>
      %dma_start3A_914 = arith.constant 0 : i32
      %dma_start3A_915 = tpu.memref_slice %dma_start3A_913[%add3A_893, %dma_start3A_914] : memref<10240x128xf32, #tpu.memory_space<hbm>> -> memref<128x128xf32, #tpu.memory_space<hbm>>
      %dma_start3A_916 = arith.constant 0 : i32
      %dma_start3A_917 = arith.constant 0 : i32
      %dma_start3A_918 = tpu.memref_slice %arg4[%arg0, %dma_start3A_916, %dma_start3A_917] : memref<2x10240x128xf32, #tpu.memory_space<hbm>> -> memref<1x10240x128xf32, #tpu.memory_space<hbm>>
      %dma_start3A_919 = tpu.memref_squeeze %dma_start3A_918 : memref<1x10240x128xf32, #tpu.memory_space<hbm>> -> memref<10240x128xf32, #tpu.memory_space<hbm>>
      %dma_start3A_920 = arith.constant 0 : i32
      %dma_start3A_921 = tpu.memref_slice %dma_start3A_919[%add3A_893, %dma_start3A_920] : memref<10240x128xf32, #tpu.memory_space<hbm>> -> memref<128x128xf32, #tpu.memory_space<hbm>>
      tpu.enqueue_dma source(%arg7 : memref<128x128xf32, #tpu.memory_space<vmem>>) target(%dma_start3A_921 : memref<128x128xf32, #tpu.memory_space<hbm>>) target_semaphore(%run_scoped3A : memref<!tpu.dma_semaphore, #tpu.memory_space<semaphore_mem>>)
      %dma_wait3A_922 = arith.constant 0 : i32
      %dma_wait3A_923 = arith.constant 0 : i32
      %dma_wait3A_924 = tpu.memref_slice %arg4[%arg0, %dma_wait3A_922, %dma_wait3A_923] : memref<2x10240x128xf32, #tpu.memory_space<hbm>> -> memref<1x10240x128xf32, #tpu.memory_space<hbm>>
      %dma_wait3A_925 = tpu.memref_squeeze %dma_wait3A_924 : memref<1x10240x128xf32, #tpu.memory_space<hbm>> -> memref<10240x128xf32, #tpu.memory_space<hbm>>
      %dma_wait3A_926 = arith.constant 0 : i32
      %dma_wait3A_927 = tpu.memref_slice %dma_wait3A_925[%add3A_893, %dma_wait3A_926] : memref<10240x128xf32, #tpu.memory_space<hbm>> -> memref<128x128xf32, #tpu.memory_space<hbm>>
      %dma_wait3A_928 = arith.constant 0 : i32
      %dma_wait3A_929 = arith.constant 0 : i32
      %dma_wait3A_930 = tpu.memref_slice %arg4[%arg0, %dma_wait3A_928, %dma_wait3A_929] : memref<2x10240x128xf32, #tpu.memory_space<hbm>> -> memref<1x10240x128xf32, #tpu.memory_space<hbm>>
      %dma_wait3A_931 = tpu.memref_squeeze %dma_wait3A_930 : memref<1x10240x128xf32, #tpu.memory_space<hbm>> -> memref<10240x128xf32, #tpu.memory_space<hbm>>
      %dma_wait3A_932 = arith.constant 0 : i32
      %dma_wait3A_933 = tpu.memref_slice %dma_wait3A_931[%add3A_893, %dma_wait3A_932] : memref<10240x128xf32, #tpu.memory_space<hbm>> -> memref<128x128xf32, #tpu.memory_space<hbm>>
      tpu.wait_dma2 semaphore(%run_scoped3A : memref<!tpu.dma_semaphore, #tpu.memory_space<semaphore_mem>>) src(%arg7 : memref<128x128xf32, #tpu.memory_space<vmem>>) dst(%dma_wait3A_933 : memref<128x128xf32, #tpu.memory_space<hbm>>)
      tpu.yield
    }) : () -> ()
    %add3A_894 = arith.constant 128 : i32
    %add3A_895 = arith.addi %mul3A_0, %add3A_894 : i32
    "tpu.region"() ({
      %run_scoped3A = tpu.sem_alloc : memref<!tpu.dma_semaphore, #tpu.memory_space<semaphore_mem>>
      %dma_start3A_910 = arith.constant 0 : i32
      %dma_start3A_911 = tpu.memref_slice %arg9[%add3A_895, %dma_start3A_910] : memref<10240x128xf32, #tpu.memory_space<vmem_shared>> -> memref<128x128xf32, #tpu.memory_space<vmem_shared>>
      %dma_start3A_912 = arith.constant 0 : i32
      %dma_start3A_913 = tpu.memref_slice %arg9[%add3A_895, %dma_start3A_912] : memref<10240x128xf32, #tpu.memory_space<vmem_shared>> -> memref<128x128xf32, #tpu.memory_space<vmem_shared>>
      tpu.enqueue_dma source(%dma_start3A_913 : memref<128x128xf32, #tpu.memory_space<vmem_shared>>) target(%arg7 : memref<128x128xf32, #tpu.memory_space<vmem>>) target_semaphore(%run_scoped3A : memref<!tpu.dma_semaphore, #tpu.memory_space<semaphore_mem>>)
      %dma_wait3A_914 = arith.constant 0 : i32
      %dma_wait3A_915 = tpu.memref_slice %arg9[%add3A_895, %dma_wait3A_914] : memref<10240x128xf32, #tpu.memory_space<vmem_shared>> -> memref<128x128xf32, #tpu.memory_space<vmem_shared>>
      %dma_wait3A_916 = arith.constant 0 : i32
      %dma_wait3A_917 = tpu.memref_slice %arg9[%add3A_895, %dma_wait3A_916] : memref<10240x128xf32, #tpu.memory_space<vmem_shared>> -> memref<128x128xf32, #tpu.memory_space<vmem_shared>>
      tpu.wait_dma2 semaphore(%run_scoped3A : memref<!tpu.dma_semaphore, #tpu.memory_space<semaphore_mem>>) src(%dma_wait3A_917 : memref<128x128xf32, #tpu.memory_space<vmem_shared>>) dst(%arg7 : memref<128x128xf32, #tpu.memory_space<vmem>>)
      tpu.yield
    }) : () -> ()
    %add3A_896 = arith.constant 128 : i32
    %add3A_897 = arith.addi %mul3A_0, %add3A_896 : i32
    "tpu.region"() ({
      %run_scoped3A = tpu.sem_alloc : memref<!tpu.dma_semaphore, #tpu.memory_space<semaphore_mem>>
      %dma_start3A_910 = arith.constant 0 : i32
      %dma_start3A_911 = arith.constant 0 : i32
      %dma_start3A_912 = tpu.memref_slice %arg4[%arg0, %dma_start3A_910, %dma_start3A_911] : memref<2x10240x128xf32, #tpu.memory_space<hbm>> -> memref<1x10240x128xf32, #tpu.memory_space<hbm>>
      %dma_start3A_913 = tpu.memref_squeeze %dma_start3A_912 : memref<1x10240x128xf32, #tpu.memory_space<hbm>> -> memref<10240x128xf32, #tpu.memory_space<hbm>>
      %dma_start3A_914 = arith.constant 0 : i32
      %dma_start3A_915 = tpu.memref_slice %dma_start3A_913[%add3A_897, %dma_start3A_914] : memref<10240x128xf32, #tpu.memory_space<hbm>> -> memref<128x128xf32, #tpu.memory_space<hbm>>
      %dma_start3A_916 = arith.constant 0 : i32
      %dma_start3A_917 = arith.constant 0 : i32
      %dma_start3A_918 = tpu.memref_slice %arg4[%arg0, %dma_start3A_916, %dma_start3A_917] : memref<2x10240x128xf32, #tpu.memory_space<hbm>> -> memref<1x10240x128xf32, #tpu.memory_space<hbm>>
      %dma_start3A_919 = tpu.memref_squeeze %dma_start3A_918 : memref<1x10240x128xf32, #tpu.memory_space<hbm>> -> memref<10240x128xf32, #tpu.memory_space<hbm>>
      %dma_start3A_920 = arith.constant 0 : i32
      %dma_start3A_921 = tpu.memref_slice %dma_start3A_919[%add3A_897, %dma_start3A_920] : memref<10240x128xf32, #tpu.memory_space<hbm>> -> memref<128x128xf32, #tpu.memory_space<hbm>>
      tpu.enqueue_dma source(%arg7 : memref<128x128xf32, #tpu.memory_space<vmem>>) target(%dma_start3A_921 : memref<128x128xf32, #tpu.memory_space<hbm>>) target_semaphore(%run_scoped3A : memref<!tpu.dma_semaphore, #tpu.memory_space<semaphore_mem>>)
      %dma_wait3A_922 = arith.constant 0 : i32
      %dma_wait3A_923 = arith.constant 0 : i32
      %dma_wait3A_924 = tpu.memref_slice %arg4[%arg0, %dma_wait3A_922, %dma_wait3A_923] : memref<2x10240x128xf32, #tpu.memory_space<hbm>> -> memref<1x10240x128xf32, #tpu.memory_space<hbm>>
      %dma_wait3A_925 = tpu.memref_squeeze %dma_wait3A_924 : memref<1x10240x128xf32, #tpu.memory_space<hbm>> -> memref<10240x128xf32, #tpu.memory_space<hbm>>
      %dma_wait3A_926 = arith.constant 0 : i32
      %dma_wait3A_927 = tpu.memref_slice %dma_wait3A_925[%add3A_897, %dma_wait3A_926] : memref<10240x128xf32, #tpu.memory_space<hbm>> -> memref<128x128xf32, #tpu.memory_space<hbm>>
      %dma_wait3A_928 = arith.constant 0 : i32
      %dma_wait3A_929 = arith.constant 0 : i32
      %dma_wait3A_930 = tpu.memref_slice %arg4[%arg0, %dma_wait3A_928, %dma_wait3A_929] : memref<2x10240x128xf32, #tpu.memory_space<hbm>> -> memref<1x10240x128xf32, #tpu.memory_space<hbm>>
      %dma_wait3A_931 = tpu.memref_squeeze %dma_wait3A_930 : memref<1x10240x128xf32, #tpu.memory_space<hbm>> -> memref<10240x128xf32, #tpu.memory_space<hbm>>
      %dma_wait3A_932 = arith.constant 0 : i32
      %dma_wait3A_933 = tpu.memref_slice %dma_wait3A_931[%add3A_897, %dma_wait3A_932] : memref<10240x128xf32, #tpu.memory_space<hbm>> -> memref<128x128xf32, #tpu.memory_space<hbm>>
      tpu.wait_dma2 semaphore(%run_scoped3A : memref<!tpu.dma_semaphore, #tpu.memory_space<semaphore_mem>>) src(%arg7 : memref<128x128xf32, #tpu.memory_space<vmem>>) dst(%dma_wait3A_933 : memref<128x128xf32, #tpu.memory_space<hbm>>)
      tpu.yield
    }) : () -> ()
    %add3A_898 = arith.constant 256 : i32
    %add3A_899 = arith.addi %mul3A_0, %add3A_898 : i32
    "tpu.region"() ({
      %run_scoped3A = tpu.sem_alloc : memref<!tpu.dma_semaphore, #tpu.memory_space<semaphore_mem>>
      %dma_start3A_910 = arith.constant 0 : i32
      %dma_start3A_911 = tpu.memref_slice %arg9[%add3A_899, %dma_start3A_910] : memref<10240x128xf32, #tpu.memory_space<vmem_shared>> -> memref<128x128xf32, #tpu.memory_space<vmem_shared>>
      %dma_start3A_912 = arith.constant 0 : i32
      %dma_start3A_913 = tpu.memref_slice %arg9[%add3A_899, %dma_start3A_912] : memref<10240x128xf32, #tpu.memory_space<vmem_shared>> -> memref<128x128xf32, #tpu.memory_space<vmem_shared>>
      tpu.enqueue_dma source(%dma_start3A_913 : memref<128x128xf32, #tpu.memory_space<vmem_shared>>) target(%arg7 : memref<128x128xf32, #tpu.memory_space<vmem>>) target_semaphore(%run_scoped3A : memref<!tpu.dma_semaphore, #tpu.memory_space<semaphore_mem>>)
      %dma_wait3A_914 = arith.constant 0 : i32
      %dma_wait3A_915 = tpu.memref_slice %arg9[%add3A_899, %dma_wait3A_914] : memref<10240x128xf32, #tpu.memory_space<vmem_shared>> -> memref<128x128xf32, #tpu.memory_space<vmem_shared>>
      %dma_wait3A_916 = arith.constant 0 : i32
      %dma_wait3A_917 = tpu.memref_slice %arg9[%add3A_899, %dma_wait3A_916] : memref<10240x128xf32, #tpu.memory_space<vmem_shared>> -> memref<128x128xf32, #tpu.memory_space<vmem_shared>>
      tpu.wait_dma2 semaphore(%run_scoped3A : memref<!tpu.dma_semaphore, #tpu.memory_space<semaphore_mem>>) src(%dma_wait3A_917 : memref<128x128xf32, #tpu.memory_space<vmem_shared>>) dst(%arg7 : memref<128x128xf32, #tpu.memory_space<vmem>>)
      tpu.yield
    }) : () -> ()
    %add3A_900 = arith.constant 256 : i32
    %add3A_901 = arith.addi %mul3A_0, %add3A_900 : i32
    "tpu.region"() ({
      %run_scoped3A = tpu.sem_alloc : memref<!tpu.dma_semaphore, #tpu.memory_space<semaphore_mem>>
      %dma_start3A_910 = arith.constant 0 : i32
      %dma_start3A_911 = arith.constant 0 : i32
      %dma_start3A_912 = tpu.memref_slice %arg4[%arg0, %dma_start3A_910, %dma_start3A_911] : memref<2x10240x128xf32, #tpu.memory_space<hbm>> -> memref<1x10240x128xf32, #tpu.memory_space<hbm>>
      %dma_start3A_913 = tpu.memref_squeeze %dma_start3A_912 : memref<1x10240x128xf32, #tpu.memory_space<hbm>> -> memref<10240x128xf32, #tpu.memory_space<hbm>>
      %dma_start3A_914 = arith.constant 0 : i32
      %dma_start3A_915 = tpu.memref_slice %dma_start3A_913[%add3A_901, %dma_start3A_914] : memref<10240x128xf32, #tpu.memory_space<hbm>> -> memref<128x128xf32, #tpu.memory_space<hbm>>
      %dma_start3A_916 = arith.constant 0 : i32
      %dma_start3A_917 = arith.constant 0 : i32
      %dma_start3A_918 = tpu.memref_slice %arg4[%arg0, %dma_start3A_916, %dma_start3A_917] : memref<2x10240x128xf32, #tpu.memory_space<hbm>> -> memref<1x10240x128xf32, #tpu.memory_space<hbm>>
      %dma_start3A_919 = tpu.memref_squeeze %dma_start3A_918 : memref<1x10240x128xf32, #tpu.memory_space<hbm>> -> memref<10240x128xf32, #tpu.memory_space<hbm>>
      %dma_start3A_920 = arith.constant 0 : i32
      %dma_start3A_921 = tpu.memref_slice %dma_start3A_919[%add3A_901, %dma_start3A_920] : memref<10240x128xf32, #tpu.memory_space<hbm>> -> memref<128x128xf32, #tpu.memory_space<hbm>>
      tpu.enqueue_dma source(%arg7 : memref<128x128xf32, #tpu.memory_space<vmem>>) target(%dma_start3A_921 : memref<128x128xf32, #tpu.memory_space<hbm>>) target_semaphore(%run_scoped3A : memref<!tpu.dma_semaphore, #tpu.memory_space<semaphore_mem>>)
      %dma_wait3A_922 = arith.constant 0 : i32
      %dma_wait3A_923 = arith.constant 0 : i32
      %dma_wait3A_924 = tpu.memref_slice %arg4[%arg0, %dma_wait3A_922, %dma_wait3A_923] : memref<2x10240x128xf32, #tpu.memory_space<hbm>> -> memref<1x10240x128xf32, #tpu.memory_space<hbm>>
      %dma_wait3A_925 = tpu.memref_squeeze %dma_wait3A_924 : memref<1x10240x128xf32, #tpu.memory_space<hbm>> -> memref<10240x128xf32, #tpu.memory_space<hbm>>
      %dma_wait3A_926 = arith.constant 0 : i32
      %dma_wait3A_927 = tpu.memref_slice %dma_wait3A_925[%add3A_901, %dma_wait3A_926] : memref<10240x128xf32, #tpu.memory_space<hbm>> -> memref<128x128xf32, #tpu.memory_space<hbm>>
      %dma_wait3A_928 = arith.constant 0 : i32
      %dma_wait3A_929 = arith.constant 0 : i32
      %dma_wait3A_930 = tpu.memref_slice %arg4[%arg0, %dma_wait3A_928, %dma_wait3A_929] : memref<2x10240x128xf32, #tpu.memory_space<hbm>> -> memref<1x10240x128xf32, #tpu.memory_space<hbm>>
      %dma_wait3A_931 = tpu.memref_squeeze %dma_wait3A_930 : memref<1x10240x128xf32, #tpu.memory_space<hbm>> -> memref<10240x128xf32, #tpu.memory_space<hbm>>
      %dma_wait3A_932 = arith.constant 0 : i32
      %dma_wait3A_933 = tpu.memref_slice %dma_wait3A_931[%add3A_901, %dma_wait3A_932] : memref<10240x128xf32, #tpu.memory_space<hbm>> -> memref<128x128xf32, #tpu.memory_space<hbm>>
      tpu.wait_dma2 semaphore(%run_scoped3A : memref<!tpu.dma_semaphore, #tpu.memory_space<semaphore_mem>>) src(%arg7 : memref<128x128xf32, #tpu.memory_space<vmem>>) dst(%dma_wait3A_933 : memref<128x128xf32, #tpu.memory_space<hbm>>)
      tpu.yield
    }) : () -> ()
    %add3A_902 = arith.constant 384 : i32
    %add3A_903 = arith.addi %mul3A_0, %add3A_902 : i32
    "tpu.region"() ({
      %run_scoped3A = tpu.sem_alloc : memref<!tpu.dma_semaphore, #tpu.memory_space<semaphore_mem>>
      %dma_start3A_910 = arith.constant 0 : i32
      %dma_start3A_911 = tpu.memref_slice %arg9[%add3A_903, %dma_start3A_910] : memref<10240x128xf32, #tpu.memory_space<vmem_shared>> -> memref<128x128xf32, #tpu.memory_space<vmem_shared>>
      %dma_start3A_912 = arith.constant 0 : i32
      %dma_start3A_913 = tpu.memref_slice %arg9[%add3A_903, %dma_start3A_912] : memref<10240x128xf32, #tpu.memory_space<vmem_shared>> -> memref<128x128xf32, #tpu.memory_space<vmem_shared>>
      tpu.enqueue_dma source(%dma_start3A_913 : memref<128x128xf32, #tpu.memory_space<vmem_shared>>) target(%arg7 : memref<128x128xf32, #tpu.memory_space<vmem>>) target_semaphore(%run_scoped3A : memref<!tpu.dma_semaphore, #tpu.memory_space<semaphore_mem>>)
      %dma_wait3A_914 = arith.constant 0 : i32
      %dma_wait3A_915 = tpu.memref_slice %arg9[%add3A_903, %dma_wait3A_914] : memref<10240x128xf32, #tpu.memory_space<vmem_shared>> -> memref<128x128xf32, #tpu.memory_space<vmem_shared>>
      %dma_wait3A_916 = arith.constant 0 : i32
      %dma_wait3A_917 = tpu.memref_slice %arg9[%add3A_903, %dma_wait3A_916] : memref<10240x128xf32, #tpu.memory_space<vmem_shared>> -> memref<128x128xf32, #tpu.memory_space<vmem_shared>>
      tpu.wait_dma2 semaphore(%run_scoped3A : memref<!tpu.dma_semaphore, #tpu.memory_space<semaphore_mem>>) src(%dma_wait3A_917 : memref<128x128xf32, #tpu.memory_space<vmem_shared>>) dst(%arg7 : memref<128x128xf32, #tpu.memory_space<vmem>>)
      tpu.yield
    }) : () -> ()
    %add3A_904 = arith.constant 384 : i32
    %add3A_905 = arith.addi %mul3A_0, %add3A_904 : i32
    "tpu.region"() ({
      %run_scoped3A = tpu.sem_alloc : memref<!tpu.dma_semaphore, #tpu.memory_space<semaphore_mem>>
      %dma_start3A_910 = arith.constant 0 : i32
      %dma_start3A_911 = arith.constant 0 : i32
      %dma_start3A_912 = tpu.memref_slice %arg4[%arg0, %dma_start3A_910, %dma_start3A_911] : memref<2x10240x128xf32, #tpu.memory_space<hbm>> -> memref<1x10240x128xf32, #tpu.memory_space<hbm>>
      %dma_start3A_913 = tpu.memref_squeeze %dma_start3A_912 : memref<1x10240x128xf32, #tpu.memory_space<hbm>> -> memref<10240x128xf32, #tpu.memory_space<hbm>>
      %dma_start3A_914 = arith.constant 0 : i32
      %dma_start3A_915 = tpu.memref_slice %dma_start3A_913[%add3A_905, %dma_start3A_914] : memref<10240x128xf32, #tpu.memory_space<hbm>> -> memref<128x128xf32, #tpu.memory_space<hbm>>
      %dma_start3A_916 = arith.constant 0 : i32
      %dma_start3A_917 = arith.constant 0 : i32
      %dma_start3A_918 = tpu.memref_slice %arg4[%arg0, %dma_start3A_916, %dma_start3A_917] : memref<2x10240x128xf32, #tpu.memory_space<hbm>> -> memref<1x10240x128xf32, #tpu.memory_space<hbm>>
      %dma_start3A_919 = tpu.memref_squeeze %dma_start3A_918 : memref<1x10240x128xf32, #tpu.memory_space<hbm>> -> memref<10240x128xf32, #tpu.memory_space<hbm>>
      %dma_start3A_920 = arith.constant 0 : i32
      %dma_start3A_921 = tpu.memref_slice %dma_start3A_919[%add3A_905, %dma_start3A_920] : memref<10240x128xf32, #tpu.memory_space<hbm>> -> memref<128x128xf32, #tpu.memory_space<hbm>>
      tpu.enqueue_dma source(%arg7 : memref<128x128xf32, #tpu.memory_space<vmem>>) target(%dma_start3A_921 : memref<128x128xf32, #tpu.memory_space<hbm>>) target_semaphore(%run_scoped3A : memref<!tpu.dma_semaphore, #tpu.memory_space<semaphore_mem>>)
      %dma_wait3A_922 = arith.constant 0 : i32
      %dma_wait3A_923 = arith.constant 0 : i32
      %dma_wait3A_924 = tpu.memref_slice %arg4[%arg0, %dma_wait3A_922, %dma_wait3A_923] : memref<2x10240x128xf32, #tpu.memory_space<hbm>> -> memref<1x10240x128xf32, #tpu.memory_space<hbm>>
      %dma_wait3A_925 = tpu.memref_squeeze %dma_wait3A_924 : memref<1x10240x128xf32, #tpu.memory_space<hbm>> -> memref<10240x128xf32, #tpu.memory_space<hbm>>
      %dma_wait3A_926 = arith.constant 0 : i32
      %dma_wait3A_927 = tpu.memref_slice %dma_wait3A_925[%add3A_905, %dma_wait3A_926] : memref<10240x128xf32, #tpu.memory_space<hbm>> -> memref<128x128xf32, #tpu.memory_space<hbm>>
      %dma_wait3A_928 = arith.constant 0 : i32
      %dma_wait3A_929 = arith.constant 0 : i32
      %dma_wait3A_930 = tpu.memref_slice %arg4[%arg0, %dma_wait3A_928, %dma_wait3A_929] : memref<2x10240x128xf32, #tpu.memory_space<hbm>> -> memref<1x10240x128xf32, #tpu.memory_space<hbm>>
      %dma_wait3A_931 = tpu.memref_squeeze %dma_wait3A_930 : memref<1x10240x128xf32, #tpu.memory_space<hbm>> -> memref<10240x128xf32, #tpu.memory_space<hbm>>
      %dma_wait3A_932 = arith.constant 0 : i32
      %dma_wait3A_933 = tpu.memref_slice %dma_wait3A_931[%add3A_905, %dma_wait3A_932] : memref<10240x128xf32, #tpu.memory_space<hbm>> -> memref<128x128xf32, #tpu.memory_space<hbm>>
      tpu.wait_dma2 semaphore(%run_scoped3A : memref<!tpu.dma_semaphore, #tpu.memory_space<semaphore_mem>>) src(%arg7 : memref<128x128xf32, #tpu.memory_space<vmem>>) dst(%dma_wait3A_933 : memref<128x128xf32, #tpu.memory_space<hbm>>)
      tpu.yield
    }) : () -> ()
    %add3A_906 = arith.constant 512 : i32
    %add3A_907 = arith.addi %mul3A_0, %add3A_906 : i32
    "tpu.region"() ({
      %run_scoped3A = tpu.sem_alloc : memref<!tpu.dma_semaphore, #tpu.memory_space<semaphore_mem>>
      %dma_start3A_910 = arith.constant 0 : i32
      %dma_start3A_911 = tpu.memref_slice %arg9[%add3A_907, %dma_start3A_910] : memref<10240x128xf32, #tpu.memory_space<vmem_shared>> -> memref<128x128xf32, #tpu.memory_space<vmem_shared>>
      %dma_start3A_912 = arith.constant 0 : i32
      %dma_start3A_913 = tpu.memref_slice %arg9[%add3A_907, %dma_start3A_912] : memref<10240x128xf32, #tpu.memory_space<vmem_shared>> -> memref<128x128xf32, #tpu.memory_space<vmem_shared>>
      tpu.enqueue_dma source(%dma_start3A_913 : memref<128x128xf32, #tpu.memory_space<vmem_shared>>) target(%arg7 : memref<128x128xf32, #tpu.memory_space<vmem>>) target_semaphore(%run_scoped3A : memref<!tpu.dma_semaphore, #tpu.memory_space<semaphore_mem>>)
      %dma_wait3A_914 = arith.constant 0 : i32
      %dma_wait3A_915 = tpu.memref_slice %arg9[%add3A_907, %dma_wait3A_914] : memref<10240x128xf32, #tpu.memory_space<vmem_shared>> -> memref<128x128xf32, #tpu.memory_space<vmem_shared>>
      %dma_wait3A_916 = arith.constant 0 : i32
      %dma_wait3A_917 = tpu.memref_slice %arg9[%add3A_907, %dma_wait3A_916] : memref<10240x128xf32, #tpu.memory_space<vmem_shared>> -> memref<128x128xf32, #tpu.memory_space<vmem_shared>>
      tpu.wait_dma2 semaphore(%run_scoped3A : memref<!tpu.dma_semaphore, #tpu.memory_space<semaphore_mem>>) src(%dma_wait3A_917 : memref<128x128xf32, #tpu.memory_space<vmem_shared>>) dst(%arg7 : memref<128x128xf32, #tpu.memory_space<vmem>>)
      tpu.yield
    }) : () -> ()
    %add3A_908 = arith.constant 512 : i32
    %add3A_909 = arith.addi %mul3A_0, %add3A_908 : i32
    "tpu.region"() ({
      %run_scoped3A = tpu.sem_alloc : memref<!tpu.dma_semaphore, #tpu.memory_space<semaphore_mem>>
      %dma_start3A_910 = arith.constant 0 : i32
      %dma_start3A_911 = arith.constant 0 : i32
      %dma_start3A_912 = tpu.memref_slice %arg4[%arg0, %dma_start3A_910, %dma_start3A_911] : memref<2x10240x128xf32, #tpu.memory_space<hbm>> -> memref<1x10240x128xf32, #tpu.memory_space<hbm>>
      %dma_start3A_913 = tpu.memref_squeeze %dma_start3A_912 : memref<1x10240x128xf32, #tpu.memory_space<hbm>> -> memref<10240x128xf32, #tpu.memory_space<hbm>>
      %dma_start3A_914 = arith.constant 0 : i32
      %dma_start3A_915 = tpu.memref_slice %dma_start3A_913[%add3A_909, %dma_start3A_914] : memref<10240x128xf32, #tpu.memory_space<hbm>> -> memref<128x128xf32, #tpu.memory_space<hbm>>
      %dma_start3A_916 = arith.constant 0 : i32
      %dma_start3A_917 = arith.constant 0 : i32
      %dma_start3A_918 = tpu.memref_slice %arg4[%arg0, %dma_start3A_916, %dma_start3A_917] : memref<2x10240x128xf32, #tpu.memory_space<hbm>> -> memref<1x10240x128xf32, #tpu.memory_space<hbm>>
      %dma_start3A_919 = tpu.memref_squeeze %dma_start3A_918 : memref<1x10240x128xf32, #tpu.memory_space<hbm>> -> memref<10240x128xf32, #tpu.memory_space<hbm>>
      %dma_start3A_920 = arith.constant 0 : i32
      %dma_start3A_921 = tpu.memref_slice %dma_start3A_919[%add3A_909, %dma_start3A_920] : memref<10240x128xf32, #tpu.memory_space<hbm>> -> memref<128x128xf32, #tpu.memory_space<hbm>>
      tpu.enqueue_dma source(%arg7 : memref<128x128xf32, #tpu.memory_space<vmem>>) target(%dma_start3A_921 : memref<128x128xf32, #tpu.memory_space<hbm>>) target_semaphore(%run_scoped3A : memref<!tpu.dma_semaphore, #tpu.memory_space<semaphore_mem>>)
      %dma_wait3A_922 = arith.constant 0 : i32
      %dma_wait3A_923 = arith.constant 0 : i32
      %dma_wait3A_924 = tpu.memref_slice %arg4[%arg0, %dma_wait3A_922, %dma_wait3A_923] : memref<2x10240x128xf32, #tpu.memory_space<hbm>> -> memref<1x10240x128xf32, #tpu.memory_space<hbm>>
      %dma_wait3A_925 = tpu.memref_squeeze %dma_wait3A_924 : memref<1x10240x128xf32, #tpu.memory_space<hbm>> -> memref<10240x128xf32, #tpu.memory_space<hbm>>
      %dma_wait3A_926 = arith.constant 0 : i32
      %dma_wait3A_927 = tpu.memref_slice %dma_wait3A_925[%add3A_909, %dma_wait3A_926] : memref<10240x128xf32, #tpu.memory_space<hbm>> -> memref<128x128xf32, #tpu.memory_space<hbm>>
      %dma_wait3A_928 = arith.constant 0 : i32
      %dma_wait3A_929 = arith.constant 0 : i32
      %dma_wait3A_930 = tpu.memref_slice %arg4[%arg0, %dma_wait3A_928, %dma_wait3A_929] : memref<2x10240x128xf32, #tpu.memory_space<hbm>> -> memref<1x10240x128xf32, #tpu.memory_space<hbm>>
      %dma_wait3A_931 = tpu.memref_squeeze %dma_wait3A_930 : memref<1x10240x128xf32, #tpu.memory_space<hbm>> -> memref<10240x128xf32, #tpu.memory_space<hbm>>
      %dma_wait3A_932 = arith.constant 0 : i32
      %dma_wait3A_933 = tpu.memref_slice %dma_wait3A_931[%add3A_909, %dma_wait3A_932] : memref<10240x128xf32, #tpu.memory_space<hbm>> -> memref<128x128xf32, #tpu.memory_space<hbm>>
      tpu.wait_dma2 semaphore(%run_scoped3A : memref<!tpu.dma_semaphore, #tpu.memory_space<semaphore_mem>>) src(%arg7 : memref<128x128xf32, #tpu.memory_space<vmem>>) dst(%dma_wait3A_933 : memref<128x128xf32, #tpu.memory_space<hbm>>)
      tpu.yield
    }) : () -> ()
    return
  }
}

module attributes {stable_mosaic.version = 14 : i64} {
  func.func @_mlp_body(%arg0: i32, %arg1: memref<2000x128xf32, #tpu.memory_space<vmem>>, %arg2: memref<1x2000x128xf32, #tpu.memory_space<vmem>>, %arg3: memref<1x2000x128xf32, #tpu.memory_space<vmem>>, %arg4: memref<128x128xf32, #tpu.memory_space<vmem>>, %arg5: memref<1x128xf32, #tpu.memory_space<vmem>>, %arg6: memref<128x128xf32, #tpu.memory_space<vmem>>, %arg7: memref<1x128xf32, #tpu.memory_space<vmem>>, %arg8: memref<128x128xf32, #tpu.memory_space<vmem>>, %arg9: memref<2000x128xf32, #tpu.memory_space<vmem>>) attributes {dimension_semantics = [#tpu.dimension_semantics<arbitrary>], iteration_bounds = array<i64: 5>, scalar_prefetch = 0 : i64, scratch_operands = 0 : i64, tpu.core_type = #tpu.core_type<tc>, window_params = [{transform_indices = @transform_0, window_bounds = array<i64: 2000, 128>}, {transform_indices = @transform_1, window_bounds = array<i64: 1, 2000, 128>}, {transform_indices = @transform_2, window_bounds = array<i64: 1, 2000, 128>}, {pipeline_mode = #tpu.pipeline_mode<synchronous>, transform_indices = @transform_3, window_bounds = array<i64: 128, 128>}, {pipeline_mode = #tpu.pipeline_mode<synchronous>, transform_indices = @transform_4, window_bounds = array<i64: 1, 128>}, {pipeline_mode = #tpu.pipeline_mode<synchronous>, transform_indices = @transform_5, window_bounds = array<i64: 128, 128>}, {pipeline_mode = #tpu.pipeline_mode<synchronous>, transform_indices = @transform_6, window_bounds = array<i64: 1, 128>}, {pipeline_mode = #tpu.pipeline_mode<synchronous>, transform_indices = @transform_7, window_bounds = array<i64: 128, 128>}, {transform_indices = @transform_8, window_bounds = array<i64: 2000, 128>}]} {
    %get3A = arith.constant 0 : index
    %get3A_0 = arith.constant 0 : index
    %get3A_1 = vector.load %arg1[%get3A, %get3A_0] : memref<2000x128xf32, #tpu.memory_space<vmem>>, vector<2000x128xf32>
    %get3A_2 = arith.constant 0 : index
    %get3A_3 = arith.constant 0 : index
    %get3A_4 = arith.constant 0 : index
    %get3A_5 = vector.load %arg2[%get3A_2, %get3A_3, %get3A_4] : memref<1x2000x128xf32, #tpu.memory_space<vmem>>, vector<1x2000x128xf32>
    %get3A_6 = vector.shape_cast %get3A_5 : vector<1x2000x128xf32> to vector<2000x128xf32>
    %add3A = arith.addf %get3A_1, %get3A_6 : vector<2000x128xf32>
    %get3A_7 = arith.constant 0 : index
    %get3A_8 = arith.constant 0 : index
    %get3A_9 = arith.constant 0 : index
    %get3A_10 = vector.load %arg3[%get3A_7, %get3A_8, %get3A_9] : memref<1x2000x128xf32, #tpu.memory_space<vmem>>, vector<1x2000x128xf32>
    %get3A_11 = vector.shape_cast %get3A_10 : vector<1x2000x128xf32> to vector<2000x128xf32>
    %add3A_12 = arith.addf %add3A, %get3A_11 : vector<2000x128xf32>
    %get3A_13 = arith.constant 0 : index
    %get3A_14 = arith.constant 0 : index
    %get3A_15 = vector.load %arg4[%get3A_13, %get3A_14] : memref<128x128xf32, #tpu.memory_space<vmem>>, vector<128x128xf32>
    %dot_general3A = arith.constant dense<0.000000e+00> : vector<2000x128xf32>
    %dot_general3A_16 = tpu.matmul %add3A_12, %get3A_15, %dot_general3A {dimension_numbers = #tpu.dot_dimension_numbers<[1], [0], [0], [1], [0, 0, 1, 1], [], []>, transpose_lhs_hint = false} : vector<2000x128xf32>, vector<128x128xf32>, vector<2000x128xf32> -> vector<2000x128xf32>
    %get3A_17 = arith.constant 0 : index
    %get3A_18 = arith.constant 0 : index
    %get3A_19 = vector.load %arg5[%get3A_17, %get3A_18] : memref<1x128xf32, #tpu.memory_space<vmem>>, vector<1x128xf32>
    %add3A_20 = vector.broadcast %get3A_19 : vector<1x128xf32> to vector<2000x128xf32>
    %add3A_21 = arith.addf %dot_general3A_16, %add3A_20 : vector<2000x128xf32>
    %max3A = arith.constant 0.000000e+00 : f32
    %max3A_22 = vector.broadcast %max3A : f32 to vector<2000x128xf32>
    %max3A_23 = arith.maximumf %add3A_21, %max3A_22 : vector<2000x128xf32>
    %get3A_24 = arith.constant 0 : index
    %get3A_25 = arith.constant 0 : index
    %get3A_26 = vector.load %arg6[%get3A_24, %get3A_25] : memref<128x128xf32, #tpu.memory_space<vmem>>, vector<128x128xf32>
    %dot_general3A_27 = arith.constant dense<0.000000e+00> : vector<2000x128xf32>
    %dot_general3A_28 = tpu.matmul %max3A_23, %get3A_26, %dot_general3A_27 {dimension_numbers = #tpu.dot_dimension_numbers<[1], [0], [0], [1], [0, 0, 1, 1], [], []>, transpose_lhs_hint = false} : vector<2000x128xf32>, vector<128x128xf32>, vector<2000x128xf32> -> vector<2000x128xf32>
    %get3A_29 = arith.constant 0 : index
    %get3A_30 = arith.constant 0 : index
    %get3A_31 = vector.load %arg7[%get3A_29, %get3A_30] : memref<1x128xf32, #tpu.memory_space<vmem>>, vector<1x128xf32>
    %add3A_32 = vector.broadcast %get3A_31 : vector<1x128xf32> to vector<2000x128xf32>
    %add3A_33 = arith.addf %dot_general3A_28, %add3A_32 : vector<2000x128xf32>
    %get3A_34 = arith.constant 0 : index
    %get3A_35 = arith.constant 0 : index
    %get3A_36 = vector.load %arg8[%get3A_34, %get3A_35] : memref<128x128xf32, #tpu.memory_space<vmem>>, vector<128x128xf32>
    %dot_general3A_37 = arith.constant dense<0.000000e+00> : vector<2000x128xf32>
    %dot_general3A_38 = tpu.matmul %add3A_33, %get3A_36, %dot_general3A_37 {dimension_numbers = #tpu.dot_dimension_numbers<[1], [0], [0], [1], [0, 0, 1, 1], [], []>, transpose_lhs_hint = false} : vector<2000x128xf32>, vector<128x128xf32>, vector<2000x128xf32> -> vector<2000x128xf32>
    %swap3A = arith.constant 0 : index
    %swap3A_39 = arith.constant 0 : index
    %swap3A_40 = vector.load %arg9[%swap3A, %swap3A_39] : memref<2000x128xf32, #tpu.memory_space<vmem>>, vector<2000x128xf32>
    tpu.vector_store %arg9[%swap3A, %swap3A_39], %dot_general3A_38 {strides = array<i32>} : memref<2000x128xf32, #tpu.memory_space<vmem>>, vector<2000x128xf32>,
    return
  }
  func.func @transform_0(%arg0: i32) -> (i32, i32) {
    %c0_i32 = arith.constant 0 : i32
    %c0_i32_0 = arith.constant 0 : i32
    return %arg0, %c0_i32 : i32, i32
  }
  func.func @transform_1(%arg0: i32) -> (i32, i32, i32) {
    %c0_i32 = arith.constant 0 : i32
    %c0_i32_0 = arith.constant 0 : i32
    %c0_i32_1 = arith.constant 0 : i32
    return %c0_i32, %arg0, %c0_i32_0 : i32, i32, i32
  }
  func.func @transform_2(%arg0: i32) -> (i32, i32, i32) {
    %c1_i32 = arith.constant 1 : i32
    %c0_i32 = arith.constant 0 : i32
    %c0_i32_0 = arith.constant 0 : i32
    return %c1_i32, %arg0, %c0_i32 : i32, i32, i32
  }
  func.func @transform_3(%arg0: i32) -> (i32, i32) {
    %c0_i32 = arith.constant 0 : i32
    %c0_i32_0 = arith.constant 0 : i32
    %c0_i32_1 = arith.constant 0 : i32
    return %c0_i32, %c0_i32_0 : i32, i32
  }
  func.func @transform_4(%arg0: i32) -> (i32, i32) {
    %c0_i32 = arith.constant 0 : i32
    %c0_i32_0 = arith.constant 0 : i32
    %c0_i32_1 = arith.constant 0 : i32
    return %c0_i32, %c0_i32_0 : i32, i32
  }
  func.func @transform_5(%arg0: i32) -> (i32, i32) {
    %c0_i32 = arith.constant 0 : i32
    %c0_i32_0 = arith.constant 0 : i32
    %c0_i32_1 = arith.constant 0 : i32
    return %c0_i32, %c0_i32_0 : i32, i32
  }
  func.func @transform_6(%arg0: i32) -> (i32, i32) {
    %c0_i32 = arith.constant 0 : i32
    %c0_i32_0 = arith.constant 0 : i32
    %c0_i32_1 = arith.constant 0 : i32
    return %c0_i32, %c0_i32_0 : i32, i32
  }
  func.func @transform_7(%arg0: i32) -> (i32, i32) {
    %c0_i32 = arith.constant 0 : i32
    %c0_i32_0 = arith.constant 0 : i32
    %c0_i32_1 = arith.constant 0 : i32
    return %c0_i32, %c0_i32_0 : i32, i32
  }
  func.func @transform_8(%arg0: i32) -> (i32, i32) {
    %c0_i32 = arith.constant 0 : i32
    %c0_i32_0 = arith.constant 0 : i32
    return %arg0, %c0_i32 : i32, i32
  }
}

</mosaic_0001>

<sc_bundles>
// kernel: kernel.5.cloned.1.call-start
scs
__scs_entry_jumppad:
0x0: {  	(pc) =	sbr.rel $0x88, $3  }
0x1: {  	(tag) =	ssettag $0x0;
	lr =	simm.s32 $0x1  }
0x2: {  	[smem:$0x3F98] =	sst lr;
	_ =	strace $0xD0000000  }
0x3: {  	_ = 	snop  }
0x4: {  	_ = 	snop  }
0x5: {  	_ = 	snop  }
0x6: {  	_ = 	snop  }
0x7: {  	_ = 	snop  }
__scs_overlays_trampoline_lowered:
0x8: {  	[smem:$0x3FA7] =	sst s0  }
0x9: {  	[smem:$0x3FA8] =	sst s1  }
0xa: {  	[smem:$0x3FA9] =	sst s2  }
0xb: {  	[smem:$0x3FAA] =	sst s3  }
0xc: {  	[smem:$0x3FAB] =	sst s4  }
0xd: {  	[smem:$0x3FAC] =	sst s5  }
0xe: {  	[smem:$0x3FAD] =	sst s6  }
0xf: {  	[smem:$0x3FAE] =	sst s7  }
0x10: {  	[smem:$0x3FAF] =	sst s8  }
0x11: {  	[smem:$0x3FB0] =	sst s9;
	s0 =	simm.s32 @!p0 $0x0  }
0x12: {  	s1 =	sld [smem:$0x3F96];
	s0 =	simm.s32 @p0 $0x1  }
0x13: {  	[smem:$0x3FB1] =	sst s0;
	s0 =	simm.s32 @!p1 $0x0  }
0x14: {  	s2 =	sld [smem:$0x3F95];
	s0 =	simm.s32 @p1 $0x1  }
0x15: {  	[smem:$0x3FB2] =	sst s0;
	s0 =	simm.s32 @!p2 $0x0  }
0x16: {  	s3 =	sld [smem:$0x3FDB];
	s0 =	simm.s32 @p2 $0x1  }
0x17: {  	s4 =	simm.s32 $0x1BF5;
	[smem:$0x3FB4] =	sst s0  }
0x18: {  	s0 =	sld [smem:$0x3F97];
	_ =	swait.ge [sflag:s4], $0x0  }
0x19: {  	s7 =	sld [smem:$0x3F98]  }
0x1a: {  	s8 =	sadd.s32 $0xFFFFE003, lr  }
0x1b: {  	s9 =	sadd.s32 $0xFFFFFEF7, lr;
	s5 =	simm.s32 $0xFFFFFFFF;
	p2 =	slt.u32 s8, $0xFFFFF086  }
0x1c: {  	p1 =	slt.u32 s9, $0xF7A;
	s5 =	simm.s32 @!p2 $0x0  }
0x1d: {  	s5 =	simm.s32 @p1 $0x1;
	p0 =	seq.s32 s7, s2  }
0x1e: {  	s7 =	smul.u32 @!p0 $0xF7A, s2;
	p2 =	seq.s32 @!p0 s5, $0x0  }
0x1f: {  	s9 =	smul.u32 $0xF7A, s1;
	s8 =	simm.s32 @!p0 $0x1BF5;
	p2 =	por !p2, p0  }
0x20: {  	[sflag:s8] =	ssyncset.s32 @!p0 $0xFFFFF086;
	s6 =	sadd.s32 @!p0 s3, s7;
	s7 =	simm.s32 @!p0 $0x108  }
0x21: {  	s3 =	sadd.s32 s3, s9;
	s6 =	sadd.s32 @!p0 $0x88, s6;
	s7 =	simm.s32 @p2 $0x1082  }
0x22: {  	[simem:s7], [sflag:s8] =	dma.local @!p0 [hbm:s6], $0xF7A  }
0x23: {  	s9 =	sor.u32 $0xD0000000, s2;
	s6 =	simm.s32 $0x108;
	_ =	swait.ge @!p0 [sflag:s8], $0x0  }
0x24: {  	s3 =	sadd.s32 $0x88, s3;
	s6 =	simm.s32 @!p1 $0x1082;
	[sflag:s4] =	ssyncset.s32 $0xFFFFF086  }
0x25: {  	[simem:s6], [sflag:s4] =	dma.local [hbm:s3], $0xF7A  }
0x26: {  	[smem:$0x3F98] =	sst s1;
	(tag) =	ssettag s2;
	_ =	strace s9  }
0x27: {  	s1 =	sld [smem:$0x3FA8]  }
0x28: {  	s2 =	sld [smem:$0x3FA9]  }
0x29: {  	s4 =	sld [smem:$0x3FAB]  }
0x2a: {  	p0 =	seq.s32 s5, $0x0;
	s5 =	sld [smem:$0x3FAC]  }
0x2b: {  	s6 =	sld [smem:$0x3FAD]  }
0x2c: {  	s7 =	sld [smem:$0x3FAE]  }
0x2d: {  	s3 =	simm.s32 $0x108;
	s8 =	sld [smem:$0x3FAF]  }
0x2e: {  	s3 =	simm.s32 @!p0 $0x1082;
	s9 =	sld [smem:$0x3FB0]  }
0x2f: {  	lr =	sadd.s32 s0, s3;
	s0 =	sld [smem:$0x3FA7]  }
0x30: {  	s3 =	sld [smem:$0x3FAA]  }
0x31: {  	[smem:$0x3FB3] =	sst s10  }
0x32: {  	s10 =	sld [smem:$0x3FB1];
	_ =	sdelay $0x3  }
0x33: {  	p0 =	seq.s32 s10, $0x1;
	s10 =	sld [smem:$0x3FB3];
	_ =	sdelay $0x3  }
0x34: {  	[smem:$0x3FB3] =	sst s10  }
0x35: {  	s10 =	sld [smem:$0x3FB2];
	_ =	sdelay $0x3  }
0x36: {  	p1 =	seq.s32 s10, $0x1;
	s10 =	sld [smem:$0x3FB3];
	_ =	sdelay $0x3  }
0x37: {  	[smem:$0x3FB3] =	sst s10  }
0x38: {  	s10 =	sld [smem:$0x3FB4]  }
0x39: {  	_ = 	snop;
	(pc) =	sbr.ind lr, $3  }
0x3a: {  	_ = 	snop  }
0x3b: {  	_ = 	snop  }
0x3c: {  	p2 =	seq.s32 s10, $0x1;
	s10 =	sld [smem:$0x3FB3]  }
0x3d: {  	_ =	shalt  }
0x3e: {  	_ =	shalt  }
0x3f: {  	_ =	shalt  }
0x40: {  	_ =	shalt  }
0x41: {  	_ =	shalt  }
0x42: {  	_ =	shalt  }
0x43: {  	_ =	shalt  }
0x44: {  	_ =	shalt  }
0x45: {  	_ =	shalt  }
0x46: {  	_ =	shalt  }
0x47: {  	_ =	shalt  }
0x48: {  	_ =	shalt  }
0x49: {  	_ =	shalt  }
0x4a: {  	_ =	shalt  }
0x4b: {  	_ =	shalt  }
0x4c: {  	_ =	shalt  }
0x4d: {  	_ =	shalt  }
0x4e: {  	_ =	shalt  }
0x4f: {  	_ =	shalt  }
0x50: {  	_ =	shalt  }
0x51: {  	_ =	shalt  }
0x52: {  	_ =	shalt  }
0x53: {  	_ =	shalt  }
0x54: {  	_ =	shalt  }
0x55: {  	_ =	shalt  }
0x56: {  	_ =	shalt  }
0x57: {  	_ =	shalt  }
0x58: {  	_ =	shalt  }
0x59: {  	_ =	shalt  }
0x5a: {  	_ =	shalt  }
0x5b: {  	_ =	shalt  }
0x5c: {  	_ =	shalt  }
0x5d: {  	_ =	shalt  }
0x5e: {  	_ =	shalt  }
0x5f: {  	_ =	shalt  }
0x60: {  	_ =	shalt  }
0x61: {  	_ =	shalt  }
0x62: {  	_ =	shalt  }
0x63: {  	_ =	shalt  }
0x64: {  	_ =	shalt  }
0x65: {  	_ =	shalt  }
0x66: {  	_ =	shalt  }
0x67: {  	_ =	shalt  }
0x68: {  	_ =	shalt  }
0x69: {  	_ =	shalt  }
0x6a: {  	_ =	shalt  }
0x6b: {  	_ =	shalt  }
0x6c: {  	_ =	shalt  }
0x6d: {  	_ =	shalt  }
0x6e: {  	_ =	shalt  }
0x6f: {  	_ =	shalt  }
0x70: {  	_ =	shalt  }
0x71: {  	_ =	shalt  }
0x72: {  	_ =	shalt  }
0x73: {  	_ =	shalt  }
0x74: {  	_ =	shalt  }
0x75: {  	_ =	shalt  }
0x76: {  	_ =	shalt  }
0x77: {  	_ =	shalt  }
0x78: {  	_ =	shalt  }
0x79: {  	_ =	shalt  }
0x7a: {  	_ =	shalt  }
0x7b: {  	_ =	shalt  }
0x7c: {  	_ =	shalt  }
0x7d: {  	_ =	shalt  }
0x7e: {  	_ =	shalt  }
0x7f: {  	_ =	shalt  }
0x80: {  	_ =	shalt  }
0x81: {  	_ =	shalt  }
0x82: {  	_ =	shalt  }
0x83: {  	_ =	shalt  }
0x84: {  	_ =	shalt  }
0x85: {  	_ =	shalt  }
0x86: {  	_ =	shalt  }
0x87: {  	_ =	shalt  }
.Lfunc_end0:
.L_simem_size_0:
called_computation_lowered:
.L_overlay_start_0:
0x88: {  	s2 =	sld [smem:$0x3FD9]  }
0x89: {  	s3 =	sld [smem:$0x3FFE];
	_ =	sdelay $0x1  }
0x8a: {  	s1 =	srdreg.scid  }
0x8b: {  	s0 =	sand.u32 $0x1, s1  }
0x8c: {  	s17 =	sshll.u32 s0, $0xA;
	s2 =	sadd.s32 s3, s2  }
0x8d: {  	s2 =	sadd.s32 s2, s17  }
0x8e: {  	[smem:$0x3FBF] =	sst s2  }
0x8f: {  	_ = 	snop  }
0x90: {  	s2 =	sld [smem:$0x3FC7]  }
0x91: {  	s18 =	sld [smem:$0x3FC6]  }
0x92: {  	s4 =	sld [smem:$0x3FD0];
	(tm) =	ssettm $0x1  }
0x93: {  	s5 =	sld [smem:$0x3FFB];
	_ =	sdelay $0x3  }
0x94: {  	_ =	strace s5  }
0x95: {  	s5 =	sld [smem:$0x3FFC];
	_ =	sdelay $0x3  }
0x96: {  	_ =	strace s5  }
0x97: {  	s5 =	sld [smem:$0x3FFD];
	_ =	sdelay $0x3  }
0x98: {  	_ =	strace s5  }
0x99: {  	_ =	strace $0x8FFFFFFF  }
0x9a: {  	s19 =	sld [smem:$0x3FDB];
	_ =	sdelay $0x1  }
0x9b: {  	s6 =	simm.s32 $_scs_section_size  }
0x9c: {  	s7 =	simm.s32 $_size__tile_overlayer_lowered;
	s8 =	simm.s32 $_tile_overlayer_lowered  }
0x9d: {  	s22 =	simm.s32 $0x1BFF;
	s21 =	sshll.u32 s8, $0x1;
	s5 =	sadd.s32 s6, s19  }
0x9e: {  	s9 =	simm.s32 $0x0;
	s20 =	sshll.u32 s7, $0x1;
	s7 =	sadd.s32 s21, s5  }
0x9f: {  	[timem:s9], [sflag:s22] =	dma.local [hbm:s7], s20  }
0xa0: {  	_ =	swait.ge [sflag:s22], s20  }
0xa1: {  	s6 =	ssub.s32 $0x0, s20;
	[sflag:s22] =	ssyncset.done $0x0  }
0xa2: {  	[sflag:s22] =	ssyncadd.s32 s6;
	_ =	sdelay $0x1  }
0xa3: {  	s23 =	simm.s32 $0x1B8B  }
0xa4: {  	_ =	swait.ge [sflag:s23], $0x1  }
0xa5: {  	[sflag:s23] =	ssyncset.done $0x0  }
0xa6: {  	s25 =	simm.s32 $0x1B8E;
	s24 =	sld [smem:$0x3FFE];
	[sflag:s23] =	ssyncadd.s32 $0xFFFFFFFF  }
0xa7: {  	s26 =	simm.s32 $execute0_lowered;
	[smem:$0x3FD2] =	sst s25  }
0xa8: {  	s7 =	sshll.u32 s26, $0x1;
	_ =	strace $0x80000046;
	[dreg:$0x1] =	wrdreg $0xFFFFFFFF  }
0xa9: {  	s28 =	simm.s32 $_size_execute0_lowered;
	s5 =	sadd.s32 s5, s7;
	[dreg:$0x0] =	wrdreg $0x0  }
0xaa: {  	s7 =	sshll.u32 s28, $0x1;
	[dreg:$0x2] =	wrdreg s5  }
0xab: {  	[dreg:$0x3] =	wrdreg s7  }
0xac: {  	[dreg:$0x4] =	wrdreg $0xC0  }
0xad: {  	_ =	task [dreg:s9], $0x5FFFF  }
0xae: {  	[dreg:$0x1] =	wrdreg $0xFFFFFFFF  }
0xaf: {  	[dreg:$0x0] =	wrdreg $0x60  }
0xb0: {  	[dreg:$0x2] =	wrdreg s4  }
0xb1: {  	[dreg:$0x3] =	wrdreg s24  }
0xb2: {  	[dreg:$0x4] =	wrdreg s2  }
0xb3: {  	[dreg:$0x5] =	wrdreg s18  }
0xb4: {  	[dreg:$0x6] =	wrdreg $0x9  }
0xb5: {  	_ =	task.clear_ibuf [dreg:s9], $0x7FFFF;
	_ =	strace $0x90000046  }
0xb6: {  	s29 =	simm.s32 $0x9;
	_ =	strace $0x80000048  }
0xb7: {  	_ =	swait.ge [sflag:s29], $0x1  }
0xb8: {  	[sflag:s29] =	ssyncadd.s32 $0xFFFFFFFF  }
0xb9: {  	_ =	strace $0x90000048  }
0xba: {  	_ =	sfence  }
0xbb: {  	s30 =	sld [smem:$0x0];
	_ =	sdelay $0x2  }
0xbc: {  	s31 =	sshll.u32 s1, $0xD;
	s1 =	sshrl.u32 s1, $0x2  }
0xbd: {  	s3 =	sand.u32 $0x4000, s31;
	s1 =	sadd.s32 s1, s30  }
0xbe: {  	s0 =	sor.u32 s3, s0;
	s1 =	sshll.u32 s1, $0x11  }
0xbf: {  	s0 =	sor.u32 s1, s0  }
0xc0: {  	s0 =	sadd.s32 $0x8F2B, s0  }
0xc1: {  	[sflag:s0] =	ssyncadd.remote.s32 $0x1  }
0xc2: {  	_ =	sfence.sel $0xFFFF  }
0xc3: {  	[dreg:$0x0] =	wrdreg $0xFFFFFFFF;
	(pc) =	sbr.abs _section_cstart, $3  }
0xc4: {  	[dreg:$0x1] =	wrdreg $0xFFFFFFFF  }
0xc5: {  	_ =	task.clear_ibuf [dreg:s9], $0x2FFFF;
	_ =	strace $0x9FFFFFFF  }
0xc6: {  	(tm) =	ssettm $0x7FFFFFFF  }
0xc7: {  	_ =	shalt  }
tec
execute0_lowered:
.L_overlay_start_1:
0x0: {  	(tag) =	ssettag $0x1  }
0x1: {  	s5 =	rddreg [dreg:$0x0]  }
0x2: {  	s6 =	rddreg [dreg:$0x1]  }
0x3: {  	s2 =	rddreg [dreg:$0x2]  }
0x4: {  	s1 =	srdreg.scid;
	s0 =	stileid.u32  }
0x5: {  	s3 =	rddreg [dreg:$0x3];
	s4 =	simm.s32 $0x0;
	s14 =	simm.s32 $0xA300  }
0x6: {  	s15 =	simm.s32 $0x5300;
	s16 =	simm.s32 $0x220;
	s17 =	simm.s32 $0xF300  }
0x7: {  	s18 =	simm.s32 $0x2;
	s7 =	sand.u32 $0x1, s1;
	s8 =	sshll.u32 s0, $0x1  }
0x8: {  	s19 =	simm.s32 $0x0;
	s1 =	rddreg [dreg:$0x4];
	s8 =	sor.u32 s7, s8  }
0x9: {  	[smem:$0x7FF] =	sst s4;
	s7 =	ssub.s32 $0x2, s7;
	s9 =	smul.u32 $0x28, s8  }
0xa: {  	s12 =	sadd.s32 $0x1400, s6;
	s11 =	smul.u32 $0xA000, s8;
	s29 =	sshrl.u32 s7, $0x1  }
0xb: {  	_ =	strace $0x80000047;
	s8 =	smul.u32 $0x1400, s8;
	s13 =	ssub.s32 s7, s29  }
0xc: {  	s10 =	sadd.s32 s9, s6;
	s5 =	sadd.s32 s5, s9;
	s30 =	sshrl.u32 s11, $0x3  }
0xd: {  	s7 =	sadd.s32 s12, s8;
	s9 =	smax.u32 s13, $0x1;
	s11 =	simm.s32 $0x1  }
0xe: {  	s13 =	simm.s32 $0x300;
	s6 =	sadd.s32 $0xE00, s10;
	s31 =	sadd.s32 s12, s30  }
0xf: {  	s10 =	simm.s32 $0x180;
	s12 =	simm.s32 $0xA0;
	s8 =	sadd.s32 $0xA00, s31  }
.LBB2_1:
0x10: {  	[tilespmem:s4], [sflag:$0x1] =	stream.linear.gather [hbm4b:s5+s4], $0x140, $0x38;
	[tilespmem:$0x14300] =	vst v63  }
0x11: {  	_ = 	snop  }
0x12: {  	[tilespmem:s10], [sflag:$0x1] =	stream.linear.gather [hbm4b:s6+s4], $0x140, $0x38;
	[tilespmem:$0x14300] =	vst v63  }
0x13: {  	_ =	swait.ge [sflag:s11], $0x140  }
0x14: {  	[sflag:s11] =	ssyncset.done $0x0  }
0x15: {  	[sflag:s11] =	ssyncadd.s32 $0xFFFFFEC0  }
0x16: {  	_ =	swait.ge [sflag:s11], $0x140  }
0x17: {  	[sflag:s11] =	ssyncset.done $0x0  }
0x18: {  	[sflag:s11] =	ssyncadd.s32 $0xFFFFFEC0  }
0x19: {  	[tilespmem:s13], [sflag:$0x1] =	stream.indirect.gather [hbm4b:s2+s12], $0x80, s4, s12, $0xb8;
	[tilespmem:$0x14300] =	vst v63  }
0x1a: {  	_ = 	snop  }
0x1b: {  	[tilespmem:s14], [sflag:$0x1] =	stream.indirect.gather [hbm4b:s3+s12], $0x80, s10, s12, $0xb8;
	[tilespmem:$0x14300] =	vst v63  }
0x1c: {  	_ =	swait.ge [sflag:s11], $0x5000  }
0x1d: {  	[sflag:s11] =	ssyncset.done $0x0  }
0x1e: {  	[sflag:s11] =	ssyncadd.s32 $0xFFFFB000  }
0x1f: {  	_ =	swait.ge [sflag:s11], $0x5000  }
0x20: {  	[sflag:s11] =	ssyncset.done $0x0  }
0x21: {  	[sflag:s11] =	ssyncadd.s32 $0xFFFFB000  }
0x22: {  	[tilespmem:s15], [sflag:$0x1] =	stream.indirect.gather [hbm4b:s2+s12], $0x80, s12, s12, $0xb8;
	[tilespmem:$0x14300] =	vst v63  }
0x23: {  	s20 =	simm.s32 $0x0  }
0x24: {  	[tilespmem:s17], [sflag:$0x1] =	stream.indirect.gather [hbm4b:s3+s12], $0x80, s16, s12, $0xb8;
	[tilespmem:$0x14300] =	vst v63  }
0x25: {  	v6 =	vld [tilespmem:s20+$0xA300]  }
0x26: {  	v11 =	vld [tilespmem:s20+$0xA310]  }
0x27: {  	v5 =	vld [tilespmem:s20+$0xA320]  }
0x28: {  	v4 =	vld [tilespmem:s20+$0xA330]  }
0x29: {  	v3 =	vld [tilespmem:s20+$0xA340]  }
0x2a: {  	v2 =	vld [tilespmem:s20+$0xA350]  }
0x2b: {  	v1 =	vld [tilespmem:s20+$0xA360]  }
0x2c: {  	v0 =	vld [tilespmem:s20+$0xA370]  }
0x2d: {  	v12 =	vld [tilespmem:s20+$0x300]  }
0x2e: {  	v13 =	vld [tilespmem:s20+$0x310]  }
0x2f: {  	v10 =	vld [tilespmem:s20+$0x320]  }
0x30: {  	v9 =	vld [tilespmem:s20+$0x330]  }
0x31: {  	v8 =	vld [tilespmem:s20+$0x340]  }
0x32: {  	v7 =	vld [tilespmem:s20+$0x350];
	v12 =	vadd.f32 v6, v12  }
0x33: {  	s21 =	simm.s32 $0x200;
	v11 =	vadd.f32 v11, v13;
	v6 =	vld [tilespmem:s20+$0x360]  }
.LBB2_2:
0x34: {  	s22 =	sshra.s32 s21, $0x2;
	p0 =	sne.s32 s21, $0x13E00;
	v12 =	vmax.f32 v12, $0.0e+00;
	v5 =	vadd.f32 v5, v10;
	v10 =	vld [tilespmem:s20+$0x370]  }
0x35: {  	v13 =	vld [tilespmem:s22+$0xA300];
	[tilespmem:s20+$0x300] =	vst v12;
	v11 =	vmax.f32 v11, $0.0e+00;
	v4 =	vadd.f32 v4, v9  }
0x36: {  	v14 =	vld [tilespmem:s22+$0xA310];
	[tilespmem:s20+$0x310] =	vst v11;
	v9 =	vmax.f32 v5, $0.0e+00;
	v3 =	vadd.f32 v3, v8  }
0x37: {  	v5 =	vld [tilespmem:s22+$0xA320];
	[tilespmem:s20+$0x320] =	vst v9;
	v8 =	vmax.f32 v4, $0.0e+00;
	v2 =	vadd.f32 v2, v7  }
0x38: {  	v4 =	vld [tilespmem:s22+$0xA330];
	[tilespmem:s20+$0x330] =	vst v8;
	v7 =	vmax.f32 v3, $0.0e+00;
	v1 =	vadd.f32 v1, v6  }
0x39: {  	v3 =	vld [tilespmem:s22+$0xA340];
	[tilespmem:s20+$0x340] =	vst v7;
	v6 =	vmax.f32 v2, $0.0e+00;
	v0 =	vadd.f32 v0, v10  }
0x3a: {  	v2 =	vld [tilespmem:s22+$0xA350];
	[tilespmem:s20+$0x350] =	vst v6;
	v6 =	vmax.f32 v1, $0.0e+00  }
0x3b: {  	v1 =	vld [tilespmem:s22+$0xA360];
	[tilespmem:s20+$0x360] =	vst v6;
	v6 =	vmax.f32 v0, $0.0e+00  }
0x3c: {  	v0 =	vld [tilespmem:s22+$0xA370];
	[tilespmem:s20+$0x370] =	vst v6;
	s20 =	smov.u32 s22  }
0x3d: {  	v6 =	vld [tilespmem:s20+$0x300]  }
0x3e: {  	v11 =	vld [tilespmem:s20+$0x310]  }
.Ltmp0:
0x3f: {  	v10 =	vld [tilespmem:s20+$0x320];
	(pc) =	sbr.rel @p0 .LBB2_2-.Ltmp0, $4  }
0x40: {  	v9 =	vld [tilespmem:s20+$0x330]  }
0x41: {  	v8 =	vld [tilespmem:s20+$0x340]  }
0x42: {  	v12 =	vadd.f32 v13, v6;
	v7 =	vld [tilespmem:s20+$0x350]  }
0x43: {  	s21 =	sadd.s32 $0x200, s21;
	v11 =	vadd.f32 v14, v11;
	v6 =	vld [tilespmem:s20+$0x360]  }
0x44: {  	v12 =	vmax.f32 v12, $0.0e+00;
	v5 =	vadd.f32 v5, v10;
	v10 =	vld [tilespmem:s20+$0x370]  }
0x45: {  	[tilespmem:s20+$0x300] =	vst v12;
	v11 =	vmax.f32 v11, $0.0e+00;
	v4 =	vadd.f32 v4, v9  }
0x46: {  	[tilespmem:s20+$0x310] =	vst v11;
	v5 =	vmax.f32 v5, $0.0e+00;
	v3 =	vadd.f32 v3, v8  }
0x47: {  	[tilespmem:s20+$0x320] =	vst v5;
	v4 =	vmax.f32 v4, $0.0e+00;
	v2 =	vadd.f32 v2, v7  }
0x48: {  	[tilespmem:s20+$0x330] =	vst v4;
	v3 =	vmax.f32 v3, $0.0e+00;
	v1 =	vadd.f32 v1, v6  }
0x49: {  	[tilespmem:s20+$0x340] =	vst v3;
	v2 =	vmax.f32 v2, $0.0e+00;
	v0 =	vadd.f32 v0, v10  }
0x4a: {  	[tilespmem:s20+$0x350] =	vst v2;
	v1 =	vmax.f32 v1, $0.0e+00  }
0x4b: {  	[tilespmem:s20+$0x360] =	vst v1;
	v0 =	vmax.f32 v0, $0.0e+00  }
0x4c: {  	s31 =	simm.s32 $0x0;
	[tilespmem:s20+$0x370] =	vst v0  }
0x4d: {  	[hbm4b:s7+s31] =	stream.linear.scatter [tilespmem:s13], [sflag:$0x2], $0x5000, $0x38;
	[tilespmem:$0x14300] =	vst v63  }
0x4e: {  	_ =	swait.ge [sflag:s11], $0x5000  }
0x4f: {  	[sflag:s11] =	ssyncset.done $0x0  }
0x50: {  	[sflag:s11] =	ssyncadd.s32 $0xFFFFB000  }
0x51: {  	_ =	swait.ge [sflag:s11], $0x5000  }
0x52: {  	[sflag:s11] =	ssyncset.done $0x0  }
0x53: {  	[sflag:s11] =	ssyncadd.s32 $0xFFFFB000  }
0x54: {  	_ =	swait.ge [sflag:s18], $0x5000  }
0x55: {  	[sflag:s18] =	ssyncset.done $0x0  }
0x56: {  	s20 =	simm.s32 $0x0;
	[sflag:s18] =	ssyncadd.s32 $0xFFFFB000  }
0x57: {  	v6 =	vld [tilespmem:s20+$0xF300]  }
0x58: {  	v11 =	vld [tilespmem:s20+$0xF310]  }
0x59: {  	v5 =	vld [tilespmem:s20+$0xF320]  }
0x5a: {  	v4 =	vld [tilespmem:s20+$0xF330]  }
0x5b: {  	v3 =	vld [tilespmem:s20+$0xF340]  }
0x5c: {  	v2 =	vld [tilespmem:s20+$0xF350]  }
0x5d: {  	v1 =	vld [tilespmem:s20+$0xF360]  }
0x5e: {  	v0 =	vld [tilespmem:s20+$0xF370]  }
0x5f: {  	v12 =	vld [tilespmem:s20+$0x5300]  }
0x60: {  	v13 =	vld [tilespmem:s20+$0x5310]  }
0x61: {  	v10 =	vld [tilespmem:s20+$0x5320]  }
0x62: {  	v9 =	vld [tilespmem:s20+$0x5330]  }
0x63: {  	v8 =	vld [tilespmem:s20+$0x5340]  }
0x64: {  	v7 =	vld [tilespmem:s20+$0x5350];
	v12 =	vadd.f32 v6, v12  }
0x65: {  	s21 =	simm.s32 $0x200;
	v11 =	vadd.f32 v11, v13;
	v6 =	vld [tilespmem:s20+$0x5360]  }
.LBB2_4:
0x66: {  	s22 =	sshra.s32 s21, $0x2;
	p0 =	sne.s32 s21, $0x13E00;
	v12 =	vmax.f32 v12, $0.0e+00;
	v5 =	vadd.f32 v5, v10;
	v10 =	vld [tilespmem:s20+$0x5370]  }
0x67: {  	v13 =	vld [tilespmem:s22+$0xF300];
	[tilespmem:s20+$0x5300] =	vst v12;
	v11 =	vmax.f32 v11, $0.0e+00;
	v4 =	vadd.f32 v4, v9  }
0x68: {  	v14 =	vld [tilespmem:s22+$0xF310];
	[tilespmem:s20+$0x5310] =	vst v11;
	v9 =	vmax.f32 v5, $0.0e+00;
	v3 =	vadd.f32 v3, v8  }
0x69: {  	v5 =	vld [tilespmem:s22+$0xF320];
	[tilespmem:s20+$0x5320] =	vst v9;
	v8 =	vmax.f32 v4, $0.0e+00;
	v2 =	vadd.f32 v2, v7  }
0x6a: {  	v4 =	vld [tilespmem:s22+$0xF330];
	[tilespmem:s20+$0x5330] =	vst v8;
	v7 =	vmax.f32 v3, $0.0e+00;
	v1 =	vadd.f32 v1, v6  }
0x6b: {  	v3 =	vld [tilespmem:s22+$0xF340];
	[tilespmem:s20+$0x5340] =	vst v7;
	v6 =	vmax.f32 v2, $0.0e+00;
	v0 =	vadd.f32 v0, v10  }
0x6c: {  	v2 =	vld [tilespmem:s22+$0xF350];
	[tilespmem:s20+$0x5350] =	vst v6;
	v6 =	vmax.f32 v1, $0.0e+00  }
0x6d: {  	v1 =	vld [tilespmem:s22+$0xF360];
	[tilespmem:s20+$0x5360] =	vst v6;
	v6 =	vmax.f32 v0, $0.0e+00  }
0x6e: {  	v0 =	vld [tilespmem:s22+$0xF370];
	[tilespmem:s20+$0x5370] =	vst v6;
	s20 =	smov.u32 s22  }
0x6f: {  	v6 =	vld [tilespmem:s20+$0x5300]  }
0x70: {  	v11 =	vld [tilespmem:s20+$0x5310]  }
.Ltmp1:
0x71: {  	v10 =	vld [tilespmem:s20+$0x5320];
	(pc) =	sbr.rel @p0 .LBB2_4-.Ltmp1, $4  }
0x72: {  	v9 =	vld [tilespmem:s20+$0x5330]  }
0x73: {  	v8 =	vld [tilespmem:s20+$0x5340]  }
0x74: {  	v12 =	vadd.f32 v13, v6;
	v7 =	vld [tilespmem:s20+$0x5350]  }
0x75: {  	s21 =	sadd.s32 $0x200, s21;
	v11 =	vadd.f32 v14, v11;
	v6 =	vld [tilespmem:s20+$0x5360]  }
0x76: {  	v12 =	vmax.f32 v12, $0.0e+00;
	v5 =	vadd.f32 v5, v10;
	v63 =	vld [tilespmem:s20+$0x5370]  }
0x77: {  	[tilespmem:s20+$0x5300] =	vst v12;
	v11 =	vmax.f32 v11, $0.0e+00;
	v4 =	vadd.f32 v4, v9  }
0x78: {  	[tilespmem:s20+$0x5310] =	vst v11;
	v5 =	vmax.f32 v5, $0.0e+00;
	v3 =	vadd.f32 v3, v8  }
0x79: {  	[tilespmem:s20+$0x5320] =	vst v5;
	v4 =	vmax.f32 v4, $0.0e+00;
	v2 =	vadd.f32 v2, v7  }
0x7a: {  	[tilespmem:s20+$0x5330] =	vst v4;
	v3 =	vmax.f32 v3, $0.0e+00;
	v1 =	vadd.f32 v1, v6  }
0x7b: {  	[tilespmem:s20+$0x5340] =	vst v3;
	v2 =	vmax.f32 v2, $0.0e+00;
	v0 =	vadd.f32 v0, v63  }
0x7c: {  	s19 =	sadd.s32 $0x1, s19;
	[tilespmem:s20+$0x5350] =	vst v2;
	v1 =	vmax.f32 v1, $0.0e+00  }
0x7d: {  	p0 =	sne.s32 s19, s9;
	[tilespmem:s20+$0x5360] =	vst v1;
	v0 =	vmax.f32 v0, $0.0e+00  }
.Ltmp2:
0x7e: {  	[tilespmem:s20+$0x5370] =	vst v0;
	(pc) =	sbr.rel @p0 .LBB2_1-.Ltmp2, $4  }
0x7f: {  	[hbm4b:s8+s4] =	stream.linear.scatter [tilespmem:s15], [sflag:$0x2], $0x5000, $0x38;
	[tilespmem:$0x14300] =	vst v63  }
0x80: {  	_ =	swait.ge [sflag:s18], $0x5000  }
0x81: {  	[sflag:s18] =	ssyncset.done $0x0  }
0x82: {  	[sflag:s18] =	ssyncadd.s32 $0xFFFFB000  }
0x83: {  	_ =	sfence.sel $0x180000  }
0x84: {  	[bflag:$0x0] =	sbarrier.arrive $0xFFFF  }
0x85: {  	p0 =	sne.s32 s0, $0x0;
	_ =	strace $0x90000047  }
0x86: {  	s0 =	sadd.s32 @!p0 $0x100000, s1;
	[bflag:$0x2] =	sbarrier.arrive $0xFFFF  }
0x87: {  	[sflag:s0] =	ssyncadd.tile.s32 @!p0 $0x1;
	_ =	shalt  }
.Lfunc_end2:
_tile_overlayer_lowered:
.L_overlay_start_2:
0x88: {  	(tag) =	ssettag $0x2  }
0x89: {  	s0 =	rddreg [dreg:$0x0];
	s2 =	stileid.u32  }
0x8a: {  	s1 =	rddreg [dreg:$0x1];
	p0 =	sne.s32 s2, $0x0  }
0x8b: {  	s3 =	rddreg [dreg:$0x2];
	[bflag:$0x3] =	sbarrier.arrive $0xFFFF;
	s2 =	simm.s32 @!p0 $0x1C03  }
0x8c: {  	[timem:s3], [sflag:s2] =	dma.local @!p0 [hbm:s0], s1  }
0x8d: {  	s0 =	simm.s32 @!p0 $0x3  }
0x8e: {  	_ =	swait.ge @!p0 [sflag:s0], s1  }
0x8f: {  	s1 =	ssub.s32 @!p0 $0x0, s1;
	[sflag:s0] =	ssyncset.done @!p0 $0x0  }
0x90: {  	[sflag:s0] =	ssyncadd.s32 @!p0 s1  }
0x91: {  	[bflag:$0x3] =	sbarrier.arrive $0xFFFF  }
0x92: {  	_ =	shalt  }

// kernel: kernel.8.cloned.1.call-start
scs
__scs_entry_jumppad:
0x0: {  	(pc) =	sbr.rel $0x88, $3  }
0x1: {  	(tag) =	ssettag $0x0;
	lr =	simm.s32 $0x1  }
0x2: {  	[smem:$0x3F98] =	sst lr;
	_ =	strace $0xD0000000  }
0x3: {  	_ = 	snop  }
0x4: {  	_ = 	snop  }
0x5: {  	_ = 	snop  }
0x6: {  	_ = 	snop  }
0x7: {  	_ = 	snop  }
__scs_overlays_trampoline_lowered:
0x8: {  	[smem:$0x3FA7] =	sst s0  }
0x9: {  	[smem:$0x3FA8] =	sst s1  }
0xa: {  	[smem:$0x3FA9] =	sst s2  }
0xb: {  	[smem:$0x3FAA] =	sst s3  }
0xc: {  	[smem:$0x3FAB] =	sst s4  }
0xd: {  	[smem:$0x3FAC] =	sst s5  }
0xe: {  	[smem:$0x3FAD] =	sst s6  }
0xf: {  	[smem:$0x3FAE] =	sst s7  }
0x10: {  	[smem:$0x3FAF] =	sst s8  }
0x11: {  	[smem:$0x3FB0] =	sst s9;
	s0 =	simm.s32 @!p0 $0x0  }
0x12: {  	s1 =	sld [smem:$0x3F96];
	s0 =	simm.s32 @p0 $0x1  }
0x13: {  	[smem:$0x3FB1] =	sst s0;
	s0 =	simm.s32 @!p1 $0x0  }
0x14: {  	s2 =	sld [smem:$0x3F95];
	s0 =	simm.s32 @p1 $0x1  }
0x15: {  	[smem:$0x3FB2] =	sst s0;
	s0 =	simm.s32 @!p2 $0x0  }
0x16: {  	s3 =	sld [smem:$0x3FDB];
	s0 =	simm.s32 @p2 $0x1  }
0x17: {  	s4 =	simm.s32 $0x1BF5;
	[smem:$0x3FB4] =	sst s0  }
0x18: {  	s0 =	sld [smem:$0x3F97];
	_ =	swait.ge [sflag:s4], $0x0  }
0x19: {  	s7 =	sld [smem:$0x3F98]  }
0x1a: {  	s8 =	sadd.s32 $0xFFFFE003, lr  }
0x1b: {  	s9 =	sadd.s32 $0xFFFFFEF7, lr;
	s5 =	simm.s32 $0xFFFFFFFF;
	p2 =	slt.u32 s8, $0xFFFFF086  }
0x1c: {  	p1 =	slt.u32 s9, $0xF7A;
	s5 =	simm.s32 @!p2 $0x0  }
0x1d: {  	s5 =	simm.s32 @p1 $0x1;
	p0 =	seq.s32 s7, s2  }
0x1e: {  	s7 =	smul.u32 @!p0 $0xF7A, s2;
	p2 =	seq.s32 @!p0 s5, $0x0  }
0x1f: {  	s9 =	smul.u32 $0xF7A, s1;
	s8 =	simm.s32 @!p0 $0x1BF5;
	p2 =	por !p2, p0  }
0x20: {  	[sflag:s8] =	ssyncset.s32 @!p0 $0xFFFFF086;
	s6 =	sadd.s32 @!p0 s3, s7;
	s7 =	simm.s32 @!p0 $0x108  }
0x21: {  	s3 =	sadd.s32 s3, s9;
	s6 =	sadd.s32 @!p0 $0x88, s6;
	s7 =	simm.s32 @p2 $0x1082  }
0x22: {  	[simem:s7], [sflag:s8] =	dma.local @!p0 [hbm:s6], $0xF7A  }
0x23: {  	s9 =	sor.u32 $0xD0000000, s2;
	s6 =	simm.s32 $0x108;
	_ =	swait.ge @!p0 [sflag:s8], $0x0  }
0x24: {  	s3 =	sadd.s32 $0x88, s3;
	s6 =	simm.s32 @!p1 $0x1082;
	[sflag:s4] =	ssyncset.s32 $0xFFFFF086  }
0x25: {  	[simem:s6], [sflag:s4] =	dma.local [hbm:s3], $0xF7A  }
0x26: {  	[smem:$0x3F98] =	sst s1;
	(tag) =	ssettag s2;
	_ =	strace s9  }
0x27: {  	s1 =	sld [smem:$0x3FA8]  }
0x28: {  	s2 =	sld [smem:$0x3FA9]  }
0x29: {  	s4 =	sld [smem:$0x3FAB]  }
0x2a: {  	p0 =	seq.s32 s5, $0x0;
	s5 =	sld [smem:$0x3FAC]  }
0x2b: {  	s6 =	sld [smem:$0x3FAD]  }
0x2c: {  	s7 =	sld [smem:$0x3FAE]  }
0x2d: {  	s3 =	simm.s32 $0x108;
	s8 =	sld [smem:$0x3FAF]  }
0x2e: {  	s3 =	simm.s32 @!p0 $0x1082;
	s9 =	sld [smem:$0x3FB0]  }
0x2f: {  	lr =	sadd.s32 s0, s3;
	s0 =	sld [smem:$0x3FA7]  }
0x30: {  	s3 =	sld [smem:$0x3FAA]  }
0x31: {  	[smem:$0x3FB3] =	sst s10  }
0x32: {  	s10 =	sld [smem:$0x3FB1];
	_ =	sdelay $0x3  }
0x33: {  	p0 =	seq.s32 s10, $0x1;
	s10 =	sld [smem:$0x3FB3];
	_ =	sdelay $0x3  }
0x34: {  	[smem:$0x3FB3] =	sst s10  }
0x35: {  	s10 =	sld [smem:$0x3FB2];
	_ =	sdelay $0x3  }
0x36: {  	p1 =	seq.s32 s10, $0x1;
	s10 =	sld [smem:$0x3FB3];
	_ =	sdelay $0x3  }
0x37: {  	[smem:$0x3FB3] =	sst s10  }
0x38: {  	s10 =	sld [smem:$0x3FB4]  }
0x39: {  	_ = 	snop;
	(pc) =	sbr.ind lr, $3  }
0x3a: {  	_ = 	snop  }
0x3b: {  	_ = 	snop  }
0x3c: {  	p2 =	seq.s32 s10, $0x1;
	s10 =	sld [smem:$0x3FB3]  }
0x3d: {  	_ =	shalt  }
0x3e: {  	_ =	shalt  }
0x3f: {  	_ =	shalt  }
0x40: {  	_ =	shalt  }
0x41: {  	_ =	shalt  }
0x42: {  	_ =	shalt  }
0x43: {  	_ =	shalt  }
0x44: {  	_ =	shalt  }
0x45: {  	_ =	shalt  }
0x46: {  	_ =	shalt  }
0x47: {  	_ =	shalt  }
0x48: {  	_ =	shalt  }
0x49: {  	_ =	shalt  }
0x4a: {  	_ =	shalt  }
0x4b: {  	_ =	shalt  }
0x4c: {  	_ =	shalt  }
0x4d: {  	_ =	shalt  }
0x4e: {  	_ =	shalt  }
0x4f: {  	_ =	shalt  }
0x50: {  	_ =	shalt  }
0x51: {  	_ =	shalt  }
0x52: {  	_ =	shalt  }
0x53: {  	_ =	shalt  }
0x54: {  	_ =	shalt  }
0x55: {  	_ =	shalt  }
0x56: {  	_ =	shalt  }
0x57: {  	_ =	shalt  }
0x58: {  	_ =	shalt  }
0x59: {  	_ =	shalt  }
0x5a: {  	_ =	shalt  }
0x5b: {  	_ =	shalt  }
0x5c: {  	_ =	shalt  }
0x5d: {  	_ =	shalt  }
0x5e: {  	_ =	shalt  }
0x5f: {  	_ =	shalt  }
0x60: {  	_ =	shalt  }
0x61: {  	_ =	shalt  }
0x62: {  	_ =	shalt  }
0x63: {  	_ =	shalt  }
0x64: {  	_ =	shalt  }
0x65: {  	_ =	shalt  }
0x66: {  	_ =	shalt  }
0x67: {  	_ =	shalt  }
0x68: {  	_ =	shalt  }
0x69: {  	_ =	shalt  }
0x6a: {  	_ =	shalt  }
0x6b: {  	_ =	shalt  }
0x6c: {  	_ =	shalt  }
0x6d: {  	_ =	shalt  }
0x6e: {  	_ =	shalt  }
0x6f: {  	_ =	shalt  }
0x70: {  	_ =	shalt  }
0x71: {  	_ =	shalt  }
0x72: {  	_ =	shalt  }
0x73: {  	_ =	shalt  }
0x74: {  	_ =	shalt  }
0x75: {  	_ =	shalt  }
0x76: {  	_ =	shalt  }
0x77: {  	_ =	shalt  }
0x78: {  	_ =	shalt  }
0x79: {  	_ =	shalt  }
0x7a: {  	_ =	shalt  }
0x7b: {  	_ =	shalt  }
0x7c: {  	_ =	shalt  }
0x7d: {  	_ =	shalt  }
0x7e: {  	_ =	shalt  }
0x7f: {  	_ =	shalt  }
0x80: {  	_ =	shalt  }
0x81: {  	_ =	shalt  }
0x82: {  	_ =	shalt  }
0x83: {  	_ =	shalt  }
0x84: {  	_ =	shalt  }
0x85: {  	_ =	shalt  }
0x86: {  	_ =	shalt  }
0x87: {  	_ =	shalt  }
.Lfunc_end0:
.L_simem_size_0:
called_computation.1_lowered:
.L_overlay_start_0:
0x88: {  	s2 =	sld [smem:$0x3FD9]  }
0x89: {  	s3 =	sld [smem:$0x3FFE];
	_ =	sdelay $0x1  }
0x8a: {  	s1 =	srdreg.scid  }
0x8b: {  	s0 =	sand.u32 $0x1, s1  }
0x8c: {  	s17 =	sshll.u32 s0, $0xA;
	s2 =	sadd.s32 s3, s2  }
0x8d: {  	s2 =	sadd.s32 s2, s17  }
0x8e: {  	[smem:$0x3FBF] =	sst s2  }
0x8f: {  	_ = 	snop  }
0x90: {  	s2 =	sld [smem:$0x3FC8];
	(tm) =	ssettm $0x1  }
0x91: {  	s18 =	sld [smem:$0x3FFB];
	_ =	sdelay $0x3  }
0x92: {  	_ =	strace s18  }
0x93: {  	s3 =	sld [smem:$0x3FFC];
	_ =	sdelay $0x3  }
0x94: {  	_ =	strace s3  }
0x95: {  	s3 =	sld [smem:$0x3FFD];
	_ =	sdelay $0x3  }
0x96: {  	_ =	strace s3  }
0x97: {  	_ =	strace $0x8FFFFFFF  }
0x98: {  	s19 =	sld [smem:$0x3FDB];
	_ =	sdelay $0x1  }
0x99: {  	s4 =	simm.s32 $_scs_section_size  }
0x9a: {  	s5 =	simm.s32 $_size__tile_overlayer_lowered;
	s6 =	simm.s32 $_tile_overlayer_lowered  }
0x9b: {  	s22 =	simm.s32 $0x1BFF;
	s21 =	sshll.u32 s6, $0x1;
	s3 =	sadd.s32 s4, s19  }
0x9c: {  	s7 =	simm.s32 $0x0;
	s20 =	sshll.u32 s5, $0x1;
	s5 =	sadd.s32 s21, s3  }
0x9d: {  	[timem:s7], [sflag:s22] =	dma.local [hbm:s5], s20  }
0x9e: {  	_ =	swait.ge [sflag:s22], s20  }
0x9f: {  	s4 =	ssub.s32 $0x0, s20;
	[sflag:s22] =	ssyncset.done $0x0  }
0xa0: {  	[sflag:s22] =	ssyncadd.s32 s4;
	_ =	sdelay $0x1  }
0xa1: {  	s23 =	simm.s32 $0x1B8B  }
0xa2: {  	_ =	swait.ge [sflag:s23], $0x1  }
0xa3: {  	[sflag:s23] =	ssyncset.done $0x0  }
0xa4: {  	s25 =	simm.s32 $0x1B8E;
	s24 =	sld [smem:$0x3FFE];
	[sflag:s23] =	ssyncadd.s32 $0xFFFFFFFF  }
0xa5: {  	s26 =	simm.s32 $execute0_lowered;
	[smem:$0x3FD2] =	sst s25  }
0xa6: {  	s5 =	sshll.u32 s26, $0x1;
	_ =	strace $0x80000049;
	[dreg:$0x1] =	wrdreg $0xFFFFFFFF  }
0xa7: {  	s28 =	simm.s32 $_size_execute0_lowered;
	s3 =	sadd.s32 s3, s5;
	[dreg:$0x0] =	wrdreg $0x0  }
0xa8: {  	s5 =	sshll.u32 s28, $0x1;
	[dreg:$0x2] =	wrdreg s3  }
0xa9: {  	[dreg:$0x3] =	wrdreg s5  }
0xaa: {  	[dreg:$0x4] =	wrdreg $0xC0  }
0xab: {  	_ =	task [dreg:s7], $0x5FFFF  }
0xac: {  	[dreg:$0x1] =	wrdreg $0xFFFFFFFF  }
0xad: {  	[dreg:$0x0] =	wrdreg $0x60  }
0xae: {  	[dreg:$0x2] =	wrdreg s24  }
0xaf: {  	[dreg:$0x3] =	wrdreg s2  }
0xb0: {  	[dreg:$0x4] =	wrdreg $0x84000  }
0xb1: {  	[dreg:$0x5] =	wrdreg $0x9  }
0xb2: {  	_ =	task.clear_ibuf [dreg:s7], $0x6FFFF;
	_ =	strace $0x90000049  }
0xb3: {  	s29 =	simm.s32 $0x9;
	_ =	strace $0x8000004B  }
0xb4: {  	_ =	swait.ge [sflag:s29], $0x1  }
0xb5: {  	[sflag:s29] =	ssyncadd.s32 $0xFFFFFFFF  }
0xb6: {  	_ =	strace $0x9000004B  }
0xb7: {  	_ =	sfence  }
0xb8: {  	s30 =	sld [smem:$0x0];
	_ =	sdelay $0x2  }
0xb9: {  	s31 =	sshll.u32 s1, $0xD;
	s1 =	sshrl.u32 s1, $0x2  }
0xba: {  	s3 =	sand.u32 $0x4000, s31;
	s1 =	sadd.s32 s1, s30  }
0xbb: {  	s0 =	sor.u32 s3, s0;
	s1 =	sshll.u32 s1, $0x11  }
0xbc: {  	s0 =	sor.u32 s1, s0  }
0xbd: {  	s0 =	sadd.s32 $0x8F2B, s0  }
0xbe: {  	[sflag:s0] =	ssyncadd.remote.s32 $0x1  }
0xbf: {  	_ =	sfence.sel $0xFFFF  }
0xc0: {  	[dreg:$0x0] =	wrdreg $0xFFFFFFFF;
	(pc) =	sbr.abs _section_cstart, $3  }
0xc1: {  	[dreg:$0x1] =	wrdreg $0xFFFFFFFF  }
0xc2: {  	_ =	task.clear_ibuf [dreg:s7], $0x2FFFF;
	_ =	strace $0x9FFFFFFF  }
0xc3: {  	(tm) =	ssettm $0x7FFFFFFF  }
tec
execute0_lowered:
.L_overlay_start_1:
0x0: {  	(tag) =	ssettag $0x1  }
0x1: {  	s3 =	rddreg [dreg:$0x0]  }
0x2: {  	s0 =	rddreg [dreg:$0x1]  }
0x3: {  	s1 =	rddreg [dreg:$0x2]  }
0x4: {  	s4 =	srdreg.scid;
	s20 =	stileid.u32  }
0x5: {  	s2 =	simm.s32 $0x0;
	s13 =	simm.s32 $0x14;
	s8 =	smul.u32 $0x280, s20  }
0x6: {  	s5 =	sand.u32 $0x1, s4;
	[smem:$0x7FF] =	sst s2;
	s19 =	smul.u32 $0x50000, s20  }
0x7: {  	s4 =	sadd.s32 $0x1400, s3;
	s10 =	smul.u32 $0x28000, s5;
	s6 =	ssub.s32 $0x2, s5  }
0x8: {  	_ =	strace $0x8000004A;
	s5 =	sshll.u32 s5, $0x4;
	s7 =	sshrl.u32 s6, $0x1  }
0x9: {  	s12 =	sor.u32 s20, s5;
	s15 =	sadd.s32 $0x80, s8;
	s5 =	sshrl.u32 s19, $0x2  }
0xa: {  	s16 =	sadd.s32 $0x100, s8;
	s17 =	sadd.s32 $0x180, s8;
	s18 =	sadd.s32 $0x200, s8  }
0xb: {  	s3 =	sadd.s32 s10, s3;
	s11 =	ssub.s32 s6, s7;
	p0 =	seq.s32 s12, $0x1F  }
0xc: {  	s14 =	smul.u32 $0x2800, s12;
	s21 =	sshll.u32 s15, $0x7;
	s22 =	sadd.s32 s5, s1  }
0xd: {  	s23 =	sshll.u32 s16, $0x7;
	s24 =	sshll.u32 s17, $0x7;
	s9 =	sshll.u32 s18, $0x7  }
0xe: {  	s6 =	smul.u32 $0xA00, s12;
	s13 =	simm.s32 @!p0 $0x50;
	s5 =	sadd.s32 s21, s1  }
0xf: {  	s28 =	sadd.s32 s23, s1;
	s25 =	sadd.s32 s24, s1;
	s23 =	smul.u32 $0x2800, s20  }
0x10: {  	s8 =	sadd.s32 $0x29400, s3;
	s11 =	smax.u32 s11, $0x1;
	[dreg:$0x6] =	wrdreg s25  }
0x11: {  	s3 =	sshll.u32 s15, $0x4;
	s15 =	sshll.u32 s16, $0x4;
	[dreg:$0xf] =	wrdreg s11  }
0x12: {  	s19 =	sshll.u32 s13, $0x7;
	s26 =	sshll.u32 s13, $0x5;
	[dreg:$0x7] =	wrdreg s6  }
0x13: {  	[dreg:$0xd] =	wrdreg s8;
	s14 =	sadd.s32 s19, s14;
	s10 =	sadd.s32 s23, s10  }
0x14: {  	[dreg:$0x9] =	wrdreg s23;
	s12 =	sadd.s32 $0xFFFFFF00, s26;
	s25 =	sor.u32 $0x380, s10  }
0x15: {  	s24 =	sadd.s32 $0xFFFFFF00, s14;
	[dreg:$0x4] =	wrdreg s12;
	s13 =	sshrl.u32 s25, $0x2  }
0x16: {  	s20 =	sshrl.u32 s24, $0x2;
	s24 =	sadd.s32 s0, s6;
	[dreg:$0xe] =	wrdreg s13  }
0x17: {  	s19 =	sadd.s32 $0xFFFFFE00, s14;
	s25 =	sor.u32 $0x20, s6;
	[dreg:$0x13] =	wrdreg s24  }
0x18: {  	s21 =	sadd.s32 $0xFFFFFE80, s14;
	s7 =	sshrl.u32 s19, $0x2;
	[dreg:$0x14] =	wrdreg s25  }
0x19: {  	s16 =	sshll.u32 s17, $0x4;
	s19 =	sshrl.u32 s21, $0x2;
	[dreg:$0x8] =	wrdreg s7  }
0x1a: {  	s17 =	sshll.u32 s18, $0x4;
	s14 =	sadd.s32 $0xFFFFFF80, s14;
	[dreg:$0xa] =	wrdreg s19  }
0x1b: {  	s18 =	sor.u32 $0x280, s10;
	s14 =	sshrl.u32 s14, $0x2;
	[dreg:$0xb] =	wrdreg s20  }
0x1c: {  	s21 =	sshrl.u32 s18, $0x2;
	[dreg:$0xc] =	wrdreg s14  }
0x1d: {  	s29 =	simm.s32 $0x4;
	s26 =	sadd.s32 s13, s0;
	[dreg:$0x11] =	wrdreg s21  }
0x1e: {  	s30 =	simm.s32 $0x200;
	s12 =	sadd.s32 s0, s25;
	[dreg:$0x5] =	wrdreg s26  }
0x1f: {  	s31 =	simm.s32 $0x80;
	s18 =	sadd.s32 s0, s19;
	[dreg:$0x15] =	wrdreg s12  }
0x20: {  	s9 =	sadd.s32 s9, s1;
	s19 =	sadd.s32 s0, s20;
	[dreg:$0x1b] =	wrdreg s18  }
0x21: {  	s23 =	sadd.s32 $0x10, s0;
	s20 =	sadd.s32 s0, s14;
	[dreg:$0x1c] =	wrdreg s19  }
0x22: {  	s13 =	sor.u32 $0x300, s10;
	s24 =	sadd.s32 s15, s8;
	[dreg:$0x1d] =	wrdreg s20  }
0x23: {  	s10 =	sor.u32 $0x200, s10;
	s25 =	sadd.s32 s16, s8;
	[dreg:$0x1f] =	wrdreg s24  }
0x24: {  	s15 =	simm.s32 $0x3;
	s26 =	sor.u32 $0x40, s6;
	[smem:$0x7FC] =	sst s25  }
0x25: {  	s11 =	sshrl.u32 s13, $0x2;
	s6 =	sor.u32 $0x60, s6;
	[dreg:$0x16] =	wrdreg s26  }
0x26: {  	s10 =	sshrl.u32 s10, $0x2;
	s13 =	sadd.s32 s21, s0;
	[dreg:$0x17] =	wrdreg s6  }
0x27: {  	s21 =	sadd.s32 s3, s8;
	s25 =	simm.s32 $0x400;
	[dreg:$0x10] =	wrdreg s11  }
0x28: {  	s19 =	simm.s32 $0x280;
	s20 =	simm.s32 $0x100;
	[dreg:$0x12] =	wrdreg s10  }
0x29: {  	s3 =	simm.s32 $0x300;
	s12 =	sadd.s32 s0, s26;
	[dreg:$0x1e] =	wrdreg s21  }
0x2a: {  	s24 =	simm.s32 $0x180;
	s6 =	sadd.s32 s0, s6;
	[dreg:$0x18] =	wrdreg s12  }
0x2b: {  	s14 =	sadd.s32 s10, s0;
	s26 =	sadd.s32 s17, s8;
	[dreg:$0x19] =	wrdreg s6  }
0x2c: {  	s21 =	simm.s32 $0x4400;
	s12 =	sadd.s32 s0, s7;
	[smem:$0x7FD] =	sst s26  }
0x2d: {  	s10 =	simm.s32 $0x380;
	s26 =	simm.s32 $0x0;
	[dreg:$0x1a] =	wrdreg s12  }
0x2e: {  	v0 =	vimm.f32 $0.0e+00;
	s12 =	sadd.s32 s11, s0;
	s0 =	simm.s32 $0x1;
	s11 =	simm.s32 $0x2  }
.LBB2_1:
0x2f: {  	s16 =	simm.s32 $0x0;
	s17 =	simm.s32 $0x200  }
.LBB2_2:
0x30: {  	p0 =	sne.s32 s17, $0xFE00;
	[tilespmem:s16+$0x470] =	vst v0  }
0x31: {  	[tilespmem:s16+$0x400] =	vst v0  }
0x32: {  	[tilespmem:s16+$0x410] =	vst v0  }
.Ltmp0:
0x33: {  	[tilespmem:s16+$0x420] =	vst v0;
	(pc) =	sbr.rel @p0 .LBB2_2-.Ltmp0, $4  }
0x34: {  	[tilespmem:s16+$0x430] =	vst v0  }
0x35: {  	[tilespmem:s16+$0x440] =	vst v0  }
0x36: {  	[tilespmem:s16+$0x450] =	vst v0  }
0x37: {  	[tilespmem:s16+$0x460] =	vst v0;
	s16 =	sshra.s32 s17, $0x2;
	s17 =	sadd.s32 $0x200, s17  }
0x38: {  	[tilespmem:s16+$0x470] =	vst v0  }
0x39: {  	[tilespmem:s16+$0x400] =	vst v0  }
0x3a: {  	[tilespmem:s16+$0x410] =	vst v0  }
0x3b: {  	[tilespmem:s16+$0x420] =	vst v0  }
0x3c: {  	[tilespmem:s16+$0x430] =	vst v0  }
0x3d: {  	[tilespmem:s16+$0x440] =	vst v0  }
0x3e: {  	[tilespmem:s16+$0x450] =	vst v0  }
0x3f: {  	[tilespmem:s16+$0x460] =	vst v0  }
0x40: {  	[spmem:s22] =	stream.linear.scatter [tilespmem:s25], [sflag:$0x4], $0x4000, $0x38;
	[tilespmem:$0x1C400] =	vst v63  }
0x41: {  	_ =	swait.ge [sflag:s29], $0x4000  }
0x42: {  	[sflag:s29] =	ssyncset.done $0x0  }
0x43: {  	[sflag:s29] =	ssyncadd.s32 $0xFFFFC000  }
0x44: {  	[spmem:s5] =	stream.linear.scatter [tilespmem:s25], [sflag:$0x4], $0x4000, $0x38;
	[tilespmem:$0x1C400] =	vst v63  }
0x45: {  	_ =	swait.ge [sflag:s29], $0x4000  }
0x46: {  	[sflag:s29] =	ssyncset.done $0x0  }
0x47: {  	[sflag:s29] =	ssyncadd.s32 $0xFFFFC000  }
0x48: {  	[spmem:s28] =	stream.linear.scatter [tilespmem:s25], [sflag:$0x4], $0x4000, $0x38;
	[tilespmem:$0x1C400] =	vst v63  }
0x49: {  	_ =	swait.ge [sflag:s29], $0x4000  }
0x4a: {  	[sflag:s29] =	ssyncset.done $0x0  }
0x4b: {  	s16 =	rddreg [dreg:$0x6];
	[sflag:s29] =	ssyncadd.s32 $0xFFFFC000  }
0x4c: {  	[spmem:s16] =	stream.linear.scatter [tilespmem:s25], [sflag:$0x4], $0x4000, $0x38;
	[tilespmem:$0x1C400] =	vst v63  }
0x4d: {  	_ =	swait.ge [sflag:s29], $0x4000  }
0x4e: {  	[sflag:s29] =	ssyncset.done $0x0  }
0x4f: {  	[sflag:s29] =	ssyncadd.s32 $0xFFFFC000  }
0x50: {  	[spmem:s9] =	stream.linear.scatter [tilespmem:s25], [sflag:$0x4], $0x4000, $0x38;
	[tilespmem:$0x1C400] =	vst v63  }
0x51: {  	_ =	swait.ge [sflag:s29], $0x4000  }
0x52: {  	[sflag:s29] =	ssyncset.done $0x0  }
0x53: {  	[sflag:s29] =	ssyncadd.s32 $0xFFFFC000  }
0x54: {  	[bflag:$0x0] =	sbarrier.arrive $0xFFFF  }
0x55: {  	s17 =	rddreg [dreg:$0x13]  }
0x56: {  	s6 =	smov.u32 s22;
	s18 =	simm.s32 $0x0;
	s22 =	rddreg [dreg:$0x7]  }
0x57: {  	[tilespmem:s18], [sflag:$0x1] =	stream.linear.gather [hbm4b:s17+s18], $0x80, $0x38;
	[tilespmem:$0x1C400] =	vst v63  }
0x58: {  	s7 =	smov.u32 s5;
	s5 =	sadd.s32 s22, s23;
	s17 =	rddreg [dreg:$0x15]  }
0x59: {  	[tilespmem:s30], [sflag:$0x1] =	stream.linear.gather [hbm4b:s5+s18], $0x80, $0x38;
	[tilespmem:$0x1C400] =	vst v63  }
0x5a: {  	s22 =	rddreg [dreg:$0x14]  }
0x5b: {  	[tilespmem:s31], [sflag:$0x1] =	stream.linear.gather [hbm4b:s17+s18], $0x80, $0x38;
	[tilespmem:$0x1C400] =	vst v63  }
0x5c: {  	s5 =	sadd.s32 s22, s23  }
0x5d: {  	[tilespmem:s19], [sflag:$0x1] =	stream.linear.gather [hbm4b:s5+s18], $0x80, $0x38;
	[tilespmem:$0x1C400] =	vst v63  }
0x5e: {  	_ =	swait.ge [sflag:s0], $0x80  }
0x5f: {  	[sflag:s0] =	ssyncset.done $0x0  }
0x60: {  	[sflag:s0] =	ssyncadd.s32 $0xFFFFFF80  }
0x61: {  	_ =	swait.ge [sflag:s0], $0x80  }
0x62: {  	[sflag:s0] =	ssyncset.done $0x0  }
0x63: {  	s17 =	rddreg [dreg:$0x18];
	[sflag:s0] =	ssyncadd.s32 $0xFFFFFF80  }
0x64: {  	[tilespmem:s25], [sflag:$0x2] =	stream.indirect.gather [hbm4b:s4+s31], $0x80, s18, s31, $0xb8;
	[tilespmem:$0x1C400] =	vst v63  }
0x65: {  	s22 =	rddreg [dreg:$0x16]  }
0x66: {  	[tilespmem:s20], [sflag:$0x1] =	stream.linear.gather [hbm4b:s17+s18], $0x80, $0x38;
	[tilespmem:$0x1C400] =	vst v63  }
0x67: {  	s5 =	sadd.s32 s22, s23  }
0x68: {  	[tilespmem:s3], [sflag:$0x1] =	stream.linear.gather [hbm4b:s5+s18], $0x80, $0x38;
	[tilespmem:$0x1C400] =	vst v63  }
0x69: {  	_ =	swait.ge [sflag:s0], $0x80  }
0x6a: {  	[sflag:s0] =	ssyncset.done $0x0  }
0x6b: {  	[sflag:s0] =	ssyncadd.s32 $0xFFFFFF80  }
0x6c: {  	_ =	swait.ge [sflag:s0], $0x80  }
0x6d: {  	[sflag:s0] =	ssyncset.done $0x0  }
0x6e: {  	[sflag:s0] =	ssyncadd.s32 $0xFFFFFF80  }
0x6f: {  	[tilespmem:s21], [sflag:$0x2] =	stream.indirect.gather [hbm4b:s4+s31], $0x80, s31, s31, $0xb8;
	[tilespmem:$0x1C400] =	vst v63  }
0x70: {  	_ =	swait.ge [sflag:s11], $0x4000  }
0x71: {  	[sflag:s11] =	ssyncset.done $0x0  }
0x72: {  	s17 =	rddreg [dreg:$0x19];
	[sflag:s11] =	ssyncadd.s32 $0xFFFFC000  }
0x73: {  	[spmem:s1] =	stream.indirect.scatter.add.f32 [tilespmem:s25], [sflag:$0x3], $0x80, s30, s31, $0xb8;
	[tilespmem:$0x1C400] =	vst v63  }
0x74: {  	s22 =	rddreg [dreg:$0x17]  }
0x75: {  	[tilespmem:s24], [sflag:$0x1] =	stream.linear.gather [hbm4b:s17+s18], $0x80, $0x38;
	[tilespmem:$0x1C400] =	vst v63  }
0x76: {  	s5 =	sadd.s32 s22, s23  }
0x77: {  	[tilespmem:s10], [sflag:$0x1] =	stream.linear.gather [hbm4b:s5+s18], $0x80, $0x38;
	[tilespmem:$0x1C400] =	vst v63  }
0x78: {  	_ =	swait.ge [sflag:s0], $0x80  }
0x79: {  	[sflag:s0] =	ssyncset.done $0x0  }
0x7a: {  	[sflag:s0] =	ssyncadd.s32 $0xFFFFFF80  }
0x7b: {  	_ =	swait.ge [sflag:s0], $0x80  }
0x7c: {  	[sflag:s0] =	ssyncset.done $0x0  }
0x7d: {  	[sflag:s0] =	ssyncadd.s32 $0xFFFFFF80  }
0x7e: {  	_ =	swait.ge [sflag:s15], $0x4000  }
0x7f: {  	[sflag:s15] =	ssyncset.done $0x0  }
0x80: {  	[sflag:s15] =	ssyncadd.s32 $0xFFFFC000  }
0x81: {  	[tilespmem:s25], [sflag:$0x2] =	stream.indirect.gather [hbm4b:s4+s31], $0x80, s20, s31, $0xb8;
	[tilespmem:$0x1C400] =	vst v63  }
0x82: {  	_ =	swait.ge [sflag:s11], $0x4000  }
0x83: {  	s16 =	rddreg [dreg:$0xe]  }
0x84: {  	s17 =	rddreg [dreg:$0x10]  }
0x85: {  	s8 =	smov.u32 s28;
	[sflag:s11] =	ssyncset.done $0x0;
	s22 =	rddreg [dreg:$0x11]  }
0x86: {  	[sflag:s11] =	ssyncadd.s32 $0xFFFFC000;
	s28 =	sadd.s32 s23, s16;
	s16 =	rddreg [dreg:$0x12]  }
0x87: {  	[spmem:s1] =	stream.indirect.scatter.add.f32 [tilespmem:s21], [sflag:$0x3], $0x80, s19, s31, $0xb8;
	[tilespmem:$0x1C400] =	vst v63  }
0x88: {  	s17 =	sadd.s32 s23, s17;
	s22 =	sadd.s32 s23, s22;
	s16 =	sadd.s32 s23, s16  }
.LBB2_4:
0x89: {  	s5 =	sadd.s32 s18, s14  }
0x8a: {  	[tilespmem:s2], [sflag:$0x1] =	stream.linear.gather [hbm4b:s5+s2], $0x80, $0x38;
	[tilespmem:$0x1C400] =	vst v63  }
0x8b: {  	s5 =	sadd.s32 s18, s16  }
0x8c: {  	[tilespmem:s30], [sflag:$0x1] =	stream.linear.gather [hbm4b:s5+s2], $0x80, $0x38;
	[tilespmem:$0x1C400] =	vst v63  }
0x8d: {  	_ =	swait.ge [sflag:s0], $0x80  }
0x8e: {  	[sflag:s0] =	ssyncset.done $0x0  }
0x8f: {  	[sflag:s0] =	ssyncadd.s32 $0xFFFFFF80  }
0x90: {  	_ =	swait.ge [sflag:s0], $0x80  }
0x91: {  	[sflag:s0] =	ssyncset.done $0x0  }
0x92: {  	[sflag:s0] =	ssyncadd.s32 $0xFFFFFF80  }
0x93: {  	_ =	swait.ge [sflag:s15], $0x4000  }
0x94: {  	[sflag:s15] =	ssyncset.done $0x0  }
0x95: {  	[sflag:s15] =	ssyncadd.s32 $0xFFFFC000  }
0x96: {  	[tilespmem:s21], [sflag:$0x2] =	stream.indirect.gather [hbm4b:s4+s31], $0x80, s24, s31, $0xb8;
	[tilespmem:$0x1C400] =	vst v63  }
0x97: {  	_ =	swait.ge [sflag:s11], $0x4000  }
0x98: {  	[sflag:s11] =	ssyncset.done $0x0  }
0x99: {  	[sflag:s11] =	ssyncadd.s32 $0xFFFFC000  }
0x9a: {  	[spmem:s1] =	stream.indirect.scatter.add.f32 [tilespmem:s25], [sflag:$0x3], $0x80, s3, s31, $0xb8;
	[tilespmem:$0x1C400] =	vst v63  }
0x9b: {  	s5 =	sadd.s32 s18, s13  }
0x9c: {  	[tilespmem:s31], [sflag:$0x1] =	stream.linear.gather [hbm4b:s5+s2], $0x80, $0x38;
	[tilespmem:$0x1C400] =	vst v63  }
0x9d: {  	s5 =	sadd.s32 s18, s22  }
0x9e: {  	[tilespmem:s19], [sflag:$0x1] =	stream.linear.gather [hbm4b:s5+s2], $0x80, $0x38;
	[tilespmem:$0x1C400] =	vst v63  }
0x9f: {  	_ =	swait.ge [sflag:s0], $0x80  }
0xa0: {  	[sflag:s0] =	ssyncset.done $0x0  }
0xa1: {  	[sflag:s0] =	ssyncadd.s32 $0xFFFFFF80  }
0xa2: {  	_ =	swait.ge [sflag:s0], $0x80  }
0xa3: {  	[sflag:s0] =	ssyncset.done $0x0  }
0xa4: {  	[sflag:s0] =	ssyncadd.s32 $0xFFFFFF80  }
0xa5: {  	_ =	swait.ge [sflag:s15], $0x4000  }
0xa6: {  	[sflag:s15] =	ssyncset.done $0x0  }
0xa7: {  	[sflag:s15] =	ssyncadd.s32 $0xFFFFC000  }
0xa8: {  	[tilespmem:s25], [sflag:$0x2] =	stream.indirect.gather [hbm4b:s4+s31], $0x80, s2, s31, $0xb8;
	[tilespmem:$0x1C400] =	vst v63  }
0xa9: {  	_ =	swait.ge [sflag:s11], $0x4000  }
0xaa: {  	[sflag:s11] =	ssyncset.done $0x0  }
0xab: {  	[sflag:s11] =	ssyncadd.s32 $0xFFFFC000  }
0xac: {  	[spmem:s1] =	stream.indirect.scatter.add.f32 [tilespmem:s21], [sflag:$0x3], $0x80, s10, s31, $0xb8;
	[tilespmem:$0x1C400] =	vst v63  }
0xad: {  	s5 =	sadd.s32 s18, s12  }
0xae: {  	[tilespmem:s20], [sflag:$0x1] =	stream.linear.gather [hbm4b:s5+s2], $0x80, $0x38;
	[tilespmem:$0x1C400] =	vst v63  }
0xaf: {  	s5 =	sadd.s32 s18, s17  }
0xb0: {  	[tilespmem:s3], [sflag:$0x1] =	stream.linear.gather [hbm4b:s5+s2], $0x80, $0x38;
	[tilespmem:$0x1C400] =	vst v63  }
0xb1: {  	_ =	swait.ge [sflag:s0], $0x80  }
0xb2: {  	[sflag:s0] =	ssyncset.done $0x0  }
0xb3: {  	[sflag:s0] =	ssyncadd.s32 $0xFFFFFF80  }
0xb4: {  	_ =	swait.ge [sflag:s0], $0x80  }
0xb5: {  	[sflag:s0] =	ssyncset.done $0x0  }
0xb6: {  	[sflag:s0] =	ssyncadd.s32 $0xFFFFFF80  }
0xb7: {  	_ =	swait.ge [sflag:s15], $0x4000  }
0xb8: {  	[sflag:s15] =	ssyncset.done $0x0  }
0xb9: {  	[sflag:s15] =	ssyncadd.s32 $0xFFFFC000  }
0xba: {  	[tilespmem:s21], [sflag:$0x2] =	stream.indirect.gather [hbm4b:s4+s31], $0x80, s31, s31, $0xb8;
	[tilespmem:$0x1C400] =	vst v63  }
0xbb: {  	_ =	swait.ge [sflag:s11], $0x4000  }
0xbc: {  	[sflag:s11] =	ssyncset.done $0x0  }
0xbd: {  	s5 =	rddreg [dreg:$0x5];
	[sflag:s11] =	ssyncadd.s32 $0xFFFFC000  }
0xbe: {  	[spmem:s1] =	stream.indirect.scatter.add.f32 [tilespmem:s25], [sflag:$0x3], $0x80, s30, s31, $0xb8;
	[tilespmem:$0x1C400] =	vst v63  }
0xbf: {  	s5 =	sadd.s32 s18, s5  }
0xc0: {  	[tilespmem:s24], [sflag:$0x1] =	stream.linear.gather [hbm4b:s5+s2], $0x80, $0x38;
	[tilespmem:$0x1C400] =	vst v63  }
0xc1: {  	s5 =	sadd.s32 s18, s28  }
0xc2: {  	[tilespmem:s10], [sflag:$0x1] =	stream.linear.gather [hbm4b:s5+s2], $0x80, $0x38;
	[tilespmem:$0x1C400] =	vst v63  }
0xc3: {  	_ =	swait.ge [sflag:s0], $0x80  }
0xc4: {  	[sflag:s0] =	ssyncset.done $0x0  }
0xc5: {  	[sflag:s0] =	ssyncadd.s32 $0xFFFFFF80  }
0xc6: {  	_ =	swait.ge [sflag:s0], $0x80  }
0xc7: {  	[sflag:s0] =	ssyncset.done $0x0  }
0xc8: {  	[sflag:s0] =	ssyncadd.s32 $0xFFFFFF80  }
0xc9: {  	_ =	swait.ge [sflag:s15], $0x4000  }
0xca: {  	[sflag:s15] =	ssyncset.done $0x0  }
0xcb: {  	[sflag:s15] =	ssyncadd.s32 $0xFFFFC000  }
0xcc: {  	[tilespmem:s25], [sflag:$0x2] =	stream.indirect.gather [hbm4b:s4+s31], $0x80, s20, s31, $0xb8;
	[tilespmem:$0x1C400] =	vst v63  }
0xcd: {  	_ =	swait.ge [sflag:s11], $0x4000  }
0xce: {  	s18 =	sadd.s32 $0x80, s18;
	s5 =	rddreg [dreg:$0x4]  }
0xcf: {  	p0 =	sne.s32 s5, s18  }
.Ltmp1:
0xd0: {  	_ = 	snop;
	(pc) =	sbr.rel @p0 .LBB2_4-.Ltmp1, $4  }
0xd1: {  	_ = 	snop  }
0xd2: {  	[sflag:s11] =	ssyncset.done $0x0  }
0xd3: {  	[sflag:s11] =	ssyncadd.s32 $0xFFFFC000  }
0xd4: {  	[spmem:s1] =	stream.indirect.scatter.add.f32 [tilespmem:s21], [sflag:$0x3], $0x80, s19, s31, $0xb8;
	[tilespmem:$0x1C400] =	vst v63  }
0xd5: {  	s5 =	rddreg [dreg:$0x1a]  }
0xd6: {  	s17 =	rddreg [dreg:$0x8]  }
0xd7: {  	[tilespmem:s2], [sflag:$0x1] =	stream.linear.gather [hbm4b:s5+s2], $0x80, $0x38;
	[tilespmem:$0x1C400] =	vst v63  }
0xd8: {  	s5 =	sadd.s32 s17, s23  }
0xd9: {  	[tilespmem:s30], [sflag:$0x1] =	stream.linear.gather [hbm4b:s5+s2], $0x80, $0x38;
	[tilespmem:$0x1C400] =	vst v63  }
0xda: {  	_ =	swait.ge [sflag:s0], $0x80  }
0xdb: {  	[sflag:s0] =	ssyncset.done $0x0  }
0xdc: {  	[sflag:s0] =	ssyncadd.s32 $0xFFFFFF80  }
0xdd: {  	_ =	swait.ge [sflag:s0], $0x80  }
0xde: {  	[sflag:s0] =	ssyncset.done $0x0  }
0xdf: {  	[sflag:s0] =	ssyncadd.s32 $0xFFFFFF80  }
0xe0: {  	_ =	swait.ge [sflag:s15], $0x4000  }
0xe1: {  	[sflag:s15] =	ssyncset.done $0x0  }
0xe2: {  	[sflag:s15] =	ssyncadd.s32 $0xFFFFC000  }
0xe3: {  	[tilespmem:s21], [sflag:$0x2] =	stream.indirect.gather [hbm4b:s4+s31], $0x80, s24, s31, $0xb8;
	[tilespmem:$0x1C400] =	vst v63  }
0xe4: {  	_ =	swait.ge [sflag:s11], $0x4000  }
0xe5: {  	[sflag:s11] =	ssyncset.done $0x0  }
0xe6: {  	s18 =	rddreg [dreg:$0x1b];
	[sflag:s11] =	ssyncadd.s32 $0xFFFFC000  }
0xe7: {  	[spmem:s1] =	stream.indirect.scatter.add.f32 [tilespmem:s25], [sflag:$0x3], $0x80, s3, s31, $0xb8;
	[tilespmem:$0x1C400] =	vst v63  }
0xe8: {  	s22 =	rddreg [dreg:$0xa]  }
0xe9: {  	[tilespmem:s31], [sflag:$0x1] =	stream.linear.gather [hbm4b:s18+s2], $0x80, $0x38;
	[tilespmem:$0x1C400] =	vst v63  }
0xea: {  	s5 =	sadd.s32 s22, s23  }
0xeb: {  	[tilespmem:s19], [sflag:$0x1] =	stream.linear.gather [hbm4b:s5+s2], $0x80, $0x38;
	[tilespmem:$0x1C400] =	vst v63  }
0xec: {  	_ =	swait.ge [sflag:s0], $0x80  }
0xed: {  	[sflag:s0] =	ssyncset.done $0x0  }
0xee: {  	[sflag:s0] =	ssyncadd.s32 $0xFFFFFF80  }
0xef: {  	_ =	swait.ge [sflag:s0], $0x80  }
0xf0: {  	[sflag:s0] =	ssyncset.done $0x0  }
0xf1: {  	[sflag:s0] =	ssyncadd.s32 $0xFFFFFF80  }
0xf2: {  	_ =	swait.ge [sflag:s15], $0x4000  }
0xf3: {  	[sflag:s15] =	ssyncset.done $0x0  }
0xf4: {  	[sflag:s15] =	ssyncadd.s32 $0xFFFFC000  }
0xf5: {  	[tilespmem:s25], [sflag:$0x2] =	stream.indirect.gather [hbm4b:s4+s31], $0x80, s2, s31, $0xb8;
	[tilespmem:$0x1C400] =	vst v63  }
0xf6: {  	_ =	swait.ge [sflag:s11], $0x4000  }
0xf7: {  	[sflag:s11] =	ssyncset.done $0x0  }
0xf8: {  	s16 =	rddreg [dreg:$0x1c];
	[sflag:s11] =	ssyncadd.s32 $0xFFFFC000  }
0xf9: {  	[spmem:s1] =	stream.indirect.scatter.add.f32 [tilespmem:s21], [sflag:$0x3], $0x80, s10, s31, $0xb8;
	[tilespmem:$0x1C400] =	vst v63  }
0xfa: {  	s17 =	rddreg [dreg:$0xb]  }
0xfb: {  	[tilespmem:s20], [sflag:$0x1] =	stream.linear.gather [hbm4b:s16+s2], $0x80, $0x38;
	[tilespmem:$0x1C400] =	vst v63  }
0xfc: {  	s5 =	sadd.s32 s17, s23  }
0xfd: {  	[tilespmem:s3], [sflag:$0x1] =	stream.linear.gather [hbm4b:s5+s2], $0x80, $0x38;
	[tilespmem:$0x1C400] =	vst v63  }
0xfe: {  	_ =	swait.ge [sflag:s0], $0x80  }
0xff: {  	[sflag:s0] =	ssyncset.done $0x0  }
0x100: {  	[sflag:s0] =	ssyncadd.s32 $0xFFFFFF80  }
0x101: {  	_ =	swait.ge [sflag:s0], $0x80  }
0x102: {  	[sflag:s0] =	ssyncset.done $0x0  }
0x103: {  	[sflag:s0] =	ssyncadd.s32 $0xFFFFFF80  }
0x104: {  	_ =	swait.ge [sflag:s15], $0x4000  }
0x105: {  	[sflag:s15] =	ssyncset.done $0x0  }
0x106: {  	[sflag:s15] =	ssyncadd.s32 $0xFFFFC000  }
0x107: {  	[tilespmem:s21], [sflag:$0x2] =	stream.indirect.gather [hbm4b:s4+s31], $0x80, s31, s31, $0xb8;
	[tilespmem:$0x1C400] =	vst v63  }
0x108: {  	_ =	swait.ge [sflag:s11], $0x4000  }
0x109: {  	[sflag:s11] =	ssyncset.done $0x0  }
0x10a: {  	s18 =	rddreg [dreg:$0x1d];
	[sflag:s11] =	ssyncadd.s32 $0xFFFFC000  }
0x10b: {  	[spmem:s1] =	stream.indirect.scatter.add.f32 [tilespmem:s25], [sflag:$0x3], $0x80, s30, s31, $0xb8;
	[tilespmem:$0x1C400] =	vst v63  }
0x10c: {  	s22 =	rddreg [dreg:$0xc]  }
0x10d: {  	[tilespmem:s24], [sflag:$0x1] =	stream.linear.gather [hbm4b:s18+s2], $0x80, $0x38;
	[tilespmem:$0x1C400] =	vst v63  }
0x10e: {  	s5 =	sadd.s32 s22, s23  }
0x10f: {  	[tilespmem:s10], [sflag:$0x1] =	stream.linear.gather [hbm4b:s5+s2], $0x80, $0x38;
	[tilespmem:$0x1C400] =	vst v63  }
0x110: {  	_ =	swait.ge [sflag:s0], $0x80  }
0x111: {  	[sflag:s0] =	ssyncset.done $0x0  }
0x112: {  	[sflag:s0] =	ssyncadd.s32 $0xFFFFFF80  }
0x113: {  	_ =	swait.ge [sflag:s0], $0x80  }
0x114: {  	[sflag:s0] =	ssyncset.done $0x0  }
0x115: {  	[sflag:s0] =	ssyncadd.s32 $0xFFFFFF80  }
0x116: {  	_ =	swait.ge [sflag:s15], $0x4000  }
0x117: {  	[sflag:s15] =	ssyncset.done $0x0  }
0x118: {  	[sflag:s15] =	ssyncadd.s32 $0xFFFFC000  }
0x119: {  	[tilespmem:s25], [sflag:$0x2] =	stream.indirect.gather [hbm4b:s4+s31], $0x80, s20, s31, $0xb8;
	[tilespmem:$0x1C400] =	vst v63  }
0x11a: {  	_ =	swait.ge [sflag:s11], $0x4000  }
0x11b: {  	[sflag:s11] =	ssyncset.done $0x0  }
0x11c: {  	[sflag:s11] =	ssyncadd.s32 $0xFFFFC000  }
0x11d: {  	[spmem:s1] =	stream.indirect.scatter.add.f32 [tilespmem:s21], [sflag:$0x3], $0x80, s19, s31, $0xb8;
	[tilespmem:$0x1C400] =	vst v63  }
0x11e: {  	_ =	swait.ge [sflag:s0], $0x80  }
0x11f: {  	[sflag:s0] =	ssyncset.done $0x0  }
0x120: {  	[sflag:s0] =	ssyncadd.s32 $0xFFFFFF80  }
0x121: {  	_ =	swait.ge [sflag:s0], $0x80  }
0x122: {  	[sflag:s0] =	ssyncset.done $0x0  }
0x123: {  	[sflag:s0] =	ssyncadd.s32 $0xFFFFFF80  }
0x124: {  	_ =	swait.ge [sflag:s15], $0x4000  }
0x125: {  	[sflag:s15] =	ssyncset.done $0x0  }
0x126: {  	[sflag:s15] =	ssyncadd.s32 $0xFFFFC000  }
0x127: {  	[tilespmem:s21], [sflag:$0x2] =	stream.indirect.gather [hbm4b:s4+s31], $0x80, s24, s31, $0xb8;
	[tilespmem:$0x1C400] =	vst v63  }
0x128: {  	_ =	swait.ge [sflag:s11], $0x4000  }
0x129: {  	[sflag:s11] =	ssyncset.done $0x0  }
0x12a: {  	[sflag:s11] =	ssyncadd.s32 $0xFFFFC000  }
0x12b: {  	[spmem:s1] =	stream.indirect.scatter.add.f32 [tilespmem:s25], [sflag:$0x3], $0x80, s3, s31, $0xb8;
	[tilespmem:$0x1C400] =	vst v63  }
0x12c: {  	_ =	swait.ge [sflag:s15], $0x4000  }
0x12d: {  	[sflag:s15] =	ssyncset.done $0x0  }
0x12e: {  	[sflag:s15] =	ssyncadd.s32 $0xFFFFC000  }
0x12f: {  	_ =	swait.ge [sflag:s11], $0x4000  }
0x130: {  	[sflag:s11] =	ssyncset.done $0x0  }
0x131: {  	[sflag:s11] =	ssyncadd.s32 $0xFFFFC000  }
0x132: {  	[spmem:s1] =	stream.indirect.scatter.add.f32 [tilespmem:s21], [sflag:$0x3], $0x80, s10, s31, $0xb8;
	[tilespmem:$0x1C400] =	vst v63  }
0x133: {  	_ =	swait.ge [sflag:s15], $0x4000  }
0x134: {  	[sflag:s15] =	ssyncset.done $0x0  }
0x135: {  	[sflag:s15] =	ssyncadd.s32 $0xFFFFC000  }
0x136: {  	[bflag:$0x0] =	sbarrier.arrive $0xFFFF  }
0x137: {  	[tilespmem:s25], [sflag:$0x4] =	stream.linear.gather [spmem:s6], $0x4000, $0x38;
	[tilespmem:$0x1C400] =	vst v63  }
0x138: {  	_ =	swait.ge [sflag:s29], $0x4000  }
0x139: {  	s16 =	rddreg [dreg:$0x9]  }
0x13a: {  	[sflag:s29] =	ssyncset.done $0x0;
	s17 =	rddreg [dreg:$0xd]  }
0x13b: {  	[sflag:s29] =	ssyncadd.s32 $0xFFFFC000;
	s5 =	sadd.s32 s16, s17  }
0x13c: {  	[hbm4b:s5+s2] =	stream.linear.scatter [tilespmem:s25], [sflag:$0x4], $0x4000, $0x38;
	[tilespmem:$0x1C400] =	vst v63  }
0x13d: {  	_ =	swait.ge [sflag:s29], $0x4000  }
0x13e: {  	[sflag:s29] =	ssyncset.done $0x0  }
0x13f: {  	[sflag:s29] =	ssyncadd.s32 $0xFFFFC000  }
0x140: {  	[tilespmem:s25], [sflag:$0x4] =	stream.linear.gather [spmem:s7], $0x4000, $0x38;
	[tilespmem:$0x1C400] =	vst v63  }
0x141: {  	_ =	swait.ge [sflag:s29], $0x4000  }
0x142: {  	[sflag:s29] =	ssyncset.done $0x0  }
0x143: {  	s18 =	rddreg [dreg:$0x1e];
	[sflag:s29] =	ssyncadd.s32 $0xFFFFC000  }
0x144: {  	[hbm4b:s18+s2] =	stream.linear.scatter [tilespmem:s25], [sflag:$0x4], $0x4000, $0x38;
	[tilespmem:$0x1C400] =	vst v63  }
0x145: {  	_ =	swait.ge [sflag:s29], $0x4000  }
0x146: {  	[sflag:s29] =	ssyncset.done $0x0  }
0x147: {  	[sflag:s29] =	ssyncadd.s32 $0xFFFFC000  }
0x148: {  	[tilespmem:s25], [sflag:$0x4] =	stream.linear.gather [spmem:s8], $0x4000, $0x38;
	[tilespmem:$0x1C400] =	vst v63  }
0x149: {  	_ =	swait.ge [sflag:s29], $0x4000  }
0x14a: {  	[sflag:s29] =	ssyncset.done $0x0  }
0x14b: {  	s5 =	smov.u32 s7;
	s7 =	rddreg [dreg:$0x1f];
	[sflag:s29] =	ssyncadd.s32 $0xFFFFC000  }
0x14c: {  	[hbm4b:s7+s2] =	stream.linear.scatter [tilespmem:s25], [sflag:$0x4], $0x4000, $0x38;
	[tilespmem:$0x1C400] =	vst v63  }
0x14d: {  	_ =	swait.ge [sflag:s29], $0x4000  }
0x14e: {  	[sflag:s29] =	ssyncset.done $0x0  }
0x14f: {  	s28 =	smov.u32 s8;
	s8 =	rddreg [dreg:$0x6];
	[sflag:s29] =	ssyncadd.s32 $0xFFFFC000  }
0x150: {  	[tilespmem:s25], [sflag:$0x4] =	stream.linear.gather [spmem:s8], $0x4000, $0x38;
	[tilespmem:$0x1C400] =	vst v63  }
0x151: {  	_ =	swait.ge [sflag:s29], $0x4000  }
0x152: {  	s16 =	sld [smem:$0x7FC]  }
0x153: {  	[sflag:s29] =	ssyncset.done $0x0  }
0x154: {  	[sflag:s29] =	ssyncadd.s32 $0xFFFFC000  }
0x155: {  	[hbm4b:s16+s2] =	stream.linear.scatter [tilespmem:s25], [sflag:$0x4], $0x4000, $0x38;
	[tilespmem:$0x1C400] =	vst v63  }
0x156: {  	_ =	swait.ge [sflag:s29], $0x4000  }
0x157: {  	[sflag:s29] =	ssyncset.done $0x0  }
0x158: {  	[sflag:s29] =	ssyncadd.s32 $0xFFFFC000  }
0x159: {  	[tilespmem:s25], [sflag:$0x4] =	stream.linear.gather [spmem:s9], $0x4000, $0x38;
	[tilespmem:$0x1C400] =	vst v63  }
0x15a: {  	_ =	swait.ge [sflag:s29], $0x4000  }
0x15b: {  	s17 =	sld [smem:$0x7FD]  }
0x15c: {  	[sflag:s29] =	ssyncset.done $0x0  }
0x15d: {  	[sflag:s29] =	ssyncadd.s32 $0xFFFFC000  }
0x15e: {  	[hbm4b:s17+s2] =	stream.linear.scatter [tilespmem:s25], [sflag:$0x4], $0x4000, $0x38;
	[tilespmem:$0x1C400] =	vst v63  }
0x15f: {  	_ =	swait.ge [sflag:s29], $0x4000  }
0x160: {  	s26 =	sadd.s32 $0x1, s26;
	s18 =	rddreg [dreg:$0xf]  }
0x161: {  	p0 =	sne.s32 s26, s18  }
.Ltmp2:
0x162: {  	_ = 	snop;
	(pc) =	sbr.rel @p0 .LBB2_1-.Ltmp2, $3  }
0x163: {  	_ =	sdelay $0x1  }
0x164: {  	[sflag:s29] =	ssyncset.done $0x0  }
0x165: {  	s22 =	smov.u32 s6;
	[sflag:s29] =	ssyncadd.s32 $0xFFFFC000  }
0x166: {  	_ =	sfence.sel $0x180000  }
0x167: {  	[bflag:$0x0] =	sbarrier.arrive $0xFFFF  }
0x168: {  	_ =	strace $0x9000004A  }
0x169: {  	s0 =	stileid.u32;
	[bflag:$0x2] =	sbarrier.arrive $0xFFFF  }
0x16a: {  	p0 =	sne.s32 s0, $0x0;
	s0 =	rddreg [dreg:$0x3]  }
0x16b: {  	s0 =	sadd.s32 @!p0 $0x100000, s0  }
0x16c: {  	[sflag:s0] =	ssyncadd.tile.s32 @!p0 $0x1;
	_ =	shalt  }
.Lfunc_end2:
_tile_overlayer_lowered:
.L_overlay_start_2:
0x16d: {  	(tag) =	ssettag $0x2  }
0x16e: {  	s0 =	rddreg [dreg:$0x0];
	s2 =	stileid.u32  }
0x16f: {  	s1 =	rddreg [dreg:$0x1];
	p0 =	sne.s32 s2, $0x0  }
0x170: {  	s3 =	rddreg [dreg:$0x2];
	[bflag:$0x3] =	sbarrier.arrive $0xFFFF;
	s2 =	simm.s32 @!p0 $0x1C04  }
0x171: {  	[timem:s3], [sflag:s2] =	dma.local @!p0 [hbm:s0], s1  }
0x172: {  	s0 =	simm.s32 @!p0 $0x4  }
0x173: {  	_ =	swait.ge @!p0 [sflag:s0], s1  }
0x174: {  	s1 =	ssub.s32 @!p0 $0x0, s1;
	[sflag:s0] =	ssyncset.done @!p0 $0x0  }
0x175: {  	[sflag:s0] =	ssyncadd.s32 @!p0 s1  }
0x176: {  	[bflag:$0x3] =	sbarrier.arrive $0xFFFF  }
0x177: {  	_ =	shalt  }

</sc_bundles>
